<compile_context>
chip_gen: v7x
topology: tpu7x:2x2x1
jax: 0.10.2.dev20260603
libtpu: 0.0.44.dev20260713+nightly
codegen_flags: <defaults>
</compile_context>

<pallas_src>
import functools

import jax
import jax.numpy as jnp
from jax import lax
from jax.experimental import pallas as pl
from jax.experimental.pallas import tpu as pltpu
from jax.experimental.pallas import tpu_sc as plsc

G = 4
N = 10000
E = 320000
D = 128
OUT = 64
NC = 2
NS = 16
EPT = E // NS
C = 125
NCH = EPT // C
CP = 80
NCP = EPT // CP
RP = N // NS
BN = 2000


def _sc_mesh():
    return plsc.VectorSubcoreMesh(core_axis_name="c", subcore_axis_name="s",
                                  num_cores=NC, num_subcores=NS)


def _make_hist():

    @functools.partial(
        pl.kernel,
        out_type=jax.ShapeDtypeStruct((G, N, 16), jnp.float32),
        mesh=_sc_mesh(),
        scratch_types=[
            pltpu.VMEM_SHARED((N, 16), jnp.float32),
            pltpu.VMEM((NCH, C), jnp.int32),
            pltpu.VMEM((C, 16), jnp.float32),
        ],
        compiler_params=pltpu.CompilerParams(use_tc_tiling_on_sc=False),
    )
    def hist(dstm, z_ref, o_ref, deg_ref, accd, dstv, onesv):
        c = lax.axis_index("c")
        s = lax.axis_index("s")
        pltpu.sync_copy(o_ref, onesv)
        for gs in range(2):
            g = c * 2 + gs
            pltpu.sync_copy(z_ref.at[pl.ds(s * RP, RP)],
                            accd.at[pl.ds(s * RP, RP)])
            pltpu.sync_copy(dstm.at[g, s], dstv)
            plsc.subcore_barrier()

            @pl.loop(0, NCH)
            def _chunk(j):
                pltpu.sync_copy(onesv, accd.at[dstv.at[j]], add=True)

            plsc.subcore_barrier()
            pltpu.sync_copy(accd.at[pl.ds(s * RP, RP)],
                            deg_ref.at[g, pl.ds(s * RP, RP)])

    return hist


def _make_prop():

    @functools.partial(
        pl.kernel,
        out_type=jax.ShapeDtypeStruct((G, N, D), jnp.float32),
        mesh=_sc_mesh(),
        scratch_types=[
            pltpu.VMEM_SHARED((N, D), jnp.float32),
            pltpu.VMEM((16, CP), jnp.int32),
            pltpu.VMEM((16, CP), jnp.int32),
            pltpu.VMEM((4, CP, D), jnp.float32),
            pltpu.SemaphoreType.DMA((16,)),
            pltpu.SemaphoreType.DMA((4,)),
            pltpu.SemaphoreType.DMA((4,)),
        ],
        compiler_params=pltpu.CompilerParams(use_tc_tiling_on_sc=False),
    )
    def prop(p_ref, srco, ei, out_ref, acc, ibs, ibd, rows, semi, semg, sems):
        c = lax.axis_index("c")
        s = lax.axis_index("s")

        def fire_idx(g, k, slot):
            base = s * EPT + k * CP
            pltpu.async_copy(srco.at[g, pl.ds(base, CP)], ibs.at[slot],
                             semi.at[slot])
            pltpu.async_copy(ei.at[g, 1, pl.ds(base, CP)], ibd.at[slot],
                             semi.at[slot])

        def wait_idx(g, k, slot):
            base = s * EPT + k * CP
            pltpu.make_async_copy(srco.at[g, pl.ds(base, CP)], ibs.at[slot],
                                  semi.at[slot]).wait()
            pltpu.make_async_copy(ei.at[g, 1, pl.ds(base, CP)], ibd.at[slot],
                                  semi.at[slot]).wait()

        for gs in range(2):
            g = c * 2 + gs
            pltpu.sync_copy(p_ref.at[pl.ds(g * N + s * RP, RP)],
                            acc.at[pl.ds(s * RP, RP)])
            for b in range(6):
                fire_idx(g, b, b)
            plsc.subcore_barrier()

            @pl.loop(0, NCP)
            def _chunk(j):
                b4 = lax.rem(j, 4)
                b16 = lax.rem(j, 16)

                @pl.when(j >= 4)
                def _():
                    b16d = lax.rem(j + 12, 16)
                    pltpu.make_async_copy(rows.at[b4],
                                          acc.at[ibd.at[b16d]],
                                          sems.at[b4]).wait()

                wait_idx(g, j, b16)
                pltpu.async_copy(p_ref.at[ibs.at[b16]], rows.at[b4],
                                 semg.at[b4])

                @pl.when(j + 6 < NCP)
                def _():
                    fire_idx(g, j + 6, lax.rem(j + 6, 16))

                @pl.when(j >= 3)
                def _():
                    b4p = lax.rem(j + 1, 4)
                    b16p = lax.rem(j + 13, 16)
                    pltpu.make_async_copy(p_ref.at[ibs.at[b16p]],
                                          rows.at[b4p], semg.at[b4p]).wait()
                    pltpu.async_copy(rows.at[b4p], acc.at[ibd.at[b16p]],
                                     sems.at[b4p], add=True)

            for k in (NCP - 3, NCP - 2, NCP - 1):
                pltpu.make_async_copy(p_ref.at[ibs.at[k % 16]],
                                      rows.at[k % 4], semg.at[k % 4]).wait()
                pltpu.async_copy(rows.at[k % 4], acc.at[ibd.at[k % 16]],
                                 sems.at[k % 4], add=True)
            for k in (NCP - 4, NCP - 3, NCP - 2, NCP - 1):
                pltpu.make_async_copy(rows.at[k % 4], acc.at[ibd.at[k % 16]],
                                      sems.at[k % 4]).wait()
            plsc.subcore_barrier()
            pltpu.sync_copy(acc.at[pl.ds(s * RP, RP)],
                            out_ref.at[g, pl.ds(s * RP, RP)])

    return prop


def _tc1(x, w1, deg16):
    def body(x_ref, w_ref, deg_ref, p_ref):
        dinv = lax.rsqrt(deg_ref[0][:, 0:1] + 1.0)
        p_ref[...] = jnp.dot(x_ref[0].astype(jnp.bfloat16),
                             w_ref[0].astype(jnp.bfloat16),
                             preferred_element_type=jnp.float32) * dinv

    return pl.pallas_call(
        body,
        grid=(G,),
        in_specs=[
            pl.BlockSpec((1, N, D), lambda g: (g, 0, 0)),
            pl.BlockSpec((1, D, D), lambda g: (g, 0, 0)),
            pl.BlockSpec((1, N, 16), lambda g: (g, 0, 0)),
        ],
        out_specs=pl.BlockSpec((N, D), lambda g: (g, 0)),
        out_shape=jax.ShapeDtypeStruct((G * N, D), jnp.float32),
    )(x, w1, deg16)


def _tc2(s1, deg16, b1, wml):
    def body(s_ref, deg_ref, b_ref, w_ref, p_ref):
        dinv = lax.rsqrt(deg_ref[0][:, 0:1] + 1.0)
        h = jnp.maximum(s_ref[0] * dinv + b_ref[0], 0.0)
        p_ref[...] = jnp.dot(h.astype(jnp.bfloat16),
                             w_ref[0].astype(jnp.bfloat16),
                             preferred_element_type=jnp.float32) * dinv

    return pl.pallas_call(
        body,
        grid=(G,),
        in_specs=[
            pl.BlockSpec((1, N, D), lambda g: (g, 0, 0)),
            pl.BlockSpec((1, N, 16), lambda g: (g, 0, 0)),
            pl.BlockSpec((1, 1, D), lambda g: (g, 0, 0)),
            pl.BlockSpec((1, D, D), lambda g: (g, 0, 0)),
        ],
        out_specs=pl.BlockSpec((N, D), lambda g: (g, 0)),
        out_shape=jax.ShapeDtypeStruct((G * N, D), jnp.float32),
    )(s1, deg16, b1, wml)


def _tc3(s2, deg16, bml):
    def body(s_ref, deg_ref, b_ref, out_ref):
        dinv = lax.rsqrt(deg_ref[0][:, 0:1] + 1.0)
        t = s_ref[0] * dinv + b_ref[0]
        out_ref[0, 0] = t[:, :OUT]
        out_ref[1, 0] = t[:, OUT:]

    return pl.pallas_call(
        body,
        grid=(G, N // BN),
        in_specs=[
            pl.BlockSpec((1, BN, D), lambda g, i: (g, i, 0)),
            pl.BlockSpec((1, BN, 16), lambda g, i: (g, i, 0)),
            pl.BlockSpec((1, 1, D), lambda g, i: (g, 0, 0)),
        ],
        out_specs=pl.BlockSpec((2, 1, BN, OUT), lambda g, i: (0, g, i, 0)),
        out_shape=jax.ShapeDtypeStruct((2, G, N, OUT), jnp.float32),
    )(s2, deg16, bml)


def kernel(x, edge_index, W1, b1, Wmu, bmu, Wls, bls):
    ei = edge_index.astype(jnp.int32)
    offs = (jnp.arange(G, dtype=jnp.int32) * N)[:, None]
    srco = ei[:, 0, :] + offs
    dstm = ei[:, 1, :].reshape(G, NS, NCH, C)

    zeros16 = jnp.zeros((N, 16), jnp.float32)
    ones16 = jnp.ones((C, 16), jnp.float32)

    hist = _make_hist()
    prop = _make_prop()

    deg16 = hist(dstm, zeros16, ones16)
    p1 = _tc1(x, W1, deg16)
    s1 = prop(p1, srco, ei)
    wml = jnp.concatenate([Wmu, Wls], axis=2)
    bml = jnp.concatenate([bmu, bls], axis=1)[:, None, :]
    p2 = _tc2(s1, deg16, b1[:, None, :], wml)
    s2 = prop(p2, srco, ei)
    return _tc3(s2, deg16, bml)

# --- scband reference (transcript-rebuilt; emitter-appended) ---
"""Pipeline reference for scband-vgaemodel-30562987278569 (READ-ONLY COPY).

The authoritative reference and input builder live on the scoring server;
editing this copy changes nothing except your own understanding.
"""

import jax, jax.numpy as jnp
import numpy as np

G = 4
N = 10000
E = 320000
D_IN = 128
HID = 128  # 2 * out_channels
OUT = 64


def gcn_conv(x, edge_index, W, b):
    # PyG GCNConv: out = D^{-1/2} (A + I) D^{-1/2} (x @ W) + b
    h = x @ W
    src = edge_index[0]
    dst = edge_index[1]
    loop = jnp.arange(N, dtype=src.dtype)
    src = jnp.concatenate([src, loop])
    dst = jnp.concatenate([dst, loop])
    deg = jnp.zeros((N,), dtype=h.dtype).at[dst].add(1.0)
    dinv = 1.0 / jnp.sqrt(deg)  # deg >= 1 due to self loops
    norm = dinv[src] * dinv[dst]
    msg = jnp.take(h, src, axis=0) * norm[:, None]
    out = jnp.zeros_like(h).at[dst].add(msg)
    return out + b


def setup_inputs(seed: int = 0) -> dict:
    key = jax.random.key(seed)
    ks = jax.random.split(key, 9)
    x = jax.random.normal(ks[0], (G, N, D_IN), dtype=jnp.float32)
    edge_index = jax.random.randint(ks[1], (G, 2, E), 0, N)
    s1 = 1.0 / np.sqrt(D_IN)
    s2 = 1.0 / np.sqrt(HID)
    W1 = jax.random.normal(ks[2], (G, D_IN, HID), dtype=jnp.float32) * s1
    b1 = jnp.zeros((G, HID), dtype=jnp.float32)
    Wmu = jax.random.normal(ks[3], (G, HID, OUT), dtype=jnp.float32) * s2
    bmu = jnp.zeros((G, OUT), dtype=jnp.float32)
    Wls = jax.random.normal(ks[4], (G, HID, OUT), dtype=jnp.float32) * s2
    bls = jnp.zeros((G, OUT), dtype=jnp.float32)
    return {"x": x, "edge_index": edge_index, "W1": W1, "b1": b1,
            "Wmu": Wmu, "bmu": bmu, "Wls": Wls, "bls": bls}


def reference(x, edge_index, W1, b1, Wmu, bmu, Wls, bls):
    # Dropout is treated in eval mode (identity) for the deterministic reference.
    mus = []
    lss = []
    for i in range(G):
        h = jax.nn.relu(gcn_conv(x[i], edge_index[i], W1[i], b1[i]))
        mus.append(gcn_conv(h, edge_index[i], Wmu[i], bmu[i]))
        lss.append(gcn_conv(h, edge_index[i], Wls[i], bls[i]))
    mu = jnp.stack(mus)
    logstd = jnp.stack(lss)
    return jnp.stack([mu, logstd])  # [2, G, N, OUT]

if __name__ == "__main__":
    import jax
    _d = setup_inputs()
    print(jax.jit(kernel)(*tuple(_d.values())))

</pallas_src>

<mosaic_0001>
#map = affine_map<(d0, d1) -> (0, 0)>
#map1 = affine_map<(d0, d1) -> (0, 0, 0)>
module attributes {stable_mosaic.version = 14 : i64} {
  func.func @prop(%arg0: i32, %arg1: i32, %arg2: memref<40000x128xf32, #tpu.memory_space<hbm>>, %arg3: memref<4x320000xi32, #tpu.memory_space<hbm>>, %arg4: memref<4x2x320000xi32, #tpu.memory_space<hbm>>, %arg5: memref<4x10000x128xf32, #tpu.memory_space<hbm>>, %arg6: memref<10000x128xf32, #tpu.memory_space<vmem_shared>>, %arg7: memref<16x80xi32, #tpu.memory_space<vmem>>, %arg8: memref<16x80xi32, #tpu.memory_space<vmem>>, %arg9: memref<4x80x128xf32, #tpu.memory_space<vmem>>, %arg10: memref<16x!tpu.dma_semaphore, #tpu.memory_space<semaphore_mem>>, %arg11: memref<4x!tpu.dma_semaphore, #tpu.memory_space<semaphore_mem>>, %arg12: memref<4x!tpu.dma_semaphore, #tpu.memory_space<semaphore_mem>>) attributes {dimension_semantics = [#tpu.dimension_semantics<core_parallel>, #tpu.dimension_semantics<subcore_parallel>], iteration_bounds = array<i64: 2, 16>, scalar_prefetch = 0 : i64, scratch_operands = 7 : i64, tpu.core_type = #tpu.core_type<sc_vector_subcore>, window_params = [{transform_indices = #map}, {transform_indices = #map}, {transform_indices = #map1}, {transform_indices = #map1}]} {
    %mul3A = arith.constant 2 : i32
    %mul3A_0 = arith.muli %arg0, %mul3A : i32
    %add3A = arith.constant 0 : i32
    %add3A_1 = arith.addi %mul3A_0, %add3A : i32
    %mul3A_2 = arith.constant 10000 : i32
    %mul3A_3 = arith.muli %add3A_1, %mul3A_2 : i32
    %mul3A_4 = arith.constant 625 : i32
    %mul3A_5 = arith.muli %arg1, %mul3A_4 : i32
    %add3A_6 = arith.addi %mul3A_3, %mul3A_5 : i32
    %mul3A_7 = arith.constant 625 : i32
    %mul3A_8 = arith.muli %arg1, %mul3A_7 : i32
    "tpu.region"() ({
      %run_scoped3A = tpu.sem_alloc : memref<!tpu.dma_semaphore, #tpu.memory_space<semaphore_mem>>
      %dma_start3A_734 = arith.constant 0 : i32
      %dma_start3A_735 = tpu.memref_slice %arg6[%mul3A_8, %dma_start3A_734] : memref<10000x128xf32, #tpu.memory_space<vmem_shared>> -> memref<625x128xf32, #tpu.memory_space<vmem_shared>>
      %dma_start3A_736 = arith.constant 0 : i32
      %dma_start3A_737 = tpu.memref_slice %arg2[%add3A_6, %dma_start3A_736] : memref<40000x128xf32, #tpu.memory_space<hbm>> -> memref<625x128xf32, #tpu.memory_space<hbm>>
      tpu.enqueue_dma source(%dma_start3A_737 : memref<625x128xf32, #tpu.memory_space<hbm>>) target(%dma_start3A_735 : memref<625x128xf32, #tpu.memory_space<vmem_shared>>) target_semaphore(%run_scoped3A : memref<!tpu.dma_semaphore, #tpu.memory_space<semaphore_mem>>)
      %dma_wait3A_738 = arith.constant 0 : i32
      %dma_wait3A_739 = tpu.memref_slice %arg6[%mul3A_8, %dma_wait3A_738] : memref<10000x128xf32, #tpu.memory_space<vmem_shared>> -> memref<625x128xf32, #tpu.memory_space<vmem_shared>>
      %dma_wait3A_740 = arith.constant 0 : i32
      %dma_wait3A_741 = tpu.memref_slice %arg2[%add3A_6, %dma_wait3A_740] : memref<40000x128xf32, #tpu.memory_space<hbm>> -> memref<625x128xf32, #tpu.memory_space<hbm>>
      tpu.wait_dma2 semaphore(%run_scoped3A : memref<!tpu.dma_semaphore, #tpu.memory_space<semaphore_mem>>) src(%dma_wait3A_741 : memref<625x128xf32, #tpu.memory_space<hbm>>) dst(%dma_wait3A_739 : memref<625x128xf32, #tpu.memory_space<vmem_shared>>)
      tpu.yield
    }) : () -> ()
    %mul3A_9 = arith.constant 20000 : i32
    %mul3A_10 = arith.muli %arg1, %mul3A_9 : i32
    %add3A_11 = arith.constant 0 : i32
    %add3A_12 = arith.addi %mul3A_10, %add3A_11 : i32
    %dma_start3A = arith.constant 0 : i32
    %dma_start3A_13 = arith.constant 0 : i32
    %dma_start3A_14 = arith.constant 0 : i32
    %dma_start3A_15 = tpu.memref_slice %arg7[%dma_start3A, %dma_start3A_14] : memref<16x80xi32, #tpu.memory_space<vmem>> -> memref<1x80xi32, #tpu.memory_space<vmem>>
    %dma_start3A_16 = tpu.memref_squeeze %dma_start3A_15 : memref<1x80xi32, #tpu.memory_space<vmem>> -> memref<80xi32, #tpu.memory_space<vmem>>
    %dma_start3A_17 = tpu.memref_slice %arg3[%add3A_1, %add3A_12] : memref<4x320000xi32, #tpu.memory_space<hbm>> -> memref<1x80xi32, #tpu.memory_space<hbm>>
    %dma_start3A_18 = tpu.memref_squeeze %dma_start3A_17 : memref<1x80xi32, #tpu.memory_space<hbm>> -> memref<80xi32, #tpu.memory_space<hbm>>
    %dma_start3A_19 = tpu.memref_slice %arg10[%dma_start3A_13] : memref<16x!tpu.dma_semaphore, #tpu.memory_space<semaphore_mem>> -> memref<1x!tpu.dma_semaphore, #tpu.memory_space<semaphore_mem>>
    %dma_start3A_20 = tpu.memref_squeeze %dma_start3A_19 : memref<1x!tpu.dma_semaphore, #tpu.memory_space<semaphore_mem>> -> memref<!tpu.dma_semaphore, #tpu.memory_space<semaphore_mem>>
    %dma_start3A_21 = arith.constant 0 : i32
    %dma_start3A_22 = tpu.memref_slice %arg7[%dma_start3A, %dma_start3A_21] : memref<16x80xi32, #tpu.memory_space<vmem>> -> memref<1x80xi32, #tpu.memory_space<vmem>>
    %dma_start3A_23 = tpu.memref_squeeze %dma_start3A_22 : memref<1x80xi32, #tpu.memory_space<vmem>> -> memref<80xi32, #tpu.memory_space<vmem>>
    %dma_start3A_24 = tpu.memref_slice %arg3[%add3A_1, %add3A_12] : memref<4x320000xi32, #tpu.memory_space<hbm>> -> memref<1x80xi32, #tpu.memory_space<hbm>>
    %dma_start3A_25 = tpu.memref_squeeze %dma_start3A_24 : memref<1x80xi32, #tpu.memory_space<hbm>> -> memref<80xi32, #tpu.memory_space<hbm>>
    tpu.enqueue_dma source(%dma_start3A_25 : memref<80xi32, #tpu.memory_space<hbm>>) target(%dma_start3A_23 : memref<80xi32, #tpu.memory_space<vmem>>) target_semaphore(%dma_start3A_20 : memref<!tpu.dma_semaphore, #tpu.memory_space<semaphore_mem>>)
    %dma_start3A_26 = arith.constant 1 : i32
    %dma_start3A_27 = arith.constant 0 : i32
    %dma_start3A_28 = arith.constant 0 : i32
    %dma_start3A_29 = arith.constant 0 : i32
    %dma_start3A_30 = tpu.memref_slice %arg8[%dma_start3A_27, %dma_start3A_29] : memref<16x80xi32, #tpu.memory_space<vmem>> -> memref<1x80xi32, #tpu.memory_space<vmem>>
    %dma_start3A_31 = tpu.memref_squeeze %dma_start3A_30 : memref<1x80xi32, #tpu.memory_space<vmem>> -> memref<80xi32, #tpu.memory_space<vmem>>
    %dma_start3A_32 = tpu.memref_slice %arg4[%add3A_1, %dma_start3A_26, %add3A_12] : memref<4x2x320000xi32, #tpu.memory_space<hbm>> -> memref<1x1x80xi32, #tpu.memory_space<hbm>>
    %dma_start3A_33 = tpu.memref_squeeze %dma_start3A_32 : memref<1x1x80xi32, #tpu.memory_space<hbm>> -> memref<80xi32, #tpu.memory_space<hbm>>
    %dma_start3A_34 = tpu.memref_slice %arg10[%dma_start3A_28] : memref<16x!tpu.dma_semaphore, #tpu.memory_space<semaphore_mem>> -> memref<1x!tpu.dma_semaphore, #tpu.memory_space<semaphore_mem>>
    %dma_start3A_35 = tpu.memref_squeeze %dma_start3A_34 : memref<1x!tpu.dma_semaphore, #tpu.memory_space<semaphore_mem>> -> memref<!tpu.dma_semaphore, #tpu.memory_space<semaphore_mem>>
    %dma_start3A_36 = arith.constant 0 : i32
    %dma_start3A_37 = tpu.memref_slice %arg8[%dma_start3A_27, %dma_start3A_36] : memref<16x80xi32, #tpu.memory_space<vmem>> -> memref<1x80xi32, #tpu.memory_space<vmem>>
    %dma_start3A_38 = tpu.memref_squeeze %dma_start3A_37 : memref<1x80xi32, #tpu.memory_space<vmem>> -> memref<80xi32, #tpu.memory_space<vmem>>
    %dma_start3A_39 = tpu.memref_slice %arg4[%add3A_1, %dma_start3A_26, %add3A_12] : memref<4x2x320000xi32, #tpu.memory_space<hbm>> -> memref<1x1x80xi32, #tpu.memory_space<hbm>>
    %dma_start3A_40 = tpu.memref_squeeze %dma_start3A_39 : memref<1x1x80xi32, #tpu.memory_space<hbm>> -> memref<80xi32, #tpu.memory_space<hbm>>
    tpu.enqueue_dma source(%dma_start3A_40 : memref<80xi32, #tpu.memory_space<hbm>>) target(%dma_start3A_38 : memref<80xi32, #tpu.memory_space<vmem>>) target_semaphore(%dma_start3A_35 : memref<!tpu.dma_semaphore, #tpu.memory_space<semaphore_mem>>)
    %mul3A_41 = arith.constant 20000 : i32
    %mul3A_42 = arith.muli %arg1, %mul3A_41 : i32
    %add3A_43 = arith.constant 80 : i32
    %add3A_44 = arith.addi %mul3A_42, %add3A_43 : i32
    %dma_start3A_45 = arith.constant 1 : i32
    %dma_start3A_46 = arith.constant 1 : i32
    %dma_start3A_47 = arith.constant 0 : i32
    %dma_start3A_48 = tpu.memref_slice %arg7[%dma_start3A_45, %dma_start3A_47] : memref<16x80xi32, #tpu.memory_space<vmem>> -> memref<1x80xi32, #tpu.memory_space<vmem>>
    %dma_start3A_49 = tpu.memref_squeeze %dma_start3A_48 : memref<1x80xi32, #tpu.memory_space<vmem>> -> memref<80xi32, #tpu.memory_space<vmem>>
    %dma_start3A_50 = tpu.memref_slice %arg3[%add3A_1, %add3A_44] : memref<4x320000xi32, #tpu.memory_space<hbm>> -> memref<1x80xi32, #tpu.memory_space<hbm>>
    %dma_start3A_51 = tpu.memref_squeeze %dma_start3A_50 : memref<1x80xi32, #tpu.memory_space<hbm>> -> memref<80xi32, #tpu.memory_space<hbm>>
    %dma_start3A_52 = tpu.memref_slice %arg10[%dma_start3A_46] : memref<16x!tpu.dma_semaphore, #tpu.memory_space<semaphore_mem>> -> memref<1x!tpu.dma_semaphore, #tpu.memory_space<semaphore_mem>>
    %dma_start3A_53 = tpu.memref_squeeze %dma_start3A_52 : memref<1x!tpu.dma_semaphore, #tpu.memory_space<semaphore_mem>> -> memref<!tpu.dma_semaphore, #tpu.memory_space<semaphore_mem>>
    %dma_start3A_54 = arith.constant 0 : i32
    %dma_start3A_55 = tpu.memref_slice %arg7[%dma_start3A_45, %dma_start3A_54] : memref<16x80xi32, #tpu.memory_space<vmem>> -> memref<1x80xi32, #tpu.memory_space<vmem>>
    %dma_start3A_56 = tpu.memref_squeeze %dma_start3A_55 : memref<1x80xi32, #tpu.memory_space<vmem>> -> memref<80xi32, #tpu.memory_space<vmem>>
    %dma_start3A_57 = tpu.memref_slice %arg3[%add3A_1, %add3A_44] : memref<4x320000xi32, #tpu.memory_space<hbm>> -> memref<1x80xi32, #tpu.memory_space<hbm>>
    %dma_start3A_58 = tpu.memref_squeeze %dma_start3A_57 : memref<1x80xi32, #tpu.memory_space<hbm>> -> memref<80xi32, #tpu.memory_space<hbm>>
    tpu.enqueue_dma source(%dma_start3A_58 : memref<80xi32, #tpu.memory_space<hbm>>) target(%dma_start3A_56 : memref<80xi32, #tpu.memory_space<vmem>>) target_semaphore(%dma_start3A_53 : memref<!tpu.dma_semaphore, #tpu.memory_space<semaphore_mem>>)
    %dma_start3A_59 = arith.constant 1 : i32
    %dma_start3A_60 = arith.constant 1 : i32
    %dma_start3A_61 = arith.constant 1 : i32
    %dma_start3A_62 = arith.constant 0 : i32
    %dma_start3A_63 = tpu.memref_slice %arg8[%dma_start3A_60, %dma_start3A_62] : memref<16x80xi32, #tpu.memory_space<vmem>> -> memref<1x80xi32, #tpu.memory_space<vmem>>
    %dma_start3A_64 = tpu.memref_squeeze %dma_start3A_63 : memref<1x80xi32, #tpu.memory_space<vmem>> -> memref<80xi32, #tpu.memory_space<vmem>>
    %dma_start3A_65 = tpu.memref_slice %arg4[%add3A_1, %dma_start3A_59, %add3A_44] : memref<4x2x320000xi32, #tpu.memory_space<hbm>> -> memref<1x1x80xi32, #tpu.memory_space<hbm>>
    %dma_start3A_66 = tpu.memref_squeeze %dma_start3A_65 : memref<1x1x80xi32, #tpu.memory_space<hbm>> -> memref<80xi32, #tpu.memory_space<hbm>>
    %dma_start3A_67 = tpu.memref_slice %arg10[%dma_start3A_61] : memref<16x!tpu.dma_semaphore, #tpu.memory_space<semaphore_mem>> -> memref<1x!tpu.dma_semaphore, #tpu.memory_space<semaphore_mem>>
    %dma_start3A_68 = tpu.memref_squeeze %dma_start3A_67 : memref<1x!tpu.dma_semaphore, #tpu.memory_space<semaphore_mem>> -> memref<!tpu.dma_semaphore, #tpu.memory_space<semaphore_mem>>
    %dma_start3A_69 = arith.constant 0 : i32
    %dma_start3A_70 = tpu.memref_slice %arg8[%dma_start3A_60, %dma_start3A_69] : memref<16x80xi32, #tpu.memory_space<vmem>> -> memref<1x80xi32, #tpu.memory_space<vmem>>
    %dma_start3A_71 = tpu.memref_squeeze %dma_start3A_70 : memref<1x80xi32, #tpu.memory_space<vmem>> -> memref<80xi32, #tpu.memory_space<vmem>>
    %dma_start3A_72 = tpu.memref_slice %arg4[%add3A_1, %dma_start3A_59, %add3A_44] : memref<4x2x320000xi32, #tpu.memory_space<hbm>> -> memref<1x1x80xi32, #tpu.memory_space<hbm>>
    %dma_start3A_73 = tpu.memref_squeeze %dma_start3A_72 : memref<1x1x80xi32, #tpu.memory_space<hbm>> -> memref<80xi32, #tpu.memory_space<hbm>>
    tpu.enqueue_dma source(%dma_start3A_73 : memref<80xi32, #tpu.memory_space<hbm>>) target(%dma_start3A_71 : memref<80xi32, #tpu.memory_space<vmem>>) target_semaphore(%dma_start3A_68 : memref<!tpu.dma_semaphore, #tpu.memory_space<semaphore_mem>>)
    %mul3A_74 = arith.constant 20000 : i32
    %mul3A_75 = arith.muli %arg1, %mul3A_74 : i32
    %add3A_76 = arith.constant 160 : i32
    %add3A_77 = arith.addi %mul3A_75, %add3A_76 : i32
    %dma_start3A_78 = arith.constant 2 : i32
    %dma_start3A_79 = arith.constant 2 : i32
    %dma_start3A_80 = arith.constant 0 : i32
    %dma_start3A_81 = tpu.memref_slice %arg7[%dma_start3A_78, %dma_start3A_80] : memref<16x80xi32, #tpu.memory_space<vmem>> -> memref<1x80xi32, #tpu.memory_space<vmem>>
    %dma_start3A_82 = tpu.memref_squeeze %dma_start3A_81 : memref<1x80xi32, #tpu.memory_space<vmem>> -> memref<80xi32, #tpu.memory_space<vmem>>
    %dma_start3A_83 = tpu.memref_slice %arg3[%add3A_1, %add3A_77] : memref<4x320000xi32, #tpu.memory_space<hbm>> -> memref<1x80xi32, #tpu.memory_space<hbm>>
    %dma_start3A_84 = tpu.memref_squeeze %dma_start3A_83 : memref<1x80xi32, #tpu.memory_space<hbm>> -> memref<80xi32, #tpu.memory_space<hbm>>
    %dma_start3A_85 = tpu.memref_slice %arg10[%dma_start3A_79] : memref<16x!tpu.dma_semaphore, #tpu.memory_space<semaphore_mem>> -> memref<1x!tpu.dma_semaphore, #tpu.memory_space<semaphore_mem>>
    %dma_start3A_86 = tpu.memref_squeeze %dma_start3A_85 : memref<1x!tpu.dma_semaphore, #tpu.memory_space<semaphore_mem>> -> memref<!tpu.dma_semaphore, #tpu.memory_space<semaphore_mem>>
    %dma_start3A_87 = arith.constant 0 : i32
    %dma_start3A_88 = tpu.memref_slice %arg7[%dma_start3A_78, %dma_start3A_87] : memref<16x80xi32, #tpu.memory_space<vmem>> -> memref<1x80xi32, #tpu.memory_space<vmem>>
    %dma_start3A_89 = tpu.memref_squeeze %dma_start3A_88 : memref<1x80xi32, #tpu.memory_space<vmem>> -> memref<80xi32, #tpu.memory_space<vmem>>
    %dma_start3A_90 = tpu.memref_slice %arg3[%add3A_1, %add3A_77] : memref<4x320000xi32, #tpu.memory_space<hbm>> -> memref<1x80xi32, #tpu.memory_space<hbm>>
    %dma_start3A_91 = tpu.memref_squeeze %dma_start3A_90 : memref<1x80xi32, #tpu.memory_space<hbm>> -> memref<80xi32, #tpu.memory_space<hbm>>
    tpu.enqueue_dma source(%dma_start3A_91 : memref<80xi32, #tpu.memory_space<hbm>>) target(%dma_start3A_89 : memref<80xi32, #tpu.memory_space<vmem>>) target_semaphore(%dma_start3A_86 : memref<!tpu.dma_semaphore, #tpu.memory_space<semaphore_mem>>)
    %dma_start3A_92 = arith.constant 1 : i32
    %dma_start3A_93 = arith.constant 2 : i32
    %dma_start3A_94 = arith.constant 2 : i32
    %dma_start3A_95 = arith.constant 0 : i32
    %dma_start3A_96 = tpu.memref_slice %arg8[%dma_start3A_93, %dma_start3A_95] : memref<16x80xi32, #tpu.memory_space<vmem>> -> memref<1x80xi32, #tpu.memory_space<vmem>>
    %dma_start3A_97 = tpu.memref_squeeze %dma_start3A_96 : memref<1x80xi32, #tpu.memory_space<vmem>> -> memref<80xi32, #tpu.memory_space<vmem>>
    %dma_start3A_98 = tpu.memref_slice %arg4[%add3A_1, %dma_start3A_92, %add3A_77] : memref<4x2x320000xi32, #tpu.memory_space<hbm>> -> memref<1x1x80xi32, #tpu.memory_space<hbm>>
    %dma_start3A_99 = tpu.memref_squeeze %dma_start3A_98 : memref<1x1x80xi32, #tpu.memory_space<hbm>> -> memref<80xi32, #tpu.memory_space<hbm>>
    %dma_start3A_100 = tpu.memref_slice %arg10[%dma_start3A_94] : memref<16x!tpu.dma_semaphore, #tpu.memory_space<semaphore_mem>> -> memref<1x!tpu.dma_semaphore, #tpu.memory_space<semaphore_mem>>
    %dma_start3A_101 = tpu.memref_squeeze %dma_start3A_100 : memref<1x!tpu.dma_semaphore, #tpu.memory_space<semaphore_mem>> -> memref<!tpu.dma_semaphore, #tpu.memory_space<semaphore_mem>>
    %dma_start3A_102 = arith.constant 0 : i32
    %dma_start3A_103 = tpu.memref_slice %arg8[%dma_start3A_93, %dma_start3A_102] : memref<16x80xi32, #tpu.memory_space<vmem>> -> memref<1x80xi32, #tpu.memory_space<vmem>>
    %dma_start3A_104 = tpu.memref_squeeze %dma_start3A_103 : memref<1x80xi32, #tpu.memory_space<vmem>> -> memref<80xi32, #tpu.memory_space<vmem>>
    %dma_start3A_105 = tpu.memref_slice %arg4[%add3A_1, %dma_start3A_92, %add3A_77] : memref<4x2x320000xi32, #tpu.memory_space<hbm>> -> memref<1x1x80xi32, #tpu.memory_space<hbm>>
    %dma_start3A_106 = tpu.memref_squeeze %dma_start3A_105 : memref<1x1x80xi32, #tpu.memory_space<hbm>> -> memref<80xi32, #tpu.memory_space<hbm>>
    tpu.enqueue_dma source(%dma_start3A_106 : memref<80xi32, #tpu.memory_space<hbm>>) target(%dma_start3A_104 : memref<80xi32, #tpu.memory_space<vmem>>) target_semaphore(%dma_start3A_101 : memref<!tpu.dma_semaphore, #tpu.memory_space<semaphore_mem>>)
    %mul3A_107 = arith.constant 20000 : i32
    %mul3A_108 = arith.muli %arg1, %mul3A_107 : i32
    %add3A_109 = arith.constant 240 : i32
    %add3A_110 = arith.addi %mul3A_108, %add3A_109 : i32
    %dma_start3A_111 = arith.constant 3 : i32
    %dma_start3A_112 = arith.constant 3 : i32
    %dma_start3A_113 = arith.constant 0 : i32
    %dma_start3A_114 = tpu.memref_slice %arg7[%dma_start3A_111, %dma_start3A_113] : memref<16x80xi32, #tpu.memory_space<vmem>> -> memref<1x80xi32, #tpu.memory_space<vmem>>
    %dma_start3A_115 = tpu.memref_squeeze %dma_start3A_114 : memref<1x80xi32, #tpu.memory_space<vmem>> -> memref<80xi32, #tpu.memory_space<vmem>>
    %dma_start3A_116 = tpu.memref_slice %arg3[%add3A_1, %add3A_110] : memref<4x320000xi32, #tpu.memory_space<hbm>> -> memref<1x80xi32, #tpu.memory_space<hbm>>
    %dma_start3A_117 = tpu.memref_squeeze %dma_start3A_116 : memref<1x80xi32, #tpu.memory_space<hbm>> -> memref<80xi32, #tpu.memory_space<hbm>>
    %dma_start3A_118 = tpu.memref_slice %arg10[%dma_start3A_112] : memref<16x!tpu.dma_semaphore, #tpu.memory_space<semaphore_mem>> -> memref<1x!tpu.dma_semaphore, #tpu.memory_space<semaphore_mem>>
    %dma_start3A_119 = tpu.memref_squeeze %dma_start3A_118 : memref<1x!tpu.dma_semaphore, #tpu.memory_space<semaphore_mem>> -> memref<!tpu.dma_semaphore, #tpu.memory_space<semaphore_mem>>
    %dma_start3A_120 = arith.constant 0 : i32
    %dma_start3A_121 = tpu.memref_slice %arg7[%dma_start3A_111, %dma_start3A_120] : memref<16x80xi32, #tpu.memory_space<vmem>> -> memref<1x80xi32, #tpu.memory_space<vmem>>
    %dma_start3A_122 = tpu.memref_squeeze %dma_start3A_121 : memref<1x80xi32, #tpu.memory_space<vmem>> -> memref<80xi32, #tpu.memory_space<vmem>>
    %dma_start3A_123 = tpu.memref_slice %arg3[%add3A_1, %add3A_110] : memref<4x320000xi32, #tpu.memory_space<hbm>> -> memref<1x80xi32, #tpu.memory_space<hbm>>
    %dma_start3A_124 = tpu.memref_squeeze %dma_start3A_123 : memref<1x80xi32, #tpu.memory_space<hbm>> -> memref<80xi32, #tpu.memory_space<hbm>>
    tpu.enqueue_dma source(%dma_start3A_124 : memref<80xi32, #tpu.memory_space<hbm>>) target(%dma_start3A_122 : memref<80xi32, #tpu.memory_space<vmem>>) target_semaphore(%dma_start3A_119 : memref<!tpu.dma_semaphore, #tpu.memory_space<semaphore_mem>>)
    %dma_start3A_125 = arith.constant 1 : i32
    %dma_start3A_126 = arith.constant 3 : i32
    %dma_start3A_127 = arith.constant 3 : i32
    %dma_start3A_128 = arith.constant 0 : i32
    %dma_start3A_129 = tpu.memref_slice %arg8[%dma_start3A_126, %dma_start3A_128] : memref<16x80xi32, #tpu.memory_space<vmem>> -> memref<1x80xi32, #tpu.memory_space<vmem>>
    %dma_start3A_130 = tpu.memref_squeeze %dma_start3A_129 : memref<1x80xi32, #tpu.memory_space<vmem>> -> memref<80xi32, #tpu.memory_space<vmem>>
    %dma_start3A_131 = tpu.memref_slice %arg4[%add3A_1, %dma_start3A_125, %add3A_110] : memref<4x2x320000xi32, #tpu.memory_space<hbm>> -> memref<1x1x80xi32, #tpu.memory_space<hbm>>
    %dma_start3A_132 = tpu.memref_squeeze %dma_start3A_131 : memref<1x1x80xi32, #tpu.memory_space<hbm>> -> memref<80xi32, #tpu.memory_space<hbm>>
    %dma_start3A_133 = tpu.memref_slice %arg10[%dma_start3A_127] : memref<16x!tpu.dma_semaphore, #tpu.memory_space<semaphore_mem>> -> memref<1x!tpu.dma_semaphore, #tpu.memory_space<semaphore_mem>>
    %dma_start3A_134 = tpu.memref_squeeze %dma_start3A_133 : memref<1x!tpu.dma_semaphore, #tpu.memory_space<semaphore_mem>> -> memref<!tpu.dma_semaphore, #tpu.memory_space<semaphore_mem>>
    %dma_start3A_135 = arith.constant 0 : i32
    %dma_start3A_136 = tpu.memref_slice %arg8[%dma_start3A_126, %dma_start3A_135] : memref<16x80xi32, #tpu.memory_space<vmem>> -> memref<1x80xi32, #tpu.memory_space<vmem>>
    %dma_start3A_137 = tpu.memref_squeeze %dma_start3A_136 : memref<1x80xi32, #tpu.memory_space<vmem>> -> memref<80xi32, #tpu.memory_space<vmem>>
    %dma_start3A_138 = tpu.memref_slice %arg4[%add3A_1, %dma_start3A_125, %add3A_110] : memref<4x2x320000xi32, #tpu.memory_space<hbm>> -> memref<1x1x80xi32, #tpu.memory_space<hbm>>
    %dma_start3A_139 = tpu.memref_squeeze %dma_start3A_138 : memref<1x1x80xi32, #tpu.memory_space<hbm>> -> memref<80xi32, #tpu.memory_space<hbm>>
    tpu.enqueue_dma source(%dma_start3A_139 : memref<80xi32, #tpu.memory_space<hbm>>) target(%dma_start3A_137 : memref<80xi32, #tpu.memory_space<vmem>>) target_semaphore(%dma_start3A_134 : memref<!tpu.dma_semaphore, #tpu.memory_space<semaphore_mem>>)
    %mul3A_140 = arith.constant 20000 : i32
    %mul3A_141 = arith.muli %arg1, %mul3A_140 : i32
    %add3A_142 = arith.constant 320 : i32
    %add3A_143 = arith.addi %mul3A_141, %add3A_142 : i32
    %dma_start3A_144 = arith.constant 4 : i32
    %dma_start3A_145 = arith.constant 4 : i32
    %dma_start3A_146 = arith.constant 0 : i32
    %dma_start3A_147 = tpu.memref_slice %arg7[%dma_start3A_144, %dma_start3A_146] : memref<16x80xi32, #tpu.memory_space<vmem>> -> memref<1x80xi32, #tpu.memory_space<vmem>>
    %dma_start3A_148 = tpu.memref_squeeze %dma_start3A_147 : memref<1x80xi32, #tpu.memory_space<vmem>> -> memref<80xi32, #tpu.memory_space<vmem>>
    %dma_start3A_149 = tpu.memref_slice %arg3[%add3A_1, %add3A_143] : memref<4x320000xi32, #tpu.memory_space<hbm>> -> memref<1x80xi32, #tpu.memory_space<hbm>>
    %dma_start3A_150 = tpu.memref_squeeze %dma_start3A_149 : memref<1x80xi32, #tpu.memory_space<hbm>> -> memref<80xi32, #tpu.memory_space<hbm>>
    %dma_start3A_151 = tpu.memref_slice %arg10[%dma_start3A_145] : memref<16x!tpu.dma_semaphore, #tpu.memory_space<semaphore_mem>> -> memref<1x!tpu.dma_semaphore, #tpu.memory_space<semaphore_mem>>
    %dma_start3A_152 = tpu.memref_squeeze %dma_start3A_151 : memref<1x!tpu.dma_semaphore, #tpu.memory_space<semaphore_mem>> -> memref<!tpu.dma_semaphore, #tpu.memory_space<semaphore_mem>>
    %dma_start3A_153 = arith.constant 0 : i32
    %dma_start3A_154 = tpu.memref_slice %arg7[%dma_start3A_144, %dma_start3A_153] : memref<16x80xi32, #tpu.memory_space<vmem>> -> memref<1x80xi32, #tpu.memory_space<vmem>>
    %dma_start3A_155 = tpu.memref_squeeze %dma_start3A_154 : memref<1x80xi32, #tpu.memory_space<vmem>> -> memref<80xi32, #tpu.memory_space<vmem>>
    %dma_start3A_156 = tpu.memref_slice %arg3[%add3A_1, %add3A_143] : memref<4x320000xi32, #tpu.memory_space<hbm>> -> memref<1x80xi32, #tpu.memory_space<hbm>>
    %dma_start3A_157 = tpu.memref_squeeze %dma_start3A_156 : memref<1x80xi32, #tpu.memory_space<hbm>> -> memref<80xi32, #tpu.memory_space<hbm>>
    tpu.enqueue_dma source(%dma_start3A_157 : memref<80xi32, #tpu.memory_space<hbm>>) target(%dma_start3A_155 : memref<80xi32, #tpu.memory_space<vmem>>) target_semaphore(%dma_start3A_152 : memref<!tpu.dma_semaphore, #tpu.memory_space<semaphore_mem>>)
    %dma_start3A_158 = arith.constant 1 : i32
    %dma_start3A_159 = arith.constant 4 : i32
    %dma_start3A_160 = arith.constant 4 : i32
    %dma_start3A_161 = arith.constant 0 : i32
    %dma_start3A_162 = tpu.memref_slice %arg8[%dma_start3A_159, %dma_start3A_161] : memref<16x80xi32, #tpu.memory_space<vmem>> -> memref<1x80xi32, #tpu.memory_space<vmem>>
    %dma_start3A_163 = tpu.memref_squeeze %dma_start3A_162 : memref<1x80xi32, #tpu.memory_space<vmem>> -> memref<80xi32, #tpu.memory_space<vmem>>
    %dma_start3A_164 = tpu.memref_slice %arg4[%add3A_1, %dma_start3A_158, %add3A_143] : memref<4x2x320000xi32, #tpu.memory_space<hbm>> -> memref<1x1x80xi32, #tpu.memory_space<hbm>>
    %dma_start3A_165 = tpu.memref_squeeze %dma_start3A_164 : memref<1x1x80xi32, #tpu.memory_space<hbm>> -> memref<80xi32, #tpu.memory_space<hbm>>
    %dma_start3A_166 = tpu.memref_slice %arg10[%dma_start3A_160] : memref<16x!tpu.dma_semaphore, #tpu.memory_space<semaphore_mem>> -> memref<1x!tpu.dma_semaphore, #tpu.memory_space<semaphore_mem>>
    %dma_start3A_167 = tpu.memref_squeeze %dma_start3A_166 : memref<1x!tpu.dma_semaphore, #tpu.memory_space<semaphore_mem>> -> memref<!tpu.dma_semaphore, #tpu.memory_space<semaphore_mem>>
    %dma_start3A_168 = arith.constant 0 : i32
    %dma_start3A_169 = tpu.memref_slice %arg8[%dma_start3A_159, %dma_start3A_168] : memref<16x80xi32, #tpu.memory_space<vmem>> -> memref<1x80xi32, #tpu.memory_space<vmem>>
    %dma_start3A_170 = tpu.memref_squeeze %dma_start3A_169 : memref<1x80xi32, #tpu.memory_space<vmem>> -> memref<80xi32, #tpu.memory_space<vmem>>
    %dma_start3A_171 = tpu.memref_slice %arg4[%add3A_1, %dma_start3A_158, %add3A_143] : memref<4x2x320000xi32, #tpu.memory_space<hbm>> -> memref<1x1x80xi32, #tpu.memory_space<hbm>>
    %dma_start3A_172 = tpu.memref_squeeze %dma_start3A_171 : memref<1x1x80xi32, #tpu.memory_space<hbm>> -> memref<80xi32, #tpu.memory_space<hbm>>
    tpu.enqueue_dma source(%dma_start3A_172 : memref<80xi32, #tpu.memory_space<hbm>>) target(%dma_start3A_170 : memref<80xi32, #tpu.memory_space<vmem>>) target_semaphore(%dma_start3A_167 : memref<!tpu.dma_semaphore, #tpu.memory_space<semaphore_mem>>)
    %mul3A_173 = arith.constant 20000 : i32
    %mul3A_174 = arith.muli %arg1, %mul3A_173 : i32
    %add3A_175 = arith.constant 400 : i32
    %add3A_176 = arith.addi %mul3A_174, %add3A_175 : i32
    %dma_start3A_177 = arith.constant 5 : i32
    %dma_start3A_178 = arith.constant 5 : i32
    %dma_start3A_179 = arith.constant 0 : i32
    %dma_start3A_180 = tpu.memref_slice %arg7[%dma_start3A_177, %dma_start3A_179] : memref<16x80xi32, #tpu.memory_space<vmem>> -> memref<1x80xi32, #tpu.memory_space<vmem>>
    %dma_start3A_181 = tpu.memref_squeeze %dma_start3A_180 : memref<1x80xi32, #tpu.memory_space<vmem>> -> memref<80xi32, #tpu.memory_space<vmem>>
    %dma_start3A_182 = tpu.memref_slice %arg3[%add3A_1, %add3A_176] : memref<4x320000xi32, #tpu.memory_space<hbm>> -> memref<1x80xi32, #tpu.memory_space<hbm>>
    %dma_start3A_183 = tpu.memref_squeeze %dma_start3A_182 : memref<1x80xi32, #tpu.memory_space<hbm>> -> memref<80xi32, #tpu.memory_space<hbm>>
    %dma_start3A_184 = tpu.memref_slice %arg10[%dma_start3A_178] : memref<16x!tpu.dma_semaphore, #tpu.memory_space<semaphore_mem>> -> memref<1x!tpu.dma_semaphore, #tpu.memory_space<semaphore_mem>>
    %dma_start3A_185 = tpu.memref_squeeze %dma_start3A_184 : memref<1x!tpu.dma_semaphore, #tpu.memory_space<semaphore_mem>> -> memref<!tpu.dma_semaphore, #tpu.memory_space<semaphore_mem>>
    %dma_start3A_186 = arith.constant 0 : i32
    %dma_start3A_187 = tpu.memref_slice %arg7[%dma_start3A_177, %dma_start3A_186] : memref<16x80xi32, #tpu.memory_space<vmem>> -> memref<1x80xi32, #tpu.memory_space<vmem>>
    %dma_start3A_188 = tpu.memref_squeeze %dma_start3A_187 : memref<1x80xi32, #tpu.memory_space<vmem>> -> memref<80xi32, #tpu.memory_space<vmem>>
    %dma_start3A_189 = tpu.memref_slice %arg3[%add3A_1, %add3A_176] : memref<4x320000xi32, #tpu.memory_space<hbm>> -> memref<1x80xi32, #tpu.memory_space<hbm>>
    %dma_start3A_190 = tpu.memref_squeeze %dma_start3A_189 : memref<1x80xi32, #tpu.memory_space<hbm>> -> memref<80xi32, #tpu.memory_space<hbm>>
    tpu.enqueue_dma source(%dma_start3A_190 : memref<80xi32, #tpu.memory_space<hbm>>) target(%dma_start3A_188 : memref<80xi32, #tpu.memory_space<vmem>>) target_semaphore(%dma_start3A_185 : memref<!tpu.dma_semaphore, #tpu.memory_space<semaphore_mem>>)
    %dma_start3A_191 = arith.constant 1 : i32
    %dma_start3A_192 = arith.constant 5 : i32
    %dma_start3A_193 = arith.constant 5 : i32
    %dma_start3A_194 = arith.constant 0 : i32
    %dma_start3A_195 = tpu.memref_slice %arg8[%dma_start3A_192, %dma_start3A_194] : memref<16x80xi32, #tpu.memory_space<vmem>> -> memref<1x80xi32, #tpu.memory_space<vmem>>
    %dma_start3A_196 = tpu.memref_squeeze %dma_start3A_195 : memref<1x80xi32, #tpu.memory_space<vmem>> -> memref<80xi32, #tpu.memory_space<vmem>>
    %dma_start3A_197 = tpu.memref_slice %arg4[%add3A_1, %dma_start3A_191, %add3A_176] : memref<4x2x320000xi32, #tpu.memory_space<hbm>> -> memref<1x1x80xi32, #tpu.memory_space<hbm>>
    %dma_start3A_198 = tpu.memref_squeeze %dma_start3A_197 : memref<1x1x80xi32, #tpu.memory_space<hbm>> -> memref<80xi32, #tpu.memory_space<hbm>>
    %dma_start3A_199 = tpu.memref_slice %arg10[%dma_start3A_193] : memref<16x!tpu.dma_semaphore, #tpu.memory_space<semaphore_mem>> -> memref<1x!tpu.dma_semaphore, #tpu.memory_space<semaphore_mem>>
    %dma_start3A_200 = tpu.memref_squeeze %dma_start3A_199 : memref<1x!tpu.dma_semaphore, #tpu.memory_space<semaphore_mem>> -> memref<!tpu.dma_semaphore, #tpu.memory_space<semaphore_mem>>
    %dma_start3A_201 = arith.constant 0 : i32
    %dma_start3A_202 = tpu.memref_slice %arg8[%dma_start3A_192, %dma_start3A_201] : memref<16x80xi32, #tpu.memory_space<vmem>> -> memref<1x80xi32, #tpu.memory_space<vmem>>
    %dma_start3A_203 = tpu.memref_squeeze %dma_start3A_202 : memref<1x80xi32, #tpu.memory_space<vmem>> -> memref<80xi32, #tpu.memory_space<vmem>>
    %dma_start3A_204 = tpu.memref_slice %arg4[%add3A_1, %dma_start3A_191, %add3A_176] : memref<4x2x320000xi32, #tpu.memory_space<hbm>> -> memref<1x1x80xi32, #tpu.memory_space<hbm>>
    %dma_start3A_205 = tpu.memref_squeeze %dma_start3A_204 : memref<1x1x80xi32, #tpu.memory_space<hbm>> -> memref<80xi32, #tpu.memory_space<hbm>>
    tpu.enqueue_dma source(%dma_start3A_205 : memref<80xi32, #tpu.memory_space<hbm>>) target(%dma_start3A_203 : memref<80xi32, #tpu.memory_space<vmem>>) target_semaphore(%dma_start3A_200 : memref<!tpu.dma_semaphore, #tpu.memory_space<semaphore_mem>>)
    %barrier3A = arith.constant 0 : index
    tpu.barrier barrier_id(%barrier3A)
    %scan3A = arith.constant 0 : i32
    %scan3A_206 = arith.constant 250 : i32
    %scan3A_207 = arith.addi %scan3A, %scan3A_206 : i32
    %scan3A_208 = arith.constant 1 : i32
    scf.for %scan3A_734 = %scan3A to %scan3A_207 step %scan3A_208  : i32 {
      %mul3A_735 = arith.constant 1 : i32
      %mul3A_736 = arith.muli %scan3A_734, %mul3A_735 : i32
      %add3A_737 = arith.constant 0 : i32
      %add3A_738 = arith.addi %add3A_737, %mul3A_736 : i32
      %rem3A = arith.constant 4 : i32
      %rem3A_739 = arith.remsi %add3A_738, %rem3A : i32
      %rem3A_740 = arith.constant 16 : i32
      %rem3A_741 = arith.remsi %add3A_738, %rem3A_740 : i32
      %ge3A = arith.constant 4 : i32
      %ge3A_742 = arith.cmpi sge, %add3A_738, %ge3A : i32
      %convert_element_type3A = arith.extui %ge3A_742 : i1 to i32
      %cond3A = arith.constant 0 : i32
      %cond3A_743 = arith.cmpi ne, %convert_element_type3A, %cond3A : i32
      scf.if %cond3A_743 {
        %add3A_797 = arith.constant 12 : i32
        %add3A_798 = arith.addi %add3A_738, %add3A_797 : i32
        %rem3A_799 = arith.constant 16 : i32
        %rem3A_800 = arith.remsi %add3A_798, %rem3A_799 : i32
        %dma_wait3A_801 = arith.constant 0 : i32
        %dma_wait3A_802 = arith.constant 0 : i32
        %dma_wait3A_803 = tpu.memref_slice %arg9[%rem3A_739, %dma_wait3A_801, %dma_wait3A_802] : memref<4x80x128xf32, #tpu.memory_space<vmem>> -> memref<1x80x128xf32, #tpu.memory_space<vmem>>
        %dma_wait3A_804 = tpu.memref_squeeze %dma_wait3A_803 : memref<1x80x128xf32, #tpu.memory_space<vmem>> -> memref<80x128xf32, #tpu.memory_space<vmem>>
        %dma_wait3A_805 = arith.constant 0 : i32
        %dma_wait3A_806 = tpu.memref_slice %arg8[%rem3A_800, %dma_wait3A_805] : memref<16x80xi32, #tpu.memory_space<vmem>> -> memref<1x80xi32, #tpu.memory_space<vmem>>
        %dma_wait3A_807 = tpu.memref_squeeze %dma_wait3A_806 : memref<1x80xi32, #tpu.memory_space<vmem>> -> memref<80xi32, #tpu.memory_space<vmem>>
        %dma_wait3A_808 = arith.constant 0 : i32
        %dma_wait3A_809 = arith.constant 0 : i32
        %dma_wait3A_810 = tpu.memref_slice %arg6[%dma_wait3A_808, %dma_wait3A_809] : memref<10000x128xf32, #tpu.memory_space<vmem_shared>> -> memref<10000x128xf32, #tpu.memory_space<vmem_shared>>
        %dma_wait3A_811 = tpu.memref_slice %arg12[%rem3A_739] : memref<4x!tpu.dma_semaphore, #tpu.memory_space<semaphore_mem>> -> memref<1x!tpu.dma_semaphore, #tpu.memory_space<semaphore_mem>>
        %dma_wait3A_812 = tpu.memref_squeeze %dma_wait3A_811 : memref<1x!tpu.dma_semaphore, #tpu.memory_space<semaphore_mem>> -> memref<!tpu.dma_semaphore, #tpu.memory_space<semaphore_mem>>
        tpu.wait_indirect_dma semaphore(%dma_wait3A_812 : memref<!tpu.dma_semaphore, #tpu.memory_space<semaphore_mem>>) src(%dma_wait3A_804 : memref<80x128xf32, #tpu.memory_space<vmem>>) dst(%dma_wait3A_810 : memref<10000x128xf32, #tpu.memory_space<vmem_shared>>)
      } else {
      }
      %mul3A_744 = arith.constant 20000 : i32
      %mul3A_745 = arith.muli %arg1, %mul3A_744 : i32
      %mul3A_746 = arith.constant 80 : i32
      %mul3A_747 = arith.muli %add3A_738, %mul3A_746 : i32
      %add3A_748 = arith.addi %mul3A_745, %mul3A_747 : i32
      %dma_wait3A_749 = arith.constant 0 : i32
      %dma_wait3A_750 = tpu.memref_slice %arg7[%rem3A_741, %dma_wait3A_749] : memref<16x80xi32, #tpu.memory_space<vmem>> -> memref<1x80xi32, #tpu.memory_space<vmem>>
      %dma_wait3A_751 = tpu.memref_squeeze %dma_wait3A_750 : memref<1x80xi32, #tpu.memory_space<vmem>> -> memref<80xi32, #tpu.memory_space<vmem>>
      %dma_wait3A_752 = tpu.memref_slice %arg3[%add3A_1, %add3A_748] : memref<4x320000xi32, #tpu.memory_space<hbm>> -> memref<1x80xi32, #tpu.memory_space<hbm>>
      %dma_wait3A_753 = tpu.memref_squeeze %dma_wait3A_752 : memref<1x80xi32, #tpu.memory_space<hbm>> -> memref<80xi32, #tpu.memory_space<hbm>>
      %dma_wait3A_754 = tpu.memref_slice %arg10[%rem3A_741] : memref<16x!tpu.dma_semaphore, #tpu.memory_space<semaphore_mem>> -> memref<1x!tpu.dma_semaphore, #tpu.memory_space<semaphore_mem>>
      %dma_wait3A_755 = tpu.memref_squeeze %dma_wait3A_754 : memref<1x!tpu.dma_semaphore, #tpu.memory_space<semaphore_mem>> -> memref<!tpu.dma_semaphore, #tpu.memory_space<semaphore_mem>>
      %dma_wait3A_756 = arith.constant 0 : i32
      %dma_wait3A_757 = tpu.memref_slice %arg7[%rem3A_741, %dma_wait3A_756] : memref<16x80xi32, #tpu.memory_space<vmem>> -> memref<1x80xi32, #tpu.memory_space<vmem>>
      %dma_wait3A_758 = tpu.memref_squeeze %dma_wait3A_757 : memref<1x80xi32, #tpu.memory_space<vmem>> -> memref<80xi32, #tpu.memory_space<vmem>>
      %dma_wait3A_759 = tpu.memref_slice %arg3[%add3A_1, %add3A_748] : memref<4x320000xi32, #tpu.memory_space<hbm>> -> memref<1x80xi32, #tpu.memory_space<hbm>>
      %dma_wait3A_760 = tpu.memref_squeeze %dma_wait3A_759 : memref<1x80xi32, #tpu.memory_space<hbm>> -> memref<80xi32, #tpu.memory_space<hbm>>
      tpu.wait_dma2 semaphore(%dma_wait3A_755 : memref<!tpu.dma_semaphore, #tpu.memory_space<semaphore_mem>>) src(%dma_wait3A_760 : memref<80xi32, #tpu.memory_space<hbm>>) dst(%dma_wait3A_758 : memref<80xi32, #tpu.memory_space<vmem>>)
      %dma_wait3A_761 = arith.constant 1 : i32
      %dma_wait3A_762 = arith.constant 0 : i32
      %dma_wait3A_763 = tpu.memref_slice %arg8[%rem3A_741, %dma_wait3A_762] : memref<16x80xi32, #tpu.memory_space<vmem>> -> memref<1x80xi32, #tpu.memory_space<vmem>>
      %dma_wait3A_764 = tpu.memref_squeeze %dma_wait3A_763 : memref<1x80xi32, #tpu.memory_space<vmem>> -> memref<80xi32, #tpu.memory_space<vmem>>
      %dma_wait3A_765 = tpu.memref_slice %arg4[%add3A_1, %dma_wait3A_761, %add3A_748] : memref<4x2x320000xi32, #tpu.memory_space<hbm>> -> memref<1x1x80xi32, #tpu.memory_space<hbm>>
      %dma_wait3A_766 = tpu.memref_squeeze %dma_wait3A_765 : memref<1x1x80xi32, #tpu.memory_space<hbm>> -> memref<80xi32, #tpu.memory_space<hbm>>
      %dma_wait3A_767 = tpu.memref_slice %arg10[%rem3A_741] : memref<16x!tpu.dma_semaphore, #tpu.memory_space<semaphore_mem>> -> memref<1x!tpu.dma_semaphore, #tpu.memory_space<semaphore_mem>>
      %dma_wait3A_768 = tpu.memref_squeeze %dma_wait3A_767 : memref<1x!tpu.dma_semaphore, #tpu.memory_space<semaphore_mem>> -> memref<!tpu.dma_semaphore, #tpu.memory_space<semaphore_mem>>
      %dma_wait3A_769 = arith.constant 0 : i32
      %dma_wait3A_770 = tpu.memref_slice %arg8[%rem3A_741, %dma_wait3A_769] : memref<16x80xi32, #tpu.memory_space<vmem>> -> memref<1x80xi32, #tpu.memory_space<vmem>>
      %dma_wait3A_771 = tpu.memref_squeeze %dma_wait3A_770 : memref<1x80xi32, #tpu.memory_space<vmem>> -> memref<80xi32, #tpu.memory_space<vmem>>
      %dma_wait3A_772 = tpu.memref_slice %arg4[%add3A_1, %dma_wait3A_761, %add3A_748] : memref<4x2x320000xi32, #tpu.memory_space<hbm>> -> memref<1x1x80xi32, #tpu.memory_space<hbm>>
      %dma_wait3A_773 = tpu.memref_squeeze %dma_wait3A_772 : memref<1x1x80xi32, #tpu.memory_space<hbm>> -> memref<80xi32, #tpu.memory_space<hbm>>
      tpu.wait_dma2 semaphore(%dma_wait3A_768 : memref<!tpu.dma_semaphore, #tpu.memory_space<semaphore_mem>>) src(%dma_wait3A_773 : memref<80xi32, #tpu.memory_space<hbm>>) dst(%dma_wait3A_771 : memref<80xi32, #tpu.memory_space<vmem>>)
      %dma_start3A_774 = arith.constant 0 : i32
      %dma_start3A_775 = arith.constant 0 : i32
      %dma_start3A_776 = tpu.memref_slice %arg9[%rem3A_739, %dma_start3A_774, %dma_start3A_775] : memref<4x80x128xf32, #tpu.memory_space<vmem>> -> memref<1x80x128xf32, #tpu.memory_space<vmem>>
      %dma_start3A_777 = tpu.memref_squeeze %dma_start3A_776 : memref<1x80x128xf32, #tpu.memory_space<vmem>> -> memref<80x128xf32, #tpu.memory_space<vmem>>
      %dma_start3A_778 = arith.constant 0 : i32
      %dma_start3A_779 = tpu.memref_slice %arg7[%rem3A_741, %dma_start3A_778] : memref<16x80xi32, #tpu.memory_space<vmem>> -> memref<1x80xi32, #tpu.memory_space<vmem>>
      %dma_start3A_780 = tpu.memref_squeeze %dma_start3A_779 : memref<1x80xi32, #tpu.memory_space<vmem>> -> memref<80xi32, #tpu.memory_space<vmem>>
      %dma_start3A_781 = arith.constant 0 : i32
      %dma_start3A_782 = arith.constant 0 : i32
      %dma_start3A_783 = tpu.memref_slice %arg2[%dma_start3A_781, %dma_start3A_782] : memref<40000x128xf32, #tpu.memory_space<hbm>> -> memref<40000x128xf32, #tpu.memory_space<hbm>>
      %dma_start3A_784 = tpu.memref_slice %arg11[%rem3A_739] : memref<4x!tpu.dma_semaphore, #tpu.memory_space<semaphore_mem>> -> memref<1x!tpu.dma_semaphore, #tpu.memory_space<semaphore_mem>>
      %dma_start3A_785 = tpu.memref_squeeze %dma_start3A_784 : memref<1x!tpu.dma_semaphore, #tpu.memory_space<semaphore_mem>> -> memref<!tpu.dma_semaphore, #tpu.memory_space<semaphore_mem>>
      tpu.enqueue_indirect_dma source(%dma_start3A_783 : memref<40000x128xf32, #tpu.memory_space<hbm>>) target(%dma_start3A_777 : memref<80x128xf32, #tpu.memory_space<vmem>>) offsets(%dma_start3A_780 : memref<80xi32, #tpu.memory_space<vmem>>) semaphore(%dma_start3A_785 : memref<!tpu.dma_semaphore, #tpu.memory_space<semaphore_mem>>)
      %add3A_786 = arith.constant 6 : i32
      %add3A_787 = arith.addi %add3A_738, %add3A_786 : i32
      %lt3A = arith.constant 250 : i32
      %lt3A_788 = arith.cmpi slt, %add3A_787, %lt3A : i32
      %convert_element_type3A_789 = arith.extui %lt3A_788 : i1 to i32
      %cond3A_790 = arith.constant 0 : i32
      %cond3A_791 = arith.cmpi ne, %convert_element_type3A_789, %cond3A_790 : i32
      scf.if %cond3A_791 {
        %add3A_797 = arith.constant 6 : i32
        %add3A_798 = arith.addi %add3A_738, %add3A_797 : i32
        %add3A_799 = arith.constant 6 : i32
        %add3A_800 = arith.addi %add3A_738, %add3A_799 : i32
        %rem3A_801 = arith.constant 16 : i32
        %rem3A_802 = arith.remsi %add3A_800, %rem3A_801 : i32
        %mul3A_803 = arith.constant 20000 : i32
        %mul3A_804 = arith.muli %arg1, %mul3A_803 : i32
        %mul3A_805 = arith.constant 80 : i32
        %mul3A_806 = arith.muli %add3A_798, %mul3A_805 : i32
        %add3A_807 = arith.addi %mul3A_804, %mul3A_806 : i32
        %dma_start3A_808 = arith.constant 0 : i32
        %dma_start3A_809 = tpu.memref_slice %arg7[%rem3A_802, %dma_start3A_808] : memref<16x80xi32, #tpu.memory_space<vmem>> -> memref<1x80xi32, #tpu.memory_space<vmem>>
        %dma_start3A_810 = tpu.memref_squeeze %dma_start3A_809 : memref<1x80xi32, #tpu.memory_space<vmem>> -> memref<80xi32, #tpu.memory_space<vmem>>
        %dma_start3A_811 = tpu.memref_slice %arg3[%add3A_1, %add3A_807] : memref<4x320000xi32, #tpu.memory_space<hbm>> -> memref<1x80xi32, #tpu.memory_space<hbm>>
        %dma_start3A_812 = tpu.memref_squeeze %dma_start3A_811 : memref<1x80xi32, #tpu.memory_space<hbm>> -> memref<80xi32, #tpu.memory_space<hbm>>
        %dma_start3A_813 = tpu.memref_slice %arg10[%rem3A_802] : memref<16x!tpu.dma_semaphore, #tpu.memory_space<semaphore_mem>> -> memref<1x!tpu.dma_semaphore, #tpu.memory_space<semaphore_mem>>
        %dma_start3A_814 = tpu.memref_squeeze %dma_start3A_813 : memref<1x!tpu.dma_semaphore, #tpu.memory_space<semaphore_mem>> -> memref<!tpu.dma_semaphore, #tpu.memory_space<semaphore_mem>>
        %dma_start3A_815 = arith.constant 0 : i32
        %dma_start3A_816 = tpu.memref_slice %arg7[%rem3A_802, %dma_start3A_815] : memref<16x80xi32, #tpu.memory_space<vmem>> -> memref<1x80xi32, #tpu.memory_space<vmem>>
        %dma_start3A_817 = tpu.memref_squeeze %dma_start3A_816 : memref<1x80xi32, #tpu.memory_space<vmem>> -> memref<80xi32, #tpu.memory_space<vmem>>
        %dma_start3A_818 = tpu.memref_slice %arg3[%add3A_1, %add3A_807] : memref<4x320000xi32, #tpu.memory_space<hbm>> -> memref<1x80xi32, #tpu.memory_space<hbm>>
        %dma_start3A_819 = tpu.memref_squeeze %dma_start3A_818 : memref<1x80xi32, #tpu.memory_space<hbm>> -> memref<80xi32, #tpu.memory_space<hbm>>
        tpu.enqueue_dma source(%dma_start3A_819 : memref<80xi32, #tpu.memory_space<hbm>>) target(%dma_start3A_817 : memref<80xi32, #tpu.memory_space<vmem>>) target_semaphore(%dma_start3A_814 : memref<!tpu.dma_semaphore, #tpu.memory_space<semaphore_mem>>)
        %dma_start3A_820 = arith.constant 1 : i32
        %dma_start3A_821 = arith.constant 0 : i32
        %dma_start3A_822 = tpu.memref_slice %arg8[%rem3A_802, %dma_start3A_821] : memref<16x80xi32, #tpu.memory_space<vmem>> -> memref<1x80xi32, #tpu.memory_space<vmem>>
        %dma_start3A_823 = tpu.memref_squeeze %dma_start3A_822 : memref<1x80xi32, #tpu.memory_space<vmem>> -> memref<80xi32, #tpu.memory_space<vmem>>
        %dma_start3A_824 = tpu.memref_slice %arg4[%add3A_1, %dma_start3A_820, %add3A_807] : memref<4x2x320000xi32, #tpu.memory_space<hbm>> -> memref<1x1x80xi32, #tpu.memory_space<hbm>>
        %dma_start3A_825 = tpu.memref_squeeze %dma_start3A_824 : memref<1x1x80xi32, #tpu.memory_space<hbm>> -> memref<80xi32, #tpu.memory_space<hbm>>
        %dma_start3A_826 = tpu.memref_slice %arg10[%rem3A_802] : memref<16x!tpu.dma_semaphore, #tpu.memory_space<semaphore_mem>> -> memref<1x!tpu.dma_semaphore, #tpu.memory_space<semaphore_mem>>
        %dma_start3A_827 = tpu.memref_squeeze %dma_start3A_826 : memref<1x!tpu.dma_semaphore, #tpu.memory_space<semaphore_mem>> -> memref<!tpu.dma_semaphore, #tpu.memory_space<semaphore_mem>>
        %dma_start3A_828 = arith.constant 0 : i32
        %dma_start3A_829 = tpu.memref_slice %arg8[%rem3A_802, %dma_start3A_828] : memref<16x80xi32, #tpu.memory_space<vmem>> -> memref<1x80xi32, #tpu.memory_space<vmem>>
        %dma_start3A_830 = tpu.memref_squeeze %dma_start3A_829 : memref<1x80xi32, #tpu.memory_space<vmem>> -> memref<80xi32, #tpu.memory_space<vmem>>
        %dma_start3A_831 = tpu.memref_slice %arg4[%add3A_1, %dma_start3A_820, %add3A_807] : memref<4x2x320000xi32, #tpu.memory_space<hbm>> -> memref<1x1x80xi32, #tpu.memory_space<hbm>>
        %dma_start3A_832 = tpu.memref_squeeze %dma_start3A_831 : memref<1x1x80xi32, #tpu.memory_space<hbm>> -> memref<80xi32, #tpu.memory_space<hbm>>
        tpu.enqueue_dma source(%dma_start3A_832 : memref<80xi32, #tpu.memory_space<hbm>>) target(%dma_start3A_830 : memref<80xi32, #tpu.memory_space<vmem>>) target_semaphore(%dma_start3A_827 : memref<!tpu.dma_semaphore, #tpu.memory_space<semaphore_mem>>)
      } else {
      }
      %ge3A_792 = arith.constant 3 : i32
      %ge3A_793 = arith.cmpi sge, %add3A_738, %ge3A_792 : i32
      %convert_element_type3A_794 = arith.extui %ge3A_793 : i1 to i32
      %cond3A_795 = arith.constant 0 : i32
      %cond3A_796 = arith.cmpi ne, %convert_element_type3A_794, %cond3A_795 : i32
      scf.if %cond3A_796 {
        %add3A_797 = arith.constant 1 : i32
        %add3A_798 = arith.addi %add3A_738, %add3A_797 : i32
        %rem3A_799 = arith.constant 4 : i32
        %rem3A_800 = arith.remsi %add3A_798, %rem3A_799 : i32
        %add3A_801 = arith.constant 13 : i32
        %add3A_802 = arith.addi %add3A_738, %add3A_801 : i32
        %rem3A_803 = arith.constant 16 : i32
        %rem3A_804 = arith.remsi %add3A_802, %rem3A_803 : i32
        %dma_wait3A_805 = arith.constant 0 : i32
        %dma_wait3A_806 = arith.constant 0 : i32
        %dma_wait3A_807 = tpu.memref_slice %arg9[%rem3A_800, %dma_wait3A_805, %dma_wait3A_806] : memref<4x80x128xf32, #tpu.memory_space<vmem>> -> memref<1x80x128xf32, #tpu.memory_space<vmem>>
        %dma_wait3A_808 = tpu.memref_squeeze %dma_wait3A_807 : memref<1x80x128xf32, #tpu.memory_space<vmem>> -> memref<80x128xf32, #tpu.memory_space<vmem>>
        %dma_wait3A_809 = arith.constant 0 : i32
        %dma_wait3A_810 = tpu.memref_slice %arg7[%rem3A_804, %dma_wait3A_809] : memref<16x80xi32, #tpu.memory_space<vmem>> -> memref<1x80xi32, #tpu.memory_space<vmem>>
        %dma_wait3A_811 = tpu.memref_squeeze %dma_wait3A_810 : memref<1x80xi32, #tpu.memory_space<vmem>> -> memref<80xi32, #tpu.memory_space<vmem>>
        %dma_wait3A_812 = arith.constant 0 : i32
        %dma_wait3A_813 = arith.constant 0 : i32
        %dma_wait3A_814 = tpu.memref_slice %arg2[%dma_wait3A_812, %dma_wait3A_813] : memref<40000x128xf32, #tpu.memory_space<hbm>> -> memref<40000x128xf32, #tpu.memory_space<hbm>>
        %dma_wait3A_815 = tpu.memref_slice %arg11[%rem3A_800] : memref<4x!tpu.dma_semaphore, #tpu.memory_space<semaphore_mem>> -> memref<1x!tpu.dma_semaphore, #tpu.memory_space<semaphore_mem>>
        %dma_wait3A_816 = tpu.memref_squeeze %dma_wait3A_815 : memref<1x!tpu.dma_semaphore, #tpu.memory_space<semaphore_mem>> -> memref<!tpu.dma_semaphore, #tpu.memory_space<semaphore_mem>>
        tpu.wait_indirect_dma semaphore(%dma_wait3A_816 : memref<!tpu.dma_semaphore, #tpu.memory_space<semaphore_mem>>) src(%dma_wait3A_814 : memref<40000x128xf32, #tpu.memory_space<hbm>>) dst(%dma_wait3A_808 : memref<80x128xf32, #tpu.memory_space<vmem>>)
        %dma_start3A_817 = arith.constant 0 : i32
        %dma_start3A_818 = arith.constant 0 : i32
        %dma_start3A_819 = tpu.memref_slice %arg9[%rem3A_800, %dma_start3A_817, %dma_start3A_818] : memref<4x80x128xf32, #tpu.memory_space<vmem>> -> memref<1x80x128xf32, #tpu.memory_space<vmem>>
        %dma_start3A_820 = tpu.memref_squeeze %dma_start3A_819 : memref<1x80x128xf32, #tpu.memory_space<vmem>> -> memref<80x128xf32, #tpu.memory_space<vmem>>
        %dma_start3A_821 = arith.constant 0 : i32
        %dma_start3A_822 = tpu.memref_slice %arg8[%rem3A_804, %dma_start3A_821] : memref<16x80xi32, #tpu.memory_space<vmem>> -> memref<1x80xi32, #tpu.memory_space<vmem>>
        %dma_start3A_823 = tpu.memref_squeeze %dma_start3A_822 : memref<1x80xi32, #tpu.memory_space<vmem>> -> memref<80xi32, #tpu.memory_space<vmem>>
        %dma_start3A_824 = arith.constant 0 : i32
        %dma_start3A_825 = arith.constant 0 : i32
        %dma_start3A_826 = tpu.memref_slice %arg6[%dma_start3A_824, %dma_start3A_825] : memref<10000x128xf32, #tpu.memory_space<vmem_shared>> -> memref<10000x128xf32, #tpu.memory_space<vmem_shared>>
        %dma_start3A_827 = tpu.memref_slice %arg12[%rem3A_800] : memref<4x!tpu.dma_semaphore, #tpu.memory_space<semaphore_mem>> -> memref<1x!tpu.dma_semaphore, #tpu.memory_space<semaphore_mem>>
        %dma_start3A_828 = tpu.memref_squeeze %dma_start3A_827 : memref<1x!tpu.dma_semaphore, #tpu.memory_space<semaphore_mem>> -> memref<!tpu.dma_semaphore, #tpu.memory_space<semaphore_mem>>
        tpu.enqueue_indirect_dma source(%dma_start3A_820 : memref<80x128xf32, #tpu.memory_space<vmem>>) target(%dma_start3A_826 : memref<10000x128xf32, #tpu.memory_space<vmem_shared>>) offsets(%dma_start3A_823 : memref<80xi32, #tpu.memory_space<vmem>>) semaphore(%dma_start3A_828 : memref<!tpu.dma_semaphore, #tpu.memory_space<semaphore_mem>>) {add = true}
      } else {
      }
    }
    %scan3A_209 = arith.constant 250 : i32
    %dma_wait3A = arith.constant 7 : i32
    %dma_wait3A_210 = arith.constant 3 : i32
    %dma_wait3A_211 = arith.constant 3 : i32
    %dma_wait3A_212 = arith.constant 0 : i32
    %dma_wait3A_213 = arith.constant 0 : i32
    %dma_wait3A_214 = tpu.memref_slice %arg9[%dma_wait3A_210, %dma_wait3A_212, %dma_wait3A_213] : memref<4x80x128xf32, #tpu.memory_space<vmem>> -> memref<1x80x128xf32, #tpu.memory_space<vmem>>
    %dma_wait3A_215 = tpu.memref_squeeze %dma_wait3A_214 : memref<1x80x128xf32, #tpu.memory_space<vmem>> -> memref<80x128xf32, #tpu.memory_space<vmem>>
    %dma_wait3A_216 = arith.constant 0 : i32
    %dma_wait3A_217 = tpu.memref_slice %arg7[%dma_wait3A, %dma_wait3A_216] : memref<16x80xi32, #tpu.memory_space<vmem>> -> memref<1x80xi32, #tpu.memory_space<vmem>>
    %dma_wait3A_218 = tpu.memref_squeeze %dma_wait3A_217 : memref<1x80xi32, #tpu.memory_space<vmem>> -> memref<80xi32, #tpu.memory_space<vmem>>
    %dma_wait3A_219 = arith.constant 0 : i32
    %dma_wait3A_220 = arith.constant 0 : i32
    %dma_wait3A_221 = tpu.memref_slice %arg2[%dma_wait3A_219, %dma_wait3A_220] : memref<40000x128xf32, #tpu.memory_space<hbm>> -> memref<40000x128xf32, #tpu.memory_space<hbm>>
    %dma_wait3A_222 = tpu.memref_slice %arg11[%dma_wait3A_211] : memref<4x!tpu.dma_semaphore, #tpu.memory_space<semaphore_mem>> -> memref<1x!tpu.dma_semaphore, #tpu.memory_space<semaphore_mem>>
    %dma_wait3A_223 = tpu.memref_squeeze %dma_wait3A_222 : memref<1x!tpu.dma_semaphore, #tpu.memory_space<semaphore_mem>> -> memref<!tpu.dma_semaphore, #tpu.memory_space<semaphore_mem>>
    tpu.wait_indirect_dma semaphore(%dma_wait3A_223 : memref<!tpu.dma_semaphore, #tpu.memory_space<semaphore_mem>>) src(%dma_wait3A_221 : memref<40000x128xf32, #tpu.memory_space<hbm>>) dst(%dma_wait3A_215 : memref<80x128xf32, #tpu.memory_space<vmem>>)
    %dma_start3A_224 = arith.constant 3 : i32
    %dma_start3A_225 = arith.constant 7 : i32
    %dma_start3A_226 = arith.constant 3 : i32
    %dma_start3A_227 = arith.constant 0 : i32
    %dma_start3A_228 = arith.constant 0 : i32
    %dma_start3A_229 = tpu.memref_slice %arg9[%dma_start3A_224, %dma_start3A_227, %dma_start3A_228] : memref<4x80x128xf32, #tpu.memory_space<vmem>> -> memref<1x80x128xf32, #tpu.memory_space<vmem>>
    %dma_start3A_230 = tpu.memref_squeeze %dma_start3A_229 : memref<1x80x128xf32, #tpu.memory_space<vmem>> -> memref<80x128xf32, #tpu.memory_space<vmem>>
    %dma_start3A_231 = arith.constant 0 : i32
    %dma_start3A_232 = tpu.memref_slice %arg8[%dma_start3A_225, %dma_start3A_231] : memref<16x80xi32, #tpu.memory_space<vmem>> -> memref<1x80xi32, #tpu.memory_space<vmem>>
    %dma_start3A_233 = tpu.memref_squeeze %dma_start3A_232 : memref<1x80xi32, #tpu.memory_space<vmem>> -> memref<80xi32, #tpu.memory_space<vmem>>
    %dma_start3A_234 = arith.constant 0 : i32
    %dma_start3A_235 = arith.constant 0 : i32
    %dma_start3A_236 = tpu.memref_slice %arg6[%dma_start3A_234, %dma_start3A_235] : memref<10000x128xf32, #tpu.memory_space<vmem_shared>> -> memref<10000x128xf32, #tpu.memory_space<vmem_shared>>
    %dma_start3A_237 = tpu.memref_slice %arg12[%dma_start3A_226] : memref<4x!tpu.dma_semaphore, #tpu.memory_space<semaphore_mem>> -> memref<1x!tpu.dma_semaphore, #tpu.memory_space<semaphore_mem>>
    %dma_start3A_238 = tpu.memref_squeeze %dma_start3A_237 : memref<1x!tpu.dma_semaphore, #tpu.memory_space<semaphore_mem>> -> memref<!tpu.dma_semaphore, #tpu.memory_space<semaphore_mem>>
    tpu.enqueue_indirect_dma source(%dma_start3A_230 : memref<80x128xf32, #tpu.memory_space<vmem>>) target(%dma_start3A_236 : memref<10000x128xf32, #tpu.memory_space<vmem_shared>>) offsets(%dma_start3A_233 : memref<80xi32, #tpu.memory_space<vmem>>) semaphore(%dma_start3A_238 : memref<!tpu.dma_semaphore, #tpu.memory_space<semaphore_mem>>) {add = true}
    %dma_wait3A_239 = arith.constant 8 : i32
    %dma_wait3A_240 = arith.constant 0 : i32
    %dma_wait3A_241 = arith.constant 0 : i32
    %dma_wait3A_242 = arith.constant 0 : i32
    %dma_wait3A_243 = arith.constant 0 : i32
    %dma_wait3A_244 = tpu.memref_slice %arg9[%dma_wait3A_240, %dma_wait3A_242, %dma_wait3A_243] : memref<4x80x128xf32, #tpu.memory_space<vmem>> -> memref<1x80x128xf32, #tpu.memory_space<vmem>>
    %dma_wait3A_245 = tpu.memref_squeeze %dma_wait3A_244 : memref<1x80x128xf32, #tpu.memory_space<vmem>> -> memref<80x128xf32, #tpu.memory_space<vmem>>
    %dma_wait3A_246 = arith.constant 0 : i32
    %dma_wait3A_247 = tpu.memref_slice %arg7[%dma_wait3A_239, %dma_wait3A_246] : memref<16x80xi32, #tpu.memory_space<vmem>> -> memref<1x80xi32, #tpu.memory_space<vmem>>
    %dma_wait3A_248 = tpu.memref_squeeze %dma_wait3A_247 : memref<1x80xi32, #tpu.memory_space<vmem>> -> memref<80xi32, #tpu.memory_space<vmem>>
    %dma_wait3A_249 = arith.constant 0 : i32
    %dma_wait3A_250 = arith.constant 0 : i32
    %dma_wait3A_251 = tpu.memref_slice %arg2[%dma_wait3A_249, %dma_wait3A_250] : memref<40000x128xf32, #tpu.memory_space<hbm>> -> memref<40000x128xf32, #tpu.memory_space<hbm>>
    %dma_wait3A_252 = tpu.memref_slice %arg11[%dma_wait3A_241] : memref<4x!tpu.dma_semaphore, #tpu.memory_space<semaphore_mem>> -> memref<1x!tpu.dma_semaphore, #tpu.memory_space<semaphore_mem>>
    %dma_wait3A_253 = tpu.memref_squeeze %dma_wait3A_252 : memref<1x!tpu.dma_semaphore, #tpu.memory_space<semaphore_mem>> -> memref<!tpu.dma_semaphore, #tpu.memory_space<semaphore_mem>>
    tpu.wait_indirect_dma semaphore(%dma_wait3A_253 : memref<!tpu.dma_semaphore, #tpu.memory_space<semaphore_mem>>) src(%dma_wait3A_251 : memref<40000x128xf32, #tpu.memory_space<hbm>>) dst(%dma_wait3A_245 : memref<80x128xf32, #tpu.memory_space<vmem>>)
    %dma_start3A_254 = arith.constant 0 : i32
    %dma_start3A_255 = arith.constant 8 : i32
    %dma_start3A_256 = arith.constant 0 : i32
    %dma_start3A_257 = arith.constant 0 : i32
    %dma_start3A_258 = arith.constant 0 : i32
    %dma_start3A_259 = tpu.memref_slice %arg9[%dma_start3A_254, %dma_start3A_257, %dma_start3A_258] : memref<4x80x128xf32, #tpu.memory_space<vmem>> -> memref<1x80x128xf32, #tpu.memory_space<vmem>>
    %dma_start3A_260 = tpu.memref_squeeze %dma_start3A_259 : memref<1x80x128xf32, #tpu.memory_space<vmem>> -> memref<80x128xf32, #tpu.memory_space<vmem>>
    %dma_start3A_261 = arith.constant 0 : i32
    %dma_start3A_262 = tpu.memref_slice %arg8[%dma_start3A_255, %dma_start3A_261] : memref<16x80xi32, #tpu.memory_space<vmem>> -> memref<1x80xi32, #tpu.memory_space<vmem>>
    %dma_start3A_263 = tpu.memref_squeeze %dma_start3A_262 : memref<1x80xi32, #tpu.memory_space<vmem>> -> memref<80xi32, #tpu.memory_space<vmem>>
    %dma_start3A_264 = arith.constant 0 : i32
    %dma_start3A_265 = arith.constant 0 : i32
    %dma_start3A_266 = tpu.memref_slice %arg6[%dma_start3A_264, %dma_start3A_265] : memref<10000x128xf32, #tpu.memory_space<vmem_shared>> -> memref<10000x128xf32, #tpu.memory_space<vmem_shared>>
    %dma_start3A_267 = tpu.memref_slice %arg12[%dma_start3A_256] : memref<4x!tpu.dma_semaphore, #tpu.memory_space<semaphore_mem>> -> memref<1x!tpu.dma_semaphore, #tpu.memory_space<semaphore_mem>>
    %dma_start3A_268 = tpu.memref_squeeze %dma_start3A_267 : memref<1x!tpu.dma_semaphore, #tpu.memory_space<semaphore_mem>> -> memref<!tpu.dma_semaphore, #tpu.memory_space<semaphore_mem>>
    tpu.enqueue_indirect_dma source(%dma_start3A_260 : memref<80x128xf32, #tpu.memory_space<vmem>>) target(%dma_start3A_266 : memref<10000x128xf32, #tpu.memory_space<vmem_shared>>) offsets(%dma_start3A_263 : memref<80xi32, #tpu.memory_space<vmem>>) semaphore(%dma_start3A_268 : memref<!tpu.dma_semaphore, #tpu.memory_space<semaphore_mem>>) {add = true}
    %dma_wait3A_269 = arith.constant 9 : i32
    %dma_wait3A_270 = arith.constant 1 : i32
    %dma_wait3A_271 = arith.constant 1 : i32
    %dma_wait3A_272 = arith.constant 0 : i32
    %dma_wait3A_273 = arith.constant 0 : i32
    %dma_wait3A_274 = tpu.memref_slice %arg9[%dma_wait3A_270, %dma_wait3A_272, %dma_wait3A_273] : memref<4x80x128xf32, #tpu.memory_space<vmem>> -> memref<1x80x128xf32, #tpu.memory_space<vmem>>
    %dma_wait3A_275 = tpu.memref_squeeze %dma_wait3A_274 : memref<1x80x128xf32, #tpu.memory_space<vmem>> -> memref<80x128xf32, #tpu.memory_space<vmem>>
    %dma_wait3A_276 = arith.constant 0 : i32
    %dma_wait3A_277 = tpu.memref_slice %arg7[%dma_wait3A_269, %dma_wait3A_276] : memref<16x80xi32, #tpu.memory_space<vmem>> -> memref<1x80xi32, #tpu.memory_space<vmem>>
    %dma_wait3A_278 = tpu.memref_squeeze %dma_wait3A_277 : memref<1x80xi32, #tpu.memory_space<vmem>> -> memref<80xi32, #tpu.memory_space<vmem>>
    %dma_wait3A_279 = arith.constant 0 : i32
    %dma_wait3A_280 = arith.constant 0 : i32
    %dma_wait3A_281 = tpu.memref_slice %arg2[%dma_wait3A_279, %dma_wait3A_280] : memref<40000x128xf32, #tpu.memory_space<hbm>> -> memref<40000x128xf32, #tpu.memory_space<hbm>>
    %dma_wait3A_282 = tpu.memref_slice %arg11[%dma_wait3A_271] : memref<4x!tpu.dma_semaphore, #tpu.memory_space<semaphore_mem>> -> memref<1x!tpu.dma_semaphore, #tpu.memory_space<semaphore_mem>>
    %dma_wait3A_283 = tpu.memref_squeeze %dma_wait3A_282 : memref<1x!tpu.dma_semaphore, #tpu.memory_space<semaphore_mem>> -> memref<!tpu.dma_semaphore, #tpu.memory_space<semaphore_mem>>
    tpu.wait_indirect_dma semaphore(%dma_wait3A_283 : memref<!tpu.dma_semaphore, #tpu.memory_space<semaphore_mem>>) src(%dma_wait3A_281 : memref<40000x128xf32, #tpu.memory_space<hbm>>) dst(%dma_wait3A_275 : memref<80x128xf32, #tpu.memory_space<vmem>>)
    %dma_start3A_284 = arith.constant 1 : i32
    %dma_start3A_285 = arith.constant 9 : i32
    %dma_start3A_286 = arith.constant 1 : i32
    %dma_start3A_287 = arith.constant 0 : i32
    %dma_start3A_288 = arith.constant 0 : i32
    %dma_start3A_289 = tpu.memref_slice %arg9[%dma_start3A_284, %dma_start3A_287, %dma_start3A_288] : memref<4x80x128xf32, #tpu.memory_space<vmem>> -> memref<1x80x128xf32, #tpu.memory_space<vmem>>
    %dma_start3A_290 = tpu.memref_squeeze %dma_start3A_289 : memref<1x80x128xf32, #tpu.memory_space<vmem>> -> memref<80x128xf32, #tpu.memory_space<vmem>>
    %dma_start3A_291 = arith.constant 0 : i32
    %dma_start3A_292 = tpu.memref_slice %arg8[%dma_start3A_285, %dma_start3A_291] : memref<16x80xi32, #tpu.memory_space<vmem>> -> memref<1x80xi32, #tpu.memory_space<vmem>>
    %dma_start3A_293 = tpu.memref_squeeze %dma_start3A_292 : memref<1x80xi32, #tpu.memory_space<vmem>> -> memref<80xi32, #tpu.memory_space<vmem>>
    %dma_start3A_294 = arith.constant 0 : i32
    %dma_start3A_295 = arith.constant 0 : i32
    %dma_start3A_296 = tpu.memref_slice %arg6[%dma_start3A_294, %dma_start3A_295] : memref<10000x128xf32, #tpu.memory_space<vmem_shared>> -> memref<10000x128xf32, #tpu.memory_space<vmem_shared>>
    %dma_start3A_297 = tpu.memref_slice %arg12[%dma_start3A_286] : memref<4x!tpu.dma_semaphore, #tpu.memory_space<semaphore_mem>> -> memref<1x!tpu.dma_semaphore, #tpu.memory_space<semaphore_mem>>
    %dma_start3A_298 = tpu.memref_squeeze %dma_start3A_297 : memref<1x!tpu.dma_semaphore, #tpu.memory_space<semaphore_mem>> -> memref<!tpu.dma_semaphore, #tpu.memory_space<semaphore_mem>>
    tpu.enqueue_indirect_dma source(%dma_start3A_290 : memref<80x128xf32, #tpu.memory_space<vmem>>) target(%dma_start3A_296 : memref<10000x128xf32, #tpu.memory_space<vmem_shared>>) offsets(%dma_start3A_293 : memref<80xi32, #tpu.memory_space<vmem>>) semaphore(%dma_start3A_298 : memref<!tpu.dma_semaphore, #tpu.memory_space<semaphore_mem>>) {add = true}
    %dma_wait3A_299 = arith.constant 2 : i32
    %dma_wait3A_300 = arith.constant 6 : i32
    %dma_wait3A_301 = arith.constant 2 : i32
    %dma_wait3A_302 = arith.constant 0 : i32
    %dma_wait3A_303 = arith.constant 0 : i32
    %dma_wait3A_304 = tpu.memref_slice %arg9[%dma_wait3A_299, %dma_wait3A_302, %dma_wait3A_303] : memref<4x80x128xf32, #tpu.memory_space<vmem>> -> memref<1x80x128xf32, #tpu.memory_space<vmem>>
    %dma_wait3A_305 = tpu.memref_squeeze %dma_wait3A_304 : memref<1x80x128xf32, #tpu.memory_space<vmem>> -> memref<80x128xf32, #tpu.memory_space<vmem>>
    %dma_wait3A_306 = arith.constant 0 : i32
    %dma_wait3A_307 = tpu.memref_slice %arg8[%dma_wait3A_300, %dma_wait3A_306] : memref<16x80xi32, #tpu.memory_space<vmem>> -> memref<1x80xi32, #tpu.memory_space<vmem>>
    %dma_wait3A_308 = tpu.memref_squeeze %dma_wait3A_307 : memref<1x80xi32, #tpu.memory_space<vmem>> -> memref<80xi32, #tpu.memory_space<vmem>>
    %dma_wait3A_309 = arith.constant 0 : i32
    %dma_wait3A_310 = arith.constant 0 : i32
    %dma_wait3A_311 = tpu.memref_slice %arg6[%dma_wait3A_309, %dma_wait3A_310] : memref<10000x128xf32, #tpu.memory_space<vmem_shared>> -> memref<10000x128xf32, #tpu.memory_space<vmem_shared>>
    %dma_wait3A_312 = tpu.memref_slice %arg12[%dma_wait3A_301] : memref<4x!tpu.dma_semaphore, #tpu.memory_space<semaphore_mem>> -> memref<1x!tpu.dma_semaphore, #tpu.memory_space<semaphore_mem>>
    %dma_wait3A_313 = tpu.memref_squeeze %dma_wait3A_312 : memref<1x!tpu.dma_semaphore, #tpu.memory_space<semaphore_mem>> -> memref<!tpu.dma_semaphore, #tpu.memory_space<semaphore_mem>>
    tpu.wait_indirect_dma semaphore(%dma_wait3A_313 : memref<!tpu.dma_semaphore, #tpu.memory_space<semaphore_mem>>) src(%dma_wait3A_305 : memref<80x128xf32, #tpu.memory_space<vmem>>) dst(%dma_wait3A_311 : memref<10000x128xf32, #tpu.memory_space<vmem_shared>>)
    %dma_wait3A_314 = arith.constant 3 : i32
    %dma_wait3A_315 = arith.constant 7 : i32
    %dma_wait3A_316 = arith.constant 3 : i32
    %dma_wait3A_317 = arith.constant 0 : i32
    %dma_wait3A_318 = arith.constant 0 : i32
    %dma_wait3A_319 = tpu.memref_slice %arg9[%dma_wait3A_314, %dma_wait3A_317, %dma_wait3A_318] : memref<4x80x128xf32, #tpu.memory_space<vmem>> -> memref<1x80x128xf32, #tpu.memory_space<vmem>>
    %dma_wait3A_320 = tpu.memref_squeeze %dma_wait3A_319 : memref<1x80x128xf32, #tpu.memory_space<vmem>> -> memref<80x128xf32, #tpu.memory_space<vmem>>
    %dma_wait3A_321 = arith.constant 0 : i32
    %dma_wait3A_322 = tpu.memref_slice %arg8[%dma_wait3A_315, %dma_wait3A_321] : memref<16x80xi32, #tpu.memory_space<vmem>> -> memref<1x80xi32, #tpu.memory_space<vmem>>
    %dma_wait3A_323 = tpu.memref_squeeze %dma_wait3A_322 : memref<1x80xi32, #tpu.memory_space<vmem>> -> memref<80xi32, #tpu.memory_space<vmem>>
    %dma_wait3A_324 = arith.constant 0 : i32
    %dma_wait3A_325 = arith.constant 0 : i32
    %dma_wait3A_326 = tpu.memref_slice %arg6[%dma_wait3A_324, %dma_wait3A_325] : memref<10000x128xf32, #tpu.memory_space<vmem_shared>> -> memref<10000x128xf32, #tpu.memory_space<vmem_shared>>
    %dma_wait3A_327 = tpu.memref_slice %arg12[%dma_wait3A_316] : memref<4x!tpu.dma_semaphore, #tpu.memory_space<semaphore_mem>> -> memref<1x!tpu.dma_semaphore, #tpu.memory_space<semaphore_mem>>
    %dma_wait3A_328 = tpu.memref_squeeze %dma_wait3A_327 : memref<1x!tpu.dma_semaphore, #tpu.memory_space<semaphore_mem>> -> memref<!tpu.dma_semaphore, #tpu.memory_space<semaphore_mem>>
    tpu.wait_indirect_dma semaphore(%dma_wait3A_328 : memref<!tpu.dma_semaphore, #tpu.memory_space<semaphore_mem>>) src(%dma_wait3A_320 : memref<80x128xf32, #tpu.memory_space<vmem>>) dst(%dma_wait3A_326 : memref<10000x128xf32, #tpu.memory_space<vmem_shared>>)
    %dma_wait3A_329 = arith.constant 0 : i32
    %dma_wait3A_330 = arith.constant 8 : i32
    %dma_wait3A_331 = arith.constant 0 : i32
    %dma_wait3A_332 = arith.constant 0 : i32
    %dma_wait3A_333 = arith.constant 0 : i32
    %dma_wait3A_334 = tpu.memref_slice %arg9[%dma_wait3A_329, %dma_wait3A_332, %dma_wait3A_333] : memref<4x80x128xf32, #tpu.memory_space<vmem>> -> memref<1x80x128xf32, #tpu.memory_space<vmem>>
    %dma_wait3A_335 = tpu.memref_squeeze %dma_wait3A_334 : memref<1x80x128xf32, #tpu.memory_space<vmem>> -> memref<80x128xf32, #tpu.memory_space<vmem>>
    %dma_wait3A_336 = arith.constant 0 : i32
    %dma_wait3A_337 = tpu.memref_slice %arg8[%dma_wait3A_330, %dma_wait3A_336] : memref<16x80xi32, #tpu.memory_space<vmem>> -> memref<1x80xi32, #tpu.memory_space<vmem>>
    %dma_wait3A_338 = tpu.memref_squeeze %dma_wait3A_337 : memref<1x80xi32, #tpu.memory_space<vmem>> -> memref<80xi32, #tpu.memory_space<vmem>>
    %dma_wait3A_339 = arith.constant 0 : i32
    %dma_wait3A_340 = arith.constant 0 : i32
    %dma_wait3A_341 = tpu.memref_slice %arg6[%dma_wait3A_339, %dma_wait3A_340] : memref<10000x128xf32, #tpu.memory_space<vmem_shared>> -> memref<10000x128xf32, #tpu.memory_space<vmem_shared>>
    %dma_wait3A_342 = tpu.memref_slice %arg12[%dma_wait3A_331] : memref<4x!tpu.dma_semaphore, #tpu.memory_space<semaphore_mem>> -> memref<1x!tpu.dma_semaphore, #tpu.memory_space<semaphore_mem>>
    %dma_wait3A_343 = tpu.memref_squeeze %dma_wait3A_342 : memref<1x!tpu.dma_semaphore, #tpu.memory_space<semaphore_mem>> -> memref<!tpu.dma_semaphore, #tpu.memory_space<semaphore_mem>>
    tpu.wait_indirect_dma semaphore(%dma_wait3A_343 : memref<!tpu.dma_semaphore, #tpu.memory_space<semaphore_mem>>) src(%dma_wait3A_335 : memref<80x128xf32, #tpu.memory_space<vmem>>) dst(%dma_wait3A_341 : memref<10000x128xf32, #tpu.memory_space<vmem_shared>>)
    %dma_wait3A_344 = arith.constant 1 : i32
    %dma_wait3A_345 = arith.constant 9 : i32
    %dma_wait3A_346 = arith.constant 1 : i32
    %dma_wait3A_347 = arith.constant 0 : i32
    %dma_wait3A_348 = arith.constant 0 : i32
    %dma_wait3A_349 = tpu.memref_slice %arg9[%dma_wait3A_344, %dma_wait3A_347, %dma_wait3A_348] : memref<4x80x128xf32, #tpu.memory_space<vmem>> -> memref<1x80x128xf32, #tpu.memory_space<vmem>>
    %dma_wait3A_350 = tpu.memref_squeeze %dma_wait3A_349 : memref<1x80x128xf32, #tpu.memory_space<vmem>> -> memref<80x128xf32, #tpu.memory_space<vmem>>
    %dma_wait3A_351 = arith.constant 0 : i32
    %dma_wait3A_352 = tpu.memref_slice %arg8[%dma_wait3A_345, %dma_wait3A_351] : memref<16x80xi32, #tpu.memory_space<vmem>> -> memref<1x80xi32, #tpu.memory_space<vmem>>
    %dma_wait3A_353 = tpu.memref_squeeze %dma_wait3A_352 : memref<1x80xi32, #tpu.memory_space<vmem>> -> memref<80xi32, #tpu.memory_space<vmem>>
    %dma_wait3A_354 = arith.constant 0 : i32
    %dma_wait3A_355 = arith.constant 0 : i32
    %dma_wait3A_356 = tpu.memref_slice %arg6[%dma_wait3A_354, %dma_wait3A_355] : memref<10000x128xf32, #tpu.memory_space<vmem_shared>> -> memref<10000x128xf32, #tpu.memory_space<vmem_shared>>
    %dma_wait3A_357 = tpu.memref_slice %arg12[%dma_wait3A_346] : memref<4x!tpu.dma_semaphore, #tpu.memory_space<semaphore_mem>> -> memref<1x!tpu.dma_semaphore, #tpu.memory_space<semaphore_mem>>
    %dma_wait3A_358 = tpu.memref_squeeze %dma_wait3A_357 : memref<1x!tpu.dma_semaphore, #tpu.memory_space<semaphore_mem>> -> memref<!tpu.dma_semaphore, #tpu.memory_space<semaphore_mem>>
    tpu.wait_indirect_dma semaphore(%dma_wait3A_358 : memref<!tpu.dma_semaphore, #tpu.memory_space<semaphore_mem>>) src(%dma_wait3A_350 : memref<80x128xf32, #tpu.memory_space<vmem>>) dst(%dma_wait3A_356 : memref<10000x128xf32, #tpu.memory_space<vmem_shared>>)
    %barrier3A_359 = arith.constant 0 : index
    tpu.barrier barrier_id(%barrier3A_359)
    %mul3A_360 = arith.constant 625 : i32
    %mul3A_361 = arith.muli %arg1, %mul3A_360 : i32
    %mul3A_362 = arith.constant 625 : i32
    %mul3A_363 = arith.muli %arg1, %mul3A_362 : i32
    "tpu.region"() ({
      %run_scoped3A = tpu.sem_alloc : memref<!tpu.dma_semaphore, #tpu.memory_space<semaphore_mem>>
      %dma_start3A_734 = arith.constant 0 : i32
      %dma_start3A_735 = tpu.memref_slice %arg5[%add3A_1, %mul3A_363, %dma_start3A_734] : memref<4x10000x128xf32, #tpu.memory_space<hbm>> -> memref<1x625x128xf32, #tpu.memory_space<hbm>>
      %dma_start3A_736 = tpu.memref_squeeze %dma_start3A_735 : memref<1x625x128xf32, #tpu.memory_space<hbm>> -> memref<625x128xf32, #tpu.memory_space<hbm>>
      %dma_start3A_737 = arith.constant 0 : i32
      %dma_start3A_738 = tpu.memref_slice %arg6[%mul3A_361, %dma_start3A_737] : memref<10000x128xf32, #tpu.memory_space<vmem_shared>> -> memref<625x128xf32, #tpu.memory_space<vmem_shared>>
      tpu.enqueue_dma source(%dma_start3A_738 : memref<625x128xf32, #tpu.memory_space<vmem_shared>>) target(%dma_start3A_736 : memref<625x128xf32, #tpu.memory_space<hbm>>) target_semaphore(%run_scoped3A : memref<!tpu.dma_semaphore, #tpu.memory_space<semaphore_mem>>)
      %dma_wait3A_739 = arith.constant 0 : i32
      %dma_wait3A_740 = tpu.memref_slice %arg5[%add3A_1, %mul3A_363, %dma_wait3A_739] : memref<4x10000x128xf32, #tpu.memory_space<hbm>> -> memref<1x625x128xf32, #tpu.memory_space<hbm>>
      %dma_wait3A_741 = tpu.memref_squeeze %dma_wait3A_740 : memref<1x625x128xf32, #tpu.memory_space<hbm>> -> memref<625x128xf32, #tpu.memory_space<hbm>>
      %dma_wait3A_742 = arith.constant 0 : i32
      %dma_wait3A_743 = tpu.memref_slice %arg6[%mul3A_361, %dma_wait3A_742] : memref<10000x128xf32, #tpu.memory_space<vmem_shared>> -> memref<625x128xf32, #tpu.memory_space<vmem_shared>>
      tpu.wait_dma2 semaphore(%run_scoped3A : memref<!tpu.dma_semaphore, #tpu.memory_space<semaphore_mem>>) src(%dma_wait3A_743 : memref<625x128xf32, #tpu.memory_space<vmem_shared>>) dst(%dma_wait3A_741 : memref<625x128xf32, #tpu.memory_space<hbm>>)
      tpu.yield
    }) : () -> ()
    %mul3A_364 = arith.constant 2 : i32
    %mul3A_365 = arith.muli %arg0, %mul3A_364 : i32
    %add3A_366 = arith.constant 1 : i32
    %add3A_367 = arith.addi %mul3A_365, %add3A_366 : i32
    %mul3A_368 = arith.constant 10000 : i32
    %mul3A_369 = arith.muli %add3A_367, %mul3A_368 : i32
    %mul3A_370 = arith.constant 625 : i32
    %mul3A_371 = arith.muli %arg1, %mul3A_370 : i32
    %add3A_372 = arith.addi %mul3A_369, %mul3A_371 : i32
    %mul3A_373 = arith.constant 625 : i32
    %mul3A_374 = arith.muli %arg1, %mul3A_373 : i32
    "tpu.region"() ({
      %run_scoped3A = tpu.sem_alloc : memref<!tpu.dma_semaphore, #tpu.memory_space<semaphore_mem>>
      %dma_start3A_734 = arith.constant 0 : i32
      %dma_start3A_735 = tpu.memref_slice %arg6[%mul3A_374, %dma_start3A_734] : memref<10000x128xf32, #tpu.memory_space<vmem_shared>> -> memref<625x128xf32, #tpu.memory_space<vmem_shared>>
      %dma_start3A_736 = arith.constant 0 : i32
      %dma_start3A_737 = tpu.memref_slice %arg2[%add3A_372, %dma_start3A_736] : memref<40000x128xf32, #tpu.memory_space<hbm>> -> memref<625x128xf32, #tpu.memory_space<hbm>>
      tpu.enqueue_dma source(%dma_start3A_737 : memref<625x128xf32, #tpu.memory_space<hbm>>) target(%dma_start3A_735 : memref<625x128xf32, #tpu.memory_space<vmem_shared>>) target_semaphore(%run_scoped3A : memref<!tpu.dma_semaphore, #tpu.memory_space<semaphore_mem>>)
      %dma_wait3A_738 = arith.constant 0 : i32
      %dma_wait3A_739 = tpu.memref_slice %arg6[%mul3A_374, %dma_wait3A_738] : memref<10000x128xf32, #tpu.memory_space<vmem_shared>> -> memref<625x128xf32, #tpu.memory_space<vmem_shared>>
      %dma_wait3A_740 = arith.constant 0 : i32
      %dma_wait3A_741 = tpu.memref_slice %arg2[%add3A_372, %dma_wait3A_740] : memref<40000x128xf32, #tpu.memory_space<hbm>> -> memref<625x128xf32, #tpu.memory_space<hbm>>
      tpu.wait_dma2 semaphore(%run_scoped3A : memref<!tpu.dma_semaphore, #tpu.memory_space<semaphore_mem>>) src(%dma_wait3A_741 : memref<625x128xf32, #tpu.memory_space<hbm>>) dst(%dma_wait3A_739 : memref<625x128xf32, #tpu.memory_space<vmem_shared>>)
      tpu.yield
    }) : () -> ()
    %mul3A_375 = arith.constant 20000 : i32
    %mul3A_376 = arith.muli %arg1, %mul3A_375 : i32
    %add3A_377 = arith.constant 0 : i32
    %add3A_378 = arith.addi %mul3A_376, %add3A_377 : i32
    %dma_start3A_379 = arith.constant 0 : i32
    %dma_start3A_380 = arith.constant 0 : i32
    %dma_start3A_381 = arith.constant 0 : i32
    %dma_start3A_382 = tpu.memref_slice %arg7[%dma_start3A_379, %dma_start3A_381] : memref<16x80xi32, #tpu.memory_space<vmem>> -> memref<1x80xi32, #tpu.memory_space<vmem>>
    %dma_start3A_383 = tpu.memref_squeeze %dma_start3A_382 : memref<1x80xi32, #tpu.memory_space<vmem>> -> memref<80xi32, #tpu.memory_space<vmem>>
    %dma_start3A_384 = tpu.memref_slice %arg3[%add3A_367, %add3A_378] : memref<4x320000xi32, #tpu.memory_space<hbm>> -> memref<1x80xi32, #tpu.memory_space<hbm>>
    %dma_start3A_385 = tpu.memref_squeeze %dma_start3A_384 : memref<1x80xi32, #tpu.memory_space<hbm>> -> memref<80xi32, #tpu.memory_space<hbm>>
    %dma_start3A_386 = tpu.memref_slice %arg10[%dma_start3A_380] : memref<16x!tpu.dma_semaphore, #tpu.memory_space<semaphore_mem>> -> memref<1x!tpu.dma_semaphore, #tpu.memory_space<semaphore_mem>>
    %dma_start3A_387 = tpu.memref_squeeze %dma_start3A_386 : memref<1x!tpu.dma_semaphore, #tpu.memory_space<semaphore_mem>> -> memref<!tpu.dma_semaphore, #tpu.memory_space<semaphore_mem>>
    %dma_start3A_388 = arith.constant 0 : i32
    %dma_start3A_389 = tpu.memref_slice %arg7[%dma_start3A_379, %dma_start3A_388] : memref<16x80xi32, #tpu.memory_space<vmem>> -> memref<1x80xi32, #tpu.memory_space<vmem>>
    %dma_start3A_390 = tpu.memref_squeeze %dma_start3A_389 : memref<1x80xi32, #tpu.memory_space<vmem>> -> memref<80xi32, #tpu.memory_space<vmem>>
    %dma_start3A_391 = tpu.memref_slice %arg3[%add3A_367, %add3A_378] : memref<4x320000xi32, #tpu.memory_space<hbm>> -> memref<1x80xi32, #tpu.memory_space<hbm>>
    %dma_start3A_392 = tpu.memref_squeeze %dma_start3A_391 : memref<1x80xi32, #tpu.memory_space<hbm>> -> memref<80xi32, #tpu.memory_space<hbm>>
    tpu.enqueue_dma source(%dma_start3A_392 : memref<80xi32, #tpu.memory_space<hbm>>) target(%dma_start3A_390 : memref<80xi32, #tpu.memory_space<vmem>>) target_semaphore(%dma_start3A_387 : memref<!tpu.dma_semaphore, #tpu.memory_space<semaphore_mem>>)
    %dma_start3A_393 = arith.constant 1 : i32
    %dma_start3A_394 = arith.constant 0 : i32
    %dma_start3A_395 = arith.constant 0 : i32
    %dma_start3A_396 = arith.constant 0 : i32
    %dma_start3A_397 = tpu.memref_slice %arg8[%dma_start3A_394, %dma_start3A_396] : memref<16x80xi32, #tpu.memory_space<vmem>> -> memref<1x80xi32, #tpu.memory_space<vmem>>
    %dma_start3A_398 = tpu.memref_squeeze %dma_start3A_397 : memref<1x80xi32, #tpu.memory_space<vmem>> -> memref<80xi32, #tpu.memory_space<vmem>>
    %dma_start3A_399 = tpu.memref_slice %arg4[%add3A_367, %dma_start3A_393, %add3A_378] : memref<4x2x320000xi32, #tpu.memory_space<hbm>> -> memref<1x1x80xi32, #tpu.memory_space<hbm>>
    %dma_start3A_400 = tpu.memref_squeeze %dma_start3A_399 : memref<1x1x80xi32, #tpu.memory_space<hbm>> -> memref<80xi32, #tpu.memory_space<hbm>>
    %dma_start3A_401 = tpu.memref_slice %arg10[%dma_start3A_395] : memref<16x!tpu.dma_semaphore, #tpu.memory_space<semaphore_mem>> -> memref<1x!tpu.dma_semaphore, #tpu.memory_space<semaphore_mem>>
    %dma_start3A_402 = tpu.memref_squeeze %dma_start3A_401 : memref<1x!tpu.dma_semaphore, #tpu.memory_space<semaphore_mem>> -> memref<!tpu.dma_semaphore, #tpu.memory_space<semaphore_mem>>
    %dma_start3A_403 = arith.constant 0 : i32
    %dma_start3A_404 = tpu.memref_slice %arg8[%dma_start3A_394, %dma_start3A_403] : memref<16x80xi32, #tpu.memory_space<vmem>> -> memref<1x80xi32, #tpu.memory_space<vmem>>
    %dma_start3A_405 = tpu.memref_squeeze %dma_start3A_404 : memref<1x80xi32, #tpu.memory_space<vmem>> -> memref<80xi32, #tpu.memory_space<vmem>>
    %dma_start3A_406 = tpu.memref_slice %arg4[%add3A_367, %dma_start3A_393, %add3A_378] : memref<4x2x320000xi32, #tpu.memory_space<hbm>> -> memref<1x1x80xi32, #tpu.memory_space<hbm>>
    %dma_start3A_407 = tpu.memref_squeeze %dma_start3A_406 : memref<1x1x80xi32, #tpu.memory_space<hbm>> -> memref<80xi32, #tpu.memory_space<hbm>>
    tpu.enqueue_dma source(%dma_start3A_407 : memref<80xi32, #tpu.memory_space<hbm>>) target(%dma_start3A_405 : memref<80xi32, #tpu.memory_space<vmem>>) target_semaphore(%dma_start3A_402 : memref<!tpu.dma_semaphore, #tpu.memory_space<semaphore_mem>>)
    %mul3A_408 = arith.constant 20000 : i32
    %mul3A_409 = arith.muli %arg1, %mul3A_408 : i32
    %add3A_410 = arith.constant 80 : i32
    %add3A_411 = arith.addi %mul3A_409, %add3A_410 : i32
    %dma_start3A_412 = arith.constant 1 : i32
    %dma_start3A_413 = arith.constant 1 : i32
    %dma_start3A_414 = arith.constant 0 : i32
    %dma_start3A_415 = tpu.memref_slice %arg7[%dma_start3A_412, %dma_start3A_414] : memref<16x80xi32, #tpu.memory_space<vmem>> -> memref<1x80xi32, #tpu.memory_space<vmem>>
    %dma_start3A_416 = tpu.memref_squeeze %dma_start3A_415 : memref<1x80xi32, #tpu.memory_space<vmem>> -> memref<80xi32, #tpu.memory_space<vmem>>
    %dma_start3A_417 = tpu.memref_slice %arg3[%add3A_367, %add3A_411] : memref<4x320000xi32, #tpu.memory_space<hbm>> -> memref<1x80xi32, #tpu.memory_space<hbm>>
    %dma_start3A_418 = tpu.memref_squeeze %dma_start3A_417 : memref<1x80xi32, #tpu.memory_space<hbm>> -> memref<80xi32, #tpu.memory_space<hbm>>
    %dma_start3A_419 = tpu.memref_slice %arg10[%dma_start3A_413] : memref<16x!tpu.dma_semaphore, #tpu.memory_space<semaphore_mem>> -> memref<1x!tpu.dma_semaphore, #tpu.memory_space<semaphore_mem>>
    %dma_start3A_420 = tpu.memref_squeeze %dma_start3A_419 : memref<1x!tpu.dma_semaphore, #tpu.memory_space<semaphore_mem>> -> memref<!tpu.dma_semaphore, #tpu.memory_space<semaphore_mem>>
    %dma_start3A_421 = arith.constant 0 : i32
    %dma_start3A_422 = tpu.memref_slice %arg7[%dma_start3A_412, %dma_start3A_421] : memref<16x80xi32, #tpu.memory_space<vmem>> -> memref<1x80xi32, #tpu.memory_space<vmem>>
    %dma_start3A_423 = tpu.memref_squeeze %dma_start3A_422 : memref<1x80xi32, #tpu.memory_space<vmem>> -> memref<80xi32, #tpu.memory_space<vmem>>
    %dma_start3A_424 = tpu.memref_slice %arg3[%add3A_367, %add3A_411] : memref<4x320000xi32, #tpu.memory_space<hbm>> -> memref<1x80xi32, #tpu.memory_space<hbm>>
    %dma_start3A_425 = tpu.memref_squeeze %dma_start3A_424 : memref<1x80xi32, #tpu.memory_space<hbm>> -> memref<80xi32, #tpu.memory_space<hbm>>
    tpu.enqueue_dma source(%dma_start3A_425 : memref<80xi32, #tpu.memory_space<hbm>>) target(%dma_start3A_423 : memref<80xi32, #tpu.memory_space<vmem>>) target_semaphore(%dma_start3A_420 : memref<!tpu.dma_semaphore, #tpu.memory_space<semaphore_mem>>)
    %dma_start3A_426 = arith.constant 1 : i32
    %dma_start3A_427 = arith.constant 1 : i32
    %dma_start3A_428 = arith.constant 1 : i32
    %dma_start3A_429 = arith.constant 0 : i32
    %dma_start3A_430 = tpu.memref_slice %arg8[%dma_start3A_427, %dma_start3A_429] : memref<16x80xi32, #tpu.memory_space<vmem>> -> memref<1x80xi32, #tpu.memory_space<vmem>>
    %dma_start3A_431 = tpu.memref_squeeze %dma_start3A_430 : memref<1x80xi32, #tpu.memory_space<vmem>> -> memref<80xi32, #tpu.memory_space<vmem>>
    %dma_start3A_432 = tpu.memref_slice %arg4[%add3A_367, %dma_start3A_426, %add3A_411] : memref<4x2x320000xi32, #tpu.memory_space<hbm>> -> memref<1x1x80xi32, #tpu.memory_space<hbm>>
    %dma_start3A_433 = tpu.memref_squeeze %dma_start3A_432 : memref<1x1x80xi32, #tpu.memory_space<hbm>> -> memref<80xi32, #tpu.memory_space<hbm>>
    %dma_start3A_434 = tpu.memref_slice %arg10[%dma_start3A_428] : memref<16x!tpu.dma_semaphore, #tpu.memory_space<semaphore_mem>> -> memref<1x!tpu.dma_semaphore, #tpu.memory_space<semaphore_mem>>
    %dma_start3A_435 = tpu.memref_squeeze %dma_start3A_434 : memref<1x!tpu.dma_semaphore, #tpu.memory_space<semaphore_mem>> -> memref<!tpu.dma_semaphore, #tpu.memory_space<semaphore_mem>>
    %dma_start3A_436 = arith.constant 0 : i32
    %dma_start3A_437 = tpu.memref_slice %arg8[%dma_start3A_427, %dma_start3A_436] : memref<16x80xi32, #tpu.memory_space<vmem>> -> memref<1x80xi32, #tpu.memory_space<vmem>>
    %dma_start3A_438 = tpu.memref_squeeze %dma_start3A_437 : memref<1x80xi32, #tpu.memory_space<vmem>> -> memref<80xi32, #tpu.memory_space<vmem>>
    %dma_start3A_439 = tpu.memref_slice %arg4[%add3A_367, %dma_start3A_426, %add3A_411] : memref<4x2x320000xi32, #tpu.memory_space<hbm>> -> memref<1x1x80xi32, #tpu.memory_space<hbm>>
    %dma_start3A_440 = tpu.memref_squeeze %dma_start3A_439 : memref<1x1x80xi32, #tpu.memory_space<hbm>> -> memref<80xi32, #tpu.memory_space<hbm>>
    tpu.enqueue_dma source(%dma_start3A_440 : memref<80xi32, #tpu.memory_space<hbm>>) target(%dma_start3A_438 : memref<80xi32, #tpu.memory_space<vmem>>) target_semaphore(%dma_start3A_435 : memref<!tpu.dma_semaphore, #tpu.memory_space<semaphore_mem>>)
    %mul3A_441 = arith.constant 20000 : i32
    %mul3A_442 = arith.muli %arg1, %mul3A_441 : i32
    %add3A_443 = arith.constant 160 : i32
    %add3A_444 = arith.addi %mul3A_442, %add3A_443 : i32
    %dma_start3A_445 = arith.constant 2 : i32
    %dma_start3A_446 = arith.constant 2 : i32
    %dma_start3A_447 = arith.constant 0 : i32
    %dma_start3A_448 = tpu.memref_slice %arg7[%dma_start3A_445, %dma_start3A_447] : memref<16x80xi32, #tpu.memory_space<vmem>> -> memref<1x80xi32, #tpu.memory_space<vmem>>
    %dma_start3A_449 = tpu.memref_squeeze %dma_start3A_448 : memref<1x80xi32, #tpu.memory_space<vmem>> -> memref<80xi32, #tpu.memory_space<vmem>>
    %dma_start3A_450 = tpu.memref_slice %arg3[%add3A_367, %add3A_444] : memref<4x320000xi32, #tpu.memory_space<hbm>> -> memref<1x80xi32, #tpu.memory_space<hbm>>
    %dma_start3A_451 = tpu.memref_squeeze %dma_start3A_450 : memref<1x80xi32, #tpu.memory_space<hbm>> -> memref<80xi32, #tpu.memory_space<hbm>>
    %dma_start3A_452 = tpu.memref_slice %arg10[%dma_start3A_446] : memref<16x!tpu.dma_semaphore, #tpu.memory_space<semaphore_mem>> -> memref<1x!tpu.dma_semaphore, #tpu.memory_space<semaphore_mem>>
    %dma_start3A_453 = tpu.memref_squeeze %dma_start3A_452 : memref<1x!tpu.dma_semaphore, #tpu.memory_space<semaphore_mem>> -> memref<!tpu.dma_semaphore, #tpu.memory_space<semaphore_mem>>
    %dma_start3A_454 = arith.constant 0 : i32
    %dma_start3A_455 = tpu.memref_slice %arg7[%dma_start3A_445, %dma_start3A_454] : memref<16x80xi32, #tpu.memory_space<vmem>> -> memref<1x80xi32, #tpu.memory_space<vmem>>
    %dma_start3A_456 = tpu.memref_squeeze %dma_start3A_455 : memref<1x80xi32, #tpu.memory_space<vmem>> -> memref<80xi32, #tpu.memory_space<vmem>>
    %dma_start3A_457 = tpu.memref_slice %arg3[%add3A_367, %add3A_444] : memref<4x320000xi32, #tpu.memory_space<hbm>> -> memref<1x80xi32, #tpu.memory_space<hbm>>
    %dma_start3A_458 = tpu.memref_squeeze %dma_start3A_457 : memref<1x80xi32, #tpu.memory_space<hbm>> -> memref<80xi32, #tpu.memory_space<hbm>>
    tpu.enqueue_dma source(%dma_start3A_458 : memref<80xi32, #tpu.memory_space<hbm>>) target(%dma_start3A_456 : memref<80xi32, #tpu.memory_space<vmem>>) target_semaphore(%dma_start3A_453 : memref<!tpu.dma_semaphore, #tpu.memory_space<semaphore_mem>>)
    %dma_start3A_459 = arith.constant 1 : i32
    %dma_start3A_460 = arith.constant 2 : i32
    %dma_start3A_461 = arith.constant 2 : i32
    %dma_start3A_462 = arith.constant 0 : i32
    %dma_start3A_463 = tpu.memref_slice %arg8[%dma_start3A_460, %dma_start3A_462] : memref<16x80xi32, #tpu.memory_space<vmem>> -> memref<1x80xi32, #tpu.memory_space<vmem>>
    %dma_start3A_464 = tpu.memref_squeeze %dma_start3A_463 : memref<1x80xi32, #tpu.memory_space<vmem>> -> memref<80xi32, #tpu.memory_space<vmem>>
    %dma_start3A_465 = tpu.memref_slice %arg4[%add3A_367, %dma_start3A_459, %add3A_444] : memref<4x2x320000xi32, #tpu.memory_space<hbm>> -> memref<1x1x80xi32, #tpu.memory_space<hbm>>
    %dma_start3A_466 = tpu.memref_squeeze %dma_start3A_465 : memref<1x1x80xi32, #tpu.memory_space<hbm>> -> memref<80xi32, #tpu.memory_space<hbm>>
    %dma_start3A_467 = tpu.memref_slice %arg10[%dma_start3A_461] : memref<16x!tpu.dma_semaphore, #tpu.memory_space<semaphore_mem>> -> memref<1x!tpu.dma_semaphore, #tpu.memory_space<semaphore_mem>>
    %dma_start3A_468 = tpu.memref_squeeze %dma_start3A_467 : memref<1x!tpu.dma_semaphore, #tpu.memory_space<semaphore_mem>> -> memref<!tpu.dma_semaphore, #tpu.memory_space<semaphore_mem>>
    %dma_start3A_469 = arith.constant 0 : i32
    %dma_start3A_470 = tpu.memref_slice %arg8[%dma_start3A_460, %dma_start3A_469] : memref<16x80xi32, #tpu.memory_space<vmem>> -> memref<1x80xi32, #tpu.memory_space<vmem>>
    %dma_start3A_471 = tpu.memref_squeeze %dma_start3A_470 : memref<1x80xi32, #tpu.memory_space<vmem>> -> memref<80xi32, #tpu.memory_space<vmem>>
    %dma_start3A_472 = tpu.memref_slice %arg4[%add3A_367, %dma_start3A_459, %add3A_444] : memref<4x2x320000xi32, #tpu.memory_space<hbm>> -> memref<1x1x80xi32, #tpu.memory_space<hbm>>
    %dma_start3A_473 = tpu.memref_squeeze %dma_start3A_472 : memref<1x1x80xi32, #tpu.memory_space<hbm>> -> memref<80xi32, #tpu.memory_space<hbm>>
    tpu.enqueue_dma source(%dma_start3A_473 : memref<80xi32, #tpu.memory_space<hbm>>) target(%dma_start3A_471 : memref<80xi32, #tpu.memory_space<vmem>>) target_semaphore(%dma_start3A_468 : memref<!tpu.dma_semaphore, #tpu.memory_space<semaphore_mem>>)
    %mul3A_474 = arith.constant 20000 : i32
    %mul3A_475 = arith.muli %arg1, %mul3A_474 : i32
    %add3A_476 = arith.constant 240 : i32
    %add3A_477 = arith.addi %mul3A_475, %add3A_476 : i32
    %dma_start3A_478 = arith.constant 3 : i32
    %dma_start3A_479 = arith.constant 3 : i32
    %dma_start3A_480 = arith.constant 0 : i32
    %dma_start3A_481 = tpu.memref_slice %arg7[%dma_start3A_478, %dma_start3A_480] : memref<16x80xi32, #tpu.memory_space<vmem>> -> memref<1x80xi32, #tpu.memory_space<vmem>>
    %dma_start3A_482 = tpu.memref_squeeze %dma_start3A_481 : memref<1x80xi32, #tpu.memory_space<vmem>> -> memref<80xi32, #tpu.memory_space<vmem>>
    %dma_start3A_483 = tpu.memref_slice %arg3[%add3A_367, %add3A_477] : memref<4x320000xi32, #tpu.memory_space<hbm>> -> memref<1x80xi32, #tpu.memory_space<hbm>>
    %dma_start3A_484 = tpu.memref_squeeze %dma_start3A_483 : memref<1x80xi32, #tpu.memory_space<hbm>> -> memref<80xi32, #tpu.memory_space<hbm>>
    %dma_start3A_485 = tpu.memref_slice %arg10[%dma_start3A_479] : memref<16x!tpu.dma_semaphore, #tpu.memory_space<semaphore_mem>> -> memref<1x!tpu.dma_semaphore, #tpu.memory_space<semaphore_mem>>
    %dma_start3A_486 = tpu.memref_squeeze %dma_start3A_485 : memref<1x!tpu.dma_semaphore, #tpu.memory_space<semaphore_mem>> -> memref<!tpu.dma_semaphore, #tpu.memory_space<semaphore_mem>>
    %dma_start3A_487 = arith.constant 0 : i32
    %dma_start3A_488 = tpu.memref_slice %arg7[%dma_start3A_478, %dma_start3A_487] : memref<16x80xi32, #tpu.memory_space<vmem>> -> memref<1x80xi32, #tpu.memory_space<vmem>>
    %dma_start3A_489 = tpu.memref_squeeze %dma_start3A_488 : memref<1x80xi32, #tpu.memory_space<vmem>> -> memref<80xi32, #tpu.memory_space<vmem>>
    %dma_start3A_490 = tpu.memref_slice %arg3[%add3A_367, %add3A_477] : memref<4x320000xi32, #tpu.memory_space<hbm>> -> memref<1x80xi32, #tpu.memory_space<hbm>>
    %dma_start3A_491 = tpu.memref_squeeze %dma_start3A_490 : memref<1x80xi32, #tpu.memory_space<hbm>> -> memref<80xi32, #tpu.memory_space<hbm>>
    tpu.enqueue_dma source(%dma_start3A_491 : memref<80xi32, #tpu.memory_space<hbm>>) target(%dma_start3A_489 : memref<80xi32, #tpu.memory_space<vmem>>) target_semaphore(%dma_start3A_486 : memref<!tpu.dma_semaphore, #tpu.memory_space<semaphore_mem>>)
    %dma_start3A_492 = arith.constant 1 : i32
    %dma_start3A_493 = arith.constant 3 : i32
    %dma_start3A_494 = arith.constant 3 : i32
    %dma_start3A_495 = arith.constant 0 : i32
    %dma_start3A_496 = tpu.memref_slice %arg8[%dma_start3A_493, %dma_start3A_495] : memref<16x80xi32, #tpu.memory_space<vmem>> -> memref<1x80xi32, #tpu.memory_space<vmem>>
    %dma_start3A_497 = tpu.memref_squeeze %dma_start3A_496 : memref<1x80xi32, #tpu.memory_space<vmem>> -> memref<80xi32, #tpu.memory_space<vmem>>
    %dma_start3A_498 = tpu.memref_slice %arg4[%add3A_367, %dma_start3A_492, %add3A_477] : memref<4x2x320000xi32, #tpu.memory_space<hbm>> -> memref<1x1x80xi32, #tpu.memory_space<hbm>>
    %dma_start3A_499 = tpu.memref_squeeze %dma_start3A_498 : memref<1x1x80xi32, #tpu.memory_space<hbm>> -> memref<80xi32, #tpu.memory_space<hbm>>
    %dma_start3A_500 = tpu.memref_slice %arg10[%dma_start3A_494] : memref<16x!tpu.dma_semaphore, #tpu.memory_space<semaphore_mem>> -> memref<1x!tpu.dma_semaphore, #tpu.memory_space<semaphore_mem>>
    %dma_start3A_501 = tpu.memref_squeeze %dma_start3A_500 : memref<1x!tpu.dma_semaphore, #tpu.memory_space<semaphore_mem>> -> memref<!tpu.dma_semaphore, #tpu.memory_space<semaphore_mem>>
    %dma_start3A_502 = arith.constant 0 : i32
    %dma_start3A_503 = tpu.memref_slice %arg8[%dma_start3A_493, %dma_start3A_502] : memref<16x80xi32, #tpu.memory_space<vmem>> -> memref<1x80xi32, #tpu.memory_space<vmem>>
    %dma_start3A_504 = tpu.memref_squeeze %dma_start3A_503 : memref<1x80xi32, #tpu.memory_space<vmem>> -> memref<80xi32, #tpu.memory_space<vmem>>
    %dma_start3A_505 = tpu.memref_slice %arg4[%add3A_367, %dma_start3A_492, %add3A_477] : memref<4x2x320000xi32, #tpu.memory_space<hbm>> -> memref<1x1x80xi32, #tpu.memory_space<hbm>>
    %dma_start3A_506 = tpu.memref_squeeze %dma_start3A_505 : memref<1x1x80xi32, #tpu.memory_space<hbm>> -> memref<80xi32, #tpu.memory_space<hbm>>
    tpu.enqueue_dma source(%dma_start3A_506 : memref<80xi32, #tpu.memory_space<hbm>>) target(%dma_start3A_504 : memref<80xi32, #tpu.memory_space<vmem>>) target_semaphore(%dma_start3A_501 : memref<!tpu.dma_semaphore, #tpu.memory_space<semaphore_mem>>)
    %mul3A_507 = arith.constant 20000 : i32
    %mul3A_508 = arith.muli %arg1, %mul3A_507 : i32
    %add3A_509 = arith.constant 320 : i32
    %add3A_510 = arith.addi %mul3A_508, %add3A_509 : i32
    %dma_start3A_511 = arith.constant 4 : i32
    %dma_start3A_512 = arith.constant 4 : i32
    %dma_start3A_513 = arith.constant 0 : i32
    %dma_start3A_514 = tpu.memref_slice %arg7[%dma_start3A_511, %dma_start3A_513] : memref<16x80xi32, #tpu.memory_space<vmem>> -> memref<1x80xi32, #tpu.memory_space<vmem>>
    %dma_start3A_515 = tpu.memref_squeeze %dma_start3A_514 : memref<1x80xi32, #tpu.memory_space<vmem>> -> memref<80xi32, #tpu.memory_space<vmem>>
    %dma_start3A_516 = tpu.memref_slice %arg3[%add3A_367, %add3A_510] : memref<4x320000xi32, #tpu.memory_space<hbm>> -> memref<1x80xi32, #tpu.memory_space<hbm>>
    %dma_start3A_517 = tpu.memref_squeeze %dma_start3A_516 : memref<1x80xi32, #tpu.memory_space<hbm>> -> memref<80xi32, #tpu.memory_space<hbm>>
    %dma_start3A_518 = tpu.memref_slice %arg10[%dma_start3A_512] : memref<16x!tpu.dma_semaphore, #tpu.memory_space<semaphore_mem>> -> memref<1x!tpu.dma_semaphore, #tpu.memory_space<semaphore_mem>>
    %dma_start3A_519 = tpu.memref_squeeze %dma_start3A_518 : memref<1x!tpu.dma_semaphore, #tpu.memory_space<semaphore_mem>> -> memref<!tpu.dma_semaphore, #tpu.memory_space<semaphore_mem>>
    %dma_start3A_520 = arith.constant 0 : i32
    %dma_start3A_521 = tpu.memref_slice %arg7[%dma_start3A_511, %dma_start3A_520] : memref<16x80xi32, #tpu.memory_space<vmem>> -> memref<1x80xi32, #tpu.memory_space<vmem>>
    %dma_start3A_522 = tpu.memref_squeeze %dma_start3A_521 : memref<1x80xi32, #tpu.memory_space<vmem>> -> memref<80xi32, #tpu.memory_space<vmem>>
    %dma_start3A_523 = tpu.memref_slice %arg3[%add3A_367, %add3A_510] : memref<4x320000xi32, #tpu.memory_space<hbm>> -> memref<1x80xi32, #tpu.memory_space<hbm>>
    %dma_start3A_524 = tpu.memref_squeeze %dma_start3A_523 : memref<1x80xi32, #tpu.memory_space<hbm>> -> memref<80xi32, #tpu.memory_space<hbm>>
    tpu.enqueue_dma source(%dma_start3A_524 : memref<80xi32, #tpu.memory_space<hbm>>) target(%dma_start3A_522 : memref<80xi32, #tpu.memory_space<vmem>>) target_semaphore(%dma_start3A_519 : memref<!tpu.dma_semaphore, #tpu.memory_space<semaphore_mem>>)
    %dma_start3A_525 = arith.constant 1 : i32
    %dma_start3A_526 = arith.constant 4 : i32
    %dma_start3A_527 = arith.constant 4 : i32
    %dma_start3A_528 = arith.constant 0 : i32
    %dma_start3A_529 = tpu.memref_slice %arg8[%dma_start3A_526, %dma_start3A_528] : memref<16x80xi32, #tpu.memory_space<vmem>> -> memref<1x80xi32, #tpu.memory_space<vmem>>
    %dma_start3A_530 = tpu.memref_squeeze %dma_start3A_529 : memref<1x80xi32, #tpu.memory_space<vmem>> -> memref<80xi32, #tpu.memory_space<vmem>>
    %dma_start3A_531 = tpu.memref_slice %arg4[%add3A_367, %dma_start3A_525, %add3A_510] : memref<4x2x320000xi32, #tpu.memory_space<hbm>> -> memref<1x1x80xi32, #tpu.memory_space<hbm>>
    %dma_start3A_532 = tpu.memref_squeeze %dma_start3A_531 : memref<1x1x80xi32, #tpu.memory_space<hbm>> -> memref<80xi32, #tpu.memory_space<hbm>>
    %dma_start3A_533 = tpu.memref_slice %arg10[%dma_start3A_527] : memref<16x!tpu.dma_semaphore, #tpu.memory_space<semaphore_mem>> -> memref<1x!tpu.dma_semaphore, #tpu.memory_space<semaphore_mem>>
    %dma_start3A_534 = tpu.memref_squeeze %dma_start3A_533 : memref<1x!tpu.dma_semaphore, #tpu.memory_space<semaphore_mem>> -> memref<!tpu.dma_semaphore, #tpu.memory_space<semaphore_mem>>
    %dma_start3A_535 = arith.constant 0 : i32
    %dma_start3A_536 = tpu.memref_slice %arg8[%dma_start3A_526, %dma_start3A_535] : memref<16x80xi32, #tpu.memory_space<vmem>> -> memref<1x80xi32, #tpu.memory_space<vmem>>
    %dma_start3A_537 = tpu.memref_squeeze %dma_start3A_536 : memref<1x80xi32, #tpu.memory_space<vmem>> -> memref<80xi32, #tpu.memory_space<vmem>>
    %dma_start3A_538 = tpu.memref_slice %arg4[%add3A_367, %dma_start3A_525, %add3A_510] : memref<4x2x320000xi32, #tpu.memory_space<hbm>> -> memref<1x1x80xi32, #tpu.memory_space<hbm>>
    %dma_start3A_539 = tpu.memref_squeeze %dma_start3A_538 : memref<1x1x80xi32, #tpu.memory_space<hbm>> -> memref<80xi32, #tpu.memory_space<hbm>>
    tpu.enqueue_dma source(%dma_start3A_539 : memref<80xi32, #tpu.memory_space<hbm>>) target(%dma_start3A_537 : memref<80xi32, #tpu.memory_space<vmem>>) target_semaphore(%dma_start3A_534 : memref<!tpu.dma_semaphore, #tpu.memory_space<semaphore_mem>>)
    %mul3A_540 = arith.constant 20000 : i32
    %mul3A_541 = arith.muli %arg1, %mul3A_540 : i32
    %add3A_542 = arith.constant 400 : i32
    %add3A_543 = arith.addi %mul3A_541, %add3A_542 : i32
    %dma_start3A_544 = arith.constant 5 : i32
    %dma_start3A_545 = arith.constant 5 : i32
    %dma_start3A_546 = arith.constant 0 : i32
    %dma_start3A_547 = tpu.memref_slice %arg7[%dma_start3A_544, %dma_start3A_546] : memref<16x80xi32, #tpu.memory_space<vmem>> -> memref<1x80xi32, #tpu.memory_space<vmem>>
    %dma_start3A_548 = tpu.memref_squeeze %dma_start3A_547 : memref<1x80xi32, #tpu.memory_space<vmem>> -> memref<80xi32, #tpu.memory_space<vmem>>
    %dma_start3A_549 = tpu.memref_slice %arg3[%add3A_367, %add3A_543] : memref<4x320000xi32, #tpu.memory_space<hbm>> -> memref<1x80xi32, #tpu.memory_space<hbm>>
    %dma_start3A_550 = tpu.memref_squeeze %dma_start3A_549 : memref<1x80xi32, #tpu.memory_space<hbm>> -> memref<80xi32, #tpu.memory_space<hbm>>
    %dma_start3A_551 = tpu.memref_slice %arg10[%dma_start3A_545] : memref<16x!tpu.dma_semaphore, #tpu.memory_space<semaphore_mem>> -> memref<1x!tpu.dma_semaphore, #tpu.memory_space<semaphore_mem>>
    %dma_start3A_552 = tpu.memref_squeeze %dma_start3A_551 : memref<1x!tpu.dma_semaphore, #tpu.memory_space<semaphore_mem>> -> memref<!tpu.dma_semaphore, #tpu.memory_space<semaphore_mem>>
    %dma_start3A_553 = arith.constant 0 : i32
    %dma_start3A_554 = tpu.memref_slice %arg7[%dma_start3A_544, %dma_start3A_553] : memref<16x80xi32, #tpu.memory_space<vmem>> -> memref<1x80xi32, #tpu.memory_space<vmem>>
    %dma_start3A_555 = tpu.memref_squeeze %dma_start3A_554 : memref<1x80xi32, #tpu.memory_space<vmem>> -> memref<80xi32, #tpu.memory_space<vmem>>
    %dma_start3A_556 = tpu.memref_slice %arg3[%add3A_367, %add3A_543] : memref<4x320000xi32, #tpu.memory_space<hbm>> -> memref<1x80xi32, #tpu.memory_space<hbm>>
    %dma_start3A_557 = tpu.memref_squeeze %dma_start3A_556 : memref<1x80xi32, #tpu.memory_space<hbm>> -> memref<80xi32, #tpu.memory_space<hbm>>
    tpu.enqueue_dma source(%dma_start3A_557 : memref<80xi32, #tpu.memory_space<hbm>>) target(%dma_start3A_555 : memref<80xi32, #tpu.memory_space<vmem>>) target_semaphore(%dma_start3A_552 : memref<!tpu.dma_semaphore, #tpu.memory_space<semaphore_mem>>)
    %dma_start3A_558 = arith.constant 1 : i32
    %dma_start3A_559 = arith.constant 5 : i32
    %dma_start3A_560 = arith.constant 5 : i32
    %dma_start3A_561 = arith.constant 0 : i32
    %dma_start3A_562 = tpu.memref_slice %arg8[%dma_start3A_559, %dma_start3A_561] : memref<16x80xi32, #tpu.memory_space<vmem>> -> memref<1x80xi32, #tpu.memory_space<vmem>>
    %dma_start3A_563 = tpu.memref_squeeze %dma_start3A_562 : memref<1x80xi32, #tpu.memory_space<vmem>> -> memref<80xi32, #tpu.memory_space<vmem>>
    %dma_start3A_564 = tpu.memref_slice %arg4[%add3A_367, %dma_start3A_558, %add3A_543] : memref<4x2x320000xi32, #tpu.memory_space<hbm>> -> memref<1x1x80xi32, #tpu.memory_space<hbm>>
    %dma_start3A_565 = tpu.memref_squeeze %dma_start3A_564 : memref<1x1x80xi32, #tpu.memory_space<hbm>> -> memref<80xi32, #tpu.memory_space<hbm>>
    %dma_start3A_566 = tpu.memref_slice %arg10[%dma_start3A_560] : memref<16x!tpu.dma_semaphore, #tpu.memory_space<semaphore_mem>> -> memref<1x!tpu.dma_semaphore, #tpu.memory_space<semaphore_mem>>
    %dma_start3A_567 = tpu.memref_squeeze %dma_start3A_566 : memref<1x!tpu.dma_semaphore, #tpu.memory_space<semaphore_mem>> -> memref<!tpu.dma_semaphore, #tpu.memory_space<semaphore_mem>>
    %dma_start3A_568 = arith.constant 0 : i32
    %dma_start3A_569 = tpu.memref_slice %arg8[%dma_start3A_559, %dma_start3A_568] : memref<16x80xi32, #tpu.memory_space<vmem>> -> memref<1x80xi32, #tpu.memory_space<vmem>>
    %dma_start3A_570 = tpu.memref_squeeze %dma_start3A_569 : memref<1x80xi32, #tpu.memory_space<vmem>> -> memref<80xi32, #tpu.memory_space<vmem>>
    %dma_start3A_571 = tpu.memref_slice %arg4[%add3A_367, %dma_start3A_558, %add3A_543] : memref<4x2x320000xi32, #tpu.memory_space<hbm>> -> memref<1x1x80xi32, #tpu.memory_space<hbm>>
    %dma_start3A_572 = tpu.memref_squeeze %dma_start3A_571 : memref<1x1x80xi32, #tpu.memory_space<hbm>> -> memref<80xi32, #tpu.memory_space<hbm>>
    tpu.enqueue_dma source(%dma_start3A_572 : memref<80xi32, #tpu.memory_space<hbm>>) target(%dma_start3A_570 : memref<80xi32, #tpu.memory_space<vmem>>) target_semaphore(%dma_start3A_567 : memref<!tpu.dma_semaphore, #tpu.memory_space<semaphore_mem>>)
    %barrier3A_573 = arith.constant 0 : index
    tpu.barrier barrier_id(%barrier3A_573)
    %scan3A_574 = arith.constant 0 : i32
    %scan3A_575 = arith.constant 250 : i32
    %scan3A_576 = arith.addi %scan3A_574, %scan3A_575 : i32
    %scan3A_577 = arith.constant 1 : i32
    scf.for %scan3A_734 = %scan3A_574 to %scan3A_576 step %scan3A_577  : i32 {
      %mul3A_735 = arith.constant 1 : i32
      %mul3A_736 = arith.muli %scan3A_734, %mul3A_735 : i32
      %add3A_737 = arith.constant 0 : i32
      %add3A_738 = arith.addi %add3A_737, %mul3A_736 : i32
      %rem3A = arith.constant 4 : i32
      %rem3A_739 = arith.remsi %add3A_738, %rem3A : i32
      %rem3A_740 = arith.constant 16 : i32
      %rem3A_741 = arith.remsi %add3A_738, %rem3A_740 : i32
      %ge3A = arith.constant 4 : i32
      %ge3A_742 = arith.cmpi sge, %add3A_738, %ge3A : i32
      %convert_element_type3A = arith.extui %ge3A_742 : i1 to i32
      %cond3A = arith.constant 0 : i32
      %cond3A_743 = arith.cmpi ne, %convert_element_type3A, %cond3A : i32
      scf.if %cond3A_743 {
        %add3A_797 = arith.constant 12 : i32
        %add3A_798 = arith.addi %add3A_738, %add3A_797 : i32
        %rem3A_799 = arith.constant 16 : i32
        %rem3A_800 = arith.remsi %add3A_798, %rem3A_799 : i32
        %dma_wait3A_801 = arith.constant 0 : i32
        %dma_wait3A_802 = arith.constant 0 : i32
        %dma_wait3A_803 = tpu.memref_slice %arg9[%rem3A_739, %dma_wait3A_801, %dma_wait3A_802] : memref<4x80x128xf32, #tpu.memory_space<vmem>> -> memref<1x80x128xf32, #tpu.memory_space<vmem>>
        %dma_wait3A_804 = tpu.memref_squeeze %dma_wait3A_803 : memref<1x80x128xf32, #tpu.memory_space<vmem>> -> memref<80x128xf32, #tpu.memory_space<vmem>>
        %dma_wait3A_805 = arith.constant 0 : i32
        %dma_wait3A_806 = tpu.memref_slice %arg8[%rem3A_800, %dma_wait3A_805] : memref<16x80xi32, #tpu.memory_space<vmem>> -> memref<1x80xi32, #tpu.memory_space<vmem>>
        %dma_wait3A_807 = tpu.memref_squeeze %dma_wait3A_806 : memref<1x80xi32, #tpu.memory_space<vmem>> -> memref<80xi32, #tpu.memory_space<vmem>>
        %dma_wait3A_808 = arith.constant 0 : i32
        %dma_wait3A_809 = arith.constant 0 : i32
        %dma_wait3A_810 = tpu.memref_slice %arg6[%dma_wait3A_808, %dma_wait3A_809] : memref<10000x128xf32, #tpu.memory_space<vmem_shared>> -> memref<10000x128xf32, #tpu.memory_space<vmem_shared>>
        %dma_wait3A_811 = tpu.memref_slice %arg12[%rem3A_739] : memref<4x!tpu.dma_semaphore, #tpu.memory_space<semaphore_mem>> -> memref<1x!tpu.dma_semaphore, #tpu.memory_space<semaphore_mem>>
        %dma_wait3A_812 = tpu.memref_squeeze %dma_wait3A_811 : memref<1x!tpu.dma_semaphore, #tpu.memory_space<semaphore_mem>> -> memref<!tpu.dma_semaphore, #tpu.memory_space<semaphore_mem>>
        tpu.wait_indirect_dma semaphore(%dma_wait3A_812 : memref<!tpu.dma_semaphore, #tpu.memory_space<semaphore_mem>>) src(%dma_wait3A_804 : memref<80x128xf32, #tpu.memory_space<vmem>>) dst(%dma_wait3A_810 : memref<10000x128xf32, #tpu.memory_space<vmem_shared>>)
      } else {
      }
      %mul3A_744 = arith.constant 20000 : i32
      %mul3A_745 = arith.muli %arg1, %mul3A_744 : i32
      %mul3A_746 = arith.constant 80 : i32
      %mul3A_747 = arith.muli %add3A_738, %mul3A_746 : i32
      %add3A_748 = arith.addi %mul3A_745, %mul3A_747 : i32
      %dma_wait3A_749 = arith.constant 0 : i32
      %dma_wait3A_750 = tpu.memref_slice %arg7[%rem3A_741, %dma_wait3A_749] : memref<16x80xi32, #tpu.memory_space<vmem>> -> memref<1x80xi32, #tpu.memory_space<vmem>>
      %dma_wait3A_751 = tpu.memref_squeeze %dma_wait3A_750 : memref<1x80xi32, #tpu.memory_space<vmem>> -> memref<80xi32, #tpu.memory_space<vmem>>
      %dma_wait3A_752 = tpu.memref_slice %arg3[%add3A_367, %add3A_748] : memref<4x320000xi32, #tpu.memory_space<hbm>> -> memref<1x80xi32, #tpu.memory_space<hbm>>
      %dma_wait3A_753 = tpu.memref_squeeze %dma_wait3A_752 : memref<1x80xi32, #tpu.memory_space<hbm>> -> memref<80xi32, #tpu.memory_space<hbm>>
      %dma_wait3A_754 = tpu.memref_slice %arg10[%rem3A_741] : memref<16x!tpu.dma_semaphore, #tpu.memory_space<semaphore_mem>> -> memref<1x!tpu.dma_semaphore, #tpu.memory_space<semaphore_mem>>
      %dma_wait3A_755 = tpu.memref_squeeze %dma_wait3A_754 : memref<1x!tpu.dma_semaphore, #tpu.memory_space<semaphore_mem>> -> memref<!tpu.dma_semaphore, #tpu.memory_space<semaphore_mem>>
      %dma_wait3A_756 = arith.constant 0 : i32
      %dma_wait3A_757 = tpu.memref_slice %arg7[%rem3A_741, %dma_wait3A_756] : memref<16x80xi32, #tpu.memory_space<vmem>> -> memref<1x80xi32, #tpu.memory_space<vmem>>
      %dma_wait3A_758 = tpu.memref_squeeze %dma_wait3A_757 : memref<1x80xi32, #tpu.memory_space<vmem>> -> memref<80xi32, #tpu.memory_space<vmem>>
      %dma_wait3A_759 = tpu.memref_slice %arg3[%add3A_367, %add3A_748] : memref<4x320000xi32, #tpu.memory_space<hbm>> -> memref<1x80xi32, #tpu.memory_space<hbm>>
      %dma_wait3A_760 = tpu.memref_squeeze %dma_wait3A_759 : memref<1x80xi32, #tpu.memory_space<hbm>> -> memref<80xi32, #tpu.memory_space<hbm>>
      tpu.wait_dma2 semaphore(%dma_wait3A_755 : memref<!tpu.dma_semaphore, #tpu.memory_space<semaphore_mem>>) src(%dma_wait3A_760 : memref<80xi32, #tpu.memory_space<hbm>>) dst(%dma_wait3A_758 : memref<80xi32, #tpu.memory_space<vmem>>)
      %dma_wait3A_761 = arith.constant 1 : i32
      %dma_wait3A_762 = arith.constant 0 : i32
      %dma_wait3A_763 = tpu.memref_slice %arg8[%rem3A_741, %dma_wait3A_762] : memref<16x80xi32, #tpu.memory_space<vmem>> -> memref<1x80xi32, #tpu.memory_space<vmem>>
      %dma_wait3A_764 = tpu.memref_squeeze %dma_wait3A_763 : memref<1x80xi32, #tpu.memory_space<vmem>> -> memref<80xi32, #tpu.memory_space<vmem>>
      %dma_wait3A_765 = tpu.memref_slice %arg4[%add3A_367, %dma_wait3A_761, %add3A_748] : memref<4x2x320000xi32, #tpu.memory_space<hbm>> -> memref<1x1x80xi32, #tpu.memory_space<hbm>>
      %dma_wait3A_766 = tpu.memref_squeeze %dma_wait3A_765 : memref<1x1x80xi32, #tpu.memory_space<hbm>> -> memref<80xi32, #tpu.memory_space<hbm>>
      %dma_wait3A_767 = tpu.memref_slice %arg10[%rem3A_741] : memref<16x!tpu.dma_semaphore, #tpu.memory_space<semaphore_mem>> -> memref<1x!tpu.dma_semaphore, #tpu.memory_space<semaphore_mem>>
      %dma_wait3A_768 = tpu.memref_squeeze %dma_wait3A_767 : memref<1x!tpu.dma_semaphore, #tpu.memory_space<semaphore_mem>> -> memref<!tpu.dma_semaphore, #tpu.memory_space<semaphore_mem>>
      %dma_wait3A_769 = arith.constant 0 : i32
      %dma_wait3A_770 = tpu.memref_slice %arg8[%rem3A_741, %dma_wait3A_769] : memref<16x80xi32, #tpu.memory_space<vmem>> -> memref<1x80xi32, #tpu.memory_space<vmem>>
      %dma_wait3A_771 = tpu.memref_squeeze %dma_wait3A_770 : memref<1x80xi32, #tpu.memory_space<vmem>> -> memref<80xi32, #tpu.memory_space<vmem>>
      %dma_wait3A_772 = tpu.memref_slice %arg4[%add3A_367, %dma_wait3A_761, %add3A_748] : memref<4x2x320000xi32, #tpu.memory_space<hbm>> -> memref<1x1x80xi32, #tpu.memory_space<hbm>>
      %dma_wait3A_773 = tpu.memref_squeeze %dma_wait3A_772 : memref<1x1x80xi32, #tpu.memory_space<hbm>> -> memref<80xi32, #tpu.memory_space<hbm>>
      tpu.wait_dma2 semaphore(%dma_wait3A_768 : memref<!tpu.dma_semaphore, #tpu.memory_space<semaphore_mem>>) src(%dma_wait3A_773 : memref<80xi32, #tpu.memory_space<hbm>>) dst(%dma_wait3A_771 : memref<80xi32, #tpu.memory_space<vmem>>)
      %dma_start3A_774 = arith.constant 0 : i32
      %dma_start3A_775 = arith.constant 0 : i32
      %dma_start3A_776 = tpu.memref_slice %arg9[%rem3A_739, %dma_start3A_774, %dma_start3A_775] : memref<4x80x128xf32, #tpu.memory_space<vmem>> -> memref<1x80x128xf32, #tpu.memory_space<vmem>>
      %dma_start3A_777 = tpu.memref_squeeze %dma_start3A_776 : memref<1x80x128xf32, #tpu.memory_space<vmem>> -> memref<80x128xf32, #tpu.memory_space<vmem>>
      %dma_start3A_778 = arith.constant 0 : i32
      %dma_start3A_779 = tpu.memref_slice %arg7[%rem3A_741, %dma_start3A_778] : memref<16x80xi32, #tpu.memory_space<vmem>> -> memref<1x80xi32, #tpu.memory_space<vmem>>
      %dma_start3A_780 = tpu.memref_squeeze %dma_start3A_779 : memref<1x80xi32, #tpu.memory_space<vmem>> -> memref<80xi32, #tpu.memory_space<vmem>>
      %dma_start3A_781 = arith.constant 0 : i32
      %dma_start3A_782 = arith.constant 0 : i32
      %dma_start3A_783 = tpu.memref_slice %arg2[%dma_start3A_781, %dma_start3A_782] : memref<40000x128xf32, #tpu.memory_space<hbm>> -> memref<40000x128xf32, #tpu.memory_space<hbm>>
      %dma_start3A_784 = tpu.memref_slice %arg11[%rem3A_739] : memref<4x!tpu.dma_semaphore, #tpu.memory_space<semaphore_mem>> -> memref<1x!tpu.dma_semaphore, #tpu.memory_space<semaphore_mem>>
      %dma_start3A_785 = tpu.memref_squeeze %dma_start3A_784 : memref<1x!tpu.dma_semaphore, #tpu.memory_space<semaphore_mem>> -> memref<!tpu.dma_semaphore, #tpu.memory_space<semaphore_mem>>
      tpu.enqueue_indirect_dma source(%dma_start3A_783 : memref<40000x128xf32, #tpu.memory_space<hbm>>) target(%dma_start3A_777 : memref<80x128xf32, #tpu.memory_space<vmem>>) offsets(%dma_start3A_780 : memref<80xi32, #tpu.memory_space<vmem>>) semaphore(%dma_start3A_785 : memref<!tpu.dma_semaphore, #tpu.memory_space<semaphore_mem>>)
      %add3A_786 = arith.constant 6 : i32
      %add3A_787 = arith.addi %add3A_738, %add3A_786 : i32
      %lt3A = arith.constant 250 : i32
      %lt3A_788 = arith.cmpi slt, %add3A_787, %lt3A : i32
      %convert_element_type3A_789 = arith.extui %lt3A_788 : i1 to i32
      %cond3A_790 = arith.constant 0 : i32
      %cond3A_791 = arith.cmpi ne, %convert_element_type3A_789, %cond3A_790 : i32
      scf.if %cond3A_791 {
        %add3A_797 = arith.constant 6 : i32
        %add3A_798 = arith.addi %add3A_738, %add3A_797 : i32
        %add3A_799 = arith.constant 6 : i32
        %add3A_800 = arith.addi %add3A_738, %add3A_799 : i32
        %rem3A_801 = arith.constant 16 : i32
        %rem3A_802 = arith.remsi %add3A_800, %rem3A_801 : i32
        %mul3A_803 = arith.constant 20000 : i32
        %mul3A_804 = arith.muli %arg1, %mul3A_803 : i32
        %mul3A_805 = arith.constant 80 : i32
        %mul3A_806 = arith.muli %add3A_798, %mul3A_805 : i32
        %add3A_807 = arith.addi %mul3A_804, %mul3A_806 : i32
        %dma_start3A_808 = arith.constant 0 : i32
        %dma_start3A_809 = tpu.memref_slice %arg7[%rem3A_802, %dma_start3A_808] : memref<16x80xi32, #tpu.memory_space<vmem>> -> memref<1x80xi32, #tpu.memory_space<vmem>>
        %dma_start3A_810 = tpu.memref_squeeze %dma_start3A_809 : memref<1x80xi32, #tpu.memory_space<vmem>> -> memref<80xi32, #tpu.memory_space<vmem>>
        %dma_start3A_811 = tpu.memref_slice %arg3[%add3A_367, %add3A_807] : memref<4x320000xi32, #tpu.memory_space<hbm>> -> memref<1x80xi32, #tpu.memory_space<hbm>>
        %dma_start3A_812 = tpu.memref_squeeze %dma_start3A_811 : memref<1x80xi32, #tpu.memory_space<hbm>> -> memref<80xi32, #tpu.memory_space<hbm>>
        %dma_start3A_813 = tpu.memref_slice %arg10[%rem3A_802] : memref<16x!tpu.dma_semaphore, #tpu.memory_space<semaphore_mem>> -> memref<1x!tpu.dma_semaphore, #tpu.memory_space<semaphore_mem>>
        %dma_start3A_814 = tpu.memref_squeeze %dma_start3A_813 : memref<1x!tpu.dma_semaphore, #tpu.memory_space<semaphore_mem>> -> memref<!tpu.dma_semaphore, #tpu.memory_space<semaphore_mem>>
        %dma_start3A_815 = arith.constant 0 : i32
        %dma_start3A_816 = tpu.memref_slice %arg7[%rem3A_802, %dma_start3A_815] : memref<16x80xi32, #tpu.memory_space<vmem>> -> memref<1x80xi32, #tpu.memory_space<vmem>>
        %dma_start3A_817 = tpu.memref_squeeze %dma_start3A_816 : memref<1x80xi32, #tpu.memory_space<vmem>> -> memref<80xi32, #tpu.memory_space<vmem>>
        %dma_start3A_818 = tpu.memref_slice %arg3[%add3A_367, %add3A_807] : memref<4x320000xi32, #tpu.memory_space<hbm>> -> memref<1x80xi32, #tpu.memory_space<hbm>>
        %dma_start3A_819 = tpu.memref_squeeze %dma_start3A_818 : memref<1x80xi32, #tpu.memory_space<hbm>> -> memref<80xi32, #tpu.memory_space<hbm>>
        tpu.enqueue_dma source(%dma_start3A_819 : memref<80xi32, #tpu.memory_space<hbm>>) target(%dma_start3A_817 : memref<80xi32, #tpu.memory_space<vmem>>) target_semaphore(%dma_start3A_814 : memref<!tpu.dma_semaphore, #tpu.memory_space<semaphore_mem>>)
        %dma_start3A_820 = arith.constant 1 : i32
        %dma_start3A_821 = arith.constant 0 : i32
        %dma_start3A_822 = tpu.memref_slice %arg8[%rem3A_802, %dma_start3A_821] : memref<16x80xi32, #tpu.memory_space<vmem>> -> memref<1x80xi32, #tpu.memory_space<vmem>>
        %dma_start3A_823 = tpu.memref_squeeze %dma_start3A_822 : memref<1x80xi32, #tpu.memory_space<vmem>> -> memref<80xi32, #tpu.memory_space<vmem>>
        %dma_start3A_824 = tpu.memref_slice %arg4[%add3A_367, %dma_start3A_820, %add3A_807] : memref<4x2x320000xi32, #tpu.memory_space<hbm>> -> memref<1x1x80xi32, #tpu.memory_space<hbm>>
        %dma_start3A_825 = tpu.memref_squeeze %dma_start3A_824 : memref<1x1x80xi32, #tpu.memory_space<hbm>> -> memref<80xi32, #tpu.memory_space<hbm>>
        %dma_start3A_826 = tpu.memref_slice %arg10[%rem3A_802] : memref<16x!tpu.dma_semaphore, #tpu.memory_space<semaphore_mem>> -> memref<1x!tpu.dma_semaphore, #tpu.memory_space<semaphore_mem>>
        %dma_start3A_827 = tpu.memref_squeeze %dma_start3A_826 : memref<1x!tpu.dma_semaphore, #tpu.memory_space<semaphore_mem>> -> memref<!tpu.dma_semaphore, #tpu.memory_space<semaphore_mem>>
        %dma_start3A_828 = arith.constant 0 : i32
        %dma_start3A_829 = tpu.memref_slice %arg8[%rem3A_802, %dma_start3A_828] : memref<16x80xi32, #tpu.memory_space<vmem>> -> memref<1x80xi32, #tpu.memory_space<vmem>>
        %dma_start3A_830 = tpu.memref_squeeze %dma_start3A_829 : memref<1x80xi32, #tpu.memory_space<vmem>> -> memref<80xi32, #tpu.memory_space<vmem>>
        %dma_start3A_831 = tpu.memref_slice %arg4[%add3A_367, %dma_start3A_820, %add3A_807] : memref<4x2x320000xi32, #tpu.memory_space<hbm>> -> memref<1x1x80xi32, #tpu.memory_space<hbm>>
        %dma_start3A_832 = tpu.memref_squeeze %dma_start3A_831 : memref<1x1x80xi32, #tpu.memory_space<hbm>> -> memref<80xi32, #tpu.memory_space<hbm>>
        tpu.enqueue_dma source(%dma_start3A_832 : memref<80xi32, #tpu.memory_space<hbm>>) target(%dma_start3A_830 : memref<80xi32, #tpu.memory_space<vmem>>) target_semaphore(%dma_start3A_827 : memref<!tpu.dma_semaphore, #tpu.memory_space<semaphore_mem>>)
      } else {
      }
      %ge3A_792 = arith.constant 3 : i32
      %ge3A_793 = arith.cmpi sge, %add3A_738, %ge3A_792 : i32
      %convert_element_type3A_794 = arith.extui %ge3A_793 : i1 to i32
      %cond3A_795 = arith.constant 0 : i32
      %cond3A_796 = arith.cmpi ne, %convert_element_type3A_794, %cond3A_795 : i32
      scf.if %cond3A_796 {
        %add3A_797 = arith.constant 1 : i32
        %add3A_798 = arith.addi %add3A_738, %add3A_797 : i32
        %rem3A_799 = arith.constant 4 : i32
        %rem3A_800 = arith.remsi %add3A_798, %rem3A_799 : i32
        %add3A_801 = arith.constant 13 : i32
        %add3A_802 = arith.addi %add3A_738, %add3A_801 : i32
        %rem3A_803 = arith.constant 16 : i32
        %rem3A_804 = arith.remsi %add3A_802, %rem3A_803 : i32
        %dma_wait3A_805 = arith.constant 0 : i32
        %dma_wait3A_806 = arith.constant 0 : i32
        %dma_wait3A_807 = tpu.memref_slice %arg9[%rem3A_800, %dma_wait3A_805, %dma_wait3A_806] : memref<4x80x128xf32, #tpu.memory_space<vmem>> -> memref<1x80x128xf32, #tpu.memory_space<vmem>>
        %dma_wait3A_808 = tpu.memref_squeeze %dma_wait3A_807 : memref<1x80x128xf32, #tpu.memory_space<vmem>> -> memref<80x128xf32, #tpu.memory_space<vmem>>
        %dma_wait3A_809 = arith.constant 0 : i32
        %dma_wait3A_810 = tpu.memref_slice %arg7[%rem3A_804, %dma_wait3A_809] : memref<16x80xi32, #tpu.memory_space<vmem>> -> memref<1x80xi32, #tpu.memory_space<vmem>>
        %dma_wait3A_811 = tpu.memref_squeeze %dma_wait3A_810 : memref<1x80xi32, #tpu.memory_space<vmem>> -> memref<80xi32, #tpu.memory_space<vmem>>
        %dma_wait3A_812 = arith.constant 0 : i32
        %dma_wait3A_813 = arith.constant 0 : i32
        %dma_wait3A_814 = tpu.memref_slice %arg2[%dma_wait3A_812, %dma_wait3A_813] : memref<40000x128xf32, #tpu.memory_space<hbm>> -> memref<40000x128xf32, #tpu.memory_space<hbm>>
        %dma_wait3A_815 = tpu.memref_slice %arg11[%rem3A_800] : memref<4x!tpu.dma_semaphore, #tpu.memory_space<semaphore_mem>> -> memref<1x!tpu.dma_semaphore, #tpu.memory_space<semaphore_mem>>
        %dma_wait3A_816 = tpu.memref_squeeze %dma_wait3A_815 : memref<1x!tpu.dma_semaphore, #tpu.memory_space<semaphore_mem>> -> memref<!tpu.dma_semaphore, #tpu.memory_space<semaphore_mem>>
        tpu.wait_indirect_dma semaphore(%dma_wait3A_816 : memref<!tpu.dma_semaphore, #tpu.memory_space<semaphore_mem>>) src(%dma_wait3A_814 : memref<40000x128xf32, #tpu.memory_space<hbm>>) dst(%dma_wait3A_808 : memref<80x128xf32, #tpu.memory_space<vmem>>)
        %dma_start3A_817 = arith.constant 0 : i32
        %dma_start3A_818 = arith.constant 0 : i32
        %dma_start3A_819 = tpu.memref_slice %arg9[%rem3A_800, %dma_start3A_817, %dma_start3A_818] : memref<4x80x128xf32, #tpu.memory_space<vmem>> -> memref<1x80x128xf32, #tpu.memory_space<vmem>>
        %dma_start3A_820 = tpu.memref_squeeze %dma_start3A_819 : memref<1x80x128xf32, #tpu.memory_space<vmem>> -> memref<80x128xf32, #tpu.memory_space<vmem>>
        %dma_start3A_821 = arith.constant 0 : i32
        %dma_start3A_822 = tpu.memref_slice %arg8[%rem3A_804, %dma_start3A_821] : memref<16x80xi32, #tpu.memory_space<vmem>> -> memref<1x80xi32, #tpu.memory_space<vmem>>
        %dma_start3A_823 = tpu.memref_squeeze %dma_start3A_822 : memref<1x80xi32, #tpu.memory_space<vmem>> -> memref<80xi32, #tpu.memory_space<vmem>>
        %dma_start3A_824 = arith.constant 0 : i32
        %dma_start3A_825 = arith.constant 0 : i32
        %dma_start3A_826 = tpu.memref_slice %arg6[%dma_start3A_824, %dma_start3A_825] : memref<10000x128xf32, #tpu.memory_space<vmem_shared>> -> memref<10000x128xf32, #tpu.memory_space<vmem_shared>>
        %dma_start3A_827 = tpu.memref_slice %arg12[%rem3A_800] : memref<4x!tpu.dma_semaphore, #tpu.memory_space<semaphore_mem>> -> memref<1x!tpu.dma_semaphore, #tpu.memory_space<semaphore_mem>>
        %dma_start3A_828 = tpu.memref_squeeze %dma_start3A_827 : memref<1x!tpu.dma_semaphore, #tpu.memory_space<semaphore_mem>> -> memref<!tpu.dma_semaphore, #tpu.memory_space<semaphore_mem>>
        tpu.enqueue_indirect_dma source(%dma_start3A_820 : memref<80x128xf32, #tpu.memory_space<vmem>>) target(%dma_start3A_826 : memref<10000x128xf32, #tpu.memory_space<vmem_shared>>) offsets(%dma_start3A_823 : memref<80xi32, #tpu.memory_space<vmem>>) semaphore(%dma_start3A_828 : memref<!tpu.dma_semaphore, #tpu.memory_space<semaphore_mem>>) {add = true}
      } else {
      }
    }
    %scan3A_578 = arith.constant 250 : i32
    %dma_wait3A_579 = arith.constant 7 : i32
    %dma_wait3A_580 = arith.constant 3 : i32
    %dma_wait3A_581 = arith.constant 3 : i32
    %dma_wait3A_582 = arith.constant 0 : i32
    %dma_wait3A_583 = arith.constant 0 : i32
    %dma_wait3A_584 = tpu.memref_slice %arg9[%dma_wait3A_580, %dma_wait3A_582, %dma_wait3A_583] : memref<4x80x128xf32, #tpu.memory_space<vmem>> -> memref<1x80x128xf32, #tpu.memory_space<vmem>>
    %dma_wait3A_585 = tpu.memref_squeeze %dma_wait3A_584 : memref<1x80x128xf32, #tpu.memory_space<vmem>> -> memref<80x128xf32, #tpu.memory_space<vmem>>
    %dma_wait3A_586 = arith.constant 0 : i32
    %dma_wait3A_587 = tpu.memref_slice %arg7[%dma_wait3A_579, %dma_wait3A_586] : memref<16x80xi32, #tpu.memory_space<vmem>> -> memref<1x80xi32, #tpu.memory_space<vmem>>
    %dma_wait3A_588 = tpu.memref_squeeze %dma_wait3A_587 : memref<1x80xi32, #tpu.memory_space<vmem>> -> memref<80xi32, #tpu.memory_space<vmem>>
    %dma_wait3A_589 = arith.constant 0 : i32
    %dma_wait3A_590 = arith.constant 0 : i32
    %dma_wait3A_591 = tpu.memref_slice %arg2[%dma_wait3A_589, %dma_wait3A_590] : memref<40000x128xf32, #tpu.memory_space<hbm>> -> memref<40000x128xf32, #tpu.memory_space<hbm>>
    %dma_wait3A_592 = tpu.memref_slice %arg11[%dma_wait3A_581] : memref<4x!tpu.dma_semaphore, #tpu.memory_space<semaphore_mem>> -> memref<1x!tpu.dma_semaphore, #tpu.memory_space<semaphore_mem>>
    %dma_wait3A_593 = tpu.memref_squeeze %dma_wait3A_592 : memref<1x!tpu.dma_semaphore, #tpu.memory_space<semaphore_mem>> -> memref<!tpu.dma_semaphore, #tpu.memory_space<semaphore_mem>>
    tpu.wait_indirect_dma semaphore(%dma_wait3A_593 : memref<!tpu.dma_semaphore, #tpu.memory_space<semaphore_mem>>) src(%dma_wait3A_591 : memref<40000x128xf32, #tpu.memory_space<hbm>>) dst(%dma_wait3A_585 : memref<80x128xf32, #tpu.memory_space<vmem>>)
    %dma_start3A_594 = arith.constant 3 : i32
    %dma_start3A_595 = arith.constant 7 : i32
    %dma_start3A_596 = arith.constant 3 : i32
    %dma_start3A_597 = arith.constant 0 : i32
    %dma_start3A_598 = arith.constant 0 : i32
    %dma_start3A_599 = tpu.memref_slice %arg9[%dma_start3A_594, %dma_start3A_597, %dma_start3A_598] : memref<4x80x128xf32, #tpu.memory_space<vmem>> -> memref<1x80x128xf32, #tpu.memory_space<vmem>>
    %dma_start3A_600 = tpu.memref_squeeze %dma_start3A_599 : memref<1x80x128xf32, #tpu.memory_space<vmem>> -> memref<80x128xf32, #tpu.memory_space<vmem>>
    %dma_start3A_601 = arith.constant 0 : i32
    %dma_start3A_602 = tpu.memref_slice %arg8[%dma_start3A_595, %dma_start3A_601] : memref<16x80xi32, #tpu.memory_space<vmem>> -> memref<1x80xi32, #tpu.memory_space<vmem>>
    %dma_start3A_603 = tpu.memref_squeeze %dma_start3A_602 : memref<1x80xi32, #tpu.memory_space<vmem>> -> memref<80xi32, #tpu.memory_space<vmem>>
    %dma_start3A_604 = arith.constant 0 : i32
    %dma_start3A_605 = arith.constant 0 : i32
    %dma_start3A_606 = tpu.memref_slice %arg6[%dma_start3A_604, %dma_start3A_605] : memref<10000x128xf32, #tpu.memory_space<vmem_shared>> -> memref<10000x128xf32, #tpu.memory_space<vmem_shared>>
    %dma_start3A_607 = tpu.memref_slice %arg12[%dma_start3A_596] : memref<4x!tpu.dma_semaphore, #tpu.memory_space<semaphore_mem>> -> memref<1x!tpu.dma_semaphore, #tpu.memory_space<semaphore_mem>>
    %dma_start3A_608 = tpu.memref_squeeze %dma_start3A_607 : memref<1x!tpu.dma_semaphore, #tpu.memory_space<semaphore_mem>> -> memref<!tpu.dma_semaphore, #tpu.memory_space<semaphore_mem>>
    tpu.enqueue_indirect_dma source(%dma_start3A_600 : memref<80x128xf32, #tpu.memory_space<vmem>>) target(%dma_start3A_606 : memref<10000x128xf32, #tpu.memory_space<vmem_shared>>) offsets(%dma_start3A_603 : memref<80xi32, #tpu.memory_space<vmem>>) semaphore(%dma_start3A_608 : memref<!tpu.dma_semaphore, #tpu.memory_space<semaphore_mem>>) {add = true}
    %dma_wait3A_609 = arith.constant 8 : i32
    %dma_wait3A_610 = arith.constant 0 : i32
    %dma_wait3A_611 = arith.constant 0 : i32
    %dma_wait3A_612 = arith.constant 0 : i32
    %dma_wait3A_613 = arith.constant 0 : i32
    %dma_wait3A_614 = tpu.memref_slice %arg9[%dma_wait3A_610, %dma_wait3A_612, %dma_wait3A_613] : memref<4x80x128xf32, #tpu.memory_space<vmem>> -> memref<1x80x128xf32, #tpu.memory_space<vmem>>
    %dma_wait3A_615 = tpu.memref_squeeze %dma_wait3A_614 : memref<1x80x128xf32, #tpu.memory_space<vmem>> -> memref<80x128xf32, #tpu.memory_space<vmem>>
    %dma_wait3A_616 = arith.constant 0 : i32
    %dma_wait3A_617 = tpu.memref_slice %arg7[%dma_wait3A_609, %dma_wait3A_616] : memref<16x80xi32, #tpu.memory_space<vmem>> -> memref<1x80xi32, #tpu.memory_space<vmem>>
    %dma_wait3A_618 = tpu.memref_squeeze %dma_wait3A_617 : memref<1x80xi32, #tpu.memory_space<vmem>> -> memref<80xi32, #tpu.memory_space<vmem>>
    %dma_wait3A_619 = arith.constant 0 : i32
    %dma_wait3A_620 = arith.constant 0 : i32
    %dma_wait3A_621 = tpu.memref_slice %arg2[%dma_wait3A_619, %dma_wait3A_620] : memref<40000x128xf32, #tpu.memory_space<hbm>> -> memref<40000x128xf32, #tpu.memory_space<hbm>>
    %dma_wait3A_622 = tpu.memref_slice %arg11[%dma_wait3A_611] : memref<4x!tpu.dma_semaphore, #tpu.memory_space<semaphore_mem>> -> memref<1x!tpu.dma_semaphore, #tpu.memory_space<semaphore_mem>>
    %dma_wait3A_623 = tpu.memref_squeeze %dma_wait3A_622 : memref<1x!tpu.dma_semaphore, #tpu.memory_space<semaphore_mem>> -> memref<!tpu.dma_semaphore, #tpu.memory_space<semaphore_mem>>
    tpu.wait_indirect_dma semaphore(%dma_wait3A_623 : memref<!tpu.dma_semaphore, #tpu.memory_space<semaphore_mem>>) src(%dma_wait3A_621 : memref<40000x128xf32, #tpu.memory_space<hbm>>) dst(%dma_wait3A_615 : memref<80x128xf32, #tpu.memory_space<vmem>>)
    %dma_start3A_624 = arith.constant 0 : i32
    %dma_start3A_625 = arith.constant 8 : i32
    %dma_start3A_626 = arith.constant 0 : i32
    %dma_start3A_627 = arith.constant 0 : i32
    %dma_start3A_628 = arith.constant 0 : i32
    %dma_start3A_629 = tpu.memref_slice %arg9[%dma_start3A_624, %dma_start3A_627, %dma_start3A_628] : memref<4x80x128xf32, #tpu.memory_space<vmem>> -> memref<1x80x128xf32, #tpu.memory_space<vmem>>
    %dma_start3A_630 = tpu.memref_squeeze %dma_start3A_629 : memref<1x80x128xf32, #tpu.memory_space<vmem>> -> memref<80x128xf32, #tpu.memory_space<vmem>>
    %dma_start3A_631 = arith.constant 0 : i32
    %dma_start3A_632 = tpu.memref_slice %arg8[%dma_start3A_625, %dma_start3A_631] : memref<16x80xi32, #tpu.memory_space<vmem>> -> memref<1x80xi32, #tpu.memory_space<vmem>>
    %dma_start3A_633 = tpu.memref_squeeze %dma_start3A_632 : memref<1x80xi32, #tpu.memory_space<vmem>> -> memref<80xi32, #tpu.memory_space<vmem>>
    %dma_start3A_634 = arith.constant 0 : i32
    %dma_start3A_635 = arith.constant 0 : i32
    %dma_start3A_636 = tpu.memref_slice %arg6[%dma_start3A_634, %dma_start3A_635] : memref<10000x128xf32, #tpu.memory_space<vmem_shared>> -> memref<10000x128xf32, #tpu.memory_space<vmem_shared>>
    %dma_start3A_637 = tpu.memref_slice %arg12[%dma_start3A_626] : memref<4x!tpu.dma_semaphore, #tpu.memory_space<semaphore_mem>> -> memref<1x!tpu.dma_semaphore, #tpu.memory_space<semaphore_mem>>
    %dma_start3A_638 = tpu.memref_squeeze %dma_start3A_637 : memref<1x!tpu.dma_semaphore, #tpu.memory_space<semaphore_mem>> -> memref<!tpu.dma_semaphore, #tpu.memory_space<semaphore_mem>>
    tpu.enqueue_indirect_dma source(%dma_start3A_630 : memref<80x128xf32, #tpu.memory_space<vmem>>) target(%dma_start3A_636 : memref<10000x128xf32, #tpu.memory_space<vmem_shared>>) offsets(%dma_start3A_633 : memref<80xi32, #tpu.memory_space<vmem>>) semaphore(%dma_start3A_638 : memref<!tpu.dma_semaphore, #tpu.memory_space<semaphore_mem>>) {add = true}
    %dma_wait3A_639 = arith.constant 9 : i32
    %dma_wait3A_640 = arith.constant 1 : i32
    %dma_wait3A_641 = arith.constant 1 : i32
    %dma_wait3A_642 = arith.constant 0 : i32
    %dma_wait3A_643 = arith.constant 0 : i32
    %dma_wait3A_644 = tpu.memref_slice %arg9[%dma_wait3A_640, %dma_wait3A_642, %dma_wait3A_643] : memref<4x80x128xf32, #tpu.memory_space<vmem>> -> memref<1x80x128xf32, #tpu.memory_space<vmem>>
    %dma_wait3A_645 = tpu.memref_squeeze %dma_wait3A_644 : memref<1x80x128xf32, #tpu.memory_space<vmem>> -> memref<80x128xf32, #tpu.memory_space<vmem>>
    %dma_wait3A_646 = arith.constant 0 : i32
    %dma_wait3A_647 = tpu.memref_slice %arg7[%dma_wait3A_639, %dma_wait3A_646] : memref<16x80xi32, #tpu.memory_space<vmem>> -> memref<1x80xi32, #tpu.memory_space<vmem>>
    %dma_wait3A_648 = tpu.memref_squeeze %dma_wait3A_647 : memref<1x80xi32, #tpu.memory_space<vmem>> -> memref<80xi32, #tpu.memory_space<vmem>>
    %dma_wait3A_649 = arith.constant 0 : i32
    %dma_wait3A_650 = arith.constant 0 : i32
    %dma_wait3A_651 = tpu.memref_slice %arg2[%dma_wait3A_649, %dma_wait3A_650] : memref<40000x128xf32, #tpu.memory_space<hbm>> -> memref<40000x128xf32, #tpu.memory_space<hbm>>
    %dma_wait3A_652 = tpu.memref_slice %arg11[%dma_wait3A_641] : memref<4x!tpu.dma_semaphore, #tpu.memory_space<semaphore_mem>> -> memref<1x!tpu.dma_semaphore, #tpu.memory_space<semaphore_mem>>
    %dma_wait3A_653 = tpu.memref_squeeze %dma_wait3A_652 : memref<1x!tpu.dma_semaphore, #tpu.memory_space<semaphore_mem>> -> memref<!tpu.dma_semaphore, #tpu.memory_space<semaphore_mem>>
    tpu.wait_indirect_dma semaphore(%dma_wait3A_653 : memref<!tpu.dma_semaphore, #tpu.memory_space<semaphore_mem>>) src(%dma_wait3A_651 : memref<40000x128xf32, #tpu.memory_space<hbm>>) dst(%dma_wait3A_645 : memref<80x128xf32, #tpu.memory_space<vmem>>)
    %dma_start3A_654 = arith.constant 1 : i32
    %dma_start3A_655 = arith.constant 9 : i32
    %dma_start3A_656 = arith.constant 1 : i32
    %dma_start3A_657 = arith.constant 0 : i32
    %dma_start3A_658 = arith.constant 0 : i32
    %dma_start3A_659 = tpu.memref_slice %arg9[%dma_start3A_654, %dma_start3A_657, %dma_start3A_658] : memref<4x80x128xf32, #tpu.memory_space<vmem>> -> memref<1x80x128xf32, #tpu.memory_space<vmem>>
    %dma_start3A_660 = tpu.memref_squeeze %dma_start3A_659 : memref<1x80x128xf32, #tpu.memory_space<vmem>> -> memref<80x128xf32, #tpu.memory_space<vmem>>
    %dma_start3A_661 = arith.constant 0 : i32
    %dma_start3A_662 = tpu.memref_slice %arg8[%dma_start3A_655, %dma_start3A_661] : memref<16x80xi32, #tpu.memory_space<vmem>> -> memref<1x80xi32, #tpu.memory_space<vmem>>
    %dma_start3A_663 = tpu.memref_squeeze %dma_start3A_662 : memref<1x80xi32, #tpu.memory_space<vmem>> -> memref<80xi32, #tpu.memory_space<vmem>>
    %dma_start3A_664 = arith.constant 0 : i32
    %dma_start3A_665 = arith.constant 0 : i32
    %dma_start3A_666 = tpu.memref_slice %arg6[%dma_start3A_664, %dma_start3A_665] : memref<10000x128xf32, #tpu.memory_space<vmem_shared>> -> memref<10000x128xf32, #tpu.memory_space<vmem_shared>>
    %dma_start3A_667 = tpu.memref_slice %arg12[%dma_start3A_656] : memref<4x!tpu.dma_semaphore, #tpu.memory_space<semaphore_mem>> -> memref<1x!tpu.dma_semaphore, #tpu.memory_space<semaphore_mem>>
    %dma_start3A_668 = tpu.memref_squeeze %dma_start3A_667 : memref<1x!tpu.dma_semaphore, #tpu.memory_space<semaphore_mem>> -> memref<!tpu.dma_semaphore, #tpu.memory_space<semaphore_mem>>
    tpu.enqueue_indirect_dma source(%dma_start3A_660 : memref<80x128xf32, #tpu.memory_space<vmem>>) target(%dma_start3A_666 : memref<10000x128xf32, #tpu.memory_space<vmem_shared>>) offsets(%dma_start3A_663 : memref<80xi32, #tpu.memory_space<vmem>>) semaphore(%dma_start3A_668 : memref<!tpu.dma_semaphore, #tpu.memory_space<semaphore_mem>>) {add = true}
    %dma_wait3A_669 = arith.constant 2 : i32
    %dma_wait3A_670 = arith.constant 6 : i32
    %dma_wait3A_671 = arith.constant 2 : i32
    %dma_wait3A_672 = arith.constant 0 : i32
    %dma_wait3A_673 = arith.constant 0 : i32
    %dma_wait3A_674 = tpu.memref_slice %arg9[%dma_wait3A_669, %dma_wait3A_672, %dma_wait3A_673] : memref<4x80x128xf32, #tpu.memory_space<vmem>> -> memref<1x80x128xf32, #tpu.memory_space<vmem>>
    %dma_wait3A_675 = tpu.memref_squeeze %dma_wait3A_674 : memref<1x80x128xf32, #tpu.memory_space<vmem>> -> memref<80x128xf32, #tpu.memory_space<vmem>>
    %dma_wait3A_676 = arith.constant 0 : i32
    %dma_wait3A_677 = tpu.memref_slice %arg8[%dma_wait3A_670, %dma_wait3A_676] : memref<16x80xi32, #tpu.memory_space<vmem>> -> memref<1x80xi32, #tpu.memory_space<vmem>>
    %dma_wait3A_678 = tpu.memref_squeeze %dma_wait3A_677 : memref<1x80xi32, #tpu.memory_space<vmem>> -> memref<80xi32, #tpu.memory_space<vmem>>
    %dma_wait3A_679 = arith.constant 0 : i32
    %dma_wait3A_680 = arith.constant 0 : i32
    %dma_wait3A_681 = tpu.memref_slice %arg6[%dma_wait3A_679, %dma_wait3A_680] : memref<10000x128xf32, #tpu.memory_space<vmem_shared>> -> memref<10000x128xf32, #tpu.memory_space<vmem_shared>>
    %dma_wait3A_682 = tpu.memref_slice %arg12[%dma_wait3A_671] : memref<4x!tpu.dma_semaphore, #tpu.memory_space<semaphore_mem>> -> memref<1x!tpu.dma_semaphore, #tpu.memory_space<semaphore_mem>>
    %dma_wait3A_683 = tpu.memref_squeeze %dma_wait3A_682 : memref<1x!tpu.dma_semaphore, #tpu.memory_space<semaphore_mem>> -> memref<!tpu.dma_semaphore, #tpu.memory_space<semaphore_mem>>
    tpu.wait_indirect_dma semaphore(%dma_wait3A_683 : memref<!tpu.dma_semaphore, #tpu.memory_space<semaphore_mem>>) src(%dma_wait3A_675 : memref<80x128xf32, #tpu.memory_space<vmem>>) dst(%dma_wait3A_681 : memref<10000x128xf32, #tpu.memory_space<vmem_shared>>)
    %dma_wait3A_684 = arith.constant 3 : i32
    %dma_wait3A_685 = arith.constant 7 : i32
    %dma_wait3A_686 = arith.constant 3 : i32
    %dma_wait3A_687 = arith.constant 0 : i32
    %dma_wait3A_688 = arith.constant 0 : i32
    %dma_wait3A_689 = tpu.memref_slice %arg9[%dma_wait3A_684, %dma_wait3A_687, %dma_wait3A_688] : memref<4x80x128xf32, #tpu.memory_space<vmem>> -> memref<1x80x128xf32, #tpu.memory_space<vmem>>
    %dma_wait3A_690 = tpu.memref_squeeze %dma_wait3A_689 : memref<1x80x128xf32, #tpu.memory_space<vmem>> -> memref<80x128xf32, #tpu.memory_space<vmem>>
    %dma_wait3A_691 = arith.constant 0 : i32
    %dma_wait3A_692 = tpu.memref_slice %arg8[%dma_wait3A_685, %dma_wait3A_691] : memref<16x80xi32, #tpu.memory_space<vmem>> -> memref<1x80xi32, #tpu.memory_space<vmem>>
    %dma_wait3A_693 = tpu.memref_squeeze %dma_wait3A_692 : memref<1x80xi32, #tpu.memory_space<vmem>> -> memref<80xi32, #tpu.memory_space<vmem>>
    %dma_wait3A_694 = arith.constant 0 : i32
    %dma_wait3A_695 = arith.constant 0 : i32
    %dma_wait3A_696 = tpu.memref_slice %arg6[%dma_wait3A_694, %dma_wait3A_695] : memref<10000x128xf32, #tpu.memory_space<vmem_shared>> -> memref<10000x128xf32, #tpu.memory_space<vmem_shared>>
    %dma_wait3A_697 = tpu.memref_slice %arg12[%dma_wait3A_686] : memref<4x!tpu.dma_semaphore, #tpu.memory_space<semaphore_mem>> -> memref<1x!tpu.dma_semaphore, #tpu.memory_space<semaphore_mem>>
    %dma_wait3A_698 = tpu.memref_squeeze %dma_wait3A_697 : memref<1x!tpu.dma_semaphore, #tpu.memory_space<semaphore_mem>> -> memref<!tpu.dma_semaphore, #tpu.memory_space<semaphore_mem>>
    tpu.wait_indirect_dma semaphore(%dma_wait3A_698 : memref<!tpu.dma_semaphore, #tpu.memory_space<semaphore_mem>>) src(%dma_wait3A_690 : memref<80x128xf32, #tpu.memory_space<vmem>>) dst(%dma_wait3A_696 : memref<10000x128xf32, #tpu.memory_space<vmem_shared>>)
    %dma_wait3A_699 = arith.constant 0 : i32
    %dma_wait3A_700 = arith.constant 8 : i32
    %dma_wait3A_701 = arith.constant 0 : i32
    %dma_wait3A_702 = arith.constant 0 : i32
    %dma_wait3A_703 = arith.constant 0 : i32
    %dma_wait3A_704 = tpu.memref_slice %arg9[%dma_wait3A_699, %dma_wait3A_702, %dma_wait3A_703] : memref<4x80x128xf32, #tpu.memory_space<vmem>> -> memref<1x80x128xf32, #tpu.memory_space<vmem>>
    %dma_wait3A_705 = tpu.memref_squeeze %dma_wait3A_704 : memref<1x80x128xf32, #tpu.memory_space<vmem>> -> memref<80x128xf32, #tpu.memory_space<vmem>>
    %dma_wait3A_706 = arith.constant 0 : i32
    %dma_wait3A_707 = tpu.memref_slice %arg8[%dma_wait3A_700, %dma_wait3A_706] : memref<16x80xi32, #tpu.memory_space<vmem>> -> memref<1x80xi32, #tpu.memory_space<vmem>>
    %dma_wait3A_708 = tpu.memref_squeeze %dma_wait3A_707 : memref<1x80xi32, #tpu.memory_space<vmem>> -> memref<80xi32, #tpu.memory_space<vmem>>
    %dma_wait3A_709 = arith.constant 0 : i32
    %dma_wait3A_710 = arith.constant 0 : i32
    %dma_wait3A_711 = tpu.memref_slice %arg6[%dma_wait3A_709, %dma_wait3A_710] : memref<10000x128xf32, #tpu.memory_space<vmem_shared>> -> memref<10000x128xf32, #tpu.memory_space<vmem_shared>>
    %dma_wait3A_712 = tpu.memref_slice %arg12[%dma_wait3A_701] : memref<4x!tpu.dma_semaphore, #tpu.memory_space<semaphore_mem>> -> memref<1x!tpu.dma_semaphore, #tpu.memory_space<semaphore_mem>>
    %dma_wait3A_713 = tpu.memref_squeeze %dma_wait3A_712 : memref<1x!tpu.dma_semaphore, #tpu.memory_space<semaphore_mem>> -> memref<!tpu.dma_semaphore, #tpu.memory_space<semaphore_mem>>
    tpu.wait_indirect_dma semaphore(%dma_wait3A_713 : memref<!tpu.dma_semaphore, #tpu.memory_space<semaphore_mem>>) src(%dma_wait3A_705 : memref<80x128xf32, #tpu.memory_space<vmem>>) dst(%dma_wait3A_711 : memref<10000x128xf32, #tpu.memory_space<vmem_shared>>)
    %dma_wait3A_714 = arith.constant 1 : i32
    %dma_wait3A_715 = arith.constant 9 : i32
    %dma_wait3A_716 = arith.constant 1 : i32
    %dma_wait3A_717 = arith.constant 0 : i32
    %dma_wait3A_718 = arith.constant 0 : i32
    %dma_wait3A_719 = tpu.memref_slice %arg9[%dma_wait3A_714, %dma_wait3A_717, %dma_wait3A_718] : memref<4x80x128xf32, #tpu.memory_space<vmem>> -> memref<1x80x128xf32, #tpu.memory_space<vmem>>
    %dma_wait3A_720 = tpu.memref_squeeze %dma_wait3A_719 : memref<1x80x128xf32, #tpu.memory_space<vmem>> -> memref<80x128xf32, #tpu.memory_space<vmem>>
    %dma_wait3A_721 = arith.constant 0 : i32
    %dma_wait3A_722 = tpu.memref_slice %arg8[%dma_wait3A_715, %dma_wait3A_721] : memref<16x80xi32, #tpu.memory_space<vmem>> -> memref<1x80xi32, #tpu.memory_space<vmem>>
    %dma_wait3A_723 = tpu.memref_squeeze %dma_wait3A_722 : memref<1x80xi32, #tpu.memory_space<vmem>> -> memref<80xi32, #tpu.memory_space<vmem>>
    %dma_wait3A_724 = arith.constant 0 : i32
    %dma_wait3A_725 = arith.constant 0 : i32
    %dma_wait3A_726 = tpu.memref_slice %arg6[%dma_wait3A_724, %dma_wait3A_725] : memref<10000x128xf32, #tpu.memory_space<vmem_shared>> -> memref<10000x128xf32, #tpu.memory_space<vmem_shared>>
    %dma_wait3A_727 = tpu.memref_slice %arg12[%dma_wait3A_716] : memref<4x!tpu.dma_semaphore, #tpu.memory_space<semaphore_mem>> -> memref<1x!tpu.dma_semaphore, #tpu.memory_space<semaphore_mem>>
    %dma_wait3A_728 = tpu.memref_squeeze %dma_wait3A_727 : memref<1x!tpu.dma_semaphore, #tpu.memory_space<semaphore_mem>> -> memref<!tpu.dma_semaphore, #tpu.memory_space<semaphore_mem>>
    tpu.wait_indirect_dma semaphore(%dma_wait3A_728 : memref<!tpu.dma_semaphore, #tpu.memory_space<semaphore_mem>>) src(%dma_wait3A_720 : memref<80x128xf32, #tpu.memory_space<vmem>>) dst(%dma_wait3A_726 : memref<10000x128xf32, #tpu.memory_space<vmem_shared>>)
    %barrier3A_729 = arith.constant 0 : index
    tpu.barrier barrier_id(%barrier3A_729)
    %mul3A_730 = arith.constant 625 : i32
    %mul3A_731 = arith.muli %arg1, %mul3A_730 : i32
    %mul3A_732 = arith.constant 625 : i32
    %mul3A_733 = arith.muli %arg1, %mul3A_732 : i32
    "tpu.region"() ({
      %run_scoped3A = tpu.sem_alloc : memref<!tpu.dma_semaphore, #tpu.memory_space<semaphore_mem>>
      %dma_start3A_734 = arith.constant 0 : i32
      %dma_start3A_735 = tpu.memref_slice %arg5[%add3A_367, %mul3A_733, %dma_start3A_734] : memref<4x10000x128xf32, #tpu.memory_space<hbm>> -> memref<1x625x128xf32, #tpu.memory_space<hbm>>
      %dma_start3A_736 = tpu.memref_squeeze %dma_start3A_735 : memref<1x625x128xf32, #tpu.memory_space<hbm>> -> memref<625x128xf32, #tpu.memory_space<hbm>>
      %dma_start3A_737 = arith.constant 0 : i32
      %dma_start3A_738 = tpu.memref_slice %arg6[%mul3A_731, %dma_start3A_737] : memref<10000x128xf32, #tpu.memory_space<vmem_shared>> -> memref<625x128xf32, #tpu.memory_space<vmem_shared>>
      tpu.enqueue_dma source(%dma_start3A_738 : memref<625x128xf32, #tpu.memory_space<vmem_shared>>) target(%dma_start3A_736 : memref<625x128xf32, #tpu.memory_space<hbm>>) target_semaphore(%run_scoped3A : memref<!tpu.dma_semaphore, #tpu.memory_space<semaphore_mem>>)
      %dma_wait3A_739 = arith.constant 0 : i32
      %dma_wait3A_740 = tpu.memref_slice %arg5[%add3A_367, %mul3A_733, %dma_wait3A_739] : memref<4x10000x128xf32, #tpu.memory_space<hbm>> -> memref<1x625x128xf32, #tpu.memory_space<hbm>>
      %dma_wait3A_741 = tpu.memref_squeeze %dma_wait3A_740 : memref<1x625x128xf32, #tpu.memory_space<hbm>> -> memref<625x128xf32, #tpu.memory_space<hbm>>
      %dma_wait3A_742 = arith.constant 0 : i32
      %dma_wait3A_743 = tpu.memref_slice %arg6[%mul3A_731, %dma_wait3A_742] : memref<10000x128xf32, #tpu.memory_space<vmem_shared>> -> memref<625x128xf32, #tpu.memory_space<vmem_shared>>
      tpu.wait_dma2 semaphore(%run_scoped3A : memref<!tpu.dma_semaphore, #tpu.memory_space<semaphore_mem>>) src(%dma_wait3A_743 : memref<625x128xf32, #tpu.memory_space<vmem_shared>>) dst(%dma_wait3A_741 : memref<625x128xf32, #tpu.memory_space<hbm>>)
      tpu.yield
    }) : () -> ()
    return
  }
}

#map = affine_map<(d0, d1) -> (0, 0)>
#map1 = affine_map<(d0, d1) -> (0, 0, 0)>
module attributes {stable_mosaic.version = 14 : i64} {
  func.func @prop(%arg0: i32, %arg1: i32, %arg2: memref<40000x128xf32, #tpu.memory_space<hbm>>, %arg3: memref<4x320000xi32, #tpu.memory_space<hbm>>, %arg4: memref<4x2x320000xi32, #tpu.memory_space<hbm>>, %arg5: memref<4x10000x128xf32, #tpu.memory_space<hbm>>, %arg6: memref<10000x128xf32, #tpu.memory_space<vmem_shared>>, %arg7: memref<16x80xi32, #tpu.memory_space<vmem>>, %arg8: memref<16x80xi32, #tpu.memory_space<vmem>>, %arg9: memref<4x80x128xf32, #tpu.memory_space<vmem>>, %arg10: memref<16x!tpu.dma_semaphore, #tpu.memory_space<semaphore_mem>>, %arg11: memref<4x!tpu.dma_semaphore, #tpu.memory_space<semaphore_mem>>, %arg12: memref<4x!tpu.dma_semaphore, #tpu.memory_space<semaphore_mem>>) attributes {dimension_semantics = [#tpu.dimension_semantics<core_parallel>, #tpu.dimension_semantics<subcore_parallel>], iteration_bounds = array<i64: 2, 16>, scalar_prefetch = 0 : i64, scratch_operands = 7 : i64, tpu.core_type = #tpu.core_type<sc_vector_subcore>, window_params = [{transform_indices = #map}, {transform_indices = #map}, {transform_indices = #map1}, {transform_indices = #map1}]} {
    %mul3A = arith.constant 2 : i32
    %mul3A_0 = arith.muli %arg0, %mul3A : i32
    %add3A = arith.constant 0 : i32
    %add3A_1 = arith.addi %mul3A_0, %add3A : i32
    %mul3A_2 = arith.constant 10000 : i32
    %mul3A_3 = arith.muli %add3A_1, %mul3A_2 : i32
    %mul3A_4 = arith.constant 625 : i32
    %mul3A_5 = arith.muli %arg1, %mul3A_4 : i32
    %add3A_6 = arith.addi %mul3A_3, %mul3A_5 : i32
    %mul3A_7 = arith.constant 625 : i32
    %mul3A_8 = arith.muli %arg1, %mul3A_7 : i32
    "tpu.region"() ({
      %run_scoped3A = tpu.sem_alloc : memref<!tpu.dma_semaphore, #tpu.memory_space<semaphore_mem>>
      %dma_start3A_734 = arith.constant 0 : i32
      %dma_start3A_735 = tpu.memref_slice %arg6[%mul3A_8, %dma_start3A_734] : memref<10000x128xf32, #tpu.memory_space<vmem_shared>> -> memref<625x128xf32, #tpu.memory_space<vmem_shared>>
      %dma_start3A_736 = arith.constant 0 : i32
      %dma_start3A_737 = tpu.memref_slice %arg2[%add3A_6, %dma_start3A_736] : memref<40000x128xf32, #tpu.memory_space<hbm>> -> memref<625x128xf32, #tpu.memory_space<hbm>>
      tpu.enqueue_dma source(%dma_start3A_737 : memref<625x128xf32, #tpu.memory_space<hbm>>) target(%dma_start3A_735 : memref<625x128xf32, #tpu.memory_space<vmem_shared>>) target_semaphore(%run_scoped3A : memref<!tpu.dma_semaphore, #tpu.memory_space<semaphore_mem>>)
      %dma_wait3A_738 = arith.constant 0 : i32
      %dma_wait3A_739 = tpu.memref_slice %arg6[%mul3A_8, %dma_wait3A_738] : memref<10000x128xf32, #tpu.memory_space<vmem_shared>> -> memref<625x128xf32, #tpu.memory_space<vmem_shared>>
      %dma_wait3A_740 = arith.constant 0 : i32
      %dma_wait3A_741 = tpu.memref_slice %arg2[%add3A_6, %dma_wait3A_740] : memref<40000x128xf32, #tpu.memory_space<hbm>> -> memref<625x128xf32, #tpu.memory_space<hbm>>
      tpu.wait_dma2 semaphore(%run_scoped3A : memref<!tpu.dma_semaphore, #tpu.memory_space<semaphore_mem>>) src(%dma_wait3A_741 : memref<625x128xf32, #tpu.memory_space<hbm>>) dst(%dma_wait3A_739 : memref<625x128xf32, #tpu.memory_space<vmem_shared>>)
      tpu.yield
    }) : () -> ()
    %mul3A_9 = arith.constant 20000 : i32
    %mul3A_10 = arith.muli %arg1, %mul3A_9 : i32
    %add3A_11 = arith.constant 0 : i32
    %add3A_12 = arith.addi %mul3A_10, %add3A_11 : i32
    %dma_start3A = arith.constant 0 : i32
    %dma_start3A_13 = arith.constant 0 : i32
    %dma_start3A_14 = arith.constant 0 : i32
    %dma_start3A_15 = tpu.memref_slice %arg7[%dma_start3A, %dma_start3A_14] : memref<16x80xi32, #tpu.memory_space<vmem>> -> memref<1x80xi32, #tpu.memory_space<vmem>>
    %dma_start3A_16 = tpu.memref_squeeze %dma_start3A_15 : memref<1x80xi32, #tpu.memory_space<vmem>> -> memref<80xi32, #tpu.memory_space<vmem>>
    %dma_start3A_17 = tpu.memref_slice %arg3[%add3A_1, %add3A_12] : memref<4x320000xi32, #tpu.memory_space<hbm>> -> memref<1x80xi32, #tpu.memory_space<hbm>>
    %dma_start3A_18 = tpu.memref_squeeze %dma_start3A_17 : memref<1x80xi32, #tpu.memory_space<hbm>> -> memref<80xi32, #tpu.memory_space<hbm>>
    %dma_start3A_19 = tpu.memref_slice %arg10[%dma_start3A_13] : memref<16x!tpu.dma_semaphore, #tpu.memory_space<semaphore_mem>> -> memref<1x!tpu.dma_semaphore, #tpu.memory_space<semaphore_mem>>
    %dma_start3A_20 = tpu.memref_squeeze %dma_start3A_19 : memref<1x!tpu.dma_semaphore, #tpu.memory_space<semaphore_mem>> -> memref<!tpu.dma_semaphore, #tpu.memory_space<semaphore_mem>>
    %dma_start3A_21 = arith.constant 0 : i32
    %dma_start3A_22 = tpu.memref_slice %arg7[%dma_start3A, %dma_start3A_21] : memref<16x80xi32, #tpu.memory_space<vmem>> -> memref<1x80xi32, #tpu.memory_space<vmem>>
    %dma_start3A_23 = tpu.memref_squeeze %dma_start3A_22 : memref<1x80xi32, #tpu.memory_space<vmem>> -> memref<80xi32, #tpu.memory_space<vmem>>
    %dma_start3A_24 = tpu.memref_slice %arg3[%add3A_1, %add3A_12] : memref<4x320000xi32, #tpu.memory_space<hbm>> -> memref<1x80xi32, #tpu.memory_space<hbm>>
    %dma_start3A_25 = tpu.memref_squeeze %dma_start3A_24 : memref<1x80xi32, #tpu.memory_space<hbm>> -> memref<80xi32, #tpu.memory_space<hbm>>
    tpu.enqueue_dma source(%dma_start3A_25 : memref<80xi32, #tpu.memory_space<hbm>>) target(%dma_start3A_23 : memref<80xi32, #tpu.memory_space<vmem>>) target_semaphore(%dma_start3A_20 : memref<!tpu.dma_semaphore, #tpu.memory_space<semaphore_mem>>)
    %dma_start3A_26 = arith.constant 1 : i32
    %dma_start3A_27 = arith.constant 0 : i32
    %dma_start3A_28 = arith.constant 0 : i32
    %dma_start3A_29 = arith.constant 0 : i32
    %dma_start3A_30 = tpu.memref_slice %arg8[%dma_start3A_27, %dma_start3A_29] : memref<16x80xi32, #tpu.memory_space<vmem>> -> memref<1x80xi32, #tpu.memory_space<vmem>>
    %dma_start3A_31 = tpu.memref_squeeze %dma_start3A_30 : memref<1x80xi32, #tpu.memory_space<vmem>> -> memref<80xi32, #tpu.memory_space<vmem>>
    %dma_start3A_32 = tpu.memref_slice %arg4[%add3A_1, %dma_start3A_26, %add3A_12] : memref<4x2x320000xi32, #tpu.memory_space<hbm>> -> memref<1x1x80xi32, #tpu.memory_space<hbm>>
    %dma_start3A_33 = tpu.memref_squeeze %dma_start3A_32 : memref<1x1x80xi32, #tpu.memory_space<hbm>> -> memref<80xi32, #tpu.memory_space<hbm>>
    %dma_start3A_34 = tpu.memref_slice %arg10[%dma_start3A_28] : memref<16x!tpu.dma_semaphore, #tpu.memory_space<semaphore_mem>> -> memref<1x!tpu.dma_semaphore, #tpu.memory_space<semaphore_mem>>
    %dma_start3A_35 = tpu.memref_squeeze %dma_start3A_34 : memref<1x!tpu.dma_semaphore, #tpu.memory_space<semaphore_mem>> -> memref<!tpu.dma_semaphore, #tpu.memory_space<semaphore_mem>>
    %dma_start3A_36 = arith.constant 0 : i32
    %dma_start3A_37 = tpu.memref_slice %arg8[%dma_start3A_27, %dma_start3A_36] : memref<16x80xi32, #tpu.memory_space<vmem>> -> memref<1x80xi32, #tpu.memory_space<vmem>>
    %dma_start3A_38 = tpu.memref_squeeze %dma_start3A_37 : memref<1x80xi32, #tpu.memory_space<vmem>> -> memref<80xi32, #tpu.memory_space<vmem>>
    %dma_start3A_39 = tpu.memref_slice %arg4[%add3A_1, %dma_start3A_26, %add3A_12] : memref<4x2x320000xi32, #tpu.memory_space<hbm>> -> memref<1x1x80xi32, #tpu.memory_space<hbm>>
    %dma_start3A_40 = tpu.memref_squeeze %dma_start3A_39 : memref<1x1x80xi32, #tpu.memory_space<hbm>> -> memref<80xi32, #tpu.memory_space<hbm>>
    tpu.enqueue_dma source(%dma_start3A_40 : memref<80xi32, #tpu.memory_space<hbm>>) target(%dma_start3A_38 : memref<80xi32, #tpu.memory_space<vmem>>) target_semaphore(%dma_start3A_35 : memref<!tpu.dma_semaphore, #tpu.memory_space<semaphore_mem>>)
    %mul3A_41 = arith.constant 20000 : i32
    %mul3A_42 = arith.muli %arg1, %mul3A_41 : i32
    %add3A_43 = arith.constant 80 : i32
    %add3A_44 = arith.addi %mul3A_42, %add3A_43 : i32
    %dma_start3A_45 = arith.constant 1 : i32
    %dma_start3A_46 = arith.constant 1 : i32
    %dma_start3A_47 = arith.constant 0 : i32
    %dma_start3A_48 = tpu.memref_slice %arg7[%dma_start3A_45, %dma_start3A_47] : memref<16x80xi32, #tpu.memory_space<vmem>> -> memref<1x80xi32, #tpu.memory_space<vmem>>
    %dma_start3A_49 = tpu.memref_squeeze %dma_start3A_48 : memref<1x80xi32, #tpu.memory_space<vmem>> -> memref<80xi32, #tpu.memory_space<vmem>>
    %dma_start3A_50 = tpu.memref_slice %arg3[%add3A_1, %add3A_44] : memref<4x320000xi32, #tpu.memory_space<hbm>> -> memref<1x80xi32, #tpu.memory_space<hbm>>
    %dma_start3A_51 = tpu.memref_squeeze %dma_start3A_50 : memref<1x80xi32, #tpu.memory_space<hbm>> -> memref<80xi32, #tpu.memory_space<hbm>>
    %dma_start3A_52 = tpu.memref_slice %arg10[%dma_start3A_46] : memref<16x!tpu.dma_semaphore, #tpu.memory_space<semaphore_mem>> -> memref<1x!tpu.dma_semaphore, #tpu.memory_space<semaphore_mem>>
    %dma_start3A_53 = tpu.memref_squeeze %dma_start3A_52 : memref<1x!tpu.dma_semaphore, #tpu.memory_space<semaphore_mem>> -> memref<!tpu.dma_semaphore, #tpu.memory_space<semaphore_mem>>
    %dma_start3A_54 = arith.constant 0 : i32
    %dma_start3A_55 = tpu.memref_slice %arg7[%dma_start3A_45, %dma_start3A_54] : memref<16x80xi32, #tpu.memory_space<vmem>> -> memref<1x80xi32, #tpu.memory_space<vmem>>
    %dma_start3A_56 = tpu.memref_squeeze %dma_start3A_55 : memref<1x80xi32, #tpu.memory_space<vmem>> -> memref<80xi32, #tpu.memory_space<vmem>>
    %dma_start3A_57 = tpu.memref_slice %arg3[%add3A_1, %add3A_44] : memref<4x320000xi32, #tpu.memory_space<hbm>> -> memref<1x80xi32, #tpu.memory_space<hbm>>
    %dma_start3A_58 = tpu.memref_squeeze %dma_start3A_57 : memref<1x80xi32, #tpu.memory_space<hbm>> -> memref<80xi32, #tpu.memory_space<hbm>>
    tpu.enqueue_dma source(%dma_start3A_58 : memref<80xi32, #tpu.memory_space<hbm>>) target(%dma_start3A_56 : memref<80xi32, #tpu.memory_space<vmem>>) target_semaphore(%dma_start3A_53 : memref<!tpu.dma_semaphore, #tpu.memory_space<semaphore_mem>>)
    %dma_start3A_59 = arith.constant 1 : i32
    %dma_start3A_60 = arith.constant 1 : i32
    %dma_start3A_61 = arith.constant 1 : i32
    %dma_start3A_62 = arith.constant 0 : i32
    %dma_start3A_63 = tpu.memref_slice %arg8[%dma_start3A_60, %dma_start3A_62] : memref<16x80xi32, #tpu.memory_space<vmem>> -> memref<1x80xi32, #tpu.memory_space<vmem>>
    %dma_start3A_64 = tpu.memref_squeeze %dma_start3A_63 : memref<1x80xi32, #tpu.memory_space<vmem>> -> memref<80xi32, #tpu.memory_space<vmem>>
    %dma_start3A_65 = tpu.memref_slice %arg4[%add3A_1, %dma_start3A_59, %add3A_44] : memref<4x2x320000xi32, #tpu.memory_space<hbm>> -> memref<1x1x80xi32, #tpu.memory_space<hbm>>
    %dma_start3A_66 = tpu.memref_squeeze %dma_start3A_65 : memref<1x1x80xi32, #tpu.memory_space<hbm>> -> memref<80xi32, #tpu.memory_space<hbm>>
    %dma_start3A_67 = tpu.memref_slice %arg10[%dma_start3A_61] : memref<16x!tpu.dma_semaphore, #tpu.memory_space<semaphore_mem>> -> memref<1x!tpu.dma_semaphore, #tpu.memory_space<semaphore_mem>>
    %dma_start3A_68 = tpu.memref_squeeze %dma_start3A_67 : memref<1x!tpu.dma_semaphore, #tpu.memory_space<semaphore_mem>> -> memref<!tpu.dma_semaphore, #tpu.memory_space<semaphore_mem>>
    %dma_start3A_69 = arith.constant 0 : i32
    %dma_start3A_70 = tpu.memref_slice %arg8[%dma_start3A_60, %dma_start3A_69] : memref<16x80xi32, #tpu.memory_space<vmem>> -> memref<1x80xi32, #tpu.memory_space<vmem>>
    %dma_start3A_71 = tpu.memref_squeeze %dma_start3A_70 : memref<1x80xi32, #tpu.memory_space<vmem>> -> memref<80xi32, #tpu.memory_space<vmem>>
    %dma_start3A_72 = tpu.memref_slice %arg4[%add3A_1, %dma_start3A_59, %add3A_44] : memref<4x2x320000xi32, #tpu.memory_space<hbm>> -> memref<1x1x80xi32, #tpu.memory_space<hbm>>
    %dma_start3A_73 = tpu.memref_squeeze %dma_start3A_72 : memref<1x1x80xi32, #tpu.memory_space<hbm>> -> memref<80xi32, #tpu.memory_space<hbm>>
    tpu.enqueue_dma source(%dma_start3A_73 : memref<80xi32, #tpu.memory_space<hbm>>) target(%dma_start3A_71 : memref<80xi32, #tpu.memory_space<vmem>>) target_semaphore(%dma_start3A_68 : memref<!tpu.dma_semaphore, #tpu.memory_space<semaphore_mem>>)
    %mul3A_74 = arith.constant 20000 : i32
    %mul3A_75 = arith.muli %arg1, %mul3A_74 : i32
    %add3A_76 = arith.constant 160 : i32
    %add3A_77 = arith.addi %mul3A_75, %add3A_76 : i32
    %dma_start3A_78 = arith.constant 2 : i32
    %dma_start3A_79 = arith.constant 2 : i32
    %dma_start3A_80 = arith.constant 0 : i32
    %dma_start3A_81 = tpu.memref_slice %arg7[%dma_start3A_78, %dma_start3A_80] : memref<16x80xi32, #tpu.memory_space<vmem>> -> memref<1x80xi32, #tpu.memory_space<vmem>>
    %dma_start3A_82 = tpu.memref_squeeze %dma_start3A_81 : memref<1x80xi32, #tpu.memory_space<vmem>> -> memref<80xi32, #tpu.memory_space<vmem>>
    %dma_start3A_83 = tpu.memref_slice %arg3[%add3A_1, %add3A_77] : memref<4x320000xi32, #tpu.memory_space<hbm>> -> memref<1x80xi32, #tpu.memory_space<hbm>>
    %dma_start3A_84 = tpu.memref_squeeze %dma_start3A_83 : memref<1x80xi32, #tpu.memory_space<hbm>> -> memref<80xi32, #tpu.memory_space<hbm>>
    %dma_start3A_85 = tpu.memref_slice %arg10[%dma_start3A_79] : memref<16x!tpu.dma_semaphore, #tpu.memory_space<semaphore_mem>> -> memref<1x!tpu.dma_semaphore, #tpu.memory_space<semaphore_mem>>
    %dma_start3A_86 = tpu.memref_squeeze %dma_start3A_85 : memref<1x!tpu.dma_semaphore, #tpu.memory_space<semaphore_mem>> -> memref<!tpu.dma_semaphore, #tpu.memory_space<semaphore_mem>>
    %dma_start3A_87 = arith.constant 0 : i32
    %dma_start3A_88 = tpu.memref_slice %arg7[%dma_start3A_78, %dma_start3A_87] : memref<16x80xi32, #tpu.memory_space<vmem>> -> memref<1x80xi32, #tpu.memory_space<vmem>>
    %dma_start3A_89 = tpu.memref_squeeze %dma_start3A_88 : memref<1x80xi32, #tpu.memory_space<vmem>> -> memref<80xi32, #tpu.memory_space<vmem>>
    %dma_start3A_90 = tpu.memref_slice %arg3[%add3A_1, %add3A_77] : memref<4x320000xi32, #tpu.memory_space<hbm>> -> memref<1x80xi32, #tpu.memory_space<hbm>>
    %dma_start3A_91 = tpu.memref_squeeze %dma_start3A_90 : memref<1x80xi32, #tpu.memory_space<hbm>> -> memref<80xi32, #tpu.memory_space<hbm>>
    tpu.enqueue_dma source(%dma_start3A_91 : memref<80xi32, #tpu.memory_space<hbm>>) target(%dma_start3A_89 : memref<80xi32, #tpu.memory_space<vmem>>) target_semaphore(%dma_start3A_86 : memref<!tpu.dma_semaphore, #tpu.memory_space<semaphore_mem>>)
    %dma_start3A_92 = arith.constant 1 : i32
    %dma_start3A_93 = arith.constant 2 : i32
    %dma_start3A_94 = arith.constant 2 : i32
    %dma_start3A_95 = arith.constant 0 : i32
    %dma_start3A_96 = tpu.memref_slice %arg8[%dma_start3A_93, %dma_start3A_95] : memref<16x80xi32, #tpu.memory_space<vmem>> -> memref<1x80xi32, #tpu.memory_space<vmem>>
    %dma_start3A_97 = tpu.memref_squeeze %dma_start3A_96 : memref<1x80xi32, #tpu.memory_space<vmem>> -> memref<80xi32, #tpu.memory_space<vmem>>
    %dma_start3A_98 = tpu.memref_slice %arg4[%add3A_1, %dma_start3A_92, %add3A_77] : memref<4x2x320000xi32, #tpu.memory_space<hbm>> -> memref<1x1x80xi32, #tpu.memory_space<hbm>>
    %dma_start3A_99 = tpu.memref_squeeze %dma_start3A_98 : memref<1x1x80xi32, #tpu.memory_space<hbm>> -> memref<80xi32, #tpu.memory_space<hbm>>
    %dma_start3A_100 = tpu.memref_slice %arg10[%dma_start3A_94] : memref<16x!tpu.dma_semaphore, #tpu.memory_space<semaphore_mem>> -> memref<1x!tpu.dma_semaphore, #tpu.memory_space<semaphore_mem>>
    %dma_start3A_101 = tpu.memref_squeeze %dma_start3A_100 : memref<1x!tpu.dma_semaphore, #tpu.memory_space<semaphore_mem>> -> memref<!tpu.dma_semaphore, #tpu.memory_space<semaphore_mem>>
    %dma_start3A_102 = arith.constant 0 : i32
    %dma_start3A_103 = tpu.memref_slice %arg8[%dma_start3A_93, %dma_start3A_102] : memref<16x80xi32, #tpu.memory_space<vmem>> -> memref<1x80xi32, #tpu.memory_space<vmem>>
    %dma_start3A_104 = tpu.memref_squeeze %dma_start3A_103 : memref<1x80xi32, #tpu.memory_space<vmem>> -> memref<80xi32, #tpu.memory_space<vmem>>
    %dma_start3A_105 = tpu.memref_slice %arg4[%add3A_1, %dma_start3A_92, %add3A_77] : memref<4x2x320000xi32, #tpu.memory_space<hbm>> -> memref<1x1x80xi32, #tpu.memory_space<hbm>>
    %dma_start3A_106 = tpu.memref_squeeze %dma_start3A_105 : memref<1x1x80xi32, #tpu.memory_space<hbm>> -> memref<80xi32, #tpu.memory_space<hbm>>
    tpu.enqueue_dma source(%dma_start3A_106 : memref<80xi32, #tpu.memory_space<hbm>>) target(%dma_start3A_104 : memref<80xi32, #tpu.memory_space<vmem>>) target_semaphore(%dma_start3A_101 : memref<!tpu.dma_semaphore, #tpu.memory_space<semaphore_mem>>)
    %mul3A_107 = arith.constant 20000 : i32
    %mul3A_108 = arith.muli %arg1, %mul3A_107 : i32
    %add3A_109 = arith.constant 240 : i32
    %add3A_110 = arith.addi %mul3A_108, %add3A_109 : i32
    %dma_start3A_111 = arith.constant 3 : i32
    %dma_start3A_112 = arith.constant 3 : i32
    %dma_start3A_113 = arith.constant 0 : i32
    %dma_start3A_114 = tpu.memref_slice %arg7[%dma_start3A_111, %dma_start3A_113] : memref<16x80xi32, #tpu.memory_space<vmem>> -> memref<1x80xi32, #tpu.memory_space<vmem>>
    %dma_start3A_115 = tpu.memref_squeeze %dma_start3A_114 : memref<1x80xi32, #tpu.memory_space<vmem>> -> memref<80xi32, #tpu.memory_space<vmem>>
    %dma_start3A_116 = tpu.memref_slice %arg3[%add3A_1, %add3A_110] : memref<4x320000xi32, #tpu.memory_space<hbm>> -> memref<1x80xi32, #tpu.memory_space<hbm>>
    %dma_start3A_117 = tpu.memref_squeeze %dma_start3A_116 : memref<1x80xi32, #tpu.memory_space<hbm>> -> memref<80xi32, #tpu.memory_space<hbm>>
    %dma_start3A_118 = tpu.memref_slice %arg10[%dma_start3A_112] : memref<16x!tpu.dma_semaphore, #tpu.memory_space<semaphore_mem>> -> memref<1x!tpu.dma_semaphore, #tpu.memory_space<semaphore_mem>>
    %dma_start3A_119 = tpu.memref_squeeze %dma_start3A_118 : memref<1x!tpu.dma_semaphore, #tpu.memory_space<semaphore_mem>> -> memref<!tpu.dma_semaphore, #tpu.memory_space<semaphore_mem>>
    %dma_start3A_120 = arith.constant 0 : i32
    %dma_start3A_121 = tpu.memref_slice %arg7[%dma_start3A_111, %dma_start3A_120] : memref<16x80xi32, #tpu.memory_space<vmem>> -> memref<1x80xi32, #tpu.memory_space<vmem>>
    %dma_start3A_122 = tpu.memref_squeeze %dma_start3A_121 : memref<1x80xi32, #tpu.memory_space<vmem>> -> memref<80xi32, #tpu.memory_space<vmem>>
    %dma_start3A_123 = tpu.memref_slice %arg3[%add3A_1, %add3A_110] : memref<4x320000xi32, #tpu.memory_space<hbm>> -> memref<1x80xi32, #tpu.memory_space<hbm>>
    %dma_start3A_124 = tpu.memref_squeeze %dma_start3A_123 : memref<1x80xi32, #tpu.memory_space<hbm>> -> memref<80xi32, #tpu.memory_space<hbm>>
    tpu.enqueue_dma source(%dma_start3A_124 : memref<80xi32, #tpu.memory_space<hbm>>) target(%dma_start3A_122 : memref<80xi32, #tpu.memory_space<vmem>>) target_semaphore(%dma_start3A_119 : memref<!tpu.dma_semaphore, #tpu.memory_space<semaphore_mem>>)
    %dma_start3A_125 = arith.constant 1 : i32
    %dma_start3A_126 = arith.constant 3 : i32
    %dma_start3A_127 = arith.constant 3 : i32
    %dma_start3A_128 = arith.constant 0 : i32
    %dma_start3A_129 = tpu.memref_slice %arg8[%dma_start3A_126, %dma_start3A_128] : memref<16x80xi32, #tpu.memory_space<vmem>> -> memref<1x80xi32, #tpu.memory_space<vmem>>
    %dma_start3A_130 = tpu.memref_squeeze %dma_start3A_129 : memref<1x80xi32, #tpu.memory_space<vmem>> -> memref<80xi32, #tpu.memory_space<vmem>>
    %dma_start3A_131 = tpu.memref_slice %arg4[%add3A_1, %dma_start3A_125, %add3A_110] : memref<4x2x320000xi32, #tpu.memory_space<hbm>> -> memref<1x1x80xi32, #tpu.memory_space<hbm>>
    %dma_start3A_132 = tpu.memref_squeeze %dma_start3A_131 : memref<1x1x80xi32, #tpu.memory_space<hbm>> -> memref<80xi32, #tpu.memory_space<hbm>>
    %dma_start3A_133 = tpu.memref_slice %arg10[%dma_start3A_127] : memref<16x!tpu.dma_semaphore, #tpu.memory_space<semaphore_mem>> -> memref<1x!tpu.dma_semaphore, #tpu.memory_space<semaphore_mem>>
    %dma_start3A_134 = tpu.memref_squeeze %dma_start3A_133 : memref<1x!tpu.dma_semaphore, #tpu.memory_space<semaphore_mem>> -> memref<!tpu.dma_semaphore, #tpu.memory_space<semaphore_mem>>
    %dma_start3A_135 = arith.constant 0 : i32
    %dma_start3A_136 = tpu.memref_slice %arg8[%dma_start3A_126, %dma_start3A_135] : memref<16x80xi32, #tpu.memory_space<vmem>> -> memref<1x80xi32, #tpu.memory_space<vmem>>
    %dma_start3A_137 = tpu.memref_squeeze %dma_start3A_136 : memref<1x80xi32, #tpu.memory_space<vmem>> -> memref<80xi32, #tpu.memory_space<vmem>>
    %dma_start3A_138 = tpu.memref_slice %arg4[%add3A_1, %dma_start3A_125, %add3A_110] : memref<4x2x320000xi32, #tpu.memory_space<hbm>> -> memref<1x1x80xi32, #tpu.memory_space<hbm>>
    %dma_start3A_139 = tpu.memref_squeeze %dma_start3A_138 : memref<1x1x80xi32, #tpu.memory_space<hbm>> -> memref<80xi32, #tpu.memory_space<hbm>>
    tpu.enqueue_dma source(%dma_start3A_139 : memref<80xi32, #tpu.memory_space<hbm>>) target(%dma_start3A_137 : memref<80xi32, #tpu.memory_space<vmem>>) target_semaphore(%dma_start3A_134 : memref<!tpu.dma_semaphore, #tpu.memory_space<semaphore_mem>>)
    %mul3A_140 = arith.constant 20000 : i32
    %mul3A_141 = arith.muli %arg1, %mul3A_140 : i32
    %add3A_142 = arith.constant 320 : i32
    %add3A_143 = arith.addi %mul3A_141, %add3A_142 : i32
    %dma_start3A_144 = arith.constant 4 : i32
    %dma_start3A_145 = arith.constant 4 : i32
    %dma_start3A_146 = arith.constant 0 : i32
    %dma_start3A_147 = tpu.memref_slice %arg7[%dma_start3A_144, %dma_start3A_146] : memref<16x80xi32, #tpu.memory_space<vmem>> -> memref<1x80xi32, #tpu.memory_space<vmem>>
    %dma_start3A_148 = tpu.memref_squeeze %dma_start3A_147 : memref<1x80xi32, #tpu.memory_space<vmem>> -> memref<80xi32, #tpu.memory_space<vmem>>
    %dma_start3A_149 = tpu.memref_slice %arg3[%add3A_1, %add3A_143] : memref<4x320000xi32, #tpu.memory_space<hbm>> -> memref<1x80xi32, #tpu.memory_space<hbm>>
    %dma_start3A_150 = tpu.memref_squeeze %dma_start3A_149 : memref<1x80xi32, #tpu.memory_space<hbm>> -> memref<80xi32, #tpu.memory_space<hbm>>
    %dma_start3A_151 = tpu.memref_slice %arg10[%dma_start3A_145] : memref<16x!tpu.dma_semaphore, #tpu.memory_space<semaphore_mem>> -> memref<1x!tpu.dma_semaphore, #tpu.memory_space<semaphore_mem>>
    %dma_start3A_152 = tpu.memref_squeeze %dma_start3A_151 : memref<1x!tpu.dma_semaphore, #tpu.memory_space<semaphore_mem>> -> memref<!tpu.dma_semaphore, #tpu.memory_space<semaphore_mem>>
    %dma_start3A_153 = arith.constant 0 : i32
    %dma_start3A_154 = tpu.memref_slice %arg7[%dma_start3A_144, %dma_start3A_153] : memref<16x80xi32, #tpu.memory_space<vmem>> -> memref<1x80xi32, #tpu.memory_space<vmem>>
    %dma_start3A_155 = tpu.memref_squeeze %dma_start3A_154 : memref<1x80xi32, #tpu.memory_space<vmem>> -> memref<80xi32, #tpu.memory_space<vmem>>
    %dma_start3A_156 = tpu.memref_slice %arg3[%add3A_1, %add3A_143] : memref<4x320000xi32, #tpu.memory_space<hbm>> -> memref<1x80xi32, #tpu.memory_space<hbm>>
    %dma_start3A_157 = tpu.memref_squeeze %dma_start3A_156 : memref<1x80xi32, #tpu.memory_space<hbm>> -> memref<80xi32, #tpu.memory_space<hbm>>
    tpu.enqueue_dma source(%dma_start3A_157 : memref<80xi32, #tpu.memory_space<hbm>>) target(%dma_start3A_155 : memref<80xi32, #tpu.memory_space<vmem>>) target_semaphore(%dma_start3A_152 : memref<!tpu.dma_semaphore, #tpu.memory_space<semaphore_mem>>)
    %dma_start3A_158 = arith.constant 1 : i32
    %dma_start3A_159 = arith.constant 4 : i32
    %dma_start3A_160 = arith.constant 4 : i32
    %dma_start3A_161 = arith.constant 0 : i32
    %dma_start3A_162 = tpu.memref_slice %arg8[%dma_start3A_159, %dma_start3A_161] : memref<16x80xi32, #tpu.memory_space<vmem>> -> memref<1x80xi32, #tpu.memory_space<vmem>>
    %dma_start3A_163 = tpu.memref_squeeze %dma_start3A_162 : memref<1x80xi32, #tpu.memory_space<vmem>> -> memref<80xi32, #tpu.memory_space<vmem>>
    %dma_start3A_164 = tpu.memref_slice %arg4[%add3A_1, %dma_start3A_158, %add3A_143] : memref<4x2x320000xi32, #tpu.memory_space<hbm>> -> memref<1x1x80xi32, #tpu.memory_space<hbm>>
    %dma_start3A_165 = tpu.memref_squeeze %dma_start3A_164 : memref<1x1x80xi32, #tpu.memory_space<hbm>> -> memref<80xi32, #tpu.memory_space<hbm>>
    %dma_start3A_166 = tpu.memref_slice %arg10[%dma_start3A_160] : memref<16x!tpu.dma_semaphore, #tpu.memory_space<semaphore_mem>> -> memref<1x!tpu.dma_semaphore, #tpu.memory_space<semaphore_mem>>
    %dma_start3A_167 = tpu.memref_squeeze %dma_start3A_166 : memref<1x!tpu.dma_semaphore, #tpu.memory_space<semaphore_mem>> -> memref<!tpu.dma_semaphore, #tpu.memory_space<semaphore_mem>>
    %dma_start3A_168 = arith.constant 0 : i32
    %dma_start3A_169 = tpu.memref_slice %arg8[%dma_start3A_159, %dma_start3A_168] : memref<16x80xi32, #tpu.memory_space<vmem>> -> memref<1x80xi32, #tpu.memory_space<vmem>>
    %dma_start3A_170 = tpu.memref_squeeze %dma_start3A_169 : memref<1x80xi32, #tpu.memory_space<vmem>> -> memref<80xi32, #tpu.memory_space<vmem>>
    %dma_start3A_171 = tpu.memref_slice %arg4[%add3A_1, %dma_start3A_158, %add3A_143] : memref<4x2x320000xi32, #tpu.memory_space<hbm>> -> memref<1x1x80xi32, #tpu.memory_space<hbm>>
    %dma_start3A_172 = tpu.memref_squeeze %dma_start3A_171 : memref<1x1x80xi32, #tpu.memory_space<hbm>> -> memref<80xi32, #tpu.memory_space<hbm>>
    tpu.enqueue_dma source(%dma_start3A_172 : memref<80xi32, #tpu.memory_space<hbm>>) target(%dma_start3A_170 : memref<80xi32, #tpu.memory_space<vmem>>) target_semaphore(%dma_start3A_167 : memref<!tpu.dma_semaphore, #tpu.memory_space<semaphore_mem>>)
    %mul3A_173 = arith.constant 20000 : i32
    %mul3A_174 = arith.muli %arg1, %mul3A_173 : i32
    %add3A_175 = arith.constant 400 : i32
    %add3A_176 = arith.addi %mul3A_174, %add3A_175 : i32
    %dma_start3A_177 = arith.constant 5 : i32
    %dma_start3A_178 = arith.constant 5 : i32
    %dma_start3A_179 = arith.constant 0 : i32
    %dma_start3A_180 = tpu.memref_slice %arg7[%dma_start3A_177, %dma_start3A_179] : memref<16x80xi32, #tpu.memory_space<vmem>> -> memref<1x80xi32, #tpu.memory_space<vmem>>
    %dma_start3A_181 = tpu.memref_squeeze %dma_start3A_180 : memref<1x80xi32, #tpu.memory_space<vmem>> -> memref<80xi32, #tpu.memory_space<vmem>>
    %dma_start3A_182 = tpu.memref_slice %arg3[%add3A_1, %add3A_176] : memref<4x320000xi32, #tpu.memory_space<hbm>> -> memref<1x80xi32, #tpu.memory_space<hbm>>
    %dma_start3A_183 = tpu.memref_squeeze %dma_start3A_182 : memref<1x80xi32, #tpu.memory_space<hbm>> -> memref<80xi32, #tpu.memory_space<hbm>>
    %dma_start3A_184 = tpu.memref_slice %arg10[%dma_start3A_178] : memref<16x!tpu.dma_semaphore, #tpu.memory_space<semaphore_mem>> -> memref<1x!tpu.dma_semaphore, #tpu.memory_space<semaphore_mem>>
    %dma_start3A_185 = tpu.memref_squeeze %dma_start3A_184 : memref<1x!tpu.dma_semaphore, #tpu.memory_space<semaphore_mem>> -> memref<!tpu.dma_semaphore, #tpu.memory_space<semaphore_mem>>
    %dma_start3A_186 = arith.constant 0 : i32
    %dma_start3A_187 = tpu.memref_slice %arg7[%dma_start3A_177, %dma_start3A_186] : memref<16x80xi32, #tpu.memory_space<vmem>> -> memref<1x80xi32, #tpu.memory_space<vmem>>
    %dma_start3A_188 = tpu.memref_squeeze %dma_start3A_187 : memref<1x80xi32, #tpu.memory_space<vmem>> -> memref<80xi32, #tpu.memory_space<vmem>>
    %dma_start3A_189 = tpu.memref_slice %arg3[%add3A_1, %add3A_176] : memref<4x320000xi32, #tpu.memory_space<hbm>> -> memref<1x80xi32, #tpu.memory_space<hbm>>
    %dma_start3A_190 = tpu.memref_squeeze %dma_start3A_189 : memref<1x80xi32, #tpu.memory_space<hbm>> -> memref<80xi32, #tpu.memory_space<hbm>>
    tpu.enqueue_dma source(%dma_start3A_190 : memref<80xi32, #tpu.memory_space<hbm>>) target(%dma_start3A_188 : memref<80xi32, #tpu.memory_space<vmem>>) target_semaphore(%dma_start3A_185 : memref<!tpu.dma_semaphore, #tpu.memory_space<semaphore_mem>>)
    %dma_start3A_191 = arith.constant 1 : i32
    %dma_start3A_192 = arith.constant 5 : i32
    %dma_start3A_193 = arith.constant 5 : i32
    %dma_start3A_194 = arith.constant 0 : i32
    %dma_start3A_195 = tpu.memref_slice %arg8[%dma_start3A_192, %dma_start3A_194] : memref<16x80xi32, #tpu.memory_space<vmem>> -> memref<1x80xi32, #tpu.memory_space<vmem>>
    %dma_start3A_196 = tpu.memref_squeeze %dma_start3A_195 : memref<1x80xi32, #tpu.memory_space<vmem>> -> memref<80xi32, #tpu.memory_space<vmem>>
    %dma_start3A_197 = tpu.memref_slice %arg4[%add3A_1, %dma_start3A_191, %add3A_176] : memref<4x2x320000xi32, #tpu.memory_space<hbm>> -> memref<1x1x80xi32, #tpu.memory_space<hbm>>
    %dma_start3A_198 = tpu.memref_squeeze %dma_start3A_197 : memref<1x1x80xi32, #tpu.memory_space<hbm>> -> memref<80xi32, #tpu.memory_space<hbm>>
    %dma_start3A_199 = tpu.memref_slice %arg10[%dma_start3A_193] : memref<16x!tpu.dma_semaphore, #tpu.memory_space<semaphore_mem>> -> memref<1x!tpu.dma_semaphore, #tpu.memory_space<semaphore_mem>>
    %dma_start3A_200 = tpu.memref_squeeze %dma_start3A_199 : memref<1x!tpu.dma_semaphore, #tpu.memory_space<semaphore_mem>> -> memref<!tpu.dma_semaphore, #tpu.memory_space<semaphore_mem>>
    %dma_start3A_201 = arith.constant 0 : i32
    %dma_start3A_202 = tpu.memref_slice %arg8[%dma_start3A_192, %dma_start3A_201] : memref<16x80xi32, #tpu.memory_space<vmem>> -> memref<1x80xi32, #tpu.memory_space<vmem>>
    %dma_start3A_203 = tpu.memref_squeeze %dma_start3A_202 : memref<1x80xi32, #tpu.memory_space<vmem>> -> memref<80xi32, #tpu.memory_space<vmem>>
    %dma_start3A_204 = tpu.memref_slice %arg4[%add3A_1, %dma_start3A_191, %add3A_176] : memref<4x2x320000xi32, #tpu.memory_space<hbm>> -> memref<1x1x80xi32, #tpu.memory_space<hbm>>
    %dma_start3A_205 = tpu.memref_squeeze %dma_start3A_204 : memref<1x1x80xi32, #tpu.memory_space<hbm>> -> memref<80xi32, #tpu.memory_space<hbm>>
    tpu.enqueue_dma source(%dma_start3A_205 : memref<80xi32, #tpu.memory_space<hbm>>) target(%dma_start3A_203 : memref<80xi32, #tpu.memory_space<vmem>>) target_semaphore(%dma_start3A_200 : memref<!tpu.dma_semaphore, #tpu.memory_space<semaphore_mem>>)
    %barrier3A = arith.constant 0 : index
    tpu.barrier barrier_id(%barrier3A)
    %scan3A = arith.constant 0 : i32
    %scan3A_206 = arith.constant 250 : i32
    %scan3A_207 = arith.addi %scan3A, %scan3A_206 : i32
    %scan3A_208 = arith.constant 1 : i32
    scf.for %scan3A_734 = %scan3A to %scan3A_207 step %scan3A_208  : i32 {
      %mul3A_735 = arith.constant 1 : i32
      %mul3A_736 = arith.muli %scan3A_734, %mul3A_735 : i32
      %add3A_737 = arith.constant 0 : i32
      %add3A_738 = arith.addi %add3A_737, %mul3A_736 : i32
      %rem3A = arith.constant 4 : i32
      %rem3A_739 = arith.remsi %add3A_738, %rem3A : i32
      %rem3A_740 = arith.constant 16 : i32
      %rem3A_741 = arith.remsi %add3A_738, %rem3A_740 : i32
      %ge3A = arith.constant 4 : i32
      %ge3A_742 = arith.cmpi sge, %add3A_738, %ge3A : i32
      %convert_element_type3A = arith.extui %ge3A_742 : i1 to i32
      %cond3A = arith.constant 0 : i32
      %cond3A_743 = arith.cmpi ne, %convert_element_type3A, %cond3A : i32
      scf.if %cond3A_743 {
        %add3A_797 = arith.constant 12 : i32
        %add3A_798 = arith.addi %add3A_738, %add3A_797 : i32
        %rem3A_799 = arith.constant 16 : i32
        %rem3A_800 = arith.remsi %add3A_798, %rem3A_799 : i32
        %dma_wait3A_801 = arith.constant 0 : i32
        %dma_wait3A_802 = arith.constant 0 : i32
        %dma_wait3A_803 = tpu.memref_slice %arg9[%rem3A_739, %dma_wait3A_801, %dma_wait3A_802] : memref<4x80x128xf32, #tpu.memory_space<vmem>> -> memref<1x80x128xf32, #tpu.memory_space<vmem>>
        %dma_wait3A_804 = tpu.memref_squeeze %dma_wait3A_803 : memref<1x80x128xf32, #tpu.memory_space<vmem>> -> memref<80x128xf32, #tpu.memory_space<vmem>>
        %dma_wait3A_805 = arith.constant 0 : i32
        %dma_wait3A_806 = tpu.memref_slice %arg8[%rem3A_800, %dma_wait3A_805] : memref<16x80xi32, #tpu.memory_space<vmem>> -> memref<1x80xi32, #tpu.memory_space<vmem>>
        %dma_wait3A_807 = tpu.memref_squeeze %dma_wait3A_806 : memref<1x80xi32, #tpu.memory_space<vmem>> -> memref<80xi32, #tpu.memory_space<vmem>>
        %dma_wait3A_808 = arith.constant 0 : i32
        %dma_wait3A_809 = arith.constant 0 : i32
        %dma_wait3A_810 = tpu.memref_slice %arg6[%dma_wait3A_808, %dma_wait3A_809] : memref<10000x128xf32, #tpu.memory_space<vmem_shared>> -> memref<10000x128xf32, #tpu.memory_space<vmem_shared>>
        %dma_wait3A_811 = tpu.memref_slice %arg12[%rem3A_739] : memref<4x!tpu.dma_semaphore, #tpu.memory_space<semaphore_mem>> -> memref<1x!tpu.dma_semaphore, #tpu.memory_space<semaphore_mem>>
        %dma_wait3A_812 = tpu.memref_squeeze %dma_wait3A_811 : memref<1x!tpu.dma_semaphore, #tpu.memory_space<semaphore_mem>> -> memref<!tpu.dma_semaphore, #tpu.memory_space<semaphore_mem>>
        tpu.wait_indirect_dma semaphore(%dma_wait3A_812 : memref<!tpu.dma_semaphore, #tpu.memory_space<semaphore_mem>>) src(%dma_wait3A_804 : memref<80x128xf32, #tpu.memory_space<vmem>>) dst(%dma_wait3A_810 : memref<10000x128xf32, #tpu.memory_space<vmem_shared>>)
      } else {
      }
      %mul3A_744 = arith.constant 20000 : i32
      %mul3A_745 = arith.muli %arg1, %mul3A_744 : i32
      %mul3A_746 = arith.constant 80 : i32
      %mul3A_747 = arith.muli %add3A_738, %mul3A_746 : i32
      %add3A_748 = arith.addi %mul3A_745, %mul3A_747 : i32
      %dma_wait3A_749 = arith.constant 0 : i32
      %dma_wait3A_750 = tpu.memref_slice %arg7[%rem3A_741, %dma_wait3A_749] : memref<16x80xi32, #tpu.memory_space<vmem>> -> memref<1x80xi32, #tpu.memory_space<vmem>>
      %dma_wait3A_751 = tpu.memref_squeeze %dma_wait3A_750 : memref<1x80xi32, #tpu.memory_space<vmem>> -> memref<80xi32, #tpu.memory_space<vmem>>
      %dma_wait3A_752 = tpu.memref_slice %arg3[%add3A_1, %add3A_748] : memref<4x320000xi32, #tpu.memory_space<hbm>> -> memref<1x80xi32, #tpu.memory_space<hbm>>
      %dma_wait3A_753 = tpu.memref_squeeze %dma_wait3A_752 : memref<1x80xi32, #tpu.memory_space<hbm>> -> memref<80xi32, #tpu.memory_space<hbm>>
      %dma_wait3A_754 = tpu.memref_slice %arg10[%rem3A_741] : memref<16x!tpu.dma_semaphore, #tpu.memory_space<semaphore_mem>> -> memref<1x!tpu.dma_semaphore, #tpu.memory_space<semaphore_mem>>
      %dma_wait3A_755 = tpu.memref_squeeze %dma_wait3A_754 : memref<1x!tpu.dma_semaphore, #tpu.memory_space<semaphore_mem>> -> memref<!tpu.dma_semaphore, #tpu.memory_space<semaphore_mem>>
      %dma_wait3A_756 = arith.constant 0 : i32
      %dma_wait3A_757 = tpu.memref_slice %arg7[%rem3A_741, %dma_wait3A_756] : memref<16x80xi32, #tpu.memory_space<vmem>> -> memref<1x80xi32, #tpu.memory_space<vmem>>
      %dma_wait3A_758 = tpu.memref_squeeze %dma_wait3A_757 : memref<1x80xi32, #tpu.memory_space<vmem>> -> memref<80xi32, #tpu.memory_space<vmem>>
      %dma_wait3A_759 = tpu.memref_slice %arg3[%add3A_1, %add3A_748] : memref<4x320000xi32, #tpu.memory_space<hbm>> -> memref<1x80xi32, #tpu.memory_space<hbm>>
      %dma_wait3A_760 = tpu.memref_squeeze %dma_wait3A_759 : memref<1x80xi32, #tpu.memory_space<hbm>> -> memref<80xi32, #tpu.memory_space<hbm>>
      tpu.wait_dma2 semaphore(%dma_wait3A_755 : memref<!tpu.dma_semaphore, #tpu.memory_space<semaphore_mem>>) src(%dma_wait3A_760 : memref<80xi32, #tpu.memory_space<hbm>>) dst(%dma_wait3A_758 : memref<80xi32, #tpu.memory_space<vmem>>)
      %dma_wait3A_761 = arith.constant 1 : i32
      %dma_wait3A_762 = arith.constant 0 : i32
      %dma_wait3A_763 = tpu.memref_slice %arg8[%rem3A_741, %dma_wait3A_762] : memref<16x80xi32, #tpu.memory_space<vmem>> -> memref<1x80xi32, #tpu.memory_space<vmem>>
      %dma_wait3A_764 = tpu.memref_squeeze %dma_wait3A_763 : memref<1x80xi32, #tpu.memory_space<vmem>> -> memref<80xi32, #tpu.memory_space<vmem>>
      %dma_wait3A_765 = tpu.memref_slice %arg4[%add3A_1, %dma_wait3A_761, %add3A_748] : memref<4x2x320000xi32, #tpu.memory_space<hbm>> -> memref<1x1x80xi32, #tpu.memory_space<hbm>>
      %dma_wait3A_766 = tpu.memref_squeeze %dma_wait3A_765 : memref<1x1x80xi32, #tpu.memory_space<hbm>> -> memref<80xi32, #tpu.memory_space<hbm>>
      %dma_wait3A_767 = tpu.memref_slice %arg10[%rem3A_741] : memref<16x!tpu.dma_semaphore, #tpu.memory_space<semaphore_mem>> -> memref<1x!tpu.dma_semaphore, #tpu.memory_space<semaphore_mem>>
      %dma_wait3A_768 = tpu.memref_squeeze %dma_wait3A_767 : memref<1x!tpu.dma_semaphore, #tpu.memory_space<semaphore_mem>> -> memref<!tpu.dma_semaphore, #tpu.memory_space<semaphore_mem>>
      %dma_wait3A_769 = arith.constant 0 : i32
      %dma_wait3A_770 = tpu.memref_slice %arg8[%rem3A_741, %dma_wait3A_769] : memref<16x80xi32, #tpu.memory_space<vmem>> -> memref<1x80xi32, #tpu.memory_space<vmem>>
      %dma_wait3A_771 = tpu.memref_squeeze %dma_wait3A_770 : memref<1x80xi32, #tpu.memory_space<vmem>> -> memref<80xi32, #tpu.memory_space<vmem>>
      %dma_wait3A_772 = tpu.memref_slice %arg4[%add3A_1, %dma_wait3A_761, %add3A_748] : memref<4x2x320000xi32, #tpu.memory_space<hbm>> -> memref<1x1x80xi32, #tpu.memory_space<hbm>>
      %dma_wait3A_773 = tpu.memref_squeeze %dma_wait3A_772 : memref<1x1x80xi32, #tpu.memory_space<hbm>> -> memref<80xi32, #tpu.memory_space<hbm>>
      tpu.wait_dma2 semaphore(%dma_wait3A_768 : memref<!tpu.dma_semaphore, #tpu.memory_space<semaphore_mem>>) src(%dma_wait3A_773 : memref<80xi32, #tpu.memory_space<hbm>>) dst(%dma_wait3A_771 : memref<80xi32, #tpu.memory_space<vmem>>)
      %dma_start3A_774 = arith.constant 0 : i32
      %dma_start3A_775 = arith.constant 0 : i32
      %dma_start3A_776 = tpu.memref_slice %arg9[%rem3A_739, %dma_start3A_774, %dma_start3A_775] : memref<4x80x128xf32, #tpu.memory_space<vmem>> -> memref<1x80x128xf32, #tpu.memory_space<vmem>>
      %dma_start3A_777 = tpu.memref_squeeze %dma_start3A_776 : memref<1x80x128xf32, #tpu.memory_space<vmem>> -> memref<80x128xf32, #tpu.memory_space<vmem>>
      %dma_start3A_778 = arith.constant 0 : i32
      %dma_start3A_779 = tpu.memref_slice %arg7[%rem3A_741, %dma_start3A_778] : memref<16x80xi32, #tpu.memory_space<vmem>> -> memref<1x80xi32, #tpu.memory_space<vmem>>
      %dma_start3A_780 = tpu.memref_squeeze %dma_start3A_779 : memref<1x80xi32, #tpu.memory_space<vmem>> -> memref<80xi32, #tpu.memory_space<vmem>>
      %dma_start3A_781 = arith.constant 0 : i32
      %dma_start3A_782 = arith.constant 0 : i32
      %dma_start3A_783 = tpu.memref_slice %arg2[%dma_start3A_781, %dma_start3A_782] : memref<40000x128xf32, #tpu.memory_space<hbm>> -> memref<40000x128xf32, #tpu.memory_space<hbm>>
      %dma_start3A_784 = tpu.memref_slice %arg11[%rem3A_739] : memref<4x!tpu.dma_semaphore, #tpu.memory_space<semaphore_mem>> -> memref<1x!tpu.dma_semaphore, #tpu.memory_space<semaphore_mem>>
      %dma_start3A_785 = tpu.memref_squeeze %dma_start3A_784 : memref<1x!tpu.dma_semaphore, #tpu.memory_space<semaphore_mem>> -> memref<!tpu.dma_semaphore, #tpu.memory_space<semaphore_mem>>
      tpu.enqueue_indirect_dma source(%dma_start3A_783 : memref<40000x128xf32, #tpu.memory_space<hbm>>) target(%dma_start3A_777 : memref<80x128xf32, #tpu.memory_space<vmem>>) offsets(%dma_start3A_780 : memref<80xi32, #tpu.memory_space<vmem>>) semaphore(%dma_start3A_785 : memref<!tpu.dma_semaphore, #tpu.memory_space<semaphore_mem>>)
      %add3A_786 = arith.constant 6 : i32
      %add3A_787 = arith.addi %add3A_738, %add3A_786 : i32
      %lt3A = arith.constant 250 : i32
      %lt3A_788 = arith.cmpi slt, %add3A_787, %lt3A : i32
      %convert_element_type3A_789 = arith.extui %lt3A_788 : i1 to i32
      %cond3A_790 = arith.constant 0 : i32
      %cond3A_791 = arith.cmpi ne, %convert_element_type3A_789, %cond3A_790 : i32
      scf.if %cond3A_791 {
        %add3A_797 = arith.constant 6 : i32
        %add3A_798 = arith.addi %add3A_738, %add3A_797 : i32
        %add3A_799 = arith.constant 6 : i32
        %add3A_800 = arith.addi %add3A_738, %add3A_799 : i32
        %rem3A_801 = arith.constant 16 : i32
        %rem3A_802 = arith.remsi %add3A_800, %rem3A_801 : i32
        %mul3A_803 = arith.constant 20000 : i32
        %mul3A_804 = arith.muli %arg1, %mul3A_803 : i32
        %mul3A_805 = arith.constant 80 : i32
        %mul3A_806 = arith.muli %add3A_798, %mul3A_805 : i32
        %add3A_807 = arith.addi %mul3A_804, %mul3A_806 : i32
        %dma_start3A_808 = arith.constant 0 : i32
        %dma_start3A_809 = tpu.memref_slice %arg7[%rem3A_802, %dma_start3A_808] : memref<16x80xi32, #tpu.memory_space<vmem>> -> memref<1x80xi32, #tpu.memory_space<vmem>>
        %dma_start3A_810 = tpu.memref_squeeze %dma_start3A_809 : memref<1x80xi32, #tpu.memory_space<vmem>> -> memref<80xi32, #tpu.memory_space<vmem>>
        %dma_start3A_811 = tpu.memref_slice %arg3[%add3A_1, %add3A_807] : memref<4x320000xi32, #tpu.memory_space<hbm>> -> memref<1x80xi32, #tpu.memory_space<hbm>>
        %dma_start3A_812 = tpu.memref_squeeze %dma_start3A_811 : memref<1x80xi32, #tpu.memory_space<hbm>> -> memref<80xi32, #tpu.memory_space<hbm>>
        %dma_start3A_813 = tpu.memref_slice %arg10[%rem3A_802] : memref<16x!tpu.dma_semaphore, #tpu.memory_space<semaphore_mem>> -> memref<1x!tpu.dma_semaphore, #tpu.memory_space<semaphore_mem>>
        %dma_start3A_814 = tpu.memref_squeeze %dma_start3A_813 : memref<1x!tpu.dma_semaphore, #tpu.memory_space<semaphore_mem>> -> memref<!tpu.dma_semaphore, #tpu.memory_space<semaphore_mem>>
        %dma_start3A_815 = arith.constant 0 : i32
        %dma_start3A_816 = tpu.memref_slice %arg7[%rem3A_802, %dma_start3A_815] : memref<16x80xi32, #tpu.memory_space<vmem>> -> memref<1x80xi32, #tpu.memory_space<vmem>>
        %dma_start3A_817 = tpu.memref_squeeze %dma_start3A_816 : memref<1x80xi32, #tpu.memory_space<vmem>> -> memref<80xi32, #tpu.memory_space<vmem>>
        %dma_start3A_818 = tpu.memref_slice %arg3[%add3A_1, %add3A_807] : memref<4x320000xi32, #tpu.memory_space<hbm>> -> memref<1x80xi32, #tpu.memory_space<hbm>>
        %dma_start3A_819 = tpu.memref_squeeze %dma_start3A_818 : memref<1x80xi32, #tpu.memory_space<hbm>> -> memref<80xi32, #tpu.memory_space<hbm>>
        tpu.enqueue_dma source(%dma_start3A_819 : memref<80xi32, #tpu.memory_space<hbm>>) target(%dma_start3A_817 : memref<80xi32, #tpu.memory_space<vmem>>) target_semaphore(%dma_start3A_814 : memref<!tpu.dma_semaphore, #tpu.memory_space<semaphore_mem>>)
        %dma_start3A_820 = arith.constant 1 : i32
        %dma_start3A_821 = arith.constant 0 : i32
        %dma_start3A_822 = tpu.memref_slice %arg8[%rem3A_802, %dma_start3A_821] : memref<16x80xi32, #tpu.memory_space<vmem>> -> memref<1x80xi32, #tpu.memory_space<vmem>>
        %dma_start3A_823 = tpu.memref_squeeze %dma_start3A_822 : memref<1x80xi32, #tpu.memory_space<vmem>> -> memref<80xi32, #tpu.memory_space<vmem>>
        %dma_start3A_824 = tpu.memref_slice %arg4[%add3A_1, %dma_start3A_820, %add3A_807] : memref<4x2x320000xi32, #tpu.memory_space<hbm>> -> memref<1x1x80xi32, #tpu.memory_space<hbm>>
        %dma_start3A_825 = tpu.memref_squeeze %dma_start3A_824 : memref<1x1x80xi32, #tpu.memory_space<hbm>> -> memref<80xi32, #tpu.memory_space<hbm>>
        %dma_start3A_826 = tpu.memref_slice %arg10[%rem3A_802] : memref<16x!tpu.dma_semaphore, #tpu.memory_space<semaphore_mem>> -> memref<1x!tpu.dma_semaphore, #tpu.memory_space<semaphore_mem>>
        %dma_start3A_827 = tpu.memref_squeeze %dma_start3A_826 : memref<1x!tpu.dma_semaphore, #tpu.memory_space<semaphore_mem>> -> memref<!tpu.dma_semaphore, #tpu.memory_space<semaphore_mem>>
        %dma_start3A_828 = arith.constant 0 : i32
        %dma_start3A_829 = tpu.memref_slice %arg8[%rem3A_802, %dma_start3A_828] : memref<16x80xi32, #tpu.memory_space<vmem>> -> memref<1x80xi32, #tpu.memory_space<vmem>>
        %dma_start3A_830 = tpu.memref_squeeze %dma_start3A_829 : memref<1x80xi32, #tpu.memory_space<vmem>> -> memref<80xi32, #tpu.memory_space<vmem>>
        %dma_start3A_831 = tpu.memref_slice %arg4[%add3A_1, %dma_start3A_820, %add3A_807] : memref<4x2x320000xi32, #tpu.memory_space<hbm>> -> memref<1x1x80xi32, #tpu.memory_space<hbm>>
        %dma_start3A_832 = tpu.memref_squeeze %dma_start3A_831 : memref<1x1x80xi32, #tpu.memory_space<hbm>> -> memref<80xi32, #tpu.memory_space<hbm>>
        tpu.enqueue_dma source(%dma_start3A_832 : memref<80xi32, #tpu.memory_space<hbm>>) target(%dma_start3A_830 : memref<80xi32, #tpu.memory_space<vmem>>) target_semaphore(%dma_start3A_827 : memref<!tpu.dma_semaphore, #tpu.memory_space<semaphore_mem>>)
      } else {
      }
      %ge3A_792 = arith.constant 3 : i32
      %ge3A_793 = arith.cmpi sge, %add3A_738, %ge3A_792 : i32
      %convert_element_type3A_794 = arith.extui %ge3A_793 : i1 to i32
      %cond3A_795 = arith.constant 0 : i32
      %cond3A_796 = arith.cmpi ne, %convert_element_type3A_794, %cond3A_795 : i32
      scf.if %cond3A_796 {
        %add3A_797 = arith.constant 1 : i32
        %add3A_798 = arith.addi %add3A_738, %add3A_797 : i32
        %rem3A_799 = arith.constant 4 : i32
        %rem3A_800 = arith.remsi %add3A_798, %rem3A_799 : i32
        %add3A_801 = arith.constant 13 : i32
        %add3A_802 = arith.addi %add3A_738, %add3A_801 : i32
        %rem3A_803 = arith.constant 16 : i32
        %rem3A_804 = arith.remsi %add3A_802, %rem3A_803 : i32
        %dma_wait3A_805 = arith.constant 0 : i32
        %dma_wait3A_806 = arith.constant 0 : i32
        %dma_wait3A_807 = tpu.memref_slice %arg9[%rem3A_800, %dma_wait3A_805, %dma_wait3A_806] : memref<4x80x128xf32, #tpu.memory_space<vmem>> -> memref<1x80x128xf32, #tpu.memory_space<vmem>>
        %dma_wait3A_808 = tpu.memref_squeeze %dma_wait3A_807 : memref<1x80x128xf32, #tpu.memory_space<vmem>> -> memref<80x128xf32, #tpu.memory_space<vmem>>
        %dma_wait3A_809 = arith.constant 0 : i32
        %dma_wait3A_810 = tpu.memref_slice %arg7[%rem3A_804, %dma_wait3A_809] : memref<16x80xi32, #tpu.memory_space<vmem>> -> memref<1x80xi32, #tpu.memory_space<vmem>>
        %dma_wait3A_811 = tpu.memref_squeeze %dma_wait3A_810 : memref<1x80xi32, #tpu.memory_space<vmem>> -> memref<80xi32, #tpu.memory_space<vmem>>
        %dma_wait3A_812 = arith.constant 0 : i32
        %dma_wait3A_813 = arith.constant 0 : i32
        %dma_wait3A_814 = tpu.memref_slice %arg2[%dma_wait3A_812, %dma_wait3A_813] : memref<40000x128xf32, #tpu.memory_space<hbm>> -> memref<40000x128xf32, #tpu.memory_space<hbm>>
        %dma_wait3A_815 = tpu.memref_slice %arg11[%rem3A_800] : memref<4x!tpu.dma_semaphore, #tpu.memory_space<semaphore_mem>> -> memref<1x!tpu.dma_semaphore, #tpu.memory_space<semaphore_mem>>
        %dma_wait3A_816 = tpu.memref_squeeze %dma_wait3A_815 : memref<1x!tpu.dma_semaphore, #tpu.memory_space<semaphore_mem>> -> memref<!tpu.dma_semaphore, #tpu.memory_space<semaphore_mem>>
        tpu.wait_indirect_dma semaphore(%dma_wait3A_816 : memref<!tpu.dma_semaphore, #tpu.memory_space<semaphore_mem>>) src(%dma_wait3A_814 : memref<40000x128xf32, #tpu.memory_space<hbm>>) dst(%dma_wait3A_808 : memref<80x128xf32, #tpu.memory_space<vmem>>)
        %dma_start3A_817 = arith.constant 0 : i32
        %dma_start3A_818 = arith.constant 0 : i32
        %dma_start3A_819 = tpu.memref_slice %arg9[%rem3A_800, %dma_start3A_817, %dma_start3A_818] : memref<4x80x128xf32, #tpu.memory_space<vmem>> -> memref<1x80x128xf32, #tpu.memory_space<vmem>>
        %dma_start3A_820 = tpu.memref_squeeze %dma_start3A_819 : memref<1x80x128xf32, #tpu.memory_space<vmem>> -> memref<80x128xf32, #tpu.memory_space<vmem>>
        %dma_start3A_821 = arith.constant 0 : i32
        %dma_start3A_822 = tpu.memref_slice %arg8[%rem3A_804, %dma_start3A_821] : memref<16x80xi32, #tpu.memory_space<vmem>> -> memref<1x80xi32, #tpu.memory_space<vmem>>
        %dma_start3A_823 = tpu.memref_squeeze %dma_start3A_822 : memref<1x80xi32, #tpu.memory_space<vmem>> -> memref<80xi32, #tpu.memory_space<vmem>>
        %dma_start3A_824 = arith.constant 0 : i32
        %dma_start3A_825 = arith.constant 0 : i32
        %dma_start3A_826 = tpu.memref_slice %arg6[%dma_start3A_824, %dma_start3A_825] : memref<10000x128xf32, #tpu.memory_space<vmem_shared>> -> memref<10000x128xf32, #tpu.memory_space<vmem_shared>>
        %dma_start3A_827 = tpu.memref_slice %arg12[%rem3A_800] : memref<4x!tpu.dma_semaphore, #tpu.memory_space<semaphore_mem>> -> memref<1x!tpu.dma_semaphore, #tpu.memory_space<semaphore_mem>>
        %dma_start3A_828 = tpu.memref_squeeze %dma_start3A_827 : memref<1x!tpu.dma_semaphore, #tpu.memory_space<semaphore_mem>> -> memref<!tpu.dma_semaphore, #tpu.memory_space<semaphore_mem>>
        tpu.enqueue_indirect_dma source(%dma_start3A_820 : memref<80x128xf32, #tpu.memory_space<vmem>>) target(%dma_start3A_826 : memref<10000x128xf32, #tpu.memory_space<vmem_shared>>) offsets(%dma_start3A_823 : memref<80xi32, #tpu.memory_space<vmem>>) semaphore(%dma_start3A_828 : memref<!tpu.dma_semaphore, #tpu.memory_space<semaphore_mem>>) {add = true}
      } else {
      }
    }
    %scan3A_209 = arith.constant 250 : i32
    %dma_wait3A = arith.constant 7 : i32
    %dma_wait3A_210 = arith.constant 3 : i32
    %dma_wait3A_211 = arith.constant 3 : i32
    %dma_wait3A_212 = arith.constant 0 : i32
    %dma_wait3A_213 = arith.constant 0 : i32
    %dma_wait3A_214 = tpu.memref_slice %arg9[%dma_wait3A_210, %dma_wait3A_212, %dma_wait3A_213] : memref<4x80x128xf32, #tpu.memory_space<vmem>> -> memref<1x80x128xf32, #tpu.memory_space<vmem>>
    %dma_wait3A_215 = tpu.memref_squeeze %dma_wait3A_214 : memref<1x80x128xf32, #tpu.memory_space<vmem>> -> memref<80x128xf32, #tpu.memory_space<vmem>>
    %dma_wait3A_216 = arith.constant 0 : i32
    %dma_wait3A_217 = tpu.memref_slice %arg7[%dma_wait3A, %dma_wait3A_216] : memref<16x80xi32, #tpu.memory_space<vmem>> -> memref<1x80xi32, #tpu.memory_space<vmem>>
    %dma_wait3A_218 = tpu.memref_squeeze %dma_wait3A_217 : memref<1x80xi32, #tpu.memory_space<vmem>> -> memref<80xi32, #tpu.memory_space<vmem>>
    %dma_wait3A_219 = arith.constant 0 : i32
    %dma_wait3A_220 = arith.constant 0 : i32
    %dma_wait3A_221 = tpu.memref_slice %arg2[%dma_wait3A_219, %dma_wait3A_220] : memref<40000x128xf32, #tpu.memory_space<hbm>> -> memref<40000x128xf32, #tpu.memory_space<hbm>>
    %dma_wait3A_222 = tpu.memref_slice %arg11[%dma_wait3A_211] : memref<4x!tpu.dma_semaphore, #tpu.memory_space<semaphore_mem>> -> memref<1x!tpu.dma_semaphore, #tpu.memory_space<semaphore_mem>>
    %dma_wait3A_223 = tpu.memref_squeeze %dma_wait3A_222 : memref<1x!tpu.dma_semaphore, #tpu.memory_space<semaphore_mem>> -> memref<!tpu.dma_semaphore, #tpu.memory_space<semaphore_mem>>
    tpu.wait_indirect_dma semaphore(%dma_wait3A_223 : memref<!tpu.dma_semaphore, #tpu.memory_space<semaphore_mem>>) src(%dma_wait3A_221 : memref<40000x128xf32, #tpu.memory_space<hbm>>) dst(%dma_wait3A_215 : memref<80x128xf32, #tpu.memory_space<vmem>>)
    %dma_start3A_224 = arith.constant 3 : i32
    %dma_start3A_225 = arith.constant 7 : i32
    %dma_start3A_226 = arith.constant 3 : i32
    %dma_start3A_227 = arith.constant 0 : i32
    %dma_start3A_228 = arith.constant 0 : i32
    %dma_start3A_229 = tpu.memref_slice %arg9[%dma_start3A_224, %dma_start3A_227, %dma_start3A_228] : memref<4x80x128xf32, #tpu.memory_space<vmem>> -> memref<1x80x128xf32, #tpu.memory_space<vmem>>
    %dma_start3A_230 = tpu.memref_squeeze %dma_start3A_229 : memref<1x80x128xf32, #tpu.memory_space<vmem>> -> memref<80x128xf32, #tpu.memory_space<vmem>>
    %dma_start3A_231 = arith.constant 0 : i32
    %dma_start3A_232 = tpu.memref_slice %arg8[%dma_start3A_225, %dma_start3A_231] : memref<16x80xi32, #tpu.memory_space<vmem>> -> memref<1x80xi32, #tpu.memory_space<vmem>>
    %dma_start3A_233 = tpu.memref_squeeze %dma_start3A_232 : memref<1x80xi32, #tpu.memory_space<vmem>> -> memref<80xi32, #tpu.memory_space<vmem>>
    %dma_start3A_234 = arith.constant 0 : i32
    %dma_start3A_235 = arith.constant 0 : i32
    %dma_start3A_236 = tpu.memref_slice %arg6[%dma_start3A_234, %dma_start3A_235] : memref<10000x128xf32, #tpu.memory_space<vmem_shared>> -> memref<10000x128xf32, #tpu.memory_space<vmem_shared>>
    %dma_start3A_237 = tpu.memref_slice %arg12[%dma_start3A_226] : memref<4x!tpu.dma_semaphore, #tpu.memory_space<semaphore_mem>> -> memref<1x!tpu.dma_semaphore, #tpu.memory_space<semaphore_mem>>
    %dma_start3A_238 = tpu.memref_squeeze %dma_start3A_237 : memref<1x!tpu.dma_semaphore, #tpu.memory_space<semaphore_mem>> -> memref<!tpu.dma_semaphore, #tpu.memory_space<semaphore_mem>>
    tpu.enqueue_indirect_dma source(%dma_start3A_230 : memref<80x128xf32, #tpu.memory_space<vmem>>) target(%dma_start3A_236 : memref<10000x128xf32, #tpu.memory_space<vmem_shared>>) offsets(%dma_start3A_233 : memref<80xi32, #tpu.memory_space<vmem>>) semaphore(%dma_start3A_238 : memref<!tpu.dma_semaphore, #tpu.memory_space<semaphore_mem>>) {add = true}
    %dma_wait3A_239 = arith.constant 8 : i32
    %dma_wait3A_240 = arith.constant 0 : i32
    %dma_wait3A_241 = arith.constant 0 : i32
    %dma_wait3A_242 = arith.constant 0 : i32
    %dma_wait3A_243 = arith.constant 0 : i32
    %dma_wait3A_244 = tpu.memref_slice %arg9[%dma_wait3A_240, %dma_wait3A_242, %dma_wait3A_243] : memref<4x80x128xf32, #tpu.memory_space<vmem>> -> memref<1x80x128xf32, #tpu.memory_space<vmem>>
    %dma_wait3A_245 = tpu.memref_squeeze %dma_wait3A_244 : memref<1x80x128xf32, #tpu.memory_space<vmem>> -> memref<80x128xf32, #tpu.memory_space<vmem>>
    %dma_wait3A_246 = arith.constant 0 : i32
    %dma_wait3A_247 = tpu.memref_slice %arg7[%dma_wait3A_239, %dma_wait3A_246] : memref<16x80xi32, #tpu.memory_space<vmem>> -> memref<1x80xi32, #tpu.memory_space<vmem>>
    %dma_wait3A_248 = tpu.memref_squeeze %dma_wait3A_247 : memref<1x80xi32, #tpu.memory_space<vmem>> -> memref<80xi32, #tpu.memory_space<vmem>>
    %dma_wait3A_249 = arith.constant 0 : i32
    %dma_wait3A_250 = arith.constant 0 : i32
    %dma_wait3A_251 = tpu.memref_slice %arg2[%dma_wait3A_249, %dma_wait3A_250] : memref<40000x128xf32, #tpu.memory_space<hbm>> -> memref<40000x128xf32, #tpu.memory_space<hbm>>
    %dma_wait3A_252 = tpu.memref_slice %arg11[%dma_wait3A_241] : memref<4x!tpu.dma_semaphore, #tpu.memory_space<semaphore_mem>> -> memref<1x!tpu.dma_semaphore, #tpu.memory_space<semaphore_mem>>
    %dma_wait3A_253 = tpu.memref_squeeze %dma_wait3A_252 : memref<1x!tpu.dma_semaphore, #tpu.memory_space<semaphore_mem>> -> memref<!tpu.dma_semaphore, #tpu.memory_space<semaphore_mem>>
    tpu.wait_indirect_dma semaphore(%dma_wait3A_253 : memref<!tpu.dma_semaphore, #tpu.memory_space<semaphore_mem>>) src(%dma_wait3A_251 : memref<40000x128xf32, #tpu.memory_space<hbm>>) dst(%dma_wait3A_245 : memref<80x128xf32, #tpu.memory_space<vmem>>)
    %dma_start3A_254 = arith.constant 0 : i32
    %dma_start3A_255 = arith.constant 8 : i32
    %dma_start3A_256 = arith.constant 0 : i32
    %dma_start3A_257 = arith.constant 0 : i32
    %dma_start3A_258 = arith.constant 0 : i32
    %dma_start3A_259 = tpu.memref_slice %arg9[%dma_start3A_254, %dma_start3A_257, %dma_start3A_258] : memref<4x80x128xf32, #tpu.memory_space<vmem>> -> memref<1x80x128xf32, #tpu.memory_space<vmem>>
    %dma_start3A_260 = tpu.memref_squeeze %dma_start3A_259 : memref<1x80x128xf32, #tpu.memory_space<vmem>> -> memref<80x128xf32, #tpu.memory_space<vmem>>
    %dma_start3A_261 = arith.constant 0 : i32
    %dma_start3A_262 = tpu.memref_slice %arg8[%dma_start3A_255, %dma_start3A_261] : memref<16x80xi32, #tpu.memory_space<vmem>> -> memref<1x80xi32, #tpu.memory_space<vmem>>
    %dma_start3A_263 = tpu.memref_squeeze %dma_start3A_262 : memref<1x80xi32, #tpu.memory_space<vmem>> -> memref<80xi32, #tpu.memory_space<vmem>>
    %dma_start3A_264 = arith.constant 0 : i32
    %dma_start3A_265 = arith.constant 0 : i32
    %dma_start3A_266 = tpu.memref_slice %arg6[%dma_start3A_264, %dma_start3A_265] : memref<10000x128xf32, #tpu.memory_space<vmem_shared>> -> memref<10000x128xf32, #tpu.memory_space<vmem_shared>>
    %dma_start3A_267 = tpu.memref_slice %arg12[%dma_start3A_256] : memref<4x!tpu.dma_semaphore, #tpu.memory_space<semaphore_mem>> -> memref<1x!tpu.dma_semaphore, #tpu.memory_space<semaphore_mem>>
    %dma_start3A_268 = tpu.memref_squeeze %dma_start3A_267 : memref<1x!tpu.dma_semaphore, #tpu.memory_space<semaphore_mem>> -> memref<!tpu.dma_semaphore, #tpu.memory_space<semaphore_mem>>
    tpu.enqueue_indirect_dma source(%dma_start3A_260 : memref<80x128xf32, #tpu.memory_space<vmem>>) target(%dma_start3A_266 : memref<10000x128xf32, #tpu.memory_space<vmem_shared>>) offsets(%dma_start3A_263 : memref<80xi32, #tpu.memory_space<vmem>>) semaphore(%dma_start3A_268 : memref<!tpu.dma_semaphore, #tpu.memory_space<semaphore_mem>>) {add = true}
    %dma_wait3A_269 = arith.constant 9 : i32
    %dma_wait3A_270 = arith.constant 1 : i32
    %dma_wait3A_271 = arith.constant 1 : i32
    %dma_wait3A_272 = arith.constant 0 : i32
    %dma_wait3A_273 = arith.constant 0 : i32
    %dma_wait3A_274 = tpu.memref_slice %arg9[%dma_wait3A_270, %dma_wait3A_272, %dma_wait3A_273] : memref<4x80x128xf32, #tpu.memory_space<vmem>> -> memref<1x80x128xf32, #tpu.memory_space<vmem>>
    %dma_wait3A_275 = tpu.memref_squeeze %dma_wait3A_274 : memref<1x80x128xf32, #tpu.memory_space<vmem>> -> memref<80x128xf32, #tpu.memory_space<vmem>>
    %dma_wait3A_276 = arith.constant 0 : i32
    %dma_wait3A_277 = tpu.memref_slice %arg7[%dma_wait3A_269, %dma_wait3A_276] : memref<16x80xi32, #tpu.memory_space<vmem>> -> memref<1x80xi32, #tpu.memory_space<vmem>>
    %dma_wait3A_278 = tpu.memref_squeeze %dma_wait3A_277 : memref<1x80xi32, #tpu.memory_space<vmem>> -> memref<80xi32, #tpu.memory_space<vmem>>
    %dma_wait3A_279 = arith.constant 0 : i32
    %dma_wait3A_280 = arith.constant 0 : i32
    %dma_wait3A_281 = tpu.memref_slice %arg2[%dma_wait3A_279, %dma_wait3A_280] : memref<40000x128xf32, #tpu.memory_space<hbm>> -> memref<40000x128xf32, #tpu.memory_space<hbm>>
    %dma_wait3A_282 = tpu.memref_slice %arg11[%dma_wait3A_271] : memref<4x!tpu.dma_semaphore, #tpu.memory_space<semaphore_mem>> -> memref<1x!tpu.dma_semaphore, #tpu.memory_space<semaphore_mem>>
    %dma_wait3A_283 = tpu.memref_squeeze %dma_wait3A_282 : memref<1x!tpu.dma_semaphore, #tpu.memory_space<semaphore_mem>> -> memref<!tpu.dma_semaphore, #tpu.memory_space<semaphore_mem>>
    tpu.wait_indirect_dma semaphore(%dma_wait3A_283 : memref<!tpu.dma_semaphore, #tpu.memory_space<semaphore_mem>>) src(%dma_wait3A_281 : memref<40000x128xf32, #tpu.memory_space<hbm>>) dst(%dma_wait3A_275 : memref<80x128xf32, #tpu.memory_space<vmem>>)
    %dma_start3A_284 = arith.constant 1 : i32
    %dma_start3A_285 = arith.constant 9 : i32
    %dma_start3A_286 = arith.constant 1 : i32
    %dma_start3A_287 = arith.constant 0 : i32
    %dma_start3A_288 = arith.constant 0 : i32
    %dma_start3A_289 = tpu.memref_slice %arg9[%dma_start3A_284, %dma_start3A_287, %dma_start3A_288] : memref<4x80x128xf32, #tpu.memory_space<vmem>> -> memref<1x80x128xf32, #tpu.memory_space<vmem>>
    %dma_start3A_290 = tpu.memref_squeeze %dma_start3A_289 : memref<1x80x128xf32, #tpu.memory_space<vmem>> -> memref<80x128xf32, #tpu.memory_space<vmem>>
    %dma_start3A_291 = arith.constant 0 : i32
    %dma_start3A_292 = tpu.memref_slice %arg8[%dma_start3A_285, %dma_start3A_291] : memref<16x80xi32, #tpu.memory_space<vmem>> -> memref<1x80xi32, #tpu.memory_space<vmem>>
    %dma_start3A_293 = tpu.memref_squeeze %dma_start3A_292 : memref<1x80xi32, #tpu.memory_space<vmem>> -> memref<80xi32, #tpu.memory_space<vmem>>
    %dma_start3A_294 = arith.constant 0 : i32
    %dma_start3A_295 = arith.constant 0 : i32
    %dma_start3A_296 = tpu.memref_slice %arg6[%dma_start3A_294, %dma_start3A_295] : memref<10000x128xf32, #tpu.memory_space<vmem_shared>> -> memref<10000x128xf32, #tpu.memory_space<vmem_shared>>
    %dma_start3A_297 = tpu.memref_slice %arg12[%dma_start3A_286] : memref<4x!tpu.dma_semaphore, #tpu.memory_space<semaphore_mem>> -> memref<1x!tpu.dma_semaphore, #tpu.memory_space<semaphore_mem>>
    %dma_start3A_298 = tpu.memref_squeeze %dma_start3A_297 : memref<1x!tpu.dma_semaphore, #tpu.memory_space<semaphore_mem>> -> memref<!tpu.dma_semaphore, #tpu.memory_space<semaphore_mem>>
    tpu.enqueue_indirect_dma source(%dma_start3A_290 : memref<80x128xf32, #tpu.memory_space<vmem>>) target(%dma_start3A_296 : memref<10000x128xf32, #tpu.memory_space<vmem_shared>>) offsets(%dma_start3A_293 : memref<80xi32, #tpu.memory_space<vmem>>) semaphore(%dma_start3A_298 : memref<!tpu.dma_semaphore, #tpu.memory_space<semaphore_mem>>) {add = true}
    %dma_wait3A_299 = arith.constant 2 : i32
    %dma_wait3A_300 = arith.constant 6 : i32
    %dma_wait3A_301 = arith.constant 2 : i32
    %dma_wait3A_302 = arith.constant 0 : i32
    %dma_wait3A_303 = arith.constant 0 : i32
    %dma_wait3A_304 = tpu.memref_slice %arg9[%dma_wait3A_299, %dma_wait3A_302, %dma_wait3A_303] : memref<4x80x128xf32, #tpu.memory_space<vmem>> -> memref<1x80x128xf32, #tpu.memory_space<vmem>>
    %dma_wait3A_305 = tpu.memref_squeeze %dma_wait3A_304 : memref<1x80x128xf32, #tpu.memory_space<vmem>> -> memref<80x128xf32, #tpu.memory_space<vmem>>
    %dma_wait3A_306 = arith.constant 0 : i32
    %dma_wait3A_307 = tpu.memref_slice %arg8[%dma_wait3A_300, %dma_wait3A_306] : memref<16x80xi32, #tpu.memory_space<vmem>> -> memref<1x80xi32, #tpu.memory_space<vmem>>
    %dma_wait3A_308 = tpu.memref_squeeze %dma_wait3A_307 : memref<1x80xi32, #tpu.memory_space<vmem>> -> memref<80xi32, #tpu.memory_space<vmem>>
    %dma_wait3A_309 = arith.constant 0 : i32
    %dma_wait3A_310 = arith.constant 0 : i32
    %dma_wait3A_311 = tpu.memref_slice %arg6[%dma_wait3A_309, %dma_wait3A_310] : memref<10000x128xf32, #tpu.memory_space<vmem_shared>> -> memref<10000x128xf32, #tpu.memory_space<vmem_shared>>
    %dma_wait3A_312 = tpu.memref_slice %arg12[%dma_wait3A_301] : memref<4x!tpu.dma_semaphore, #tpu.memory_space<semaphore_mem>> -> memref<1x!tpu.dma_semaphore, #tpu.memory_space<semaphore_mem>>
    %dma_wait3A_313 = tpu.memref_squeeze %dma_wait3A_312 : memref<1x!tpu.dma_semaphore, #tpu.memory_space<semaphore_mem>> -> memref<!tpu.dma_semaphore, #tpu.memory_space<semaphore_mem>>
    tpu.wait_indirect_dma semaphore(%dma_wait3A_313 : memref<!tpu.dma_semaphore, #tpu.memory_space<semaphore_mem>>) src(%dma_wait3A_305 : memref<80x128xf32, #tpu.memory_space<vmem>>) dst(%dma_wait3A_311 : memref<10000x128xf32, #tpu.memory_space<vmem_shared>>)
    %dma_wait3A_314 = arith.constant 3 : i32
    %dma_wait3A_315 = arith.constant 7 : i32
    %dma_wait3A_316 = arith.constant 3 : i32
    %dma_wait3A_317 = arith.constant 0 : i32
    %dma_wait3A_318 = arith.constant 0 : i32
    %dma_wait3A_319 = tpu.memref_slice %arg9[%dma_wait3A_314, %dma_wait3A_317, %dma_wait3A_318] : memref<4x80x128xf32, #tpu.memory_space<vmem>> -> memref<1x80x128xf32, #tpu.memory_space<vmem>>
    %dma_wait3A_320 = tpu.memref_squeeze %dma_wait3A_319 : memref<1x80x128xf32, #tpu.memory_space<vmem>> -> memref<80x128xf32, #tpu.memory_space<vmem>>
    %dma_wait3A_321 = arith.constant 0 : i32
    %dma_wait3A_322 = tpu.memref_slice %arg8[%dma_wait3A_315, %dma_wait3A_321] : memref<16x80xi32, #tpu.memory_space<vmem>> -> memref<1x80xi32, #tpu.memory_space<vmem>>
    %dma_wait3A_323 = tpu.memref_squeeze %dma_wait3A_322 : memref<1x80xi32, #tpu.memory_space<vmem>> -> memref<80xi32, #tpu.memory_space<vmem>>
    %dma_wait3A_324 = arith.constant 0 : i32
    %dma_wait3A_325 = arith.constant 0 : i32
    %dma_wait3A_326 = tpu.memref_slice %arg6[%dma_wait3A_324, %dma_wait3A_325] : memref<10000x128xf32, #tpu.memory_space<vmem_shared>> -> memref<10000x128xf32, #tpu.memory_space<vmem_shared>>
    %dma_wait3A_327 = tpu.memref_slice %arg12[%dma_wait3A_316] : memref<4x!tpu.dma_semaphore, #tpu.memory_space<semaphore_mem>> -> memref<1x!tpu.dma_semaphore, #tpu.memory_space<semaphore_mem>>
    %dma_wait3A_328 = tpu.memref_squeeze %dma_wait3A_327 : memref<1x!tpu.dma_semaphore, #tpu.memory_space<semaphore_mem>> -> memref<!tpu.dma_semaphore, #tpu.memory_space<semaphore_mem>>
    tpu.wait_indirect_dma semaphore(%dma_wait3A_328 : memref<!tpu.dma_semaphore, #tpu.memory_space<semaphore_mem>>) src(%dma_wait3A_320 : memref<80x128xf32, #tpu.memory_space<vmem>>) dst(%dma_wait3A_326 : memref<10000x128xf32, #tpu.memory_space<vmem_shared>>)
    %dma_wait3A_329 = arith.constant 0 : i32
    %dma_wait3A_330 = arith.constant 8 : i32
    %dma_wait3A_331 = arith.constant 0 : i32
    %dma_wait3A_332 = arith.constant 0 : i32
    %dma_wait3A_333 = arith.constant 0 : i32
    %dma_wait3A_334 = tpu.memref_slice %arg9[%dma_wait3A_329, %dma_wait3A_332, %dma_wait3A_333] : memref<4x80x128xf32, #tpu.memory_space<vmem>> -> memref<1x80x128xf32, #tpu.memory_space<vmem>>
    %dma_wait3A_335 = tpu.memref_squeeze %dma_wait3A_334 : memref<1x80x128xf32, #tpu.memory_space<vmem>> -> memref<80x128xf32, #tpu.memory_space<vmem>>
    %dma_wait3A_336 = arith.constant 0 : i32
    %dma_wait3A_337 = tpu.memref_slice %arg8[%dma_wait3A_330, %dma_wait3A_336] : memref<16x80xi32, #tpu.memory_space<vmem>> -> memref<1x80xi32, #tpu.memory_space<vmem>>
    %dma_wait3A_338 = tpu.memref_squeeze %dma_wait3A_337 : memref<1x80xi32, #tpu.memory_space<vmem>> -> memref<80xi32, #tpu.memory_space<vmem>>
    %dma_wait3A_339 = arith.constant 0 : i32
    %dma_wait3A_340 = arith.constant 0 : i32
    %dma_wait3A_341 = tpu.memref_slice %arg6[%dma_wait3A_339, %dma_wait3A_340] : memref<10000x128xf32, #tpu.memory_space<vmem_shared>> -> memref<10000x128xf32, #tpu.memory_space<vmem_shared>>
    %dma_wait3A_342 = tpu.memref_slice %arg12[%dma_wait3A_331] : memref<4x!tpu.dma_semaphore, #tpu.memory_space<semaphore_mem>> -> memref<1x!tpu.dma_semaphore, #tpu.memory_space<semaphore_mem>>
    %dma_wait3A_343 = tpu.memref_squeeze %dma_wait3A_342 : memref<1x!tpu.dma_semaphore, #tpu.memory_space<semaphore_mem>> -> memref<!tpu.dma_semaphore, #tpu.memory_space<semaphore_mem>>
    tpu.wait_indirect_dma semaphore(%dma_wait3A_343 : memref<!tpu.dma_semaphore, #tpu.memory_space<semaphore_mem>>) src(%dma_wait3A_335 : memref<80x128xf32, #tpu.memory_space<vmem>>) dst(%dma_wait3A_341 : memref<10000x128xf32, #tpu.memory_space<vmem_shared>>)
    %dma_wait3A_344 = arith.constant 1 : i32
    %dma_wait3A_345 = arith.constant 9 : i32
    %dma_wait3A_346 = arith.constant 1 : i32
    %dma_wait3A_347 = arith.constant 0 : i32
    %dma_wait3A_348 = arith.constant 0 : i32
    %dma_wait3A_349 = tpu.memref_slice %arg9[%dma_wait3A_344, %dma_wait3A_347, %dma_wait3A_348] : memref<4x80x128xf32, #tpu.memory_space<vmem>> -> memref<1x80x128xf32, #tpu.memory_space<vmem>>
    %dma_wait3A_350 = tpu.memref_squeeze %dma_wait3A_349 : memref<1x80x128xf32, #tpu.memory_space<vmem>> -> memref<80x128xf32, #tpu.memory_space<vmem>>
    %dma_wait3A_351 = arith.constant 0 : i32
    %dma_wait3A_352 = tpu.memref_slice %arg8[%dma_wait3A_345, %dma_wait3A_351] : memref<16x80xi32, #tpu.memory_space<vmem>> -> memref<1x80xi32, #tpu.memory_space<vmem>>
    %dma_wait3A_353 = tpu.memref_squeeze %dma_wait3A_352 : memref<1x80xi32, #tpu.memory_space<vmem>> -> memref<80xi32, #tpu.memory_space<vmem>>
    %dma_wait3A_354 = arith.constant 0 : i32
    %dma_wait3A_355 = arith.constant 0 : i32
    %dma_wait3A_356 = tpu.memref_slice %arg6[%dma_wait3A_354, %dma_wait3A_355] : memref<10000x128xf32, #tpu.memory_space<vmem_shared>> -> memref<10000x128xf32, #tpu.memory_space<vmem_shared>>
    %dma_wait3A_357 = tpu.memref_slice %arg12[%dma_wait3A_346] : memref<4x!tpu.dma_semaphore, #tpu.memory_space<semaphore_mem>> -> memref<1x!tpu.dma_semaphore, #tpu.memory_space<semaphore_mem>>
    %dma_wait3A_358 = tpu.memref_squeeze %dma_wait3A_357 : memref<1x!tpu.dma_semaphore, #tpu.memory_space<semaphore_mem>> -> memref<!tpu.dma_semaphore, #tpu.memory_space<semaphore_mem>>
    tpu.wait_indirect_dma semaphore(%dma_wait3A_358 : memref<!tpu.dma_semaphore, #tpu.memory_space<semaphore_mem>>) src(%dma_wait3A_350 : memref<80x128xf32, #tpu.memory_space<vmem>>) dst(%dma_wait3A_356 : memref<10000x128xf32, #tpu.memory_space<vmem_shared>>)
    %barrier3A_359 = arith.constant 0 : index
    tpu.barrier barrier_id(%barrier3A_359)
    %mul3A_360 = arith.constant 625 : i32
    %mul3A_361 = arith.muli %arg1, %mul3A_360 : i32
    %mul3A_362 = arith.constant 625 : i32
    %mul3A_363 = arith.muli %arg1, %mul3A_362 : i32
    "tpu.region"() ({
      %run_scoped3A = tpu.sem_alloc : memref<!tpu.dma_semaphore, #tpu.memory_space<semaphore_mem>>
      %dma_start3A_734 = arith.constant 0 : i32
      %dma_start3A_735 = tpu.memref_slice %arg5[%add3A_1, %mul3A_363, %dma_start3A_734] : memref<4x10000x128xf32, #tpu.memory_space<hbm>> -> memref<1x625x128xf32, #tpu.memory_space<hbm>>
      %dma_start3A_736 = tpu.memref_squeeze %dma_start3A_735 : memref<1x625x128xf32, #tpu.memory_space<hbm>> -> memref<625x128xf32, #tpu.memory_space<hbm>>
      %dma_start3A_737 = arith.constant 0 : i32
      %dma_start3A_738 = tpu.memref_slice %arg6[%mul3A_361, %dma_start3A_737] : memref<10000x128xf32, #tpu.memory_space<vmem_shared>> -> memref<625x128xf32, #tpu.memory_space<vmem_shared>>
      tpu.enqueue_dma source(%dma_start3A_738 : memref<625x128xf32, #tpu.memory_space<vmem_shared>>) target(%dma_start3A_736 : memref<625x128xf32, #tpu.memory_space<hbm>>) target_semaphore(%run_scoped3A : memref<!tpu.dma_semaphore, #tpu.memory_space<semaphore_mem>>)
      %dma_wait3A_739 = arith.constant 0 : i32
      %dma_wait3A_740 = tpu.memref_slice %arg5[%add3A_1, %mul3A_363, %dma_wait3A_739] : memref<4x10000x128xf32, #tpu.memory_space<hbm>> -> memref<1x625x128xf32, #tpu.memory_space<hbm>>
      %dma_wait3A_741 = tpu.memref_squeeze %dma_wait3A_740 : memref<1x625x128xf32, #tpu.memory_space<hbm>> -> memref<625x128xf32, #tpu.memory_space<hbm>>
      %dma_wait3A_742 = arith.constant 0 : i32
      %dma_wait3A_743 = tpu.memref_slice %arg6[%mul3A_361, %dma_wait3A_742] : memref<10000x128xf32, #tpu.memory_space<vmem_shared>> -> memref<625x128xf32, #tpu.memory_space<vmem_shared>>
      tpu.wait_dma2 semaphore(%run_scoped3A : memref<!tpu.dma_semaphore, #tpu.memory_space<semaphore_mem>>) src(%dma_wait3A_743 : memref<625x128xf32, #tpu.memory_space<vmem_shared>>) dst(%dma_wait3A_741 : memref<625x128xf32, #tpu.memory_space<hbm>>)
      tpu.yield
    }) : () -> ()
    %mul3A_364 = arith.constant 2 : i32
    %mul3A_365 = arith.muli %arg0, %mul3A_364 : i32
    %add3A_366 = arith.constant 1 : i32
    %add3A_367 = arith.addi %mul3A_365, %add3A_366 : i32
    %mul3A_368 = arith.constant 10000 : i32
    %mul3A_369 = arith.muli %add3A_367, %mul3A_368 : i32
    %mul3A_370 = arith.constant 625 : i32
    %mul3A_371 = arith.muli %arg1, %mul3A_370 : i32
    %add3A_372 = arith.addi %mul3A_369, %mul3A_371 : i32
    %mul3A_373 = arith.constant 625 : i32
    %mul3A_374 = arith.muli %arg1, %mul3A_373 : i32
    "tpu.region"() ({
      %run_scoped3A = tpu.sem_alloc : memref<!tpu.dma_semaphore, #tpu.memory_space<semaphore_mem>>
      %dma_start3A_734 = arith.constant 0 : i32
      %dma_start3A_735 = tpu.memref_slice %arg6[%mul3A_374, %dma_start3A_734] : memref<10000x128xf32, #tpu.memory_space<vmem_shared>> -> memref<625x128xf32, #tpu.memory_space<vmem_shared>>
      %dma_start3A_736 = arith.constant 0 : i32
      %dma_start3A_737 = tpu.memref_slice %arg2[%add3A_372, %dma_start3A_736] : memref<40000x128xf32, #tpu.memory_space<hbm>> -> memref<625x128xf32, #tpu.memory_space<hbm>>
      tpu.enqueue_dma source(%dma_start3A_737 : memref<625x128xf32, #tpu.memory_space<hbm>>) target(%dma_start3A_735 : memref<625x128xf32, #tpu.memory_space<vmem_shared>>) target_semaphore(%run_scoped3A : memref<!tpu.dma_semaphore, #tpu.memory_space<semaphore_mem>>)
      %dma_wait3A_738 = arith.constant 0 : i32
      %dma_wait3A_739 = tpu.memref_slice %arg6[%mul3A_374, %dma_wait3A_738] : memref<10000x128xf32, #tpu.memory_space<vmem_shared>> -> memref<625x128xf32, #tpu.memory_space<vmem_shared>>
      %dma_wait3A_740 = arith.constant 0 : i32
      %dma_wait3A_741 = tpu.memref_slice %arg2[%add3A_372, %dma_wait3A_740] : memref<40000x128xf32, #tpu.memory_space<hbm>> -> memref<625x128xf32, #tpu.memory_space<hbm>>
      tpu.wait_dma2 semaphore(%run_scoped3A : memref<!tpu.dma_semaphore, #tpu.memory_space<semaphore_mem>>) src(%dma_wait3A_741 : memref<625x128xf32, #tpu.memory_space<hbm>>) dst(%dma_wait3A_739 : memref<625x128xf32, #tpu.memory_space<vmem_shared>>)
      tpu.yield
    }) : () -> ()
    %mul3A_375 = arith.constant 20000 : i32
    %mul3A_376 = arith.muli %arg1, %mul3A_375 : i32
    %add3A_377 = arith.constant 0 : i32
    %add3A_378 = arith.addi %mul3A_376, %add3A_377 : i32
    %dma_start3A_379 = arith.constant 0 : i32
    %dma_start3A_380 = arith.constant 0 : i32
    %dma_start3A_381 = arith.constant 0 : i32
    %dma_start3A_382 = tpu.memref_slice %arg7[%dma_start3A_379, %dma_start3A_381] : memref<16x80xi32, #tpu.memory_space<vmem>> -> memref<1x80xi32, #tpu.memory_space<vmem>>
    %dma_start3A_383 = tpu.memref_squeeze %dma_start3A_382 : memref<1x80xi32, #tpu.memory_space<vmem>> -> memref<80xi32, #tpu.memory_space<vmem>>
    %dma_start3A_384 = tpu.memref_slice %arg3[%add3A_367, %add3A_378] : memref<4x320000xi32, #tpu.memory_space<hbm>> -> memref<1x80xi32, #tpu.memory_space<hbm>>
    %dma_start3A_385 = tpu.memref_squeeze %dma_start3A_384 : memref<1x80xi32, #tpu.memory_space<hbm>> -> memref<80xi32, #tpu.memory_space<hbm>>
    %dma_start3A_386 = tpu.memref_slice %arg10[%dma_start3A_380] : memref<16x!tpu.dma_semaphore, #tpu.memory_space<semaphore_mem>> -> memref<1x!tpu.dma_semaphore, #tpu.memory_space<semaphore_mem>>
    %dma_start3A_387 = tpu.memref_squeeze %dma_start3A_386 : memref<1x!tpu.dma_semaphore, #tpu.memory_space<semaphore_mem>> -> memref<!tpu.dma_semaphore, #tpu.memory_space<semaphore_mem>>
    %dma_start3A_388 = arith.constant 0 : i32
    %dma_start3A_389 = tpu.memref_slice %arg7[%dma_start3A_379, %dma_start3A_388] : memref<16x80xi32, #tpu.memory_space<vmem>> -> memref<1x80xi32, #tpu.memory_space<vmem>>
    %dma_start3A_390 = tpu.memref_squeeze %dma_start3A_389 : memref<1x80xi32, #tpu.memory_space<vmem>> -> memref<80xi32, #tpu.memory_space<vmem>>
    %dma_start3A_391 = tpu.memref_slice %arg3[%add3A_367, %add3A_378] : memref<4x320000xi32, #tpu.memory_space<hbm>> -> memref<1x80xi32, #tpu.memory_space<hbm>>
    %dma_start3A_392 = tpu.memref_squeeze %dma_start3A_391 : memref<1x80xi32, #tpu.memory_space<hbm>> -> memref<80xi32, #tpu.memory_space<hbm>>
    tpu.enqueue_dma source(%dma_start3A_392 : memref<80xi32, #tpu.memory_space<hbm>>) target(%dma_start3A_390 : memref<80xi32, #tpu.memory_space<vmem>>) target_semaphore(%dma_start3A_387 : memref<!tpu.dma_semaphore, #tpu.memory_space<semaphore_mem>>)
    %dma_start3A_393 = arith.constant 1 : i32
    %dma_start3A_394 = arith.constant 0 : i32
    %dma_start3A_395 = arith.constant 0 : i32
    %dma_start3A_396 = arith.constant 0 : i32
    %dma_start3A_397 = tpu.memref_slice %arg8[%dma_start3A_394, %dma_start3A_396] : memref<16x80xi32, #tpu.memory_space<vmem>> -> memref<1x80xi32, #tpu.memory_space<vmem>>
    %dma_start3A_398 = tpu.memref_squeeze %dma_start3A_397 : memref<1x80xi32, #tpu.memory_space<vmem>> -> memref<80xi32, #tpu.memory_space<vmem>>
    %dma_start3A_399 = tpu.memref_slice %arg4[%add3A_367, %dma_start3A_393, %add3A_378] : memref<4x2x320000xi32, #tpu.memory_space<hbm>> -> memref<1x1x80xi32, #tpu.memory_space<hbm>>
    %dma_start3A_400 = tpu.memref_squeeze %dma_start3A_399 : memref<1x1x80xi32, #tpu.memory_space<hbm>> -> memref<80xi32, #tpu.memory_space<hbm>>
    %dma_start3A_401 = tpu.memref_slice %arg10[%dma_start3A_395] : memref<16x!tpu.dma_semaphore, #tpu.memory_space<semaphore_mem>> -> memref<1x!tpu.dma_semaphore, #tpu.memory_space<semaphore_mem>>
    %dma_start3A_402 = tpu.memref_squeeze %dma_start3A_401 : memref<1x!tpu.dma_semaphore, #tpu.memory_space<semaphore_mem>> -> memref<!tpu.dma_semaphore, #tpu.memory_space<semaphore_mem>>
    %dma_start3A_403 = arith.constant 0 : i32
    %dma_start3A_404 = tpu.memref_slice %arg8[%dma_start3A_394, %dma_start3A_403] : memref<16x80xi32, #tpu.memory_space<vmem>> -> memref<1x80xi32, #tpu.memory_space<vmem>>
    %dma_start3A_405 = tpu.memref_squeeze %dma_start3A_404 : memref<1x80xi32, #tpu.memory_space<vmem>> -> memref<80xi32, #tpu.memory_space<vmem>>
    %dma_start3A_406 = tpu.memref_slice %arg4[%add3A_367, %dma_start3A_393, %add3A_378] : memref<4x2x320000xi32, #tpu.memory_space<hbm>> -> memref<1x1x80xi32, #tpu.memory_space<hbm>>
    %dma_start3A_407 = tpu.memref_squeeze %dma_start3A_406 : memref<1x1x80xi32, #tpu.memory_space<hbm>> -> memref<80xi32, #tpu.memory_space<hbm>>
    tpu.enqueue_dma source(%dma_start3A_407 : memref<80xi32, #tpu.memory_space<hbm>>) target(%dma_start3A_405 : memref<80xi32, #tpu.memory_space<vmem>>) target_semaphore(%dma_start3A_402 : memref<!tpu.dma_semaphore, #tpu.memory_space<semaphore_mem>>)
    %mul3A_408 = arith.constant 20000 : i32
    %mul3A_409 = arith.muli %arg1, %mul3A_408 : i32
    %add3A_410 = arith.constant 80 : i32
    %add3A_411 = arith.addi %mul3A_409, %add3A_410 : i32
    %dma_start3A_412 = arith.constant 1 : i32
    %dma_start3A_413 = arith.constant 1 : i32
    %dma_start3A_414 = arith.constant 0 : i32
    %dma_start3A_415 = tpu.memref_slice %arg7[%dma_start3A_412, %dma_start3A_414] : memref<16x80xi32, #tpu.memory_space<vmem>> -> memref<1x80xi32, #tpu.memory_space<vmem>>
    %dma_start3A_416 = tpu.memref_squeeze %dma_start3A_415 : memref<1x80xi32, #tpu.memory_space<vmem>> -> memref<80xi32, #tpu.memory_space<vmem>>
    %dma_start3A_417 = tpu.memref_slice %arg3[%add3A_367, %add3A_411] : memref<4x320000xi32, #tpu.memory_space<hbm>> -> memref<1x80xi32, #tpu.memory_space<hbm>>
    %dma_start3A_418 = tpu.memref_squeeze %dma_start3A_417 : memref<1x80xi32, #tpu.memory_space<hbm>> -> memref<80xi32, #tpu.memory_space<hbm>>
    %dma_start3A_419 = tpu.memref_slice %arg10[%dma_start3A_413] : memref<16x!tpu.dma_semaphore, #tpu.memory_space<semaphore_mem>> -> memref<1x!tpu.dma_semaphore, #tpu.memory_space<semaphore_mem>>
    %dma_start3A_420 = tpu.memref_squeeze %dma_start3A_419 : memref<1x!tpu.dma_semaphore, #tpu.memory_space<semaphore_mem>> -> memref<!tpu.dma_semaphore, #tpu.memory_space<semaphore_mem>>
    %dma_start3A_421 = arith.constant 0 : i32
    %dma_start3A_422 = tpu.memref_slice %arg7[%dma_start3A_412, %dma_start3A_421] : memref<16x80xi32, #tpu.memory_space<vmem>> -> memref<1x80xi32, #tpu.memory_space<vmem>>
    %dma_start3A_423 = tpu.memref_squeeze %dma_start3A_422 : memref<1x80xi32, #tpu.memory_space<vmem>> -> memref<80xi32, #tpu.memory_space<vmem>>
    %dma_start3A_424 = tpu.memref_slice %arg3[%add3A_367, %add3A_411] : memref<4x320000xi32, #tpu.memory_space<hbm>> -> memref<1x80xi32, #tpu.memory_space<hbm>>
    %dma_start3A_425 = tpu.memref_squeeze %dma_start3A_424 : memref<1x80xi32, #tpu.memory_space<hbm>> -> memref<80xi32, #tpu.memory_space<hbm>>
    tpu.enqueue_dma source(%dma_start3A_425 : memref<80xi32, #tpu.memory_space<hbm>>) target(%dma_start3A_423 : memref<80xi32, #tpu.memory_space<vmem>>) target_semaphore(%dma_start3A_420 : memref<!tpu.dma_semaphore, #tpu.memory_space<semaphore_mem>>)
    %dma_start3A_426 = arith.constant 1 : i32
    %dma_start3A_427 = arith.constant 1 : i32
    %dma_start3A_428 = arith.constant 1 : i32
    %dma_start3A_429 = arith.constant 0 : i32
    %dma_start3A_430 = tpu.memref_slice %arg8[%dma_start3A_427, %dma_start3A_429] : memref<16x80xi32, #tpu.memory_space<vmem>> -> memref<1x80xi32, #tpu.memory_space<vmem>>
    %dma_start3A_431 = tpu.memref_squeeze %dma_start3A_430 : memref<1x80xi32, #tpu.memory_space<vmem>> -> memref<80xi32, #tpu.memory_space<vmem>>
    %dma_start3A_432 = tpu.memref_slice %arg4[%add3A_367, %dma_start3A_426, %add3A_411] : memref<4x2x320000xi32, #tpu.memory_space<hbm>> -> memref<1x1x80xi32, #tpu.memory_space<hbm>>
    %dma_start3A_433 = tpu.memref_squeeze %dma_start3A_432 : memref<1x1x80xi32, #tpu.memory_space<hbm>> -> memref<80xi32, #tpu.memory_space<hbm>>
    %dma_start3A_434 = tpu.memref_slice %arg10[%dma_start3A_428] : memref<16x!tpu.dma_semaphore, #tpu.memory_space<semaphore_mem>> -> memref<1x!tpu.dma_semaphore, #tpu.memory_space<semaphore_mem>>
    %dma_start3A_435 = tpu.memref_squeeze %dma_start3A_434 : memref<1x!tpu.dma_semaphore, #tpu.memory_space<semaphore_mem>> -> memref<!tpu.dma_semaphore, #tpu.memory_space<semaphore_mem>>
    %dma_start3A_436 = arith.constant 0 : i32
    %dma_start3A_437 = tpu.memref_slice %arg8[%dma_start3A_427, %dma_start3A_436] : memref<16x80xi32, #tpu.memory_space<vmem>> -> memref<1x80xi32, #tpu.memory_space<vmem>>
    %dma_start3A_438 = tpu.memref_squeeze %dma_start3A_437 : memref<1x80xi32, #tpu.memory_space<vmem>> -> memref<80xi32, #tpu.memory_space<vmem>>
    %dma_start3A_439 = tpu.memref_slice %arg4[%add3A_367, %dma_start3A_426, %add3A_411] : memref<4x2x320000xi32, #tpu.memory_space<hbm>> -> memref<1x1x80xi32, #tpu.memory_space<hbm>>
    %dma_start3A_440 = tpu.memref_squeeze %dma_start3A_439 : memref<1x1x80xi32, #tpu.memory_space<hbm>> -> memref<80xi32, #tpu.memory_space<hbm>>
    tpu.enqueue_dma source(%dma_start3A_440 : memref<80xi32, #tpu.memory_space<hbm>>) target(%dma_start3A_438 : memref<80xi32, #tpu.memory_space<vmem>>) target_semaphore(%dma_start3A_435 : memref<!tpu.dma_semaphore, #tpu.memory_space<semaphore_mem>>)
    %mul3A_441 = arith.constant 20000 : i32
    %mul3A_442 = arith.muli %arg1, %mul3A_441 : i32
    %add3A_443 = arith.constant 160 : i32
    %add3A_444 = arith.addi %mul3A_442, %add3A_443 : i32
    %dma_start3A_445 = arith.constant 2 : i32
    %dma_start3A_446 = arith.constant 2 : i32
    %dma_start3A_447 = arith.constant 0 : i32
    %dma_start3A_448 = tpu.memref_slice %arg7[%dma_start3A_445, %dma_start3A_447] : memref<16x80xi32, #tpu.memory_space<vmem>> -> memref<1x80xi32, #tpu.memory_space<vmem>>
    %dma_start3A_449 = tpu.memref_squeeze %dma_start3A_448 : memref<1x80xi32, #tpu.memory_space<vmem>> -> memref<80xi32, #tpu.memory_space<vmem>>
    %dma_start3A_450 = tpu.memref_slice %arg3[%add3A_367, %add3A_444] : memref<4x320000xi32, #tpu.memory_space<hbm>> -> memref<1x80xi32, #tpu.memory_space<hbm>>
    %dma_start3A_451 = tpu.memref_squeeze %dma_start3A_450 : memref<1x80xi32, #tpu.memory_space<hbm>> -> memref<80xi32, #tpu.memory_space<hbm>>
    %dma_start3A_452 = tpu.memref_slice %arg10[%dma_start3A_446] : memref<16x!tpu.dma_semaphore, #tpu.memory_space<semaphore_mem>> -> memref<1x!tpu.dma_semaphore, #tpu.memory_space<semaphore_mem>>
    %dma_start3A_453 = tpu.memref_squeeze %dma_start3A_452 : memref<1x!tpu.dma_semaphore, #tpu.memory_space<semaphore_mem>> -> memref<!tpu.dma_semaphore, #tpu.memory_space<semaphore_mem>>
    %dma_start3A_454 = arith.constant 0 : i32
    %dma_start3A_455 = tpu.memref_slice %arg7[%dma_start3A_445, %dma_start3A_454] : memref<16x80xi32, #tpu.memory_space<vmem>> -> memref<1x80xi32, #tpu.memory_space<vmem>>
    %dma_start3A_456 = tpu.memref_squeeze %dma_start3A_455 : memref<1x80xi32, #tpu.memory_space<vmem>> -> memref<80xi32, #tpu.memory_space<vmem>>
    %dma_start3A_457 = tpu.memref_slice %arg3[%add3A_367, %add3A_444] : memref<4x320000xi32, #tpu.memory_space<hbm>> -> memref<1x80xi32, #tpu.memory_space<hbm>>
    %dma_start3A_458 = tpu.memref_squeeze %dma_start3A_457 : memref<1x80xi32, #tpu.memory_space<hbm>> -> memref<80xi32, #tpu.memory_space<hbm>>
    tpu.enqueue_dma source(%dma_start3A_458 : memref<80xi32, #tpu.memory_space<hbm>>) target(%dma_start3A_456 : memref<80xi32, #tpu.memory_space<vmem>>) target_semaphore(%dma_start3A_453 : memref<!tpu.dma_semaphore, #tpu.memory_space<semaphore_mem>>)
    %dma_start3A_459 = arith.constant 1 : i32
    %dma_start3A_460 = arith.constant 2 : i32
    %dma_start3A_461 = arith.constant 2 : i32
    %dma_start3A_462 = arith.constant 0 : i32
    %dma_start3A_463 = tpu.memref_slice %arg8[%dma_start3A_460, %dma_start3A_462] : memref<16x80xi32, #tpu.memory_space<vmem>> -> memref<1x80xi32, #tpu.memory_space<vmem>>
    %dma_start3A_464 = tpu.memref_squeeze %dma_start3A_463 : memref<1x80xi32, #tpu.memory_space<vmem>> -> memref<80xi32, #tpu.memory_space<vmem>>
    %dma_start3A_465 = tpu.memref_slice %arg4[%add3A_367, %dma_start3A_459, %add3A_444] : memref<4x2x320000xi32, #tpu.memory_space<hbm>> -> memref<1x1x80xi32, #tpu.memory_space<hbm>>
    %dma_start3A_466 = tpu.memref_squeeze %dma_start3A_465 : memref<1x1x80xi32, #tpu.memory_space<hbm>> -> memref<80xi32, #tpu.memory_space<hbm>>
    %dma_start3A_467 = tpu.memref_slice %arg10[%dma_start3A_461] : memref<16x!tpu.dma_semaphore, #tpu.memory_space<semaphore_mem>> -> memref<1x!tpu.dma_semaphore, #tpu.memory_space<semaphore_mem>>
    %dma_start3A_468 = tpu.memref_squeeze %dma_start3A_467 : memref<1x!tpu.dma_semaphore, #tpu.memory_space<semaphore_mem>> -> memref<!tpu.dma_semaphore, #tpu.memory_space<semaphore_mem>>
    %dma_start3A_469 = arith.constant 0 : i32
    %dma_start3A_470 = tpu.memref_slice %arg8[%dma_start3A_460, %dma_start3A_469] : memref<16x80xi32, #tpu.memory_space<vmem>> -> memref<1x80xi32, #tpu.memory_space<vmem>>
    %dma_start3A_471 = tpu.memref_squeeze %dma_start3A_470 : memref<1x80xi32, #tpu.memory_space<vmem>> -> memref<80xi32, #tpu.memory_space<vmem>>
    %dma_start3A_472 = tpu.memref_slice %arg4[%add3A_367, %dma_start3A_459, %add3A_444] : memref<4x2x320000xi32, #tpu.memory_space<hbm>> -> memref<1x1x80xi32, #tpu.memory_space<hbm>>
    %dma_start3A_473 = tpu.memref_squeeze %dma_start3A_472 : memref<1x1x80xi32, #tpu.memory_space<hbm>> -> memref<80xi32, #tpu.memory_space<hbm>>
    tpu.enqueue_dma source(%dma_start3A_473 : memref<80xi32, #tpu.memory_space<hbm>>) target(%dma_start3A_471 : memref<80xi32, #tpu.memory_space<vmem>>) target_semaphore(%dma_start3A_468 : memref<!tpu.dma_semaphore, #tpu.memory_space<semaphore_mem>>)
    %mul3A_474 = arith.constant 20000 : i32
    %mul3A_475 = arith.muli %arg1, %mul3A_474 : i32
    %add3A_476 = arith.constant 240 : i32
    %add3A_477 = arith.addi %mul3A_475, %add3A_476 : i32
    %dma_start3A_478 = arith.constant 3 : i32
    %dma_start3A_479 = arith.constant 3 : i32
    %dma_start3A_480 = arith.constant 0 : i32
    %dma_start3A_481 = tpu.memref_slice %arg7[%dma_start3A_478, %dma_start3A_480] : memref<16x80xi32, #tpu.memory_space<vmem>> -> memref<1x80xi32, #tpu.memory_space<vmem>>
    %dma_start3A_482 = tpu.memref_squeeze %dma_start3A_481 : memref<1x80xi32, #tpu.memory_space<vmem>> -> memref<80xi32, #tpu.memory_space<vmem>>
    %dma_start3A_483 = tpu.memref_slice %arg3[%add3A_367, %add3A_477] : memref<4x320000xi32, #tpu.memory_space<hbm>> -> memref<1x80xi32, #tpu.memory_space<hbm>>
    %dma_start3A_484 = tpu.memref_squeeze %dma_start3A_483 : memref<1x80xi32, #tpu.memory_space<hbm>> -> memref<80xi32, #tpu.memory_space<hbm>>
    %dma_start3A_485 = tpu.memref_slice %arg10[%dma_start3A_479] : memref<16x!tpu.dma_semaphore, #tpu.memory_space<semaphore_mem>> -> memref<1x!tpu.dma_semaphore, #tpu.memory_space<semaphore_mem>>
    %dma_start3A_486 = tpu.memref_squeeze %dma_start3A_485 : memref<1x!tpu.dma_semaphore, #tpu.memory_space<semaphore_mem>> -> memref<!tpu.dma_semaphore, #tpu.memory_space<semaphore_mem>>
    %dma_start3A_487 = arith.constant 0 : i32
    %dma_start3A_488 = tpu.memref_slice %arg7[%dma_start3A_478, %dma_start3A_487] : memref<16x80xi32, #tpu.memory_space<vmem>> -> memref<1x80xi32, #tpu.memory_space<vmem>>
    %dma_start3A_489 = tpu.memref_squeeze %dma_start3A_488 : memref<1x80xi32, #tpu.memory_space<vmem>> -> memref<80xi32, #tpu.memory_space<vmem>>
    %dma_start3A_490 = tpu.memref_slice %arg3[%add3A_367, %add3A_477] : memref<4x320000xi32, #tpu.memory_space<hbm>> -> memref<1x80xi32, #tpu.memory_space<hbm>>
    %dma_start3A_491 = tpu.memref_squeeze %dma_start3A_490 : memref<1x80xi32, #tpu.memory_space<hbm>> -> memref<80xi32, #tpu.memory_space<hbm>>
    tpu.enqueue_dma source(%dma_start3A_491 : memref<80xi32, #tpu.memory_space<hbm>>) target(%dma_start3A_489 : memref<80xi32, #tpu.memory_space<vmem>>) target_semaphore(%dma_start3A_486 : memref<!tpu.dma_semaphore, #tpu.memory_space<semaphore_mem>>)
    %dma_start3A_492 = arith.constant 1 : i32
    %dma_start3A_493 = arith.constant 3 : i32
    %dma_start3A_494 = arith.constant 3 : i32
    %dma_start3A_495 = arith.constant 0 : i32
    %dma_start3A_496 = tpu.memref_slice %arg8[%dma_start3A_493, %dma_start3A_495] : memref<16x80xi32, #tpu.memory_space<vmem>> -> memref<1x80xi32, #tpu.memory_space<vmem>>
    %dma_start3A_497 = tpu.memref_squeeze %dma_start3A_496 : memref<1x80xi32, #tpu.memory_space<vmem>> -> memref<80xi32, #tpu.memory_space<vmem>>
    %dma_start3A_498 = tpu.memref_slice %arg4[%add3A_367, %dma_start3A_492, %add3A_477] : memref<4x2x320000xi32, #tpu.memory_space<hbm>> -> memref<1x1x80xi32, #tpu.memory_space<hbm>>
    %dma_start3A_499 = tpu.memref_squeeze %dma_start3A_498 : memref<1x1x80xi32, #tpu.memory_space<hbm>> -> memref<80xi32, #tpu.memory_space<hbm>>
    %dma_start3A_500 = tpu.memref_slice %arg10[%dma_start3A_494] : memref<16x!tpu.dma_semaphore, #tpu.memory_space<semaphore_mem>> -> memref<1x!tpu.dma_semaphore, #tpu.memory_space<semaphore_mem>>
    %dma_start3A_501 = tpu.memref_squeeze %dma_start3A_500 : memref<1x!tpu.dma_semaphore, #tpu.memory_space<semaphore_mem>> -> memref<!tpu.dma_semaphore, #tpu.memory_space<semaphore_mem>>
    %dma_start3A_502 = arith.constant 0 : i32
    %dma_start3A_503 = tpu.memref_slice %arg8[%dma_start3A_493, %dma_start3A_502] : memref<16x80xi32, #tpu.memory_space<vmem>> -> memref<1x80xi32, #tpu.memory_space<vmem>>
    %dma_start3A_504 = tpu.memref_squeeze %dma_start3A_503 : memref<1x80xi32, #tpu.memory_space<vmem>> -> memref<80xi32, #tpu.memory_space<vmem>>
    %dma_start3A_505 = tpu.memref_slice %arg4[%add3A_367, %dma_start3A_492, %add3A_477] : memref<4x2x320000xi32, #tpu.memory_space<hbm>> -> memref<1x1x80xi32, #tpu.memory_space<hbm>>
    %dma_start3A_506 = tpu.memref_squeeze %dma_start3A_505 : memref<1x1x80xi32, #tpu.memory_space<hbm>> -> memref<80xi32, #tpu.memory_space<hbm>>
    tpu.enqueue_dma source(%dma_start3A_506 : memref<80xi32, #tpu.memory_space<hbm>>) target(%dma_start3A_504 : memref<80xi32, #tpu.memory_space<vmem>>) target_semaphore(%dma_start3A_501 : memref<!tpu.dma_semaphore, #tpu.memory_space<semaphore_mem>>)
    %mul3A_507 = arith.constant 20000 : i32
    %mul3A_508 = arith.muli %arg1, %mul3A_507 : i32
    %add3A_509 = arith.constant 320 : i32
    %add3A_510 = arith.addi %mul3A_508, %add3A_509 : i32
    %dma_start3A_511 = arith.constant 4 : i32
    %dma_start3A_512 = arith.constant 4 : i32
    %dma_start3A_513 = arith.constant 0 : i32
    %dma_start3A_514 = tpu.memref_slice %arg7[%dma_start3A_511, %dma_start3A_513] : memref<16x80xi32, #tpu.memory_space<vmem>> -> memref<1x80xi32, #tpu.memory_space<vmem>>
    %dma_start3A_515 = tpu.memref_squeeze %dma_start3A_514 : memref<1x80xi32, #tpu.memory_space<vmem>> -> memref<80xi32, #tpu.memory_space<vmem>>
    %dma_start3A_516 = tpu.memref_slice %arg3[%add3A_367, %add3A_510] : memref<4x320000xi32, #tpu.memory_space<hbm>> -> memref<1x80xi32, #tpu.memory_space<hbm>>
    %dma_start3A_517 = tpu.memref_squeeze %dma_start3A_516 : memref<1x80xi32, #tpu.memory_space<hbm>> -> memref<80xi32, #tpu.memory_space<hbm>>
    %dma_start3A_518 = tpu.memref_slice %arg10[%dma_start3A_512] : memref<16x!tpu.dma_semaphore, #tpu.memory_space<semaphore_mem>> -> memref<1x!tpu.dma_semaphore, #tpu.memory_space<semaphore_mem>>
    %dma_start3A_519 = tpu.memref_squeeze %dma_start3A_518 : memref<1x!tpu.dma_semaphore, #tpu.memory_space<semaphore_mem>> -> memref<!tpu.dma_semaphore, #tpu.memory_space<semaphore_mem>>
    %dma_start3A_520 = arith.constant 0 : i32
    %dma_start3A_521 = tpu.memref_slice %arg7[%dma_start3A_511, %dma_start3A_520] : memref<16x80xi32, #tpu.memory_space<vmem>> -> memref<1x80xi32, #tpu.memory_space<vmem>>
    %dma_start3A_522 = tpu.memref_squeeze %dma_start3A_521 : memref<1x80xi32, #tpu.memory_space<vmem>> -> memref<80xi32, #tpu.memory_space<vmem>>
    %dma_start3A_523 = tpu.memref_slice %arg3[%add3A_367, %add3A_510] : memref<4x320000xi32, #tpu.memory_space<hbm>> -> memref<1x80xi32, #tpu.memory_space<hbm>>
    %dma_start3A_524 = tpu.memref_squeeze %dma_start3A_523 : memref<1x80xi32, #tpu.memory_space<hbm>> -> memref<80xi32, #tpu.memory_space<hbm>>
    tpu.enqueue_dma source(%dma_start3A_524 : memref<80xi32, #tpu.memory_space<hbm>>) target(%dma_start3A_522 : memref<80xi32, #tpu.memory_space<vmem>>) target_semaphore(%dma_start3A_519 : memref<!tpu.dma_semaphore, #tpu.memory_space<semaphore_mem>>)
    %dma_start3A_525 = arith.constant 1 : i32
    %dma_start3A_526 = arith.constant 4 : i32
    %dma_start3A_527 = arith.constant 4 : i32
    %dma_start3A_528 = arith.constant 0 : i32
    %dma_start3A_529 = tpu.memref_slice %arg8[%dma_start3A_526, %dma_start3A_528] : memref<16x80xi32, #tpu.memory_space<vmem>> -> memref<1x80xi32, #tpu.memory_space<vmem>>
    %dma_start3A_530 = tpu.memref_squeeze %dma_start3A_529 : memref<1x80xi32, #tpu.memory_space<vmem>> -> memref<80xi32, #tpu.memory_space<vmem>>
    %dma_start3A_531 = tpu.memref_slice %arg4[%add3A_367, %dma_start3A_525, %add3A_510] : memref<4x2x320000xi32, #tpu.memory_space<hbm>> -> memref<1x1x80xi32, #tpu.memory_space<hbm>>
    %dma_start3A_532 = tpu.memref_squeeze %dma_start3A_531 : memref<1x1x80xi32, #tpu.memory_space<hbm>> -> memref<80xi32, #tpu.memory_space<hbm>>
    %dma_start3A_533 = tpu.memref_slice %arg10[%dma_start3A_527] : memref<16x!tpu.dma_semaphore, #tpu.memory_space<semaphore_mem>> -> memref<1x!tpu.dma_semaphore, #tpu.memory_space<semaphore_mem>>
    %dma_start3A_534 = tpu.memref_squeeze %dma_start3A_533 : memref<1x!tpu.dma_semaphore, #tpu.memory_space<semaphore_mem>> -> memref<!tpu.dma_semaphore, #tpu.memory_space<semaphore_mem>>
    %dma_start3A_535 = arith.constant 0 : i32
    %dma_start3A_536 = tpu.memref_slice %arg8[%dma_start3A_526, %dma_start3A_535] : memref<16x80xi32, #tpu.memory_space<vmem>> -> memref<1x80xi32, #tpu.memory_space<vmem>>
    %dma_start3A_537 = tpu.memref_squeeze %dma_start3A_536 : memref<1x80xi32, #tpu.memory_space<vmem>> -> memref<80xi32, #tpu.memory_space<vmem>>
    %dma_start3A_538 = tpu.memref_slice %arg4[%add3A_367, %dma_start3A_525, %add3A_510] : memref<4x2x320000xi32, #tpu.memory_space<hbm>> -> memref<1x1x80xi32, #tpu.memory_space<hbm>>
    %dma_start3A_539 = tpu.memref_squeeze %dma_start3A_538 : memref<1x1x80xi32, #tpu.memory_space<hbm>> -> memref<80xi32, #tpu.memory_space<hbm>>
    tpu.enqueue_dma source(%dma_start3A_539 : memref<80xi32, #tpu.memory_space<hbm>>) target(%dma_start3A_537 : memref<80xi32, #tpu.memory_space<vmem>>) target_semaphore(%dma_start3A_534 : memref<!tpu.dma_semaphore, #tpu.memory_space<semaphore_mem>>)
    %mul3A_540 = arith.constant 20000 : i32
    %mul3A_541 = arith.muli %arg1, %mul3A_540 : i32
    %add3A_542 = arith.constant 400 : i32
    %add3A_543 = arith.addi %mul3A_541, %add3A_542 : i32
    %dma_start3A_544 = arith.constant 5 : i32
    %dma_start3A_545 = arith.constant 5 : i32
    %dma_start3A_546 = arith.constant 0 : i32
    %dma_start3A_547 = tpu.memref_slice %arg7[%dma_start3A_544, %dma_start3A_546] : memref<16x80xi32, #tpu.memory_space<vmem>> -> memref<1x80xi32, #tpu.memory_space<vmem>>
    %dma_start3A_548 = tpu.memref_squeeze %dma_start3A_547 : memref<1x80xi32, #tpu.memory_space<vmem>> -> memref<80xi32, #tpu.memory_space<vmem>>
    %dma_start3A_549 = tpu.memref_slice %arg3[%add3A_367, %add3A_543] : memref<4x320000xi32, #tpu.memory_space<hbm>> -> memref<1x80xi32, #tpu.memory_space<hbm>>
    %dma_start3A_550 = tpu.memref_squeeze %dma_start3A_549 : memref<1x80xi32, #tpu.memory_space<hbm>> -> memref<80xi32, #tpu.memory_space<hbm>>
    %dma_start3A_551 = tpu.memref_slice %arg10[%dma_start3A_545] : memref<16x!tpu.dma_semaphore, #tpu.memory_space<semaphore_mem>> -> memref<1x!tpu.dma_semaphore, #tpu.memory_space<semaphore_mem>>
    %dma_start3A_552 = tpu.memref_squeeze %dma_start3A_551 : memref<1x!tpu.dma_semaphore, #tpu.memory_space<semaphore_mem>> -> memref<!tpu.dma_semaphore, #tpu.memory_space<semaphore_mem>>
    %dma_start3A_553 = arith.constant 0 : i32
    %dma_start3A_554 = tpu.memref_slice %arg7[%dma_start3A_544, %dma_start3A_553] : memref<16x80xi32, #tpu.memory_space<vmem>> -> memref<1x80xi32, #tpu.memory_space<vmem>>
    %dma_start3A_555 = tpu.memref_squeeze %dma_start3A_554 : memref<1x80xi32, #tpu.memory_space<vmem>> -> memref<80xi32, #tpu.memory_space<vmem>>
    %dma_start3A_556 = tpu.memref_slice %arg3[%add3A_367, %add3A_543] : memref<4x320000xi32, #tpu.memory_space<hbm>> -> memref<1x80xi32, #tpu.memory_space<hbm>>
    %dma_start3A_557 = tpu.memref_squeeze %dma_start3A_556 : memref<1x80xi32, #tpu.memory_space<hbm>> -> memref<80xi32, #tpu.memory_space<hbm>>
    tpu.enqueue_dma source(%dma_start3A_557 : memref<80xi32, #tpu.memory_space<hbm>>) target(%dma_start3A_555 : memref<80xi32, #tpu.memory_space<vmem>>) target_semaphore(%dma_start3A_552 : memref<!tpu.dma_semaphore, #tpu.memory_space<semaphore_mem>>)
    %dma_start3A_558 = arith.constant 1 : i32
    %dma_start3A_559 = arith.constant 5 : i32
    %dma_start3A_560 = arith.constant 5 : i32
    %dma_start3A_561 = arith.constant 0 : i32
    %dma_start3A_562 = tpu.memref_slice %arg8[%dma_start3A_559, %dma_start3A_561] : memref<16x80xi32, #tpu.memory_space<vmem>> -> memref<1x80xi32, #tpu.memory_space<vmem>>
    %dma_start3A_563 = tpu.memref_squeeze %dma_start3A_562 : memref<1x80xi32, #tpu.memory_space<vmem>> -> memref<80xi32, #tpu.memory_space<vmem>>
    %dma_start3A_564 = tpu.memref_slice %arg4[%add3A_367, %dma_start3A_558, %add3A_543] : memref<4x2x320000xi32, #tpu.memory_space<hbm>> -> memref<1x1x80xi32, #tpu.memory_space<hbm>>
    %dma_start3A_565 = tpu.memref_squeeze %dma_start3A_564 : memref<1x1x80xi32, #tpu.memory_space<hbm>> -> memref<80xi32, #tpu.memory_space<hbm>>
    %dma_start3A_566 = tpu.memref_slice %arg10[%dma_start3A_560] : memref<16x!tpu.dma_semaphore, #tpu.memory_space<semaphore_mem>> -> memref<1x!tpu.dma_semaphore, #tpu.memory_space<semaphore_mem>>
    %dma_start3A_567 = tpu.memref_squeeze %dma_start3A_566 : memref<1x!tpu.dma_semaphore, #tpu.memory_space<semaphore_mem>> -> memref<!tpu.dma_semaphore, #tpu.memory_space<semaphore_mem>>
    %dma_start3A_568 = arith.constant 0 : i32
    %dma_start3A_569 = tpu.memref_slice %arg8[%dma_start3A_559, %dma_start3A_568] : memref<16x80xi32, #tpu.memory_space<vmem>> -> memref<1x80xi32, #tpu.memory_space<vmem>>
    %dma_start3A_570 = tpu.memref_squeeze %dma_start3A_569 : memref<1x80xi32, #tpu.memory_space<vmem>> -> memref<80xi32, #tpu.memory_space<vmem>>
    %dma_start3A_571 = tpu.memref_slice %arg4[%add3A_367, %dma_start3A_558, %add3A_543] : memref<4x2x320000xi32, #tpu.memory_space<hbm>> -> memref<1x1x80xi32, #tpu.memory_space<hbm>>
    %dma_start3A_572 = tpu.memref_squeeze %dma_start3A_571 : memref<1x1x80xi32, #tpu.memory_space<hbm>> -> memref<80xi32, #tpu.memory_space<hbm>>
    tpu.enqueue_dma source(%dma_start3A_572 : memref<80xi32, #tpu.memory_space<hbm>>) target(%dma_start3A_570 : memref<80xi32, #tpu.memory_space<vmem>>) target_semaphore(%dma_start3A_567 : memref<!tpu.dma_semaphore, #tpu.memory_space<semaphore_mem>>)
    %barrier3A_573 = arith.constant 0 : index
    tpu.barrier barrier_id(%barrier3A_573)
    %scan3A_574 = arith.constant 0 : i32
    %scan3A_575 = arith.constant 250 : i32
    %scan3A_576 = arith.addi %scan3A_574, %scan3A_575 : i32
    %scan3A_577 = arith.constant 1 : i32
    scf.for %scan3A_734 = %scan3A_574 to %scan3A_576 step %scan3A_577  : i32 {
      %mul3A_735 = arith.constant 1 : i32
      %mul3A_736 = arith.muli %scan3A_734, %mul3A_735 : i32
      %add3A_737 = arith.constant 0 : i32
      %add3A_738 = arith.addi %add3A_737, %mul3A_736 : i32
      %rem3A = arith.constant 4 : i32
      %rem3A_739 = arith.remsi %add3A_738, %rem3A : i32
      %rem3A_740 = arith.constant 16 : i32
      %rem3A_741 = arith.remsi %add3A_738, %rem3A_740 : i32
      %ge3A = arith.constant 4 : i32
      %ge3A_742 = arith.cmpi sge, %add3A_738, %ge3A : i32
      %convert_element_type3A = arith.extui %ge3A_742 : i1 to i32
      %cond3A = arith.constant 0 : i32
      %cond3A_743 = arith.cmpi ne, %convert_element_type3A, %cond3A : i32
      scf.if %cond3A_743 {
        %add3A_797 = arith.constant 12 : i32
        %add3A_798 = arith.addi %add3A_738, %add3A_797 : i32
        %rem3A_799 = arith.constant 16 : i32
        %rem3A_800 = arith.remsi %add3A_798, %rem3A_799 : i32
        %dma_wait3A_801 = arith.constant 0 : i32
        %dma_wait3A_802 = arith.constant 0 : i32
        %dma_wait3A_803 = tpu.memref_slice %arg9[%rem3A_739, %dma_wait3A_801, %dma_wait3A_802] : memref<4x80x128xf32, #tpu.memory_space<vmem>> -> memref<1x80x128xf32, #tpu.memory_space<vmem>>
        %dma_wait3A_804 = tpu.memref_squeeze %dma_wait3A_803 : memref<1x80x128xf32, #tpu.memory_space<vmem>> -> memref<80x128xf32, #tpu.memory_space<vmem>>
        %dma_wait3A_805 = arith.constant 0 : i32
        %dma_wait3A_806 = tpu.memref_slice %arg8[%rem3A_800, %dma_wait3A_805] : memref<16x80xi32, #tpu.memory_space<vmem>> -> memref<1x80xi32, #tpu.memory_space<vmem>>
        %dma_wait3A_807 = tpu.memref_squeeze %dma_wait3A_806 : memref<1x80xi32, #tpu.memory_space<vmem>> -> memref<80xi32, #tpu.memory_space<vmem>>
        %dma_wait3A_808 = arith.constant 0 : i32
        %dma_wait3A_809 = arith.constant 0 : i32
        %dma_wait3A_810 = tpu.memref_slice %arg6[%dma_wait3A_808, %dma_wait3A_809] : memref<10000x128xf32, #tpu.memory_space<vmem_shared>> -> memref<10000x128xf32, #tpu.memory_space<vmem_shared>>
        %dma_wait3A_811 = tpu.memref_slice %arg12[%rem3A_739] : memref<4x!tpu.dma_semaphore, #tpu.memory_space<semaphore_mem>> -> memref<1x!tpu.dma_semaphore, #tpu.memory_space<semaphore_mem>>
        %dma_wait3A_812 = tpu.memref_squeeze %dma_wait3A_811 : memref<1x!tpu.dma_semaphore, #tpu.memory_space<semaphore_mem>> -> memref<!tpu.dma_semaphore, #tpu.memory_space<semaphore_mem>>
        tpu.wait_indirect_dma semaphore(%dma_wait3A_812 : memref<!tpu.dma_semaphore, #tpu.memory_space<semaphore_mem>>) src(%dma_wait3A_804 : memref<80x128xf32, #tpu.memory_space<vmem>>) dst(%dma_wait3A_810 : memref<10000x128xf32, #tpu.memory_space<vmem_shared>>)
      } else {
      }
      %mul3A_744 = arith.constant 20000 : i32
      %mul3A_745 = arith.muli %arg1, %mul3A_744 : i32
      %mul3A_746 = arith.constant 80 : i32
      %mul3A_747 = arith.muli %add3A_738, %mul3A_746 : i32
      %add3A_748 = arith.addi %mul3A_745, %mul3A_747 : i32
      %dma_wait3A_749 = arith.constant 0 : i32
      %dma_wait3A_750 = tpu.memref_slice %arg7[%rem3A_741, %dma_wait3A_749] : memref<16x80xi32, #tpu.memory_space<vmem>> -> memref<1x80xi32, #tpu.memory_space<vmem>>
      %dma_wait3A_751 = tpu.memref_squeeze %dma_wait3A_750 : memref<1x80xi32, #tpu.memory_space<vmem>> -> memref<80xi32, #tpu.memory_space<vmem>>
      %dma_wait3A_752 = tpu.memref_slice %arg3[%add3A_367, %add3A_748] : memref<4x320000xi32, #tpu.memory_space<hbm>> -> memref<1x80xi32, #tpu.memory_space<hbm>>
      %dma_wait3A_753 = tpu.memref_squeeze %dma_wait3A_752 : memref<1x80xi32, #tpu.memory_space<hbm>> -> memref<80xi32, #tpu.memory_space<hbm>>
      %dma_wait3A_754 = tpu.memref_slice %arg10[%rem3A_741] : memref<16x!tpu.dma_semaphore, #tpu.memory_space<semaphore_mem>> -> memref<1x!tpu.dma_semaphore, #tpu.memory_space<semaphore_mem>>
      %dma_wait3A_755 = tpu.memref_squeeze %dma_wait3A_754 : memref<1x!tpu.dma_semaphore, #tpu.memory_space<semaphore_mem>> -> memref<!tpu.dma_semaphore, #tpu.memory_space<semaphore_mem>>
      %dma_wait3A_756 = arith.constant 0 : i32
      %dma_wait3A_757 = tpu.memref_slice %arg7[%rem3A_741, %dma_wait3A_756] : memref<16x80xi32, #tpu.memory_space<vmem>> -> memref<1x80xi32, #tpu.memory_space<vmem>>
      %dma_wait3A_758 = tpu.memref_squeeze %dma_wait3A_757 : memref<1x80xi32, #tpu.memory_space<vmem>> -> memref<80xi32, #tpu.memory_space<vmem>>
      %dma_wait3A_759 = tpu.memref_slice %arg3[%add3A_367, %add3A_748] : memref<4x320000xi32, #tpu.memory_space<hbm>> -> memref<1x80xi32, #tpu.memory_space<hbm>>
      %dma_wait3A_760 = tpu.memref_squeeze %dma_wait3A_759 : memref<1x80xi32, #tpu.memory_space<hbm>> -> memref<80xi32, #tpu.memory_space<hbm>>
      tpu.wait_dma2 semaphore(%dma_wait3A_755 : memref<!tpu.dma_semaphore, #tpu.memory_space<semaphore_mem>>) src(%dma_wait3A_760 : memref<80xi32, #tpu.memory_space<hbm>>) dst(%dma_wait3A_758 : memref<80xi32, #tpu.memory_space<vmem>>)
      %dma_wait3A_761 = arith.constant 1 : i32
      %dma_wait3A_762 = arith.constant 0 : i32
      %dma_wait3A_763 = tpu.memref_slice %arg8[%rem3A_741, %dma_wait3A_762] : memref<16x80xi32, #tpu.memory_space<vmem>> -> memref<1x80xi32, #tpu.memory_space<vmem>>
      %dma_wait3A_764 = tpu.memref_squeeze %dma_wait3A_763 : memref<1x80xi32, #tpu.memory_space<vmem>> -> memref<80xi32, #tpu.memory_space<vmem>>
      %dma_wait3A_765 = tpu.memref_slice %arg4[%add3A_367, %dma_wait3A_761, %add3A_748] : memref<4x2x320000xi32, #tpu.memory_space<hbm>> -> memref<1x1x80xi32, #tpu.memory_space<hbm>>
      %dma_wait3A_766 = tpu.memref_squeeze %dma_wait3A_765 : memref<1x1x80xi32, #tpu.memory_space<hbm>> -> memref<80xi32, #tpu.memory_space<hbm>>
      %dma_wait3A_767 = tpu.memref_slice %arg10[%rem3A_741] : memref<16x!tpu.dma_semaphore, #tpu.memory_space<semaphore_mem>> -> memref<1x!tpu.dma_semaphore, #tpu.memory_space<semaphore_mem>>
      %dma_wait3A_768 = tpu.memref_squeeze %dma_wait3A_767 : memref<1x!tpu.dma_semaphore, #tpu.memory_space<semaphore_mem>> -> memref<!tpu.dma_semaphore, #tpu.memory_space<semaphore_mem>>
      %dma_wait3A_769 = arith.constant 0 : i32
      %dma_wait3A_770 = tpu.memref_slice %arg8[%rem3A_741, %dma_wait3A_769] : memref<16x80xi32, #tpu.memory_space<vmem>> -> memref<1x80xi32, #tpu.memory_space<vmem>>
      %dma_wait3A_771 = tpu.memref_squeeze %dma_wait3A_770 : memref<1x80xi32, #tpu.memory_space<vmem>> -> memref<80xi32, #tpu.memory_space<vmem>>
      %dma_wait3A_772 = tpu.memref_slice %arg4[%add3A_367, %dma_wait3A_761, %add3A_748] : memref<4x2x320000xi32, #tpu.memory_space<hbm>> -> memref<1x1x80xi32, #tpu.memory_space<hbm>>
      %dma_wait3A_773 = tpu.memref_squeeze %dma_wait3A_772 : memref<1x1x80xi32, #tpu.memory_space<hbm>> -> memref<80xi32, #tpu.memory_space<hbm>>
      tpu.wait_dma2 semaphore(%dma_wait3A_768 : memref<!tpu.dma_semaphore, #tpu.memory_space<semaphore_mem>>) src(%dma_wait3A_773 : memref<80xi32, #tpu.memory_space<hbm>>) dst(%dma_wait3A_771 : memref<80xi32, #tpu.memory_space<vmem>>)
      %dma_start3A_774 = arith.constant 0 : i32
      %dma_start3A_775 = arith.constant 0 : i32
      %dma_start3A_776 = tpu.memref_slice %arg9[%rem3A_739, %dma_start3A_774, %dma_start3A_775] : memref<4x80x128xf32, #tpu.memory_space<vmem>> -> memref<1x80x128xf32, #tpu.memory_space<vmem>>
      %dma_start3A_777 = tpu.memref_squeeze %dma_start3A_776 : memref<1x80x128xf32, #tpu.memory_space<vmem>> -> memref<80x128xf32, #tpu.memory_space<vmem>>
      %dma_start3A_778 = arith.constant 0 : i32
      %dma_start3A_779 = tpu.memref_slice %arg7[%rem3A_741, %dma_start3A_778] : memref<16x80xi32, #tpu.memory_space<vmem>> -> memref<1x80xi32, #tpu.memory_space<vmem>>
      %dma_start3A_780 = tpu.memref_squeeze %dma_start3A_779 : memref<1x80xi32, #tpu.memory_space<vmem>> -> memref<80xi32, #tpu.memory_space<vmem>>
      %dma_start3A_781 = arith.constant 0 : i32
      %dma_start3A_782 = arith.constant 0 : i32
      %dma_start3A_783 = tpu.memref_slice %arg2[%dma_start3A_781, %dma_start3A_782] : memref<40000x128xf32, #tpu.memory_space<hbm>> -> memref<40000x128xf32, #tpu.memory_space<hbm>>
      %dma_start3A_784 = tpu.memref_slice %arg11[%rem3A_739] : memref<4x!tpu.dma_semaphore, #tpu.memory_space<semaphore_mem>> -> memref<1x!tpu.dma_semaphore, #tpu.memory_space<semaphore_mem>>
      %dma_start3A_785 = tpu.memref_squeeze %dma_start3A_784 : memref<1x!tpu.dma_semaphore, #tpu.memory_space<semaphore_mem>> -> memref<!tpu.dma_semaphore, #tpu.memory_space<semaphore_mem>>
      tpu.enqueue_indirect_dma source(%dma_start3A_783 : memref<40000x128xf32, #tpu.memory_space<hbm>>) target(%dma_start3A_777 : memref<80x128xf32, #tpu.memory_space<vmem>>) offsets(%dma_start3A_780 : memref<80xi32, #tpu.memory_space<vmem>>) semaphore(%dma_start3A_785 : memref<!tpu.dma_semaphore, #tpu.memory_space<semaphore_mem>>)
      %add3A_786 = arith.constant 6 : i32
      %add3A_787 = arith.addi %add3A_738, %add3A_786 : i32
      %lt3A = arith.constant 250 : i32
      %lt3A_788 = arith.cmpi slt, %add3A_787, %lt3A : i32
      %convert_element_type3A_789 = arith.extui %lt3A_788 : i1 to i32
      %cond3A_790 = arith.constant 0 : i32
      %cond3A_791 = arith.cmpi ne, %convert_element_type3A_789, %cond3A_790 : i32
      scf.if %cond3A_791 {
        %add3A_797 = arith.constant 6 : i32
        %add3A_798 = arith.addi %add3A_738, %add3A_797 : i32
        %add3A_799 = arith.constant 6 : i32
        %add3A_800 = arith.addi %add3A_738, %add3A_799 : i32
        %rem3A_801 = arith.constant 16 : i32
        %rem3A_802 = arith.remsi %add3A_800, %rem3A_801 : i32
        %mul3A_803 = arith.constant 20000 : i32
        %mul3A_804 = arith.muli %arg1, %mul3A_803 : i32
        %mul3A_805 = arith.constant 80 : i32
        %mul3A_806 = arith.muli %add3A_798, %mul3A_805 : i32
        %add3A_807 = arith.addi %mul3A_804, %mul3A_806 : i32
        %dma_start3A_808 = arith.constant 0 : i32
        %dma_start3A_809 = tpu.memref_slice %arg7[%rem3A_802, %dma_start3A_808] : memref<16x80xi32, #tpu.memory_space<vmem>> -> memref<1x80xi32, #tpu.memory_space<vmem>>
        %dma_start3A_810 = tpu.memref_squeeze %dma_start3A_809 : memref<1x80xi32, #tpu.memory_space<vmem>> -> memref<80xi32, #tpu.memory_space<vmem>>
        %dma_start3A_811 = tpu.memref_slice %arg3[%add3A_367, %add3A_807] : memref<4x320000xi32, #tpu.memory_space<hbm>> -> memref<1x80xi32, #tpu.memory_space<hbm>>
        %dma_start3A_812 = tpu.memref_squeeze %dma_start3A_811 : memref<1x80xi32, #tpu.memory_space<hbm>> -> memref<80xi32, #tpu.memory_space<hbm>>
        %dma_start3A_813 = tpu.memref_slice %arg10[%rem3A_802] : memref<16x!tpu.dma_semaphore, #tpu.memory_space<semaphore_mem>> -> memref<1x!tpu.dma_semaphore, #tpu.memory_space<semaphore_mem>>
        %dma_start3A_814 = tpu.memref_squeeze %dma_start3A_813 : memref<1x!tpu.dma_semaphore, #tpu.memory_space<semaphore_mem>> -> memref<!tpu.dma_semaphore, #tpu.memory_space<semaphore_mem>>
        %dma_start3A_815 = arith.constant 0 : i32
        %dma_start3A_816 = tpu.memref_slice %arg7[%rem3A_802, %dma_start3A_815] : memref<16x80xi32, #tpu.memory_space<vmem>> -> memref<1x80xi32, #tpu.memory_space<vmem>>
        %dma_start3A_817 = tpu.memref_squeeze %dma_start3A_816 : memref<1x80xi32, #tpu.memory_space<vmem>> -> memref<80xi32, #tpu.memory_space<vmem>>
        %dma_start3A_818 = tpu.memref_slice %arg3[%add3A_367, %add3A_807] : memref<4x320000xi32, #tpu.memory_space<hbm>> -> memref<1x80xi32, #tpu.memory_space<hbm>>
        %dma_start3A_819 = tpu.memref_squeeze %dma_start3A_818 : memref<1x80xi32, #tpu.memory_space<hbm>> -> memref<80xi32, #tpu.memory_space<hbm>>
        tpu.enqueue_dma source(%dma_start3A_819 : memref<80xi32, #tpu.memory_space<hbm>>) target(%dma_start3A_817 : memref<80xi32, #tpu.memory_space<vmem>>) target_semaphore(%dma_start3A_814 : memref<!tpu.dma_semaphore, #tpu.memory_space<semaphore_mem>>)
        %dma_start3A_820 = arith.constant 1 : i32
        %dma_start3A_821 = arith.constant 0 : i32
        %dma_start3A_822 = tpu.memref_slice %arg8[%rem3A_802, %dma_start3A_821] : memref<16x80xi32, #tpu.memory_space<vmem>> -> memref<1x80xi32, #tpu.memory_space<vmem>>
        %dma_start3A_823 = tpu.memref_squeeze %dma_start3A_822 : memref<1x80xi32, #tpu.memory_space<vmem>> -> memref<80xi32, #tpu.memory_space<vmem>>
        %dma_start3A_824 = tpu.memref_slice %arg4[%add3A_367, %dma_start3A_820, %add3A_807] : memref<4x2x320000xi32, #tpu.memory_space<hbm>> -> memref<1x1x80xi32, #tpu.memory_space<hbm>>
        %dma_start3A_825 = tpu.memref_squeeze %dma_start3A_824 : memref<1x1x80xi32, #tpu.memory_space<hbm>> -> memref<80xi32, #tpu.memory_space<hbm>>
        %dma_start3A_826 = tpu.memref_slice %arg10[%rem3A_802] : memref<16x!tpu.dma_semaphore, #tpu.memory_space<semaphore_mem>> -> memref<1x!tpu.dma_semaphore, #tpu.memory_space<semaphore_mem>>
        %dma_start3A_827 = tpu.memref_squeeze %dma_start3A_826 : memref<1x!tpu.dma_semaphore, #tpu.memory_space<semaphore_mem>> -> memref<!tpu.dma_semaphore, #tpu.memory_space<semaphore_mem>>
        %dma_start3A_828 = arith.constant 0 : i32
        %dma_start3A_829 = tpu.memref_slice %arg8[%rem3A_802, %dma_start3A_828] : memref<16x80xi32, #tpu.memory_space<vmem>> -> memref<1x80xi32, #tpu.memory_space<vmem>>
        %dma_start3A_830 = tpu.memref_squeeze %dma_start3A_829 : memref<1x80xi32, #tpu.memory_space<vmem>> -> memref<80xi32, #tpu.memory_space<vmem>>
        %dma_start3A_831 = tpu.memref_slice %arg4[%add3A_367, %dma_start3A_820, %add3A_807] : memref<4x2x320000xi32, #tpu.memory_space<hbm>> -> memref<1x1x80xi32, #tpu.memory_space<hbm>>
        %dma_start3A_832 = tpu.memref_squeeze %dma_start3A_831 : memref<1x1x80xi32, #tpu.memory_space<hbm>> -> memref<80xi32, #tpu.memory_space<hbm>>
        tpu.enqueue_dma source(%dma_start3A_832 : memref<80xi32, #tpu.memory_space<hbm>>) target(%dma_start3A_830 : memref<80xi32, #tpu.memory_space<vmem>>) target_semaphore(%dma_start3A_827 : memref<!tpu.dma_semaphore, #tpu.memory_space<semaphore_mem>>)
      } else {
      }
      %ge3A_792 = arith.constant 3 : i32
      %ge3A_793 = arith.cmpi sge, %add3A_738, %ge3A_792 : i32
      %convert_element_type3A_794 = arith.extui %ge3A_793 : i1 to i32
      %cond3A_795 = arith.constant 0 : i32
      %cond3A_796 = arith.cmpi ne, %convert_element_type3A_794, %cond3A_795 : i32
      scf.if %cond3A_796 {
        %add3A_797 = arith.constant 1 : i32
        %add3A_798 = arith.addi %add3A_738, %add3A_797 : i32
        %rem3A_799 = arith.constant 4 : i32
        %rem3A_800 = arith.remsi %add3A_798, %rem3A_799 : i32
        %add3A_801 = arith.constant 13 : i32
        %add3A_802 = arith.addi %add3A_738, %add3A_801 : i32
        %rem3A_803 = arith.constant 16 : i32
        %rem3A_804 = arith.remsi %add3A_802, %rem3A_803 : i32
        %dma_wait3A_805 = arith.constant 0 : i32
        %dma_wait3A_806 = arith.constant 0 : i32
        %dma_wait3A_807 = tpu.memref_slice %arg9[%rem3A_800, %dma_wait3A_805, %dma_wait3A_806] : memref<4x80x128xf32, #tpu.memory_space<vmem>> -> memref<1x80x128xf32, #tpu.memory_space<vmem>>
        %dma_wait3A_808 = tpu.memref_squeeze %dma_wait3A_807 : memref<1x80x128xf32, #tpu.memory_space<vmem>> -> memref<80x128xf32, #tpu.memory_space<vmem>>
        %dma_wait3A_809 = arith.constant 0 : i32
        %dma_wait3A_810 = tpu.memref_slice %arg7[%rem3A_804, %dma_wait3A_809] : memref<16x80xi32, #tpu.memory_space<vmem>> -> memref<1x80xi32, #tpu.memory_space<vmem>>
        %dma_wait3A_811 = tpu.memref_squeeze %dma_wait3A_810 : memref<1x80xi32, #tpu.memory_space<vmem>> -> memref<80xi32, #tpu.memory_space<vmem>>
        %dma_wait3A_812 = arith.constant 0 : i32
        %dma_wait3A_813 = arith.constant 0 : i32
        %dma_wait3A_814 = tpu.memref_slice %arg2[%dma_wait3A_812, %dma_wait3A_813] : memref<40000x128xf32, #tpu.memory_space<hbm>> -> memref<40000x128xf32, #tpu.memory_space<hbm>>
        %dma_wait3A_815 = tpu.memref_slice %arg11[%rem3A_800] : memref<4x!tpu.dma_semaphore, #tpu.memory_space<semaphore_mem>> -> memref<1x!tpu.dma_semaphore, #tpu.memory_space<semaphore_mem>>
        %dma_wait3A_816 = tpu.memref_squeeze %dma_wait3A_815 : memref<1x!tpu.dma_semaphore, #tpu.memory_space<semaphore_mem>> -> memref<!tpu.dma_semaphore, #tpu.memory_space<semaphore_mem>>
        tpu.wait_indirect_dma semaphore(%dma_wait3A_816 : memref<!tpu.dma_semaphore, #tpu.memory_space<semaphore_mem>>) src(%dma_wait3A_814 : memref<40000x128xf32, #tpu.memory_space<hbm>>) dst(%dma_wait3A_808 : memref<80x128xf32, #tpu.memory_space<vmem>>)
        %dma_start3A_817 = arith.constant 0 : i32
        %dma_start3A_818 = arith.constant 0 : i32
        %dma_start3A_819 = tpu.memref_slice %arg9[%rem3A_800, %dma_start3A_817, %dma_start3A_818] : memref<4x80x128xf32, #tpu.memory_space<vmem>> -> memref<1x80x128xf32, #tpu.memory_space<vmem>>
        %dma_start3A_820 = tpu.memref_squeeze %dma_start3A_819 : memref<1x80x128xf32, #tpu.memory_space<vmem>> -> memref<80x128xf32, #tpu.memory_space<vmem>>
        %dma_start3A_821 = arith.constant 0 : i32
        %dma_start3A_822 = tpu.memref_slice %arg8[%rem3A_804, %dma_start3A_821] : memref<16x80xi32, #tpu.memory_space<vmem>> -> memref<1x80xi32, #tpu.memory_space<vmem>>
        %dma_start3A_823 = tpu.memref_squeeze %dma_start3A_822 : memref<1x80xi32, #tpu.memory_space<vmem>> -> memref<80xi32, #tpu.memory_space<vmem>>
        %dma_start3A_824 = arith.constant 0 : i32
        %dma_start3A_825 = arith.constant 0 : i32
        %dma_start3A_826 = tpu.memref_slice %arg6[%dma_start3A_824, %dma_start3A_825] : memref<10000x128xf32, #tpu.memory_space<vmem_shared>> -> memref<10000x128xf32, #tpu.memory_space<vmem_shared>>
        %dma_start3A_827 = tpu.memref_slice %arg12[%rem3A_800] : memref<4x!tpu.dma_semaphore, #tpu.memory_space<semaphore_mem>> -> memref<1x!tpu.dma_semaphore, #tpu.memory_space<semaphore_mem>>
        %dma_start3A_828 = tpu.memref_squeeze %dma_start3A_827 : memref<1x!tpu.dma_semaphore, #tpu.memory_space<semaphore_mem>> -> memref<!tpu.dma_semaphore, #tpu.memory_space<semaphore_mem>>
        tpu.enqueue_indirect_dma source(%dma_start3A_820 : memref<80x128xf32, #tpu.memory_space<vmem>>) target(%dma_start3A_826 : memref<10000x128xf32, #tpu.memory_space<vmem_shared>>) offsets(%dma_start3A_823 : memref<80xi32, #tpu.memory_space<vmem>>) semaphore(%dma_start3A_828 : memref<!tpu.dma_semaphore, #tpu.memory_space<semaphore_mem>>) {add = true}
      } else {
      }
    }
    %scan3A_578 = arith.constant 250 : i32
    %dma_wait3A_579 = arith.constant 7 : i32
    %dma_wait3A_580 = arith.constant 3 : i32
    %dma_wait3A_581 = arith.constant 3 : i32
    %dma_wait3A_582 = arith.constant 0 : i32
    %dma_wait3A_583 = arith.constant 0 : i32
    %dma_wait3A_584 = tpu.memref_slice %arg9[%dma_wait3A_580, %dma_wait3A_582, %dma_wait3A_583] : memref<4x80x128xf32, #tpu.memory_space<vmem>> -> memref<1x80x128xf32, #tpu.memory_space<vmem>>
    %dma_wait3A_585 = tpu.memref_squeeze %dma_wait3A_584 : memref<1x80x128xf32, #tpu.memory_space<vmem>> -> memref<80x128xf32, #tpu.memory_space<vmem>>
    %dma_wait3A_586 = arith.constant 0 : i32
    %dma_wait3A_587 = tpu.memref_slice %arg7[%dma_wait3A_579, %dma_wait3A_586] : memref<16x80xi32, #tpu.memory_space<vmem>> -> memref<1x80xi32, #tpu.memory_space<vmem>>
    %dma_wait3A_588 = tpu.memref_squeeze %dma_wait3A_587 : memref<1x80xi32, #tpu.memory_space<vmem>> -> memref<80xi32, #tpu.memory_space<vmem>>
    %dma_wait3A_589 = arith.constant 0 : i32
    %dma_wait3A_590 = arith.constant 0 : i32
    %dma_wait3A_591 = tpu.memref_slice %arg2[%dma_wait3A_589, %dma_wait3A_590] : memref<40000x128xf32, #tpu.memory_space<hbm>> -> memref<40000x128xf32, #tpu.memory_space<hbm>>
    %dma_wait3A_592 = tpu.memref_slice %arg11[%dma_wait3A_581] : memref<4x!tpu.dma_semaphore, #tpu.memory_space<semaphore_mem>> -> memref<1x!tpu.dma_semaphore, #tpu.memory_space<semaphore_mem>>
    %dma_wait3A_593 = tpu.memref_squeeze %dma_wait3A_592 : memref<1x!tpu.dma_semaphore, #tpu.memory_space<semaphore_mem>> -> memref<!tpu.dma_semaphore, #tpu.memory_space<semaphore_mem>>
    tpu.wait_indirect_dma semaphore(%dma_wait3A_593 : memref<!tpu.dma_semaphore, #tpu.memory_space<semaphore_mem>>) src(%dma_wait3A_591 : memref<40000x128xf32, #tpu.memory_space<hbm>>) dst(%dma_wait3A_585 : memref<80x128xf32, #tpu.memory_space<vmem>>)
    %dma_start3A_594 = arith.constant 3 : i32
    %dma_start3A_595 = arith.constant 7 : i32
    %dma_start3A_596 = arith.constant 3 : i32
    %dma_start3A_597 = arith.constant 0 : i32
    %dma_start3A_598 = arith.constant 0 : i32
    %dma_start3A_599 = tpu.memref_slice %arg9[%dma_start3A_594, %dma_start3A_597, %dma_start3A_598] : memref<4x80x128xf32, #tpu.memory_space<vmem>> -> memref<1x80x128xf32, #tpu.memory_space<vmem>>
    %dma_start3A_600 = tpu.memref_squeeze %dma_start3A_599 : memref<1x80x128xf32, #tpu.memory_space<vmem>> -> memref<80x128xf32, #tpu.memory_space<vmem>>
    %dma_start3A_601 = arith.constant 0 : i32
    %dma_start3A_602 = tpu.memref_slice %arg8[%dma_start3A_595, %dma_start3A_601] : memref<16x80xi32, #tpu.memory_space<vmem>> -> memref<1x80xi32, #tpu.memory_space<vmem>>
    %dma_start3A_603 = tpu.memref_squeeze %dma_start3A_602 : memref<1x80xi32, #tpu.memory_space<vmem>> -> memref<80xi32, #tpu.memory_space<vmem>>
    %dma_start3A_604 = arith.constant 0 : i32
    %dma_start3A_605 = arith.constant 0 : i32
    %dma_start3A_606 = tpu.memref_slice %arg6[%dma_start3A_604, %dma_start3A_605] : memref<10000x128xf32, #tpu.memory_space<vmem_shared>> -> memref<10000x128xf32, #tpu.memory_space<vmem_shared>>
    %dma_start3A_607 = tpu.memref_slice %arg12[%dma_start3A_596] : memref<4x!tpu.dma_semaphore, #tpu.memory_space<semaphore_mem>> -> memref<1x!tpu.dma_semaphore, #tpu.memory_space<semaphore_mem>>
    %dma_start3A_608 = tpu.memref_squeeze %dma_start3A_607 : memref<1x!tpu.dma_semaphore, #tpu.memory_space<semaphore_mem>> -> memref<!tpu.dma_semaphore, #tpu.memory_space<semaphore_mem>>
    tpu.enqueue_indirect_dma source(%dma_start3A_600 : memref<80x128xf32, #tpu.memory_space<vmem>>) target(%dma_start3A_606 : memref<10000x128xf32, #tpu.memory_space<vmem_shared>>) offsets(%dma_start3A_603 : memref<80xi32, #tpu.memory_space<vmem>>) semaphore(%dma_start3A_608 : memref<!tpu.dma_semaphore, #tpu.memory_space<semaphore_mem>>) {add = true}
    %dma_wait3A_609 = arith.constant 8 : i32
    %dma_wait3A_610 = arith.constant 0 : i32
    %dma_wait3A_611 = arith.constant 0 : i32
    %dma_wait3A_612 = arith.constant 0 : i32
    %dma_wait3A_613 = arith.constant 0 : i32
    %dma_wait3A_614 = tpu.memref_slice %arg9[%dma_wait3A_610, %dma_wait3A_612, %dma_wait3A_613] : memref<4x80x128xf32, #tpu.memory_space<vmem>> -> memref<1x80x128xf32, #tpu.memory_space<vmem>>
    %dma_wait3A_615 = tpu.memref_squeeze %dma_wait3A_614 : memref<1x80x128xf32, #tpu.memory_space<vmem>> -> memref<80x128xf32, #tpu.memory_space<vmem>>
    %dma_wait3A_616 = arith.constant 0 : i32
    %dma_wait3A_617 = tpu.memref_slice %arg7[%dma_wait3A_609, %dma_wait3A_616] : memref<16x80xi32, #tpu.memory_space<vmem>> -> memref<1x80xi32, #tpu.memory_space<vmem>>
    %dma_wait3A_618 = tpu.memref_squeeze %dma_wait3A_617 : memref<1x80xi32, #tpu.memory_space<vmem>> -> memref<80xi32, #tpu.memory_space<vmem>>
    %dma_wait3A_619 = arith.constant 0 : i32
    %dma_wait3A_620 = arith.constant 0 : i32
    %dma_wait3A_621 = tpu.memref_slice %arg2[%dma_wait3A_619, %dma_wait3A_620] : memref<40000x128xf32, #tpu.memory_space<hbm>> -> memref<40000x128xf32, #tpu.memory_space<hbm>>
    %dma_wait3A_622 = tpu.memref_slice %arg11[%dma_wait3A_611] : memref<4x!tpu.dma_semaphore, #tpu.memory_space<semaphore_mem>> -> memref<1x!tpu.dma_semaphore, #tpu.memory_space<semaphore_mem>>
    %dma_wait3A_623 = tpu.memref_squeeze %dma_wait3A_622 : memref<1x!tpu.dma_semaphore, #tpu.memory_space<semaphore_mem>> -> memref<!tpu.dma_semaphore, #tpu.memory_space<semaphore_mem>>
    tpu.wait_indirect_dma semaphore(%dma_wait3A_623 : memref<!tpu.dma_semaphore, #tpu.memory_space<semaphore_mem>>) src(%dma_wait3A_621 : memref<40000x128xf32, #tpu.memory_space<hbm>>) dst(%dma_wait3A_615 : memref<80x128xf32, #tpu.memory_space<vmem>>)
    %dma_start3A_624 = arith.constant 0 : i32
    %dma_start3A_625 = arith.constant 8 : i32
    %dma_start3A_626 = arith.constant 0 : i32
    %dma_start3A_627 = arith.constant 0 : i32
    %dma_start3A_628 = arith.constant 0 : i32
    %dma_start3A_629 = tpu.memref_slice %arg9[%dma_start3A_624, %dma_start3A_627, %dma_start3A_628] : memref<4x80x128xf32, #tpu.memory_space<vmem>> -> memref<1x80x128xf32, #tpu.memory_space<vmem>>
    %dma_start3A_630 = tpu.memref_squeeze %dma_start3A_629 : memref<1x80x128xf32, #tpu.memory_space<vmem>> -> memref<80x128xf32, #tpu.memory_space<vmem>>
    %dma_start3A_631 = arith.constant 0 : i32
    %dma_start3A_632 = tpu.memref_slice %arg8[%dma_start3A_625, %dma_start3A_631] : memref<16x80xi32, #tpu.memory_space<vmem>> -> memref<1x80xi32, #tpu.memory_space<vmem>>
    %dma_start3A_633 = tpu.memref_squeeze %dma_start3A_632 : memref<1x80xi32, #tpu.memory_space<vmem>> -> memref<80xi32, #tpu.memory_space<vmem>>
    %dma_start3A_634 = arith.constant 0 : i32
    %dma_start3A_635 = arith.constant 0 : i32
    %dma_start3A_636 = tpu.memref_slice %arg6[%dma_start3A_634, %dma_start3A_635] : memref<10000x128xf32, #tpu.memory_space<vmem_shared>> -> memref<10000x128xf32, #tpu.memory_space<vmem_shared>>
    %dma_start3A_637 = tpu.memref_slice %arg12[%dma_start3A_626] : memref<4x!tpu.dma_semaphore, #tpu.memory_space<semaphore_mem>> -> memref<1x!tpu.dma_semaphore, #tpu.memory_space<semaphore_mem>>
    %dma_start3A_638 = tpu.memref_squeeze %dma_start3A_637 : memref<1x!tpu.dma_semaphore, #tpu.memory_space<semaphore_mem>> -> memref<!tpu.dma_semaphore, #tpu.memory_space<semaphore_mem>>
    tpu.enqueue_indirect_dma source(%dma_start3A_630 : memref<80x128xf32, #tpu.memory_space<vmem>>) target(%dma_start3A_636 : memref<10000x128xf32, #tpu.memory_space<vmem_shared>>) offsets(%dma_start3A_633 : memref<80xi32, #tpu.memory_space<vmem>>) semaphore(%dma_start3A_638 : memref<!tpu.dma_semaphore, #tpu.memory_space<semaphore_mem>>) {add = true}
    %dma_wait3A_639 = arith.constant 9 : i32
    %dma_wait3A_640 = arith.constant 1 : i32
    %dma_wait3A_641 = arith.constant 1 : i32
    %dma_wait3A_642 = arith.constant 0 : i32
    %dma_wait3A_643 = arith.constant 0 : i32
    %dma_wait3A_644 = tpu.memref_slice %arg9[%dma_wait3A_640, %dma_wait3A_642, %dma_wait3A_643] : memref<4x80x128xf32, #tpu.memory_space<vmem>> -> memref<1x80x128xf32, #tpu.memory_space<vmem>>
    %dma_wait3A_645 = tpu.memref_squeeze %dma_wait3A_644 : memref<1x80x128xf32, #tpu.memory_space<vmem>> -> memref<80x128xf32, #tpu.memory_space<vmem>>
    %dma_wait3A_646 = arith.constant 0 : i32
    %dma_wait3A_647 = tpu.memref_slice %arg7[%dma_wait3A_639, %dma_wait3A_646] : memref<16x80xi32, #tpu.memory_space<vmem>> -> memref<1x80xi32, #tpu.memory_space<vmem>>
    %dma_wait3A_648 = tpu.memref_squeeze %dma_wait3A_647 : memref<1x80xi32, #tpu.memory_space<vmem>> -> memref<80xi32, #tpu.memory_space<vmem>>
    %dma_wait3A_649 = arith.constant 0 : i32
    %dma_wait3A_650 = arith.constant 0 : i32
    %dma_wait3A_651 = tpu.memref_slice %arg2[%dma_wait3A_649, %dma_wait3A_650] : memref<40000x128xf32, #tpu.memory_space<hbm>> -> memref<40000x128xf32, #tpu.memory_space<hbm>>
    %dma_wait3A_652 = tpu.memref_slice %arg11[%dma_wait3A_641] : memref<4x!tpu.dma_semaphore, #tpu.memory_space<semaphore_mem>> -> memref<1x!tpu.dma_semaphore, #tpu.memory_space<semaphore_mem>>
    %dma_wait3A_653 = tpu.memref_squeeze %dma_wait3A_652 : memref<1x!tpu.dma_semaphore, #tpu.memory_space<semaphore_mem>> -> memref<!tpu.dma_semaphore, #tpu.memory_space<semaphore_mem>>
    tpu.wait_indirect_dma semaphore(%dma_wait3A_653 : memref<!tpu.dma_semaphore, #tpu.memory_space<semaphore_mem>>) src(%dma_wait3A_651 : memref<40000x128xf32, #tpu.memory_space<hbm>>) dst(%dma_wait3A_645 : memref<80x128xf32, #tpu.memory_space<vmem>>)
    %dma_start3A_654 = arith.constant 1 : i32
    %dma_start3A_655 = arith.constant 9 : i32
    %dma_start3A_656 = arith.constant 1 : i32
    %dma_start3A_657 = arith.constant 0 : i32
    %dma_start3A_658 = arith.constant 0 : i32
    %dma_start3A_659 = tpu.memref_slice %arg9[%dma_start3A_654, %dma_start3A_657, %dma_start3A_658] : memref<4x80x128xf32, #tpu.memory_space<vmem>> -> memref<1x80x128xf32, #tpu.memory_space<vmem>>
    %dma_start3A_660 = tpu.memref_squeeze %dma_start3A_659 : memref<1x80x128xf32, #tpu.memory_space<vmem>> -> memref<80x128xf32, #tpu.memory_space<vmem>>
    %dma_start3A_661 = arith.constant 0 : i32
    %dma_start3A_662 = tpu.memref_slice %arg8[%dma_start3A_655, %dma_start3A_661] : memref<16x80xi32, #tpu.memory_space<vmem>> -> memref<1x80xi32, #tpu.memory_space<vmem>>
    %dma_start3A_663 = tpu.memref_squeeze %dma_start3A_662 : memref<1x80xi32, #tpu.memory_space<vmem>> -> memref<80xi32, #tpu.memory_space<vmem>>
    %dma_start3A_664 = arith.constant 0 : i32
    %dma_start3A_665 = arith.constant 0 : i32
    %dma_start3A_666 = tpu.memref_slice %arg6[%dma_start3A_664, %dma_start3A_665] : memref<10000x128xf32, #tpu.memory_space<vmem_shared>> -> memref<10000x128xf32, #tpu.memory_space<vmem_shared>>
    %dma_start3A_667 = tpu.memref_slice %arg12[%dma_start3A_656] : memref<4x!tpu.dma_semaphore, #tpu.memory_space<semaphore_mem>> -> memref<1x!tpu.dma_semaphore, #tpu.memory_space<semaphore_mem>>
    %dma_start3A_668 = tpu.memref_squeeze %dma_start3A_667 : memref<1x!tpu.dma_semaphore, #tpu.memory_space<semaphore_mem>> -> memref<!tpu.dma_semaphore, #tpu.memory_space<semaphore_mem>>
    tpu.enqueue_indirect_dma source(%dma_start3A_660 : memref<80x128xf32, #tpu.memory_space<vmem>>) target(%dma_start3A_666 : memref<10000x128xf32, #tpu.memory_space<vmem_shared>>) offsets(%dma_start3A_663 : memref<80xi32, #tpu.memory_space<vmem>>) semaphore(%dma_start3A_668 : memref<!tpu.dma_semaphore, #tpu.memory_space<semaphore_mem>>) {add = true}
    %dma_wait3A_669 = arith.constant 2 : i32
    %dma_wait3A_670 = arith.constant 6 : i32
    %dma_wait3A_671 = arith.constant 2 : i32
    %dma_wait3A_672 = arith.constant 0 : i32
    %dma_wait3A_673 = arith.constant 0 : i32
    %dma_wait3A_674 = tpu.memref_slice %arg9[%dma_wait3A_669, %dma_wait3A_672, %dma_wait3A_673] : memref<4x80x128xf32, #tpu.memory_space<vmem>> -> memref<1x80x128xf32, #tpu.memory_space<vmem>>
    %dma_wait3A_675 = tpu.memref_squeeze %dma_wait3A_674 : memref<1x80x128xf32, #tpu.memory_space<vmem>> -> memref<80x128xf32, #tpu.memory_space<vmem>>
    %dma_wait3A_676 = arith.constant 0 : i32
    %dma_wait3A_677 = tpu.memref_slice %arg8[%dma_wait3A_670, %dma_wait3A_676] : memref<16x80xi32, #tpu.memory_space<vmem>> -> memref<1x80xi32, #tpu.memory_space<vmem>>
    %dma_wait3A_678 = tpu.memref_squeeze %dma_wait3A_677 : memref<1x80xi32, #tpu.memory_space<vmem>> -> memref<80xi32, #tpu.memory_space<vmem>>
    %dma_wait3A_679 = arith.constant 0 : i32
    %dma_wait3A_680 = arith.constant 0 : i32
    %dma_wait3A_681 = tpu.memref_slice %arg6[%dma_wait3A_679, %dma_wait3A_680] : memref<10000x128xf32, #tpu.memory_space<vmem_shared>> -> memref<10000x128xf32, #tpu.memory_space<vmem_shared>>
    %dma_wait3A_682 = tpu.memref_slice %arg12[%dma_wait3A_671] : memref<4x!tpu.dma_semaphore, #tpu.memory_space<semaphore_mem>> -> memref<1x!tpu.dma_semaphore, #tpu.memory_space<semaphore_mem>>
    %dma_wait3A_683 = tpu.memref_squeeze %dma_wait3A_682 : memref<1x!tpu.dma_semaphore, #tpu.memory_space<semaphore_mem>> -> memref<!tpu.dma_semaphore, #tpu.memory_space<semaphore_mem>>
    tpu.wait_indirect_dma semaphore(%dma_wait3A_683 : memref<!tpu.dma_semaphore, #tpu.memory_space<semaphore_mem>>) src(%dma_wait3A_675 : memref<80x128xf32, #tpu.memory_space<vmem>>) dst(%dma_wait3A_681 : memref<10000x128xf32, #tpu.memory_space<vmem_shared>>)
    %dma_wait3A_684 = arith.constant 3 : i32
    %dma_wait3A_685 = arith.constant 7 : i32
    %dma_wait3A_686 = arith.constant 3 : i32
    %dma_wait3A_687 = arith.constant 0 : i32
    %dma_wait3A_688 = arith.constant 0 : i32
    %dma_wait3A_689 = tpu.memref_slice %arg9[%dma_wait3A_684, %dma_wait3A_687, %dma_wait3A_688] : memref<4x80x128xf32, #tpu.memory_space<vmem>> -> memref<1x80x128xf32, #tpu.memory_space<vmem>>
    %dma_wait3A_690 = tpu.memref_squeeze %dma_wait3A_689 : memref<1x80x128xf32, #tpu.memory_space<vmem>> -> memref<80x128xf32, #tpu.memory_space<vmem>>
    %dma_wait3A_691 = arith.constant 0 : i32
    %dma_wait3A_692 = tpu.memref_slice %arg8[%dma_wait3A_685, %dma_wait3A_691] : memref<16x80xi32, #tpu.memory_space<vmem>> -> memref<1x80xi32, #tpu.memory_space<vmem>>
    %dma_wait3A_693 = tpu.memref_squeeze %dma_wait3A_692 : memref<1x80xi32, #tpu.memory_space<vmem>> -> memref<80xi32, #tpu.memory_space<vmem>>
    %dma_wait3A_694 = arith.constant 0 : i32
    %dma_wait3A_695 = arith.constant 0 : i32
    %dma_wait3A_696 = tpu.memref_slice %arg6[%dma_wait3A_694, %dma_wait3A_695] : memref<10000x128xf32, #tpu.memory_space<vmem_shared>> -> memref<10000x128xf32, #tpu.memory_space<vmem_shared>>
    %dma_wait3A_697 = tpu.memref_slice %arg12[%dma_wait3A_686] : memref<4x!tpu.dma_semaphore, #tpu.memory_space<semaphore_mem>> -> memref<1x!tpu.dma_semaphore, #tpu.memory_space<semaphore_mem>>
    %dma_wait3A_698 = tpu.memref_squeeze %dma_wait3A_697 : memref<1x!tpu.dma_semaphore, #tpu.memory_space<semaphore_mem>> -> memref<!tpu.dma_semaphore, #tpu.memory_space<semaphore_mem>>
    tpu.wait_indirect_dma semaphore(%dma_wait3A_698 : memref<!tpu.dma_semaphore, #tpu.memory_space<semaphore_mem>>) src(%dma_wait3A_690 : memref<80x128xf32, #tpu.memory_space<vmem>>) dst(%dma_wait3A_696 : memref<10000x128xf32, #tpu.memory_space<vmem_shared>>)
    %dma_wait3A_699 = arith.constant 0 : i32
    %dma_wait3A_700 = arith.constant 8 : i32
    %dma_wait3A_701 = arith.constant 0 : i32
    %dma_wait3A_702 = arith.constant 0 : i32
    %dma_wait3A_703 = arith.constant 0 : i32
    %dma_wait3A_704 = tpu.memref_slice %arg9[%dma_wait3A_699, %dma_wait3A_702, %dma_wait3A_703] : memref<4x80x128xf32, #tpu.memory_space<vmem>> -> memref<1x80x128xf32, #tpu.memory_space<vmem>>
    %dma_wait3A_705 = tpu.memref_squeeze %dma_wait3A_704 : memref<1x80x128xf32, #tpu.memory_space<vmem>> -> memref<80x128xf32, #tpu.memory_space<vmem>>
    %dma_wait3A_706 = arith.constant 0 : i32
    %dma_wait3A_707 = tpu.memref_slice %arg8[%dma_wait3A_700, %dma_wait3A_706] : memref<16x80xi32, #tpu.memory_space<vmem>> -> memref<1x80xi32, #tpu.memory_space<vmem>>
    %dma_wait3A_708 = tpu.memref_squeeze %dma_wait3A_707 : memref<1x80xi32, #tpu.memory_space<vmem>> -> memref<80xi32, #tpu.memory_space<vmem>>
    %dma_wait3A_709 = arith.constant 0 : i32
    %dma_wait3A_710 = arith.constant 0 : i32
    %dma_wait3A_711 = tpu.memref_slice %arg6[%dma_wait3A_709, %dma_wait3A_710] : memref<10000x128xf32, #tpu.memory_space<vmem_shared>> -> memref<10000x128xf32, #tpu.memory_space<vmem_shared>>
    %dma_wait3A_712 = tpu.memref_slice %arg12[%dma_wait3A_701] : memref<4x!tpu.dma_semaphore, #tpu.memory_space<semaphore_mem>> -> memref<1x!tpu.dma_semaphore, #tpu.memory_space<semaphore_mem>>
    %dma_wait3A_713 = tpu.memref_squeeze %dma_wait3A_712 : memref<1x!tpu.dma_semaphore, #tpu.memory_space<semaphore_mem>> -> memref<!tpu.dma_semaphore, #tpu.memory_space<semaphore_mem>>
    tpu.wait_indirect_dma semaphore(%dma_wait3A_713 : memref<!tpu.dma_semaphore, #tpu.memory_space<semaphore_mem>>) src(%dma_wait3A_705 : memref<80x128xf32, #tpu.memory_space<vmem>>) dst(%dma_wait3A_711 : memref<10000x128xf32, #tpu.memory_space<vmem_shared>>)
    %dma_wait3A_714 = arith.constant 1 : i32
    %dma_wait3A_715 = arith.constant 9 : i32
    %dma_wait3A_716 = arith.constant 1 : i32
    %dma_wait3A_717 = arith.constant 0 : i32
    %dma_wait3A_718 = arith.constant 0 : i32
    %dma_wait3A_719 = tpu.memref_slice %arg9[%dma_wait3A_714, %dma_wait3A_717, %dma_wait3A_718] : memref<4x80x128xf32, #tpu.memory_space<vmem>> -> memref<1x80x128xf32, #tpu.memory_space<vmem>>
    %dma_wait3A_720 = tpu.memref_squeeze %dma_wait3A_719 : memref<1x80x128xf32, #tpu.memory_space<vmem>> -> memref<80x128xf32, #tpu.memory_space<vmem>>
    %dma_wait3A_721 = arith.constant 0 : i32
    %dma_wait3A_722 = tpu.memref_slice %arg8[%dma_wait3A_715, %dma_wait3A_721] : memref<16x80xi32, #tpu.memory_space<vmem>> -> memref<1x80xi32, #tpu.memory_space<vmem>>
    %dma_wait3A_723 = tpu.memref_squeeze %dma_wait3A_722 : memref<1x80xi32, #tpu.memory_space<vmem>> -> memref<80xi32, #tpu.memory_space<vmem>>
    %dma_wait3A_724 = arith.constant 0 : i32
    %dma_wait3A_725 = arith.constant 0 : i32
    %dma_wait3A_726 = tpu.memref_slice %arg6[%dma_wait3A_724, %dma_wait3A_725] : memref<10000x128xf32, #tpu.memory_space<vmem_shared>> -> memref<10000x128xf32, #tpu.memory_space<vmem_shared>>
    %dma_wait3A_727 = tpu.memref_slice %arg12[%dma_wait3A_716] : memref<4x!tpu.dma_semaphore, #tpu.memory_space<semaphore_mem>> -> memref<1x!tpu.dma_semaphore, #tpu.memory_space<semaphore_mem>>
    %dma_wait3A_728 = tpu.memref_squeeze %dma_wait3A_727 : memref<1x!tpu.dma_semaphore, #tpu.memory_space<semaphore_mem>> -> memref<!tpu.dma_semaphore, #tpu.memory_space<semaphore_mem>>
    tpu.wait_indirect_dma semaphore(%dma_wait3A_728 : memref<!tpu.dma_semaphore, #tpu.memory_space<semaphore_mem>>) src(%dma_wait3A_720 : memref<80x128xf32, #tpu.memory_space<vmem>>) dst(%dma_wait3A_726 : memref<10000x128xf32, #tpu.memory_space<vmem_shared>>)
    %barrier3A_729 = arith.constant 0 : index
    tpu.barrier barrier_id(%barrier3A_729)
    %mul3A_730 = arith.constant 625 : i32
    %mul3A_731 = arith.muli %arg1, %mul3A_730 : i32
    %mul3A_732 = arith.constant 625 : i32
    %mul3A_733 = arith.muli %arg1, %mul3A_732 : i32
    "tpu.region"() ({
      %run_scoped3A = tpu.sem_alloc : memref<!tpu.dma_semaphore, #tpu.memory_space<semaphore_mem>>
      %dma_start3A_734 = arith.constant 0 : i32
      %dma_start3A_735 = tpu.memref_slice %arg5[%add3A_367, %mul3A_733, %dma_start3A_734] : memref<4x10000x128xf32, #tpu.memory_space<hbm>> -> memref<1x625x128xf32, #tpu.memory_space<hbm>>
      %dma_start3A_736 = tpu.memref_squeeze %dma_start3A_735 : memref<1x625x128xf32, #tpu.memory_space<hbm>> -> memref<625x128xf32, #tpu.memory_space<hbm>>
      %dma_start3A_737 = arith.constant 0 : i32
      %dma_start3A_738 = tpu.memref_slice %arg6[%mul3A_731, %dma_start3A_737] : memref<10000x128xf32, #tpu.memory_space<vmem_shared>> -> memref<625x128xf32, #tpu.memory_space<vmem_shared>>
      tpu.enqueue_dma source(%dma_start3A_738 : memref<625x128xf32, #tpu.memory_space<vmem_shared>>) target(%dma_start3A_736 : memref<625x128xf32, #tpu.memory_space<hbm>>) target_semaphore(%run_scoped3A : memref<!tpu.dma_semaphore, #tpu.memory_space<semaphore_mem>>)
      %dma_wait3A_739 = arith.constant 0 : i32
      %dma_wait3A_740 = tpu.memref_slice %arg5[%add3A_367, %mul3A_733, %dma_wait3A_739] : memref<4x10000x128xf32, #tpu.memory_space<hbm>> -> memref<1x625x128xf32, #tpu.memory_space<hbm>>
      %dma_wait3A_741 = tpu.memref_squeeze %dma_wait3A_740 : memref<1x625x128xf32, #tpu.memory_space<hbm>> -> memref<625x128xf32, #tpu.memory_space<hbm>>
      %dma_wait3A_742 = arith.constant 0 : i32
      %dma_wait3A_743 = tpu.memref_slice %arg6[%mul3A_731, %dma_wait3A_742] : memref<10000x128xf32, #tpu.memory_space<vmem_shared>> -> memref<625x128xf32, #tpu.memory_space<vmem_shared>>
      tpu.wait_dma2 semaphore(%run_scoped3A : memref<!tpu.dma_semaphore, #tpu.memory_space<semaphore_mem>>) src(%dma_wait3A_743 : memref<625x128xf32, #tpu.memory_space<vmem_shared>>) dst(%dma_wait3A_741 : memref<625x128xf32, #tpu.memory_space<hbm>>)
      tpu.yield
    }) : () -> ()
    return
  }
}

#map = affine_map<(d0, d1) -> (0, 0, 0, 0)>
#map1 = affine_map<(d0, d1) -> (0, 0)>
#map2 = affine_map<(d0, d1) -> (0, 0, 0)>
module attributes {stable_mosaic.version = 14 : i64} {
  func.func @hist(%arg0: i32, %arg1: i32, %arg2: memref<4x16x160x125xi32, #tpu.memory_space<hbm>>, %arg3: memref<10000x16xf32, #tpu.memory_space<hbm>>, %arg4: memref<125x16xf32, #tpu.memory_space<hbm>>, %arg5: memref<4x10000x16xf32, #tpu.memory_space<hbm>>, %arg6: memref<10000x16xf32, #tpu.memory_space<vmem_shared>>, %arg7: memref<160x125xi32, #tpu.memory_space<vmem>>, %arg8: memref<125x16xf32, #tpu.memory_space<vmem>>) attributes {dimension_semantics = [#tpu.dimension_semantics<core_parallel>, #tpu.dimension_semantics<subcore_parallel>], iteration_bounds = array<i64: 2, 16>, scalar_prefetch = 0 : i64, scratch_operands = 3 : i64, tpu.core_type = #tpu.core_type<sc_vector_subcore>, window_params = [{transform_indices = #map}, {transform_indices = #map1}, {transform_indices = #map1}, {transform_indices = #map2}]} {
    "tpu.region"() ({
      %run_scoped3A = tpu.sem_alloc : memref<!tpu.dma_semaphore, #tpu.memory_space<semaphore_mem>>
      tpu.enqueue_dma source(%arg4 : memref<125x16xf32, #tpu.memory_space<hbm>>) target(%arg8 : memref<125x16xf32, #tpu.memory_space<vmem>>) target_semaphore(%run_scoped3A : memref<!tpu.dma_semaphore, #tpu.memory_space<semaphore_mem>>)
      tpu.wait_dma2 semaphore(%run_scoped3A : memref<!tpu.dma_semaphore, #tpu.memory_space<semaphore_mem>>) src(%arg4 : memref<125x16xf32, #tpu.memory_space<hbm>>) dst(%arg8 : memref<125x16xf32, #tpu.memory_space<vmem>>)
      tpu.yield
    }) : () -> ()
    %mul3A = arith.constant 2 : i32
    %mul3A_0 = arith.muli %arg0, %mul3A : i32
    %add3A = arith.constant 0 : i32
    %add3A_1 = arith.addi %mul3A_0, %add3A : i32
    %mul3A_2 = arith.constant 625 : i32
    %mul3A_3 = arith.muli %arg1, %mul3A_2 : i32
    %mul3A_4 = arith.constant 625 : i32
    %mul3A_5 = arith.muli %arg1, %mul3A_4 : i32
    "tpu.region"() ({
      %run_scoped3A = tpu.sem_alloc : memref<!tpu.dma_semaphore, #tpu.memory_space<semaphore_mem>>
      %dma_start3A = arith.constant 0 : i32
      %dma_start3A_34 = tpu.memref_slice %arg6[%mul3A_5, %dma_start3A] : memref<10000x16xf32, #tpu.memory_space<vmem_shared>> -> memref<625x16xf32, #tpu.memory_space<vmem_shared>>
      %dma_start3A_35 = arith.constant 0 : i32
      %dma_start3A_36 = tpu.memref_slice %arg3[%mul3A_3, %dma_start3A_35] : memref<10000x16xf32, #tpu.memory_space<hbm>> -> memref<625x16xf32, #tpu.memory_space<hbm>>
      tpu.enqueue_dma source(%dma_start3A_36 : memref<625x16xf32, #tpu.memory_space<hbm>>) target(%dma_start3A_34 : memref<625x16xf32, #tpu.memory_space<vmem_shared>>) target_semaphore(%run_scoped3A : memref<!tpu.dma_semaphore, #tpu.memory_space<semaphore_mem>>)
      %dma_wait3A = arith.constant 0 : i32
      %dma_wait3A_37 = tpu.memref_slice %arg6[%mul3A_5, %dma_wait3A] : memref<10000x16xf32, #tpu.memory_space<vmem_shared>> -> memref<625x16xf32, #tpu.memory_space<vmem_shared>>
      %dma_wait3A_38 = arith.constant 0 : i32
      %dma_wait3A_39 = tpu.memref_slice %arg3[%mul3A_3, %dma_wait3A_38] : memref<10000x16xf32, #tpu.memory_space<hbm>> -> memref<625x16xf32, #tpu.memory_space<hbm>>
      tpu.wait_dma2 semaphore(%run_scoped3A : memref<!tpu.dma_semaphore, #tpu.memory_space<semaphore_mem>>) src(%dma_wait3A_39 : memref<625x16xf32, #tpu.memory_space<hbm>>) dst(%dma_wait3A_37 : memref<625x16xf32, #tpu.memory_space<vmem_shared>>)
      tpu.yield
    }) : () -> ()
    "tpu.region"() ({
      %run_scoped3A = tpu.sem_alloc : memref<!tpu.dma_semaphore, #tpu.memory_space<semaphore_mem>>
      %dma_start3A = arith.constant 0 : i32
      %dma_start3A_34 = arith.constant 0 : i32
      %dma_start3A_35 = tpu.memref_slice %arg2[%add3A_1, %arg1, %dma_start3A, %dma_start3A_34] : memref<4x16x160x125xi32, #tpu.memory_space<hbm>> -> memref<1x1x160x125xi32, #tpu.memory_space<hbm>>
      %dma_start3A_36 = tpu.memref_squeeze %dma_start3A_35 : memref<1x1x160x125xi32, #tpu.memory_space<hbm>> -> memref<160x125xi32, #tpu.memory_space<hbm>>
      %dma_start3A_37 = arith.constant 0 : i32
      %dma_start3A_38 = arith.constant 0 : i32
      %dma_start3A_39 = tpu.memref_slice %arg2[%add3A_1, %arg1, %dma_start3A_37, %dma_start3A_38] : memref<4x16x160x125xi32, #tpu.memory_space<hbm>> -> memref<1x1x160x125xi32, #tpu.memory_space<hbm>>
      %dma_start3A_40 = tpu.memref_squeeze %dma_start3A_39 : memref<1x1x160x125xi32, #tpu.memory_space<hbm>> -> memref<160x125xi32, #tpu.memory_space<hbm>>
      tpu.enqueue_dma source(%dma_start3A_40 : memref<160x125xi32, #tpu.memory_space<hbm>>) target(%arg7 : memref<160x125xi32, #tpu.memory_space<vmem>>) target_semaphore(%run_scoped3A : memref<!tpu.dma_semaphore, #tpu.memory_space<semaphore_mem>>)
      %dma_wait3A = arith.constant 0 : i32
      %dma_wait3A_41 = arith.constant 0 : i32
      %dma_wait3A_42 = tpu.memref_slice %arg2[%add3A_1, %arg1, %dma_wait3A, %dma_wait3A_41] : memref<4x16x160x125xi32, #tpu.memory_space<hbm>> -> memref<1x1x160x125xi32, #tpu.memory_space<hbm>>
      %dma_wait3A_43 = tpu.memref_squeeze %dma_wait3A_42 : memref<1x1x160x125xi32, #tpu.memory_space<hbm>> -> memref<160x125xi32, #tpu.memory_space<hbm>>
      %dma_wait3A_44 = arith.constant 0 : i32
      %dma_wait3A_45 = arith.constant 0 : i32
      %dma_wait3A_46 = tpu.memref_slice %arg2[%add3A_1, %arg1, %dma_wait3A_44, %dma_wait3A_45] : memref<4x16x160x125xi32, #tpu.memory_space<hbm>> -> memref<1x1x160x125xi32, #tpu.memory_space<hbm>>
      %dma_wait3A_47 = tpu.memref_squeeze %dma_wait3A_46 : memref<1x1x160x125xi32, #tpu.memory_space<hbm>> -> memref<160x125xi32, #tpu.memory_space<hbm>>
      tpu.wait_dma2 semaphore(%run_scoped3A : memref<!tpu.dma_semaphore, #tpu.memory_space<semaphore_mem>>) src(%dma_wait3A_47 : memref<160x125xi32, #tpu.memory_space<hbm>>) dst(%arg7 : memref<160x125xi32, #tpu.memory_space<vmem>>)
      tpu.yield
    }) : () -> ()
    %barrier3A = arith.constant 0 : index
    tpu.barrier barrier_id(%barrier3A)
    %scan3A = arith.constant 0 : i32
    %scan3A_6 = arith.constant 160 : i32
    %scan3A_7 = arith.addi %scan3A, %scan3A_6 : i32
    %scan3A_8 = arith.constant 1 : i32
    scf.for %scan3A_34 = %scan3A to %scan3A_7 step %scan3A_8  : i32 {
      %mul3A_35 = arith.constant 1 : i32
      %mul3A_36 = arith.muli %scan3A_34, %mul3A_35 : i32
      %add3A_37 = arith.constant 0 : i32
      %add3A_38 = arith.addi %add3A_37, %mul3A_36 : i32
      "tpu.region"() ({
        %run_scoped3A = tpu.sem_alloc : memref<!tpu.dma_semaphore, #tpu.memory_space<semaphore_mem>>
        %dma_start3A = arith.constant 0 : i32
        %dma_start3A_39 = tpu.memref_slice %arg7[%add3A_38, %dma_start3A] : memref<160x125xi32, #tpu.memory_space<vmem>> -> memref<1x125xi32, #tpu.memory_space<vmem>>
        %dma_start3A_40 = tpu.memref_squeeze %dma_start3A_39 : memref<1x125xi32, #tpu.memory_space<vmem>> -> memref<125xi32, #tpu.memory_space<vmem>>
        %dma_start3A_41 = arith.constant 0 : i32
        %dma_start3A_42 = arith.constant 0 : i32
        %dma_start3A_43 = tpu.memref_slice %arg6[%dma_start3A_41, %dma_start3A_42] : memref<10000x16xf32, #tpu.memory_space<vmem_shared>> -> memref<10000x16xf32, #tpu.memory_space<vmem_shared>>
        tpu.enqueue_indirect_dma source(%arg8 : memref<125x16xf32, #tpu.memory_space<vmem>>) target(%dma_start3A_43 : memref<10000x16xf32, #tpu.memory_space<vmem_shared>>) offsets(%dma_start3A_40 : memref<125xi32, #tpu.memory_space<vmem>>) semaphore(%run_scoped3A : memref<!tpu.dma_semaphore, #tpu.memory_space<semaphore_mem>>) {add = true}
        %dma_wait3A = arith.constant 0 : i32
        %dma_wait3A_44 = tpu.memref_slice %arg7[%add3A_38, %dma_wait3A] : memref<160x125xi32, #tpu.memory_space<vmem>> -> memref<1x125xi32, #tpu.memory_space<vmem>>
        %dma_wait3A_45 = tpu.memref_squeeze %dma_wait3A_44 : memref<1x125xi32, #tpu.memory_space<vmem>> -> memref<125xi32, #tpu.memory_space<vmem>>
        %dma_wait3A_46 = arith.constant 0 : i32
        %dma_wait3A_47 = arith.constant 0 : i32
        %dma_wait3A_48 = tpu.memref_slice %arg6[%dma_wait3A_46, %dma_wait3A_47] : memref<10000x16xf32, #tpu.memory_space<vmem_shared>> -> memref<10000x16xf32, #tpu.memory_space<vmem_shared>>
        tpu.wait_indirect_dma semaphore(%run_scoped3A : memref<!tpu.dma_semaphore, #tpu.memory_space<semaphore_mem>>) src(%arg8 : memref<125x16xf32, #tpu.memory_space<vmem>>) dst(%dma_wait3A_48 : memref<10000x16xf32, #tpu.memory_space<vmem_shared>>)
        tpu.yield
      }) : () -> ()
    }
    %scan3A_9 = arith.constant 160 : i32
    %barrier3A_10 = arith.constant 0 : index
    tpu.barrier barrier_id(%barrier3A_10)
    %mul3A_11 = arith.constant 625 : i32
    %mul3A_12 = arith.muli %arg1, %mul3A_11 : i32
    %mul3A_13 = arith.constant 625 : i32
    %mul3A_14 = arith.muli %arg1, %mul3A_13 : i32
    "tpu.region"() ({
      %run_scoped3A = tpu.sem_alloc : memref<!tpu.dma_semaphore, #tpu.memory_space<semaphore_mem>>
      %dma_start3A = arith.constant 0 : i32
      %dma_start3A_34 = tpu.memref_slice %arg5[%add3A_1, %mul3A_14, %dma_start3A] : memref<4x10000x16xf32, #tpu.memory_space<hbm>> -> memref<1x625x16xf32, #tpu.memory_space<hbm>>
      %dma_start3A_35 = tpu.memref_squeeze %dma_start3A_34 : memref<1x625x16xf32, #tpu.memory_space<hbm>> -> memref<625x16xf32, #tpu.memory_space<hbm>>
      %dma_start3A_36 = arith.constant 0 : i32
      %dma_start3A_37 = tpu.memref_slice %arg6[%mul3A_12, %dma_start3A_36] : memref<10000x16xf32, #tpu.memory_space<vmem_shared>> -> memref<625x16xf32, #tpu.memory_space<vmem_shared>>
      tpu.enqueue_dma source(%dma_start3A_37 : memref<625x16xf32, #tpu.memory_space<vmem_shared>>) target(%dma_start3A_35 : memref<625x16xf32, #tpu.memory_space<hbm>>) target_semaphore(%run_scoped3A : memref<!tpu.dma_semaphore, #tpu.memory_space<semaphore_mem>>)
      %dma_wait3A = arith.constant 0 : i32
      %dma_wait3A_38 = tpu.memref_slice %arg5[%add3A_1, %mul3A_14, %dma_wait3A] : memref<4x10000x16xf32, #tpu.memory_space<hbm>> -> memref<1x625x16xf32, #tpu.memory_space<hbm>>
      %dma_wait3A_39 = tpu.memref_squeeze %dma_wait3A_38 : memref<1x625x16xf32, #tpu.memory_space<hbm>> -> memref<625x16xf32, #tpu.memory_space<hbm>>
      %dma_wait3A_40 = arith.constant 0 : i32
      %dma_wait3A_41 = tpu.memref_slice %arg6[%mul3A_12, %dma_wait3A_40] : memref<10000x16xf32, #tpu.memory_space<vmem_shared>> -> memref<625x16xf32, #tpu.memory_space<vmem_shared>>
      tpu.wait_dma2 semaphore(%run_scoped3A : memref<!tpu.dma_semaphore, #tpu.memory_space<semaphore_mem>>) src(%dma_wait3A_41 : memref<625x16xf32, #tpu.memory_space<vmem_shared>>) dst(%dma_wait3A_39 : memref<625x16xf32, #tpu.memory_space<hbm>>)
      tpu.yield
    }) : () -> ()
    %mul3A_15 = arith.constant 2 : i32
    %mul3A_16 = arith.muli %arg0, %mul3A_15 : i32
    %add3A_17 = arith.constant 1 : i32
    %add3A_18 = arith.addi %mul3A_16, %add3A_17 : i32
    %mul3A_19 = arith.constant 625 : i32
    %mul3A_20 = arith.muli %arg1, %mul3A_19 : i32
    %mul3A_21 = arith.constant 625 : i32
    %mul3A_22 = arith.muli %arg1, %mul3A_21 : i32
    "tpu.region"() ({
      %run_scoped3A = tpu.sem_alloc : memref<!tpu.dma_semaphore, #tpu.memory_space<semaphore_mem>>
      %dma_start3A = arith.constant 0 : i32
      %dma_start3A_34 = tpu.memref_slice %arg6[%mul3A_22, %dma_start3A] : memref<10000x16xf32, #tpu.memory_space<vmem_shared>> -> memref<625x16xf32, #tpu.memory_space<vmem_shared>>
      %dma_start3A_35 = arith.constant 0 : i32
      %dma_start3A_36 = tpu.memref_slice %arg3[%mul3A_20, %dma_start3A_35] : memref<10000x16xf32, #tpu.memory_space<hbm>> -> memref<625x16xf32, #tpu.memory_space<hbm>>
      tpu.enqueue_dma source(%dma_start3A_36 : memref<625x16xf32, #tpu.memory_space<hbm>>) target(%dma_start3A_34 : memref<625x16xf32, #tpu.memory_space<vmem_shared>>) target_semaphore(%run_scoped3A : memref<!tpu.dma_semaphore, #tpu.memory_space<semaphore_mem>>)
      %dma_wait3A = arith.constant 0 : i32
      %dma_wait3A_37 = tpu.memref_slice %arg6[%mul3A_22, %dma_wait3A] : memref<10000x16xf32, #tpu.memory_space<vmem_shared>> -> memref<625x16xf32, #tpu.memory_space<vmem_shared>>
      %dma_wait3A_38 = arith.constant 0 : i32
      %dma_wait3A_39 = tpu.memref_slice %arg3[%mul3A_20, %dma_wait3A_38] : memref<10000x16xf32, #tpu.memory_space<hbm>> -> memref<625x16xf32, #tpu.memory_space<hbm>>
      tpu.wait_dma2 semaphore(%run_scoped3A : memref<!tpu.dma_semaphore, #tpu.memory_space<semaphore_mem>>) src(%dma_wait3A_39 : memref<625x16xf32, #tpu.memory_space<hbm>>) dst(%dma_wait3A_37 : memref<625x16xf32, #tpu.memory_space<vmem_shared>>)
      tpu.yield
    }) : () -> ()
    "tpu.region"() ({
      %run_scoped3A = tpu.sem_alloc : memref<!tpu.dma_semaphore, #tpu.memory_space<semaphore_mem>>
      %dma_start3A = arith.constant 0 : i32
      %dma_start3A_34 = arith.constant 0 : i32
      %dma_start3A_35 = tpu.memref_slice %arg2[%add3A_18, %arg1, %dma_start3A, %dma_start3A_34] : memref<4x16x160x125xi32, #tpu.memory_space<hbm>> -> memref<1x1x160x125xi32, #tpu.memory_space<hbm>>
      %dma_start3A_36 = tpu.memref_squeeze %dma_start3A_35 : memref<1x1x160x125xi32, #tpu.memory_space<hbm>> -> memref<160x125xi32, #tpu.memory_space<hbm>>
      %dma_start3A_37 = arith.constant 0 : i32
      %dma_start3A_38 = arith.constant 0 : i32
      %dma_start3A_39 = tpu.memref_slice %arg2[%add3A_18, %arg1, %dma_start3A_37, %dma_start3A_38] : memref<4x16x160x125xi32, #tpu.memory_space<hbm>> -> memref<1x1x160x125xi32, #tpu.memory_space<hbm>>
      %dma_start3A_40 = tpu.memref_squeeze %dma_start3A_39 : memref<1x1x160x125xi32, #tpu.memory_space<hbm>> -> memref<160x125xi32, #tpu.memory_space<hbm>>
      tpu.enqueue_dma source(%dma_start3A_40 : memref<160x125xi32, #tpu.memory_space<hbm>>) target(%arg7 : memref<160x125xi32, #tpu.memory_space<vmem>>) target_semaphore(%run_scoped3A : memref<!tpu.dma_semaphore, #tpu.memory_space<semaphore_mem>>)
      %dma_wait3A = arith.constant 0 : i32
      %dma_wait3A_41 = arith.constant 0 : i32
      %dma_wait3A_42 = tpu.memref_slice %arg2[%add3A_18, %arg1, %dma_wait3A, %dma_wait3A_41] : memref<4x16x160x125xi32, #tpu.memory_space<hbm>> -> memref<1x1x160x125xi32, #tpu.memory_space<hbm>>
      %dma_wait3A_43 = tpu.memref_squeeze %dma_wait3A_42 : memref<1x1x160x125xi32, #tpu.memory_space<hbm>> -> memref<160x125xi32, #tpu.memory_space<hbm>>
      %dma_wait3A_44 = arith.constant 0 : i32
      %dma_wait3A_45 = arith.constant 0 : i32
      %dma_wait3A_46 = tpu.memref_slice %arg2[%add3A_18, %arg1, %dma_wait3A_44, %dma_wait3A_45] : memref<4x16x160x125xi32, #tpu.memory_space<hbm>> -> memref<1x1x160x125xi32, #tpu.memory_space<hbm>>
      %dma_wait3A_47 = tpu.memref_squeeze %dma_wait3A_46 : memref<1x1x160x125xi32, #tpu.memory_space<hbm>> -> memref<160x125xi32, #tpu.memory_space<hbm>>
      tpu.wait_dma2 semaphore(%run_scoped3A : memref<!tpu.dma_semaphore, #tpu.memory_space<semaphore_mem>>) src(%dma_wait3A_47 : memref<160x125xi32, #tpu.memory_space<hbm>>) dst(%arg7 : memref<160x125xi32, #tpu.memory_space<vmem>>)
      tpu.yield
    }) : () -> ()
    %barrier3A_23 = arith.constant 0 : index
    tpu.barrier barrier_id(%barrier3A_23)
    %scan3A_24 = arith.constant 0 : i32
    %scan3A_25 = arith.constant 160 : i32
    %scan3A_26 = arith.addi %scan3A_24, %scan3A_25 : i32
    %scan3A_27 = arith.constant 1 : i32
    scf.for %scan3A_34 = %scan3A_24 to %scan3A_26 step %scan3A_27  : i32 {
      %mul3A_35 = arith.constant 1 : i32
      %mul3A_36 = arith.muli %scan3A_34, %mul3A_35 : i32
      %add3A_37 = arith.constant 0 : i32
      %add3A_38 = arith.addi %add3A_37, %mul3A_36 : i32
      "tpu.region"() ({
        %run_scoped3A = tpu.sem_alloc : memref<!tpu.dma_semaphore, #tpu.memory_space<semaphore_mem>>
        %dma_start3A = arith.constant 0 : i32
        %dma_start3A_39 = tpu.memref_slice %arg7[%add3A_38, %dma_start3A] : memref<160x125xi32, #tpu.memory_space<vmem>> -> memref<1x125xi32, #tpu.memory_space<vmem>>
        %dma_start3A_40 = tpu.memref_squeeze %dma_start3A_39 : memref<1x125xi32, #tpu.memory_space<vmem>> -> memref<125xi32, #tpu.memory_space<vmem>>
        %dma_start3A_41 = arith.constant 0 : i32
        %dma_start3A_42 = arith.constant 0 : i32
        %dma_start3A_43 = tpu.memref_slice %arg6[%dma_start3A_41, %dma_start3A_42] : memref<10000x16xf32, #tpu.memory_space<vmem_shared>> -> memref<10000x16xf32, #tpu.memory_space<vmem_shared>>
        tpu.enqueue_indirect_dma source(%arg8 : memref<125x16xf32, #tpu.memory_space<vmem>>) target(%dma_start3A_43 : memref<10000x16xf32, #tpu.memory_space<vmem_shared>>) offsets(%dma_start3A_40 : memref<125xi32, #tpu.memory_space<vmem>>) semaphore(%run_scoped3A : memref<!tpu.dma_semaphore, #tpu.memory_space<semaphore_mem>>) {add = true}
        %dma_wait3A = arith.constant 0 : i32
        %dma_wait3A_44 = tpu.memref_slice %arg7[%add3A_38, %dma_wait3A] : memref<160x125xi32, #tpu.memory_space<vmem>> -> memref<1x125xi32, #tpu.memory_space<vmem>>
        %dma_wait3A_45 = tpu.memref_squeeze %dma_wait3A_44 : memref<1x125xi32, #tpu.memory_space<vmem>> -> memref<125xi32, #tpu.memory_space<vmem>>
        %dma_wait3A_46 = arith.constant 0 : i32
        %dma_wait3A_47 = arith.constant 0 : i32
        %dma_wait3A_48 = tpu.memref_slice %arg6[%dma_wait3A_46, %dma_wait3A_47] : memref<10000x16xf32, #tpu.memory_space<vmem_shared>> -> memref<10000x16xf32, #tpu.memory_space<vmem_shared>>
        tpu.wait_indirect_dma semaphore(%run_scoped3A : memref<!tpu.dma_semaphore, #tpu.memory_space<semaphore_mem>>) src(%arg8 : memref<125x16xf32, #tpu.memory_space<vmem>>) dst(%dma_wait3A_48 : memref<10000x16xf32, #tpu.memory_space<vmem_shared>>)
        tpu.yield
      }) : () -> ()
    }
    %scan3A_28 = arith.constant 160 : i32
    %barrier3A_29 = arith.constant 0 : index
    tpu.barrier barrier_id(%barrier3A_29)
    %mul3A_30 = arith.constant 625 : i32
    %mul3A_31 = arith.muli %arg1, %mul3A_30 : i32
    %mul3A_32 = arith.constant 625 : i32
    %mul3A_33 = arith.muli %arg1, %mul3A_32 : i32
    "tpu.region"() ({
      %run_scoped3A = tpu.sem_alloc : memref<!tpu.dma_semaphore, #tpu.memory_space<semaphore_mem>>
      %dma_start3A = arith.constant 0 : i32
      %dma_start3A_34 = tpu.memref_slice %arg5[%add3A_18, %mul3A_33, %dma_start3A] : memref<4x10000x16xf32, #tpu.memory_space<hbm>> -> memref<1x625x16xf32, #tpu.memory_space<hbm>>
      %dma_start3A_35 = tpu.memref_squeeze %dma_start3A_34 : memref<1x625x16xf32, #tpu.memory_space<hbm>> -> memref<625x16xf32, #tpu.memory_space<hbm>>
      %dma_start3A_36 = arith.constant 0 : i32
      %dma_start3A_37 = tpu.memref_slice %arg6[%mul3A_31, %dma_start3A_36] : memref<10000x16xf32, #tpu.memory_space<vmem_shared>> -> memref<625x16xf32, #tpu.memory_space<vmem_shared>>
      tpu.enqueue_dma source(%dma_start3A_37 : memref<625x16xf32, #tpu.memory_space<vmem_shared>>) target(%dma_start3A_35 : memref<625x16xf32, #tpu.memory_space<hbm>>) target_semaphore(%run_scoped3A : memref<!tpu.dma_semaphore, #tpu.memory_space<semaphore_mem>>)
      %dma_wait3A = arith.constant 0 : i32
      %dma_wait3A_38 = tpu.memref_slice %arg5[%add3A_18, %mul3A_33, %dma_wait3A] : memref<4x10000x16xf32, #tpu.memory_space<hbm>> -> memref<1x625x16xf32, #tpu.memory_space<hbm>>
      %dma_wait3A_39 = tpu.memref_squeeze %dma_wait3A_38 : memref<1x625x16xf32, #tpu.memory_space<hbm>> -> memref<625x16xf32, #tpu.memory_space<hbm>>
      %dma_wait3A_40 = arith.constant 0 : i32
      %dma_wait3A_41 = tpu.memref_slice %arg6[%mul3A_31, %dma_wait3A_40] : memref<10000x16xf32, #tpu.memory_space<vmem_shared>> -> memref<625x16xf32, #tpu.memory_space<vmem_shared>>
      tpu.wait_dma2 semaphore(%run_scoped3A : memref<!tpu.dma_semaphore, #tpu.memory_space<semaphore_mem>>) src(%dma_wait3A_41 : memref<625x16xf32, #tpu.memory_space<vmem_shared>>) dst(%dma_wait3A_39 : memref<625x16xf32, #tpu.memory_space<hbm>>)
      tpu.yield
    }) : () -> ()
    return
  }
}

module attributes {stable_mosaic.version = 14 : i64} {
  func.func @body(%arg0: i32, %arg1: memref<1x10000x128xf32, #tpu.memory_space<vmem>>, %arg2: memref<1x128x128xf32, #tpu.memory_space<vmem>>, %arg3: memref<1x10000x16xf32, #tpu.memory_space<vmem>>, %arg4: memref<10000x128xf32, #tpu.memory_space<vmem>>) attributes {dimension_semantics = [#tpu.dimension_semantics<arbitrary>], iteration_bounds = array<i64: 4>, scalar_prefetch = 0 : i64, scratch_operands = 0 : i64, tpu.core_type = #tpu.core_type<tc>, window_params = [{transform_indices = @transform_0, window_bounds = array<i64: 1, 10000, 128>}, {transform_indices = @transform_1, window_bounds = array<i64: 1, 128, 128>}, {transform_indices = @transform_2, window_bounds = array<i64: 1, 10000, 16>}, {transform_indices = @transform_3, window_bounds = array<i64: 10000, 128>}]} {
    %get3A = arith.constant 0 : index
    %get3A_0 = arith.constant 0 : index
    %get3A_1 = arith.constant 0 : index
    %get3A_2 = vector.load %arg3[%get3A, %get3A_0, %get3A_1] : memref<1x10000x16xf32, #tpu.memory_space<vmem>>, vector<1x10000x16xf32>
    %get3A_3 = vector.shape_cast %get3A_2 : vector<1x10000x16xf32> to vector<10000x16xf32>
    %slice3A = vector.extract_strided_slice %get3A_3 {offsets = [0, 0], sizes = [10000, 1], strides = [1, 1]} : vector<10000x16xf32> to vector<10000x1xf32>
    %add3A = arith.constant 1.000000e+00 : f32
    %add3A_4 = vector.broadcast %add3A : f32 to vector<10000x1xf32>
    %add3A_5 = arith.addf %slice3A, %add3A_4 : vector<10000x1xf32>
    %rsqrt3A = math.rsqrt %add3A_5 : vector<10000x1xf32>
    %get3A_6 = arith.constant 0 : index
    %get3A_7 = arith.constant 0 : index
    %get3A_8 = arith.constant 0 : index
    %get3A_9 = vector.load %arg1[%get3A_6, %get3A_7, %get3A_8] : memref<1x10000x128xf32, #tpu.memory_space<vmem>>, vector<1x10000x128xf32>
    %get3A_10 = vector.shape_cast %get3A_9 : vector<1x10000x128xf32> to vector<10000x128xf32>
    %convert_element_type3A = arith.truncf %get3A_10 : vector<10000x128xf32> to vector<10000x128xbf16>
    %get3A_11 = arith.constant 0 : index
    %get3A_12 = arith.constant 0 : index
    %get3A_13 = arith.constant 0 : index
    %get3A_14 = vector.load %arg2[%get3A_11, %get3A_12, %get3A_13] : memref<1x128x128xf32, #tpu.memory_space<vmem>>, vector<1x128x128xf32>
    %get3A_15 = vector.shape_cast %get3A_14 : vector<1x128x128xf32> to vector<128x128xf32>
    %convert_element_type3A_16 = arith.truncf %get3A_15 : vector<128x128xf32> to vector<128x128xbf16>
    %dot_general3A = arith.constant dense<0.000000e+00> : vector<10000x128xf32>
    %dot_general3A_17 = tpu.matmul %convert_element_type3A, %convert_element_type3A_16, %dot_general3A {dimension_numbers = #tpu.dot_dimension_numbers<[1], [0], [0], [1], [0, 0, 1, 1], [], []>, transpose_lhs_hint = false} : vector<10000x128xbf16>, vector<128x128xbf16>, vector<10000x128xf32> -> vector<10000x128xf32>
    %mul3A = vector.broadcast %rsqrt3A : vector<10000x1xf32> to vector<10000x128xf32>
    %mul3A_18 = arith.mulf %dot_general3A_17, %mul3A : vector<10000x128xf32>
    %swap3A = arith.constant 0 : index
    %swap3A_19 = arith.constant 0 : index
    %swap3A_20 = vector.load %arg4[%swap3A, %swap3A_19] : memref<10000x128xf32, #tpu.memory_space<vmem>>, vector<10000x128xf32>
    tpu.vector_store %arg4[%swap3A, %swap3A_19], %mul3A_18 {strides = array<i32>} : memref<10000x128xf32, #tpu.memory_space<vmem>>, vector<10000x128xf32>,
    return
  }
  func.func @transform_0(%arg0: i32) -> (i32, i32, i32) {
    %c0_i32 = arith.constant 0 : i32
    %c0_i32_0 = arith.constant 0 : i32
    %c0_i32_1 = arith.constant 0 : i32
    return %arg0, %c0_i32, %c0_i32_0 : i32, i32, i32
  }
  func.func @transform_1(%arg0: i32) -> (i32, i32, i32) {
    %c0_i32 = arith.constant 0 : i32
    %c0_i32_0 = arith.constant 0 : i32
    %c0_i32_1 = arith.constant 0 : i32
    return %arg0, %c0_i32, %c0_i32_0 : i32, i32, i32
  }
  func.func @transform_2(%arg0: i32) -> (i32, i32, i32) {
    %c0_i32 = arith.constant 0 : i32
    %c0_i32_0 = arith.constant 0 : i32
    %c0_i32_1 = arith.constant 0 : i32
    return %arg0, %c0_i32, %c0_i32_0 : i32, i32, i32
  }
  func.func @transform_3(%arg0: i32) -> (i32, i32) {
    %c0_i32 = arith.constant 0 : i32
    %c0_i32_0 = arith.constant 0 : i32
    return %arg0, %c0_i32 : i32, i32
  }
}

module attributes {stable_mosaic.version = 14 : i64} {
  func.func @body(%arg0: i32, %arg1: memref<1x10000x128xf32, #tpu.memory_space<vmem>>, %arg2: memref<1x10000x16xf32, #tpu.memory_space<vmem>>, %arg3: memref<1x1x128xf32, #tpu.memory_space<vmem>>, %arg4: memref<1x128x128xf32, #tpu.memory_space<vmem>>, %arg5: memref<10000x128xf32, #tpu.memory_space<vmem>>) attributes {dimension_semantics = [#tpu.dimension_semantics<arbitrary>], iteration_bounds = array<i64: 4>, scalar_prefetch = 0 : i64, scratch_operands = 0 : i64, tpu.core_type = #tpu.core_type<tc>, window_params = [{transform_indices = @transform_0, window_bounds = array<i64: 1, 10000, 128>}, {transform_indices = @transform_1, window_bounds = array<i64: 1, 10000, 16>}, {transform_indices = @transform_2, window_bounds = array<i64: 1, 1, 128>}, {transform_indices = @transform_3, window_bounds = array<i64: 1, 128, 128>}, {transform_indices = @transform_4, window_bounds = array<i64: 10000, 128>}]} {
    %get3A = arith.constant 0 : index
    %get3A_0 = arith.constant 0 : index
    %get3A_1 = arith.constant 0 : index
    %get3A_2 = vector.load %arg2[%get3A, %get3A_0, %get3A_1] : memref<1x10000x16xf32, #tpu.memory_space<vmem>>, vector<1x10000x16xf32>
    %get3A_3 = vector.shape_cast %get3A_2 : vector<1x10000x16xf32> to vector<10000x16xf32>
    %slice3A = vector.extract_strided_slice %get3A_3 {offsets = [0, 0], sizes = [10000, 1], strides = [1, 1]} : vector<10000x16xf32> to vector<10000x1xf32>
    %add3A = arith.constant 1.000000e+00 : f32
    %add3A_4 = vector.broadcast %add3A : f32 to vector<10000x1xf32>
    %add3A_5 = arith.addf %slice3A, %add3A_4 : vector<10000x1xf32>
    %rsqrt3A = math.rsqrt %add3A_5 : vector<10000x1xf32>
    %get3A_6 = arith.constant 0 : index
    %get3A_7 = arith.constant 0 : index
    %get3A_8 = arith.constant 0 : index
    %get3A_9 = vector.load %arg1[%get3A_6, %get3A_7, %get3A_8] : memref<1x10000x128xf32, #tpu.memory_space<vmem>>, vector<1x10000x128xf32>
    %get3A_10 = vector.shape_cast %get3A_9 : vector<1x10000x128xf32> to vector<10000x128xf32>
    %mul3A = vector.broadcast %rsqrt3A : vector<10000x1xf32> to vector<10000x128xf32>
    %mul3A_11 = arith.mulf %get3A_10, %mul3A : vector<10000x128xf32>
    %get3A_12 = arith.constant 0 : index
    %get3A_13 = arith.constant 0 : index
    %get3A_14 = arith.constant 0 : index
    %get3A_15 = vector.load %arg3[%get3A_12, %get3A_13, %get3A_14] : memref<1x1x128xf32, #tpu.memory_space<vmem>>, vector<1x1x128xf32>
    %get3A_16 = vector.shape_cast %get3A_15 : vector<1x1x128xf32> to vector<1x128xf32>
    %add3A_17 = vector.broadcast %get3A_16 : vector<1x128xf32> to vector<10000x128xf32>
    %add3A_18 = arith.addf %mul3A_11, %add3A_17 : vector<10000x128xf32>
    %max3A = arith.constant 0.000000e+00 : f32
    %max3A_19 = vector.broadcast %max3A : f32 to vector<10000x128xf32>
    %max3A_20 = arith.maximumf %add3A_18, %max3A_19 : vector<10000x128xf32>
    %convert_element_type3A = arith.truncf %max3A_20 : vector<10000x128xf32> to vector<10000x128xbf16>
    %get3A_21 = arith.constant 0 : index
    %get3A_22 = arith.constant 0 : index
    %get3A_23 = arith.constant 0 : index
    %get3A_24 = vector.load %arg4[%get3A_21, %get3A_22, %get3A_23] : memref<1x128x128xf32, #tpu.memory_space<vmem>>, vector<1x128x128xf32>
    %get3A_25 = vector.shape_cast %get3A_24 : vector<1x128x128xf32> to vector<128x128xf32>
    %convert_element_type3A_26 = arith.truncf %get3A_25 : vector<128x128xf32> to vector<128x128xbf16>
    %dot_general3A = arith.constant dense<0.000000e+00> : vector<10000x128xf32>
    %dot_general3A_27 = tpu.matmul %convert_element_type3A, %convert_element_type3A_26, %dot_general3A {dimension_numbers = #tpu.dot_dimension_numbers<[1], [0], [0], [1], [0, 0, 1, 1], [], []>, transpose_lhs_hint = false} : vector<10000x128xbf16>, vector<128x128xbf16>, vector<10000x128xf32> -> vector<10000x128xf32>
    %mul3A_28 = vector.broadcast %rsqrt3A : vector<10000x1xf32> to vector<10000x128xf32>
    %mul3A_29 = arith.mulf %dot_general3A_27, %mul3A_28 : vector<10000x128xf32>
    %swap3A = arith.constant 0 : index
    %swap3A_30 = arith.constant 0 : index
    %swap3A_31 = vector.load %arg5[%swap3A, %swap3A_30] : memref<10000x128xf32, #tpu.memory_space<vmem>>, vector<10000x128xf32>
    tpu.vector_store %arg5[%swap3A, %swap3A_30], %mul3A_29 {strides = array<i32>} : memref<10000x128xf32, #tpu.memory_space<vmem>>, vector<10000x128xf32>,
    return
  }
  func.func @transform_0(%arg0: i32) -> (i32, i32, i32) {
    %c0_i32 = arith.constant 0 : i32
    %c0_i32_0 = arith.constant 0 : i32
    %c0_i32_1 = arith.constant 0 : i32
    return %arg0, %c0_i32, %c0_i32_0 : i32, i32, i32
  }
  func.func @transform_1(%arg0: i32) -> (i32, i32, i32) {
    %c0_i32 = arith.constant 0 : i32
    %c0_i32_0 = arith.constant 0 : i32
    %c0_i32_1 = arith.constant 0 : i32
    return %arg0, %c0_i32, %c0_i32_0 : i32, i32, i32
  }
  func.func @transform_2(%arg0: i32) -> (i32, i32, i32) {
    %c0_i32 = arith.constant 0 : i32
    %c0_i32_0 = arith.constant 0 : i32
    %c0_i32_1 = arith.constant 0 : i32
    return %arg0, %c0_i32, %c0_i32_0 : i32, i32, i32
  }
  func.func @transform_3(%arg0: i32) -> (i32, i32, i32) {
    %c0_i32 = arith.constant 0 : i32
    %c0_i32_0 = arith.constant 0 : i32
    %c0_i32_1 = arith.constant 0 : i32
    return %arg0, %c0_i32, %c0_i32_0 : i32, i32, i32
  }
  func.func @transform_4(%arg0: i32) -> (i32, i32) {
    %c0_i32 = arith.constant 0 : i32
    %c0_i32_0 = arith.constant 0 : i32
    return %arg0, %c0_i32 : i32, i32
  }
}

module attributes {stable_mosaic.version = 14 : i64} {
  func.func @body(%arg0: i32, %arg1: i32, %arg2: memref<1x2000x128xf32, #tpu.memory_space<vmem>>, %arg3: memref<1x2000x16xf32, #tpu.memory_space<vmem>>, %arg4: memref<1x1x128xf32, #tpu.memory_space<vmem>>, %arg5: memref<2x1x2000x64xf32, #tpu.memory_space<vmem>>) attributes {dimension_semantics = [#tpu.dimension_semantics<arbitrary>, #tpu.dimension_semantics<arbitrary>], iteration_bounds = array<i64: 4, 5>, scalar_prefetch = 0 : i64, scratch_operands = 0 : i64, tpu.core_type = #tpu.core_type<tc>, window_params = [{transform_indices = @transform_0, window_bounds = array<i64: 1, 2000, 128>}, {transform_indices = @transform_1, window_bounds = array<i64: 1, 2000, 16>}, {transform_indices = @transform_2, window_bounds = array<i64: 1, 1, 128>}, {transform_indices = @transform_3, window_bounds = array<i64: 2, 1, 2000, 64>}]} {
    %get3A = arith.constant 0 : index
    %get3A_0 = arith.constant 0 : index
    %get3A_1 = arith.constant 0 : index
    %get3A_2 = vector.load %arg3[%get3A, %get3A_0, %get3A_1] : memref<1x2000x16xf32, #tpu.memory_space<vmem>>, vector<1x2000x16xf32>
    %get3A_3 = vector.shape_cast %get3A_2 : vector<1x2000x16xf32> to vector<2000x16xf32>
    %slice3A = vector.extract_strided_slice %get3A_3 {offsets = [0, 0], sizes = [2000, 1], strides = [1, 1]} : vector<2000x16xf32> to vector<2000x1xf32>
    %add3A = arith.constant 1.000000e+00 : f32
    %add3A_4 = vector.broadcast %add3A : f32 to vector<2000x1xf32>
    %add3A_5 = arith.addf %slice3A, %add3A_4 : vector<2000x1xf32>
    %rsqrt3A = math.rsqrt %add3A_5 : vector<2000x1xf32>
    %get3A_6 = arith.constant 0 : index
    %get3A_7 = arith.constant 0 : index
    %get3A_8 = arith.constant 0 : index
    %get3A_9 = vector.load %arg2[%get3A_6, %get3A_7, %get3A_8] : memref<1x2000x128xf32, #tpu.memory_space<vmem>>, vector<1x2000x128xf32>
    %get3A_10 = vector.shape_cast %get3A_9 : vector<1x2000x128xf32> to vector<2000x128xf32>
    %mul3A = vector.broadcast %rsqrt3A : vector<2000x1xf32> to vector<2000x128xf32>
    %mul3A_11 = arith.mulf %get3A_10, %mul3A : vector<2000x128xf32>
    %get3A_12 = arith.constant 0 : index
    %get3A_13 = arith.constant 0 : index
    %get3A_14 = arith.constant 0 : index
    %get3A_15 = vector.load %arg4[%get3A_12, %get3A_13, %get3A_14] : memref<1x1x128xf32, #tpu.memory_space<vmem>>, vector<1x1x128xf32>
    %get3A_16 = vector.shape_cast %get3A_15 : vector<1x1x128xf32> to vector<1x128xf32>
    %add3A_17 = vector.broadcast %get3A_16 : vector<1x128xf32> to vector<2000x128xf32>
    %add3A_18 = arith.addf %mul3A_11, %add3A_17 : vector<2000x128xf32>
    %slice3A_19 = vector.extract_strided_slice %add3A_18 {offsets = [0, 0], sizes = [2000, 64], strides = [1, 1]} : vector<2000x128xf32> to vector<2000x64xf32>
    %swap3A = arith.constant 0 : index
    %swap3A_20 = arith.constant 0 : index
    %swap3A_21 = arith.constant 0 : index
    %swap3A_22 = arith.constant 0 : index
    %swap3A_23 = vector.load %arg5[%swap3A, %swap3A_20, %swap3A_21, %swap3A_22] : memref<2x1x2000x64xf32, #tpu.memory_space<vmem>>, vector<1x1x2000x64xf32>
    %swap3A_24 = vector.shape_cast %swap3A_23 : vector<1x1x2000x64xf32> to vector<2000x64xf32>
    %swap3A_25 = vector.shape_cast %slice3A_19 : vector<2000x64xf32> to vector<1x1x2000x64xf32>
    tpu.vector_store %arg5[%swap3A, %swap3A_20, %swap3A_21, %swap3A_22], %swap3A_25 {strides = array<i32>} : memref<2x1x2000x64xf32, #tpu.memory_space<vmem>>, vector<1x1x2000x64xf32>,
    %slice3A_26 = vector.extract_strided_slice %add3A_18 {offsets = [0, 64], sizes = [2000, 64], strides = [1, 1]} : vector<2000x128xf32> to vector<2000x64xf32>
    %swap3A_27 = arith.constant 1 : index
    %swap3A_28 = arith.constant 0 : index
    %swap3A_29 = arith.constant 0 : index
    %swap3A_30 = arith.constant 0 : index
    %swap3A_31 = vector.load %arg5[%swap3A_27, %swap3A_28, %swap3A_29, %swap3A_30] : memref<2x1x2000x64xf32, #tpu.memory_space<vmem>>, vector<1x1x2000x64xf32>
    %swap3A_32 = vector.shape_cast %swap3A_31 : vector<1x1x2000x64xf32> to vector<2000x64xf32>
    %swap3A_33 = vector.shape_cast %slice3A_26 : vector<2000x64xf32> to vector<1x1x2000x64xf32>
    tpu.vector_store %arg5[%swap3A_27, %swap3A_28, %swap3A_29, %swap3A_30], %swap3A_33 {strides = array<i32>} : memref<2x1x2000x64xf32, #tpu.memory_space<vmem>>, vector<1x1x2000x64xf32>,
    return
  }
  func.func @transform_0(%arg0: i32, %arg1: i32) -> (i32, i32, i32) {
    %c0_i32 = arith.constant 0 : i32
    %c0_i32_0 = arith.constant 0 : i32
    return %arg0, %arg1, %c0_i32 : i32, i32, i32
  }
  func.func @transform_1(%arg0: i32, %arg1: i32) -> (i32, i32, i32) {
    %c0_i32 = arith.constant 0 : i32
    %c0_i32_0 = arith.constant 0 : i32
    return %arg0, %arg1, %c0_i32 : i32, i32, i32
  }
  func.func @transform_2(%arg0: i32, %arg1: i32) -> (i32, i32, i32) {
    %c0_i32 = arith.constant 0 : i32
    %c0_i32_0 = arith.constant 0 : i32
    %c0_i32_1 = arith.constant 0 : i32
    return %arg0, %c0_i32, %c0_i32_0 : i32, i32, i32
  }
  func.func @transform_3(%arg0: i32, %arg1: i32) -> (i32, i32, i32, i32) {
    %c0_i32 = arith.constant 0 : i32
    %c0_i32_0 = arith.constant 0 : i32
    %c0_i32_1 = arith.constant 0 : i32
    return %c0_i32, %arg0, %arg1, %c0_i32_0 : i32, i32, i32, i32
  }
}

</mosaic_0001>

<sc_bundles>
// kernel: kernel.11.cloned.1.call-start
scs
__scs_entry_jumppad:
0x0: {  	(pc) =	sbr.rel $0x88, $3  }
0x1: {  	(tag) =	ssettag $0x0;
	lr =	simm.s32 $0x1  }
0x2: {  	[smem:$0x3F99] =	sst lr;
	_ =	strace $0xD0000000  }
0x3: {  	_ = 	snop  }
0x4: {  	_ = 	snop  }
0x5: {  	_ = 	snop  }
0x6: {  	_ = 	snop  }
0x7: {  	_ = 	snop  }
__scs_overlays_trampoline_lowered:
0x8: {  	[smem:$0x3FA8] =	sst s0  }
0x9: {  	[smem:$0x3FA9] =	sst s1  }
0xa: {  	[smem:$0x3FAA] =	sst s2  }
0xb: {  	[smem:$0x3FAB] =	sst s3  }
0xc: {  	[smem:$0x3FAC] =	sst s4  }
0xd: {  	[smem:$0x3FAD] =	sst s5  }
0xe: {  	[smem:$0x3FAE] =	sst s6  }
0xf: {  	[smem:$0x3FAF] =	sst s7  }
0x10: {  	[smem:$0x3FB0] =	sst s8  }
0x11: {  	[smem:$0x3FB1] =	sst s9;
	s0 =	simm.s32 @!p0 $0x0  }
0x12: {  	s1 =	sld [smem:$0x3F97];
	s0 =	simm.s32 @p0 $0x1  }
0x13: {  	[smem:$0x3FB2] =	sst s0;
	s0 =	simm.s32 @!p1 $0x0  }
0x14: {  	s2 =	sld [smem:$0x3F96];
	s0 =	simm.s32 @p1 $0x1  }
0x15: {  	[smem:$0x3FB3] =	sst s0;
	s0 =	simm.s32 @!p2 $0x0  }
0x16: {  	s3 =	sld [smem:$0x3FDB];
	s0 =	simm.s32 @p2 $0x1  }
0x17: {  	s4 =	simm.s32 $0x1BF5;
	[smem:$0x3FB5] =	sst s0  }
0x18: {  	s0 =	sld [smem:$0x3F98];
	_ =	swait.ge [sflag:s4], $0x0  }
0x19: {  	s7 =	sld [smem:$0x3F99]  }
0x1a: {  	s8 =	sadd.s32 $0xFFFFE003, lr  }
0x1b: {  	s9 =	sadd.s32 $0xFFFFFEF7, lr;
	s5 =	simm.s32 $0xFFFFFFFF;
	p2 =	slt.u32 s8, $0xFFFFF086  }
0x1c: {  	p1 =	slt.u32 s9, $0xF7A;
	s5 =	simm.s32 @!p2 $0x0  }
0x1d: {  	s5 =	simm.s32 @p1 $0x1;
	p0 =	seq.s32 s7, s2  }
0x1e: {  	s7 =	smul.u32 @!p0 $0xF7A, s2;
	p2 =	seq.s32 @!p0 s5, $0x0  }
0x1f: {  	s9 =	smul.u32 $0xF7A, s1;
	s8 =	simm.s32 @!p0 $0x1BF5;
	p2 =	por !p2, p0  }
0x20: {  	[sflag:s8] =	ssyncset.s32 @!p0 $0xFFFFF086;
	s6 =	sadd.s32 @!p0 s3, s7;
	s7 =	simm.s32 @!p0 $0x108  }
0x21: {  	s3 =	sadd.s32 s3, s9;
	s6 =	sadd.s32 @!p0 $0x88, s6;
	s7 =	simm.s32 @p2 $0x1082  }
0x22: {  	[simem:s7], [sflag:s8] =	dma.local @!p0 [hbm:s6], $0xF7A  }
0x23: {  	s9 =	sor.u32 $0xD0000000, s2;
	s6 =	simm.s32 $0x108;
	_ =	swait.ge @!p0 [sflag:s8], $0x0  }
0x24: {  	s3 =	sadd.s32 $0x88, s3;
	s6 =	simm.s32 @!p1 $0x1082;
	[sflag:s4] =	ssyncset.s32 $0xFFFFF086  }
0x25: {  	[simem:s6], [sflag:s4] =	dma.local [hbm:s3], $0xF7A  }
0x26: {  	[smem:$0x3F99] =	sst s1;
	(tag) =	ssettag s2;
	_ =	strace s9  }
0x27: {  	s1 =	sld [smem:$0x3FA9]  }
0x28: {  	s2 =	sld [smem:$0x3FAA]  }
0x29: {  	s4 =	sld [smem:$0x3FAC]  }
0x2a: {  	p0 =	seq.s32 s5, $0x0;
	s5 =	sld [smem:$0x3FAD]  }
0x2b: {  	s6 =	sld [smem:$0x3FAE]  }
0x2c: {  	s7 =	sld [smem:$0x3FAF]  }
0x2d: {  	s3 =	simm.s32 $0x108;
	s8 =	sld [smem:$0x3FB0]  }
0x2e: {  	s3 =	simm.s32 @!p0 $0x1082;
	s9 =	sld [smem:$0x3FB1]  }
0x2f: {  	lr =	sadd.s32 s0, s3;
	s0 =	sld [smem:$0x3FA8]  }
0x30: {  	s3 =	sld [smem:$0x3FAB]  }
0x31: {  	[smem:$0x3FB4] =	sst s10  }
0x32: {  	s10 =	sld [smem:$0x3FB2];
	_ =	sdelay $0x3  }
0x33: {  	p0 =	seq.s32 s10, $0x1;
	s10 =	sld [smem:$0x3FB4];
	_ =	sdelay $0x3  }
0x34: {  	[smem:$0x3FB4] =	sst s10  }
0x35: {  	s10 =	sld [smem:$0x3FB3];
	_ =	sdelay $0x3  }
0x36: {  	p1 =	seq.s32 s10, $0x1;
	s10 =	sld [smem:$0x3FB4];
	_ =	sdelay $0x3  }
0x37: {  	[smem:$0x3FB4] =	sst s10  }
0x38: {  	s10 =	sld [smem:$0x3FB5]  }
0x39: {  	_ = 	snop;
	(pc) =	sbr.ind lr, $3  }
0x3a: {  	_ = 	snop  }
0x3b: {  	_ = 	snop  }
0x3c: {  	p2 =	seq.s32 s10, $0x1;
	s10 =	sld [smem:$0x3FB4]  }
0x3d: {  	_ =	shalt  }
0x3e: {  	_ =	shalt  }
0x3f: {  	_ =	shalt  }
0x40: {  	_ =	shalt  }
0x41: {  	_ =	shalt  }
0x42: {  	_ =	shalt  }
0x43: {  	_ =	shalt  }
0x44: {  	_ =	shalt  }
0x45: {  	_ =	shalt  }
0x46: {  	_ =	shalt  }
0x47: {  	_ =	shalt  }
0x48: {  	_ =	shalt  }
0x49: {  	_ =	shalt  }
0x4a: {  	_ =	shalt  }
0x4b: {  	_ =	shalt  }
0x4c: {  	_ =	shalt  }
0x4d: {  	_ =	shalt  }
0x4e: {  	_ =	shalt  }
0x4f: {  	_ =	shalt  }
0x50: {  	_ =	shalt  }
0x51: {  	_ =	shalt  }
0x52: {  	_ =	shalt  }
0x53: {  	_ =	shalt  }
0x54: {  	_ =	shalt  }
0x55: {  	_ =	shalt  }
0x56: {  	_ =	shalt  }
0x57: {  	_ =	shalt  }
0x58: {  	_ =	shalt  }
0x59: {  	_ =	shalt  }
0x5a: {  	_ =	shalt  }
0x5b: {  	_ =	shalt  }
0x5c: {  	_ =	shalt  }
0x5d: {  	_ =	shalt  }
0x5e: {  	_ =	shalt  }
0x5f: {  	_ =	shalt  }
0x60: {  	_ =	shalt  }
0x61: {  	_ =	shalt  }
0x62: {  	_ =	shalt  }
0x63: {  	_ =	shalt  }
0x64: {  	_ =	shalt  }
0x65: {  	_ =	shalt  }
0x66: {  	_ =	shalt  }
0x67: {  	_ =	shalt  }
0x68: {  	_ =	shalt  }
0x69: {  	_ =	shalt  }
0x6a: {  	_ =	shalt  }
0x6b: {  	_ =	shalt  }
0x6c: {  	_ =	shalt  }
0x6d: {  	_ =	shalt  }
0x6e: {  	_ =	shalt  }
0x6f: {  	_ =	shalt  }
0x70: {  	_ =	shalt  }
0x71: {  	_ =	shalt  }
0x72: {  	_ =	shalt  }
0x73: {  	_ =	shalt  }
0x74: {  	_ =	shalt  }
0x75: {  	_ =	shalt  }
0x76: {  	_ =	shalt  }
0x77: {  	_ =	shalt  }
0x78: {  	_ =	shalt  }
0x79: {  	_ =	shalt  }
0x7a: {  	_ =	shalt  }
0x7b: {  	_ =	shalt  }
0x7c: {  	_ =	shalt  }
0x7d: {  	_ =	shalt  }
0x7e: {  	_ =	shalt  }
0x7f: {  	_ =	shalt  }
0x80: {  	_ =	shalt  }
0x81: {  	_ =	shalt  }
0x82: {  	_ =	shalt  }
0x83: {  	_ =	shalt  }
0x84: {  	_ =	shalt  }
0x85: {  	_ =	shalt  }
0x86: {  	_ =	shalt  }
0x87: {  	_ =	shalt  }
.Lfunc_end0:
.L_simem_size_0:
called_computation.1_lowered:
.L_overlay_start_0:
0x88: {  	s2 =	sld [smem:$0x3FD9]  }
0x89: {  	s3 =	sld [smem:$0x3FFE];
	_ =	sdelay $0x1  }
0x8a: {  	s1 =	srdreg.scid  }
0x8b: {  	s0 =	sand.u32 $0x1, s1  }
0x8c: {  	s16 =	sshll.u32 s0, $0xA;
	s2 =	sadd.s32 s3, s2  }
0x8d: {  	s2 =	sadd.s32 s2, s16  }
0x8e: {  	[smem:$0x3FC0] =	sst s2  }
0x8f: {  	_ = 	snop  }
0x90: {  	(tm) =	ssettm $0x1  }
0x91: {  	s17 =	sld [smem:$0x3FFB];
	_ =	sdelay $0x3  }
0x92: {  	_ =	strace s17  }
0x93: {  	s2 =	sld [smem:$0x3FFC];
	_ =	sdelay $0x3  }
0x94: {  	_ =	strace s2  }
0x95: {  	s2 =	sld [smem:$0x3FFD];
	_ =	sdelay $0x3  }
0x96: {  	_ =	strace s2  }
0x97: {  	_ =	strace $0x8FFFFFFF  }
0x98: {  	s18 =	sld [smem:$0x3FDB];
	_ =	sdelay $0x1  }
0x99: {  	s19 =	simm.s32 $_scs_section_size  }
0x9a: {  	s4 =	simm.s32 $_size__tile_overlayer_lowered;
	s5 =	simm.s32 $_tile_overlayer_lowered  }
0x9b: {  	s22 =	simm.s32 $0x1BFF;
	s21 =	sshll.u32 s5, $0x1;
	s2 =	sadd.s32 s19, s18  }
0x9c: {  	s6 =	simm.s32 $0x0;
	s20 =	sshll.u32 s4, $0x1;
	s4 =	sadd.s32 s21, s2  }
0x9d: {  	[timem:s6], [sflag:s22] =	dma.local [hbm:s4], s20  }
0x9e: {  	_ =	swait.ge [sflag:s22], s20  }
0x9f: {  	s3 =	ssub.s32 $0x0, s20;
	[sflag:s22] =	ssyncset.done $0x0  }
0xa0: {  	[sflag:s22] =	ssyncadd.s32 s3;
	_ =	sdelay $0x1  }
0xa1: {  	s23 =	simm.s32 $0x1B8B  }
0xa2: {  	_ =	swait.ge [sflag:s23], $0x1  }
0xa3: {  	[sflag:s23] =	ssyncset.done $0x0  }
0xa4: {  	s25 =	simm.s32 $0x1B8E;
	s24 =	sld [smem:$0x3FFE];
	[sflag:s23] =	ssyncadd.s32 $0xFFFFFFFF  }
0xa5: {  	s26 =	simm.s32 $execute0_lowered;
	[smem:$0x3FD2] =	sst s25  }
0xa6: {  	s4 =	sshll.u32 s26, $0x1;
	_ =	strace $0x80000049;
	[dreg:$0x1] =	wrdreg $0xFFFFFFFF  }
0xa7: {  	s28 =	simm.s32 $_size_execute0_lowered;
	s2 =	sadd.s32 s2, s4;
	[dreg:$0x0] =	wrdreg $0x0  }
0xa8: {  	s4 =	sshll.u32 s28, $0x1;
	[dreg:$0x2] =	wrdreg s2  }
0xa9: {  	[dreg:$0x3] =	wrdreg s4  }
0xaa: {  	[dreg:$0x4] =	wrdreg $0xC0  }
0xab: {  	_ =	task [dreg:s6], $0x5FFFF  }
0xac: {  	[dreg:$0x1] =	wrdreg $0xFFFFFFFF  }
0xad: {  	[dreg:$0x0] =	wrdreg $0x60  }
0xae: {  	[dreg:$0x2] =	wrdreg s24  }
0xaf: {  	[dreg:$0x3] =	wrdreg $0x0  }
0xb0: {  	[dreg:$0x4] =	wrdreg $0x9  }
0xb1: {  	_ =	task.clear_ibuf [dreg:s6], $0x5FFFF;
	_ =	strace $0x90000049  }
0xb2: {  	s29 =	simm.s32 $0x9;
	_ =	strace $0x8000004B  }
0xb3: {  	_ =	swait.ge [sflag:s29], $0x1  }
0xb4: {  	[sflag:s29] =	ssyncadd.s32 $0xFFFFFFFF  }
0xb5: {  	_ =	strace $0x9000004B  }
0xb6: {  	_ =	sfence  }
0xb7: {  	s30 =	sld [smem:$0x0];
	_ =	sdelay $0x2  }
0xb8: {  	s31 =	sshll.u32 s1, $0xD;
	s1 =	sshrl.u32 s1, $0x2  }
0xb9: {  	s3 =	sand.u32 $0x4000, s31;
	s1 =	sadd.s32 s1, s30  }
0xba: {  	s0 =	sor.u32 s3, s0;
	s1 =	sshll.u32 s1, $0x11  }
0xbb: {  	s0 =	sor.u32 s1, s0  }
0xbc: {  	s0 =	sadd.s32 $0x8F2B, s0  }
0xbd: {  	[sflag:s0] =	ssyncadd.remote.s32 $0x1  }
0xbe: {  	_ =	sfence.sel $0xFFFF  }
0xbf: {  	[dreg:$0x0] =	wrdreg $0xFFFFFFFF;
	(pc) =	sbr.abs _section_cstart, $3  }
0xc0: {  	[dreg:$0x1] =	wrdreg $0xFFFFFFFF  }
0xc1: {  	_ =	task.clear_ibuf [dreg:s6], $0x2FFFF;
	_ =	strace $0x9FFFFFFF  }
0xc2: {  	(tm) =	ssettm $0x7FFFFFFF  }
0xc3: {  	_ =	shalt  }
tec
execute0_lowered:
.L_overlay_start_1:
0x0: {  	(tag) =	ssettag $0x1  }
0x1: {  	s0 =	srdreg.scid;
	s26 =	stileid.u32  }
0x2: {  	s1 =	rddreg [dreg:$0x0];
	s6 =	smul.u32 $0x271, s26  }
0x3: {  	s28 =	simm.s32 $0x1BA80;
	s5 =	sand.u32 $0x1, s0;
	s7 =	smul.u32 $0x4E20, s26  }
0x4: {  	s30 =	simm.s32 $0x11;
	s31 =	simm.s32 $0x14000;
	s3 =	smul.u32 $0x4E20, s5  }
0x5: {  	s9 =	sadd.s32 $0x12CC00, s1;
	s8 =	smul.u32 $0x138800, s5  }
0x6: {  	s29 =	sadd.s32 $0x90800, s1;
	s0 =	ssub.s32 $0x2, s5;
	s10 =	smul.u32 $0x9C400, s5  }
0x7: {  	s15 =	smul.u32 $0x271000, s5;
	s16 =	sshllo.u32 s5, $0x1;
	s2 =	sshrl.u32 s0, $0x1  }
0x8: {  	s13 =	sadd.s32 $0x50, s7;
	s18 =	sadd.s32 $0xA0, s7;
	s5 =	smul.u32 $0x2710, s16  }
0x9: {  	s20 =	sadd.s32 $0xF0, s7;
	s21 =	smul.u32 $0x138800, s16;
	s24 =	sadd.s32 $0x140, s7  }
0xa: {  	s0 =	ssub.s32 s0, s2;
	s2 =	smul.u32 $0x13880, s26;
	s3 =	sadd.s32 s6, s3  }
0xb: {  	s11 =	sadd.s32 $0x4E200, s8;
	s4 =	sadd.s32 s7, s10;
	s14 =	sadd.s32 s10, s13  }
0xc: {  	s19 =	sadd.s32 s10, s18;
	s23 =	sadd.s32 s10, s20;
	s12 =	sadd.s32 s7, s11  }
0xd: {  	s17 =	sadd.s32 s13, s11;
	s22 =	sadd.s32 s18, s11;
	s5 =	sadd.s32 s6, s5  }
0xe: {  	s14 =	sshrl.u32 s14, $0x3;
	s0 =	smax.u32 s0, $0x1;
	s15 =	sadd.s32 s2, s15  }
0xf: {  	s25 =	sadd.s32 s2, s21;
	s21 =	sadd.s32 s10, s24;
	s15 =	sshrl.u32 s15, $0x3  }
0x10: {  	s6 =	sshrl.u32 s25, $0x3;
	s25 =	sadd.s32 s24, s11;
	s15 =	sadd.s32 s9, s15  }
0x11: {  	s6 =	sadd.s32 s9, s6;
	[dreg:$0x3] =	wrdreg s15;
	s15 =	smul.u32 $0x4E200, s16  }
0x12: {  	[dreg:$0x4] =	wrdreg s6;
	s6 =	sadd.s32 $0x190, s7;
	s16 =	smul.u32 $0x9C400, s16  }
0x13: {  	s9 =	sadd.s32 s10, s6;
	s10 =	sadd.s32 s20, s11;
	s11 =	sadd.s32 s6, s11  }
0x14: {  	s13 =	sadd.s32 s13, s15;
	s18 =	sadd.s32 s18, s15;
	s20 =	sadd.s32 s20, s15  }
0x15: {  	s24 =	sadd.s32 s24, s15;
	s6 =	sadd.s32 s6, s15;
	s15 =	sadd.s32 s7, s15  }
0x16: {  	s16 =	sadd.s32 s16, s7;
	s7 =	sadd.s32 s7, s8;
	s8 =	sshrl.u32 s12, $0x3  }
0x17: {  	s12 =	sshrl.u32 s17, $0x3;
	s17 =	sshrl.u32 s22, $0x3;
	s22 =	sadd.s32 $0x1B400, s1  }
0x18: {  	s21 =	sshrl.u32 s21, $0x3;
	s10 =	sshrl.u32 s10, $0x3;
	s8 =	sadd.s32 s22, s8  }
0x19: {  	s11 =	sshrl.u32 s11, $0x3;
	s12 =	sadd.s32 s22, s12;
	[dreg:$0x5] =	wrdreg s8  }
0x1a: {  	s9 =	sshrl.u32 s9, $0x3;
	s17 =	sadd.s32 s22, s17;
	[dreg:$0x6] =	wrdreg s12  }
0x1b: {  	[dreg:$0x7] =	wrdreg s17;
	s12 =	sshrl.u32 s25, $0x3;
	s8 =	sadd.s32 s22, s10  }
0x1c: {  	s25 =	sadd.s32 s22, s11;
	s10 =	sshrl.u32 s16, $0x3;
	s11 =	sadd.s32 $0x4E3E0, s7  }
0x1d: {  	s7 =	sadd.s32 $0xEA7E0, s7;
	[dreg:$0x8] =	wrdreg s8;
	s17 =	sadd.s32 s22, s12  }
0x1e: {  	[dreg:$0xa] =	wrdreg s25;
	s8 =	sadd.s32 s22, s10;
	s10 =	sshrl.u32 s11, $0x3  }
0x1f: {  	s7 =	sshrl.u32 s7, $0x3;
	s11 =	simm.s32 $0x0;
	[dreg:$0x9] =	wrdreg s17  }
0x20: {  	s12 =	sshrl.u32 s4, $0x3;
	s7 =	sadd.s32 s7, s22;
	[smem:$0x7FF] =	sst s11  }
0x21: {  	s10 =	sadd.s32 s10, s22;
	[dreg:$0xc] =	wrdreg s7;
	s7 =	sadd.s32 $0x69600, s1  }
0x22: {  	s16 =	sshrl.u32 s19, $0x3;
	[dreg:$0xb] =	wrdreg s10;
	s10 =	sadd.s32 s7, s12  }
0x23: {  	s6 =	sshrl.u32 s6, $0x3;
	s17 =	sadd.s32 s7, s16;
	[dreg:$0xd] =	wrdreg s10  }
0x24: {  	s19 =	sshrl.u32 s23, $0x3;
	s9 =	sadd.s32 s7, s9;
	[dreg:$0xf] =	wrdreg s17  }
0x25: {  	s23 =	sshrl.u32 s13, $0x3;
	s6 =	sadd.s32 s7, s6;
	[dreg:$0x12] =	wrdreg s9  }
0x26: {  	s22 =	sshrl.u32 s15, $0x3;
	s10 =	sadd.s32 s7, s14;
	[dreg:$0x18] =	wrdreg s6  }
0x27: {  	s13 =	sshrl.u32 s24, $0x3;
	s9 =	sadd.s32 s7, s22;
	[dreg:$0xe] =	wrdreg s10  }
0x28: {  	s25 =	sshrl.u32 s18, $0x3;
	s10 =	sadd.s32 s7, s19;
	[dreg:$0x13] =	wrdreg s9  }
0x29: {  	s12 =	sshrl.u32 s20, $0x3;
	s9 =	sadd.s32 s7, s23;
	[dreg:$0x10] =	wrdreg s10  }
0x2a: {  	s14 =	sadd.s32 $0x1E0, s4;
	s10 =	sadd.s32 s7, s21;
	[dreg:$0x14] =	wrdreg s9  }
0x2b: {  	s4 =	sadd.s32 $0x4E3E0, s4;
	s9 =	sadd.s32 s7, s12;
	[dreg:$0x11] =	wrdreg s10  }
0x2c: {  	s6 =	sshrl.u32 s14, $0x3;
	s4 =	sshrl.u32 s4, $0x3;
	[dreg:$0x16] =	wrdreg s9  }
0x2d: {  	s6 =	sadd.s32 s6, s7;
	s10 =	sadd.s32 s7, s25;
	s25 =	rddreg [dreg:$0x1]  }
0x2e: {  	s18 =	sshll.u32 s5, $0x4;
	s4 =	sadd.s32 s4, s7;
	[dreg:$0x19] =	wrdreg s6  }
0x2f: {  	s5 =	simm.s32 $0x15;
	s16 =	sshll.u32 s3, $0x4;
	[dreg:$0x1a] =	wrdreg s4  }
0x30: {  	s20 =	sadd.s32 $0x9C4A, s8;
	s9 =	sadd.s32 s7, s13;
	[dreg:$0x15] =	wrdreg s10  }
0x31: {  	s3 =	simm.s32 $0x16A80;
	[dreg:$0x17] =	wrdreg s9;
	s15 =	sadd.s32 s2, s25  }
0x32: {  	s1 =	sadd.s32 s29, s16;
	_ =	strace $0x8000004A;
	[dreg:$0x1b] =	wrdreg s15  }
0x33: {  	s17 =	sshll.u32 s26, $0x6;
	s19 =	sadd.s32 $0x9C40, s8;
	[dreg:$0x1c] =	wrdreg s1  }
0x34: {  	s22 =	sadd.s32 $0x9C5E, s8;
	s26 =	sadd.s32 $0x9C72, s8;
	[dreg:$0x1e] =	wrdreg s19  }
0x35: {  	s24 =	sor.u32 $0x1C19, s17;
	s21 =	sadd.s32 $0x9C54, s8;
	[dreg:$0x1f] =	wrdreg s20  }
0x36: {  	s23 =	sadd.s32 $0x9C68, s8;
	s8 =	simm.s32 $0x19;
	[smem:$0x7F9] =	sst s21  }
0x37: {  	s4 =	simm.s32 $0x17;
	s6 =	simm.s32 $0x0;
	[smem:$0x7FA] =	sst s22  }
0x38: {  	s2 =	simm.s32 $0x14050;
	s9 =	simm.s32 $0x18;
	[smem:$0x7FB] =	sst s23  }
0x39: {  	s10 =	simm.s32 $0x16;
	s1 =	sadd.s32 s29, s18;
	[smem:$0x7FC] =	sst s26  }
0x3a: {  	[smem:$0x7FD] =	sst s0;
	s20 =	simm.s32 $0x13A10;
	s21 =	simm.s32 $0x13F10  }
0x3b: {  	s22 =	simm.s32 $0x50;
	s23 =	simm.s32 $0x14;
	s26 =	simm.s32 $0x13FB0  }
0x3c: {  	s0 =	simm.s32 $0x14280;
	[dreg:$0x1d] =	wrdreg s1;
	s1 =	simm.s32 $0x12  }
.LBB2_1:
0x3d: {  	s7 =	rddreg [dreg:$0x1b]  }
0x3e: {  	s16 =	rddreg [dreg:$0x1c];
	s12 =	sshrl.u32 s7, $0x3  }
0x3f: {  	[spmem:s12], [sflag:s24] =	dma.local [hbm:s16], $0x2710  }
0x40: {  	_ =	swait.ge [sflag:s8], $0x2710  }
0x41: {  	[sflag:s8] =	ssyncset.done $0x0  }
0x42: {  	s13 =	simm.s32 $0x13880;
	s17 =	rddreg [dreg:$0xd];
	[sflag:s8] =	ssyncadd.s32 $0xFFFFD8F0  }
0x43: {  	[tilespmem:s13], [sflag:$0x1] =	stream.linear.gather [hbm4b:s17+s11], $0x50, $0x38;
	[tilespmem:$0x1E280] =	vst v63  }
0x44: {  	s19 =	simm.s32 $0x13D80;
	s18 =	rddreg [dreg:$0x5]  }
0x45: {  	[tilespmem:s19], [sflag:$0x1] =	stream.linear.gather [hbm4b:s18+s11], $0x50, $0x38;
	[tilespmem:$0x1E280] =	vst v63  }
0x46: {  	s15 =	simm.s32 $0x138D0;
	s14 =	rddreg [dreg:$0xe]  }
0x47: {  	[tilespmem:s15], [sflag:$0x2] =	stream.linear.gather [hbm4b:s14+s11], $0x50, $0x38;
	[tilespmem:$0x1E280] =	vst v63  }
0x48: {  	s16 =	rddreg [dreg:$0x6];
	s17 =	simm.s32 $0x13DD0  }
0x49: {  	[tilespmem:s17], [sflag:$0x2] =	stream.linear.gather [hbm4b:s16+s11], $0x50, $0x38;
	[tilespmem:$0x1E280] =	vst v63  }
0x4a: {  	s18 =	rddreg [dreg:$0xf];
	s19 =	simm.s32 $0x13920  }
0x4b: {  	[tilespmem:s19], [sflag:$0x3] =	stream.linear.gather [hbm4b:s18+s11], $0x50, $0x38;
	[tilespmem:$0x1E280] =	vst v63  }
0x4c: {  	s14 =	rddreg [dreg:$0x7];
	s15 =	simm.s32 $0x13E20  }
0x4d: {  	[tilespmem:s15], [sflag:$0x3] =	stream.linear.gather [hbm4b:s14+s11], $0x50, $0x38;
	[tilespmem:$0x1E280] =	vst v63  }
0x4e: {  	s16 =	rddreg [dreg:$0x10];
	s17 =	simm.s32 $0x13970  }
0x4f: {  	[tilespmem:s17], [sflag:$0x4] =	stream.linear.gather [hbm4b:s16+s11], $0x50, $0x38;
	[tilespmem:$0x1E280] =	vst v63  }
0x50: {  	s18 =	rddreg [dreg:$0x8];
	s19 =	simm.s32 $0x13E70  }
0x51: {  	[tilespmem:s19], [sflag:$0x4] =	stream.linear.gather [hbm4b:s18+s11], $0x50, $0x38;
	[tilespmem:$0x1E280] =	vst v63  }
0x52: {  	s14 =	rddreg [dreg:$0x11];
	s15 =	simm.s32 $0x139C0  }
0x53: {  	[tilespmem:s15], [sflag:$0x5] =	stream.linear.gather [hbm4b:s14+s11], $0x50, $0x38;
	[tilespmem:$0x1E280] =	vst v63  }
0x54: {  	s16 =	rddreg [dreg:$0x9];
	s17 =	simm.s32 $0x13EC0  }
0x55: {  	[tilespmem:s17], [sflag:$0x5] =	stream.linear.gather [hbm4b:s16+s11], $0x50, $0x38;
	[tilespmem:$0x1E280] =	vst v63  }
0x56: {  	s18 =	rddreg [dreg:$0x12]  }
0x57: {  	[tilespmem:s20], [sflag:$0x6] =	stream.linear.gather [hbm4b:s18+s11], $0x50, $0x38;
	[tilespmem:$0x1E280] =	vst v63  }
0x58: {  	s19 =	rddreg [dreg:$0xa]  }
0x59: {  	[tilespmem:s21], [sflag:$0x6] =	stream.linear.gather [hbm4b:s19+s11], $0x50, $0x38;
	[tilespmem:$0x1E280] =	vst v63  }
0x5a: {  	[bflag:$0x0] =	sbarrier.arrive $0xFFFF  }
0x5b: {  	s7 =	rddreg [dreg:$0x19]  }
0x5c: {  	s14 =	simm.s32 $0x0;
	s13 =	rddreg [dreg:$0xb]  }
.LBB2_2:
0x5d: {  	s15 =	sand.u32 $0x3, s14;
	p0 =	slt.u32 s14, $0x4  }
0x5e: {  	s16 =	sadd.s32 @!p0 $0x15, s15  }
0x5f: {  	_ =	swait.ge @!p0 [sflag:s16], $0x2800  }
0x60: {  	s17 =	sand.u32 $0xF, s14;
	[sflag:s16] =	ssyncset.done @!p0 $0x0  }
0x61: {  	[sflag:s16] =	ssyncadd.s32 @!p0 $0xFFFFD800;
	s16 =	sadd.s32 $0x1, s17  }
0x62: {  	_ =	swait.ge [sflag:s16], $0x50  }
0x63: {  	s18 =	smul.u32 $0xA000, s15;
	[sflag:s16] =	ssyncset.done $0x0  }
0x64: {  	s17 =	smul.u32 $0x140, s17;
	[sflag:s16] =	ssyncadd.s32 $0xFFFFFFB0  }
0x65: {  	s15 =	sadd.s32 $0x11, s15;
	p0 =	sgt.u32 s14, $0xF3;
	_ =	swait.ge [sflag:s16], $0x50  }
0x66: {  	s19 =	sadd.s32 @!p0 $0x6, s14;
	s17 =	sshrl.u32 s17, $0x2;
	[sflag:s16] =	ssyncset.done $0x0  }
0x67: {  	[sflag:s16] =	ssyncadd.s32 $0xFFFFFFB0;
	s16 =	sshrl.u32 s18, $0x2;
	s18 =	sand.u32 @!p0 $0xF, s19  }
0x68: {  	s17 =	sadd.s32 $0x13880, s17;
	s16 =	sadd.s32 $0x14280, s16;
	s19 =	smul.u32 @!p0 $0x50, s18  }
0x69: {  	[tilespmem:s16], [sflag:s15] =	stream.indirect.gather [hbm4b:s29+s22], $0x80, s17, s22, $0xb8;
	[tilespmem:$0x1E280] =	vst v63  }
0x6a: {  	s15 =	sadd.s32 @!p0 $0x1, s18;
	s17 =	simm.s32 @!p0 $0x0;
	s16 =	sadd.s32 @!p0 $0x13880, s19  }
0x6b: {  	[tilespmem:s16], [sflag:s15] =	stream.linear.gather @!p0 [hbm4b:s7+s17], $0x50, $0x38;
	[tilespmem:$0x1E280] =	vst v63  }
0x6c: {  	p1 =	slt.u32 @!p0 s14, $0x3;
	s16 =	sadd.s32 @!p0 $0x13D80, s19  }
0x6d: {  	[tilespmem:s16], [sflag:s15] =	stream.linear.gather @!p0 [hbm4b:s13+s17], $0x50, $0x38;
	[tilespmem:$0x1E280] =	vst v63  }
0x6e: {  	p0 =	por p0, !p1  }
0x6f: {  	s16 =	sadd.s32 @p0 $0x1, s14  }
0x70: {  	s19 =	sadd.s32 $0x1, s14;
	s14 =	sadd.s32 @p0 $0xD, s14;
	s16 =	sand.u32 @p0 $0x3, s16  }
0x71: {  	s14 =	sand.u32 @p0 $0xF, s14;
	s17 =	smul.u32 @p0 $0xA000, s16  }
0x72: {  	s18 =	sadd.s32 @p0 $0x11, s16;
	s14 =	smul.u32 @p0 $0x140, s14  }
0x73: {  	s16 =	sadd.s32 @p0 $0x15, s16;
	_ =	swait.ge @p0 [sflag:s18], $0x2800  }
0x74: {  	s17 =	sshrl.u32 @p0 s17, $0x2;
	[sflag:s18] =	ssyncset.done @p0 $0x0;
	s14 =	sshrl.u32 @p0 s14, $0x2  }
0x75: {  	s17 =	sadd.s32 @p0 $0x14280, s17;
	[sflag:s18] =	ssyncadd.s32 @p0 $0xFFFFD800;
	s14 =	sadd.s32 @p0 $0x13D80, s14  }
0x76: {  	[spmem:s25] =	stream.indirect.scatter.add.f32 @p0 [tilespmem:s17], [sflag:s16], $0x80, s14, s22, $0xb8;
	[tilespmem:$0x1E280] =	vst v63  }
0x77: {  	p0 =	sne.s32 s19, $0xFA  }
.Ltmp0:
0x78: {  	_ = 	snop;
	(pc) =	sbr.rel @p0 .LBB2_2-.Ltmp0, $2  }
0x79: {  	_ =	sdelay $0x2  }
0x7a: {  	s7 =	sadd.s32 $0xA, s7;
	s13 =	sadd.s32 $0xA, s13;
	s14 =	smov.u32 s19  }
0x7b: {  	_ =	swait.ge [sflag:s23], $0x2800  }
0x7c: {  	[sflag:s23] =	ssyncset.done $0x0  }
0x7d: {  	[sflag:s23] =	ssyncadd.s32 $0xFFFFD800  }
0x7e: {  	[spmem:s25] =	stream.indirect.scatter.add.f32 [tilespmem:s28], [sflag:$0x18], $0x80, s26, s22, $0xb8;
	[tilespmem:$0x1E280] =	vst v63  }
0x7f: {  	_ =	swait.ge [sflag:s30], $0x2800  }
0x80: {  	[sflag:s30] =	ssyncset.done $0x0  }
0x81: {  	[sflag:s30] =	ssyncadd.s32 $0xFFFFD800  }
0x82: {  	[spmem:s25] =	stream.indirect.scatter.add.f32 [tilespmem:s0], [sflag:$0x15], $0x80, s31, s22, $0xb8;
	[tilespmem:$0x1E280] =	vst v63  }
0x83: {  	_ =	swait.ge [sflag:s1], $0x2800  }
0x84: {  	[sflag:s1] =	ssyncset.done $0x0  }
0x85: {  	[sflag:s1] =	ssyncadd.s32 $0xFFFFD800  }
0x86: {  	[spmem:s25] =	stream.indirect.scatter.add.f32 [tilespmem:s3], [sflag:$0x16], $0x80, s2, s22, $0xb8;
	[tilespmem:$0x1E280] =	vst v63  }
0x87: {  	_ =	swait.ge [sflag:s4], $0x2800  }
0x88: {  	[sflag:s4] =	ssyncset.done $0x0  }
0x89: {  	[sflag:s4] =	ssyncadd.s32 $0xFFFFD800  }
0x8a: {  	_ =	swait.ge [sflag:s9], $0x2800  }
0x8b: {  	[sflag:s9] =	ssyncset.done $0x0  }
0x8c: {  	[sflag:s9] =	ssyncadd.s32 $0xFFFFD800  }
0x8d: {  	_ =	swait.ge [sflag:s5], $0x2800  }
0x8e: {  	[sflag:s5] =	ssyncset.done $0x0  }
0x8f: {  	[sflag:s5] =	ssyncadd.s32 $0xFFFFD800  }
0x90: {  	_ =	swait.ge [sflag:s10], $0x2800  }
0x91: {  	[sflag:s10] =	ssyncset.done $0x0  }
0x92: {  	[sflag:s10] =	ssyncadd.s32 $0xFFFFD800  }
0x93: {  	[bflag:$0x0] =	sbarrier.arrive $0xFFFF  }
0x94: {  	s7 =	rddreg [dreg:$0x3]  }
0x95: {  	[hbm:s7], [sflag:s24] =	dma.local [spmem:s12], $0x2710  }
0x96: {  	_ =	swait.ge [sflag:s8], $0x2710  }
0x97: {  	[sflag:s8] =	ssyncset.done $0x0  }
0x98: {  	s16 =	rddreg [dreg:$0x1d];
	[sflag:s8] =	ssyncadd.s32 $0xFFFFD8F0  }
0x99: {  	[spmem:s12], [sflag:s24] =	dma.local [hbm:s16], $0x2710  }
0x9a: {  	_ =	swait.ge [sflag:s8], $0x2710  }
0x9b: {  	s14 =	simm.s32 $0x0;
	[sflag:s8] =	ssyncset.done $0x0;
	s17 =	rddreg [dreg:$0x13]  }
0x9c: {  	s13 =	simm.s32 $0x13880;
	s18 =	rddreg [dreg:$0x1e];
	[sflag:s8] =	ssyncadd.s32 $0xFFFFD8F0  }
0x9d: {  	[tilespmem:s13], [sflag:$0x1] =	stream.linear.gather [hbm4b:s17+s14], $0x50, $0x38;
	[tilespmem:$0x1E280] =	vst v63  }
0x9e: {  	s19 =	simm.s32 $0x13D80;
	s16 =	rddreg [dreg:$0x1f]  }
0x9f: {  	[tilespmem:s19], [sflag:$0x1] =	stream.linear.gather [hbm4b:s18+s14], $0x50, $0x38;
	[tilespmem:$0x1E280] =	vst v63  }
0xa0: {  	s15 =	simm.s32 $0x138D0;
	s13 =	rddreg [dreg:$0x14]  }
0xa1: {  	[tilespmem:s15], [sflag:$0x2] =	stream.linear.gather [hbm4b:s13+s14], $0x50, $0x38;
	[tilespmem:$0x1E280] =	vst v63  }
0xa2: {  	s17 =	simm.s32 $0x13DD0;
	s18 =	rddreg [dreg:$0x15]  }
0xa3: {  	[tilespmem:s17], [sflag:$0x2] =	stream.linear.gather [hbm4b:s16+s14], $0x50, $0x38;
	[tilespmem:$0x1E280] =	vst v63  }
0xa4: {  	s19 =	simm.s32 $0x13920;
	s13 =	sld [smem:$0x7F9]  }
0xa5: {  	[tilespmem:s19], [sflag:$0x3] =	stream.linear.gather [hbm4b:s18+s14], $0x50, $0x38;
	[tilespmem:$0x1E280] =	vst v63  }
0xa6: {  	s15 =	simm.s32 $0x13E20;
	s16 =	rddreg [dreg:$0x16]  }
0xa7: {  	[tilespmem:s15], [sflag:$0x3] =	stream.linear.gather [hbm4b:s13+s14], $0x50, $0x38;
	[tilespmem:$0x1E280] =	vst v63  }
0xa8: {  	s17 =	simm.s32 $0x13970;
	s18 =	sld [smem:$0x7FA]  }
0xa9: {  	[tilespmem:s17], [sflag:$0x4] =	stream.linear.gather [hbm4b:s16+s14], $0x50, $0x38;
	[tilespmem:$0x1E280] =	vst v63  }
0xaa: {  	s19 =	simm.s32 $0x13E70;
	s13 =	rddreg [dreg:$0x17]  }
0xab: {  	[tilespmem:s19], [sflag:$0x4] =	stream.linear.gather [hbm4b:s18+s14], $0x50, $0x38;
	[tilespmem:$0x1E280] =	vst v63  }
0xac: {  	s15 =	simm.s32 $0x139C0;
	s16 =	sld [smem:$0x7FB]  }
0xad: {  	[tilespmem:s15], [sflag:$0x5] =	stream.linear.gather [hbm4b:s13+s14], $0x50, $0x38;
	[tilespmem:$0x1E280] =	vst v63  }
0xae: {  	s17 =	simm.s32 $0x13EC0;
	s18 =	rddreg [dreg:$0x18]  }
0xaf: {  	[tilespmem:s17], [sflag:$0x5] =	stream.linear.gather [hbm4b:s16+s14], $0x50, $0x38;
	[tilespmem:$0x1E280] =	vst v63  }
0xb0: {  	s19 =	sld [smem:$0x7FC]  }
0xb1: {  	[tilespmem:s20], [sflag:$0x6] =	stream.linear.gather [hbm4b:s18+s14], $0x50, $0x38;
	[tilespmem:$0x1E280] =	vst v63  }
0xb2: {  	_ = 	snop  }
0xb3: {  	[tilespmem:s21], [sflag:$0x6] =	stream.linear.gather [hbm4b:s19+s14], $0x50, $0x38;
	[tilespmem:$0x1E280] =	vst v63  }
0xb4: {  	[bflag:$0x0] =	sbarrier.arrive $0xFFFF  }
0xb5: {  	s7 =	rddreg [dreg:$0x1a]  }
0xb6: {  	s13 =	rddreg [dreg:$0xc]  }
.LBB2_4:
0xb7: {  	s15 =	sand.u32 $0x3, s14;
	p0 =	slt.u32 s14, $0x4  }
0xb8: {  	s16 =	sadd.s32 @!p0 $0x15, s15  }
0xb9: {  	_ =	swait.ge @!p0 [sflag:s16], $0x2800  }
0xba: {  	s17 =	sand.u32 $0xF, s14;
	[sflag:s16] =	ssyncset.done @!p0 $0x0  }
0xbb: {  	[sflag:s16] =	ssyncadd.s32 @!p0 $0xFFFFD800;
	s16 =	sadd.s32 $0x1, s17  }
0xbc: {  	_ =	swait.ge [sflag:s16], $0x50  }
0xbd: {  	s18 =	smul.u32 $0xA000, s15;
	[sflag:s16] =	ssyncset.done $0x0  }
0xbe: {  	s17 =	smul.u32 $0x140, s17;
	[sflag:s16] =	ssyncadd.s32 $0xFFFFFFB0  }
0xbf: {  	s15 =	sadd.s32 $0x11, s15;
	p0 =	sgt.u32 s14, $0xF3;
	_ =	swait.ge [sflag:s16], $0x50  }
0xc0: {  	s19 =	sadd.s32 @!p0 $0x6, s14;
	s17 =	sshrl.u32 s17, $0x2;
	[sflag:s16] =	ssyncset.done $0x0  }
0xc1: {  	[sflag:s16] =	ssyncadd.s32 $0xFFFFFFB0;
	s16 =	sshrl.u32 s18, $0x2;
	s18 =	sand.u32 @!p0 $0xF, s19  }
0xc2: {  	s17 =	sadd.s32 $0x13880, s17;
	s16 =	sadd.s32 $0x14280, s16;
	s19 =	smul.u32 @!p0 $0x50, s18  }
0xc3: {  	[tilespmem:s16], [sflag:s15] =	stream.indirect.gather [hbm4b:s29+s22], $0x80, s17, s22, $0xb8;
	[tilespmem:$0x1E280] =	vst v63  }
0xc4: {  	s15 =	sadd.s32 @!p0 $0x1, s18;
	s17 =	simm.s32 @!p0 $0x0;
	s16 =	sadd.s32 @!p0 $0x13880, s19  }
0xc5: {  	[tilespmem:s16], [sflag:s15] =	stream.linear.gather @!p0 [hbm4b:s7+s17], $0x50, $0x38;
	[tilespmem:$0x1E280] =	vst v63  }
0xc6: {  	p1 =	slt.u32 @!p0 s14, $0x3;
	s16 =	sadd.s32 @!p0 $0x13D80, s19  }
0xc7: {  	[tilespmem:s16], [sflag:s15] =	stream.linear.gather @!p0 [hbm4b:s13+s17], $0x50, $0x38;
	[tilespmem:$0x1E280] =	vst v63  }
0xc8: {  	p0 =	por p0, !p1  }
0xc9: {  	s16 =	sadd.s32 @p0 $0x1, s14  }
0xca: {  	s19 =	sadd.s32 $0x1, s14;
	s14 =	sadd.s32 @p0 $0xD, s14;
	s16 =	sand.u32 @p0 $0x3, s16  }
0xcb: {  	s14 =	sand.u32 @p0 $0xF, s14;
	s17 =	smul.u32 @p0 $0xA000, s16  }
0xcc: {  	s18 =	sadd.s32 @p0 $0x11, s16;
	s14 =	smul.u32 @p0 $0x140, s14  }
0xcd: {  	s16 =	sadd.s32 @p0 $0x15, s16;
	_ =	swait.ge @p0 [sflag:s18], $0x2800  }
0xce: {  	s17 =	sshrl.u32 @p0 s17, $0x2;
	[sflag:s18] =	ssyncset.done @p0 $0x0;
	s14 =	sshrl.u32 @p0 s14, $0x2  }
0xcf: {  	s17 =	sadd.s32 @p0 $0x14280, s17;
	[sflag:s18] =	ssyncadd.s32 @p0 $0xFFFFD800;
	s14 =	sadd.s32 @p0 $0x13D80, s14  }
0xd0: {  	[spmem:s25] =	stream.indirect.scatter.add.f32 @p0 [tilespmem:s17], [sflag:s16], $0x80, s14, s22, $0xb8;
	[tilespmem:$0x1E280] =	vst v63  }
0xd1: {  	p0 =	sne.s32 s19, $0xFA  }
.Ltmp1:
0xd2: {  	_ = 	snop;
	(pc) =	sbr.rel @p0 .LBB2_4-.Ltmp1, $2  }
0xd3: {  	_ =	sdelay $0x2  }
0xd4: {  	s7 =	sadd.s32 $0xA, s7;
	s13 =	sadd.s32 $0xA, s13;
	s14 =	smov.u32 s19  }
0xd5: {  	_ =	swait.ge [sflag:s23], $0x2800  }
0xd6: {  	[sflag:s23] =	ssyncset.done $0x0  }
0xd7: {  	[sflag:s23] =	ssyncadd.s32 $0xFFFFD800  }
0xd8: {  	[spmem:s25] =	stream.indirect.scatter.add.f32 [tilespmem:s28], [sflag:$0x18], $0x80, s26, s22, $0xb8;
	[tilespmem:$0x1E280] =	vst v63  }
0xd9: {  	_ =	swait.ge [sflag:s30], $0x2800  }
0xda: {  	[sflag:s30] =	ssyncset.done $0x0  }
0xdb: {  	[sflag:s30] =	ssyncadd.s32 $0xFFFFD800  }
0xdc: {  	[spmem:s25] =	stream.indirect.scatter.add.f32 [tilespmem:s0], [sflag:$0x15], $0x80, s31, s22, $0xb8;
	[tilespmem:$0x1E280] =	vst v63  }
0xdd: {  	_ =	swait.ge [sflag:s1], $0x2800  }
0xde: {  	[sflag:s1] =	ssyncset.done $0x0  }
0xdf: {  	[sflag:s1] =	ssyncadd.s32 $0xFFFFD800  }
0xe0: {  	[spmem:s25] =	stream.indirect.scatter.add.f32 [tilespmem:s3], [sflag:$0x16], $0x80, s2, s22, $0xb8;
	[tilespmem:$0x1E280] =	vst v63  }
0xe1: {  	_ =	swait.ge [sflag:s4], $0x2800  }
0xe2: {  	[sflag:s4] =	ssyncset.done $0x0  }
0xe3: {  	[sflag:s4] =	ssyncadd.s32 $0xFFFFD800  }
0xe4: {  	_ =	swait.ge [sflag:s9], $0x2800  }
0xe5: {  	[sflag:s9] =	ssyncset.done $0x0  }
0xe6: {  	[sflag:s9] =	ssyncadd.s32 $0xFFFFD800  }
0xe7: {  	_ =	swait.ge [sflag:s5], $0x2800  }
0xe8: {  	[sflag:s5] =	ssyncset.done $0x0  }
0xe9: {  	[sflag:s5] =	ssyncadd.s32 $0xFFFFD800  }
0xea: {  	_ =	swait.ge [sflag:s10], $0x2800  }
0xeb: {  	[sflag:s10] =	ssyncset.done $0x0  }
0xec: {  	[sflag:s10] =	ssyncadd.s32 $0xFFFFD800  }
0xed: {  	[bflag:$0x0] =	sbarrier.arrive $0xFFFF  }
0xee: {  	s7 =	rddreg [dreg:$0x4]  }
0xef: {  	[hbm:s7], [sflag:s24] =	dma.local [spmem:s12], $0x2710  }
0xf0: {  	_ =	swait.ge [sflag:s8], $0x2710  }
0xf1: {  	s19 =	sld [smem:$0x7FD];
	_ =	sdelay $0x1  }
0xf2: {  	s6 =	sadd.s32 $0x1, s6  }
0xf3: {  	p0 =	sne.s32 s6, s19  }
.Ltmp2:
0xf4: {  	_ = 	snop;
	(pc) =	sbr.rel @p0 .LBB2_1-.Ltmp2, $3  }
0xf5: {  	_ =	sdelay $0x1  }
0xf6: {  	[sflag:s8] =	ssyncset.done $0x0  }
0xf7: {  	[sflag:s8] =	ssyncadd.s32 $0xFFFFD8F0  }
0xf8: {  	_ =	sfence.sel $0x180000  }
0xf9: {  	[bflag:$0x0] =	sbarrier.arrive $0xFFFF  }
0xfa: {  	_ =	strace $0x9000004A  }
0xfb: {  	s0 =	stileid.u32;
	[bflag:$0x2] =	sbarrier.arrive $0xFFFF  }
0xfc: {  	p0 =	sne.s32 s0, $0x0;
	s0 =	rddreg [dreg:$0x2]  }
0xfd: {  	s0 =	sadd.s32 @!p0 $0x100000, s0  }
0xfe: {  	[sflag:s0] =	ssyncadd.tile.s32 @!p0 $0x1;
	_ =	shalt  }
.Lfunc_end2:
_tile_overlayer_lowered:
.L_overlay_start_2:
0xff: {  	(tag) =	ssettag $0x2  }
0x100: {  	s0 =	rddreg [dreg:$0x0];
	s2 =	stileid.u32  }
0x101: {  	s1 =	rddreg [dreg:$0x1];
	p0 =	sne.s32 s2, $0x0  }
0x102: {  	s3 =	rddreg [dreg:$0x2];
	[bflag:$0x3] =	sbarrier.arrive $0xFFFF;
	s2 =	simm.s32 @!p0 $0x1C19  }
0x103: {  	[timem:s3], [sflag:s2] =	dma.local @!p0 [hbm:s0], s1  }
0x104: {  	s0 =	simm.s32 @!p0 $0x19  }
0x105: {  	_ =	swait.ge @!p0 [sflag:s0], s1  }
0x106: {  	s1 =	ssub.s32 @!p0 $0x0, s1;
	[sflag:s0] =	ssyncset.done @!p0 $0x0  }
0x107: {  	[sflag:s0] =	ssyncadd.s32 @!p0 s1  }
0x108: {  	[bflag:$0x3] =	sbarrier.arrive $0xFFFF  }
0x109: {  	_ =	shalt  }

// kernel: kernel.14.cloned.1.call-start
scs
__scs_entry_jumppad:
0x0: {  	(pc) =	sbr.rel $0x88, $3  }
0x1: {  	(tag) =	ssettag $0x0;
	lr =	simm.s32 $0x1  }
0x2: {  	[smem:$0x3F99] =	sst lr;
	_ =	strace $0xD0000000  }
0x3: {  	_ = 	snop  }
0x4: {  	_ = 	snop  }
0x5: {  	_ = 	snop  }
0x6: {  	_ = 	snop  }
0x7: {  	_ = 	snop  }
__scs_overlays_trampoline_lowered:
0x8: {  	[smem:$0x3FA8] =	sst s0  }
0x9: {  	[smem:$0x3FA9] =	sst s1  }
0xa: {  	[smem:$0x3FAA] =	sst s2  }
0xb: {  	[smem:$0x3FAB] =	sst s3  }
0xc: {  	[smem:$0x3FAC] =	sst s4  }
0xd: {  	[smem:$0x3FAD] =	sst s5  }
0xe: {  	[smem:$0x3FAE] =	sst s6  }
0xf: {  	[smem:$0x3FAF] =	sst s7  }
0x10: {  	[smem:$0x3FB0] =	sst s8  }
0x11: {  	[smem:$0x3FB1] =	sst s9;
	s0 =	simm.s32 @!p0 $0x0  }
0x12: {  	s1 =	sld [smem:$0x3F97];
	s0 =	simm.s32 @p0 $0x1  }
0x13: {  	[smem:$0x3FB2] =	sst s0;
	s0 =	simm.s32 @!p1 $0x0  }
0x14: {  	s2 =	sld [smem:$0x3F96];
	s0 =	simm.s32 @p1 $0x1  }
0x15: {  	[smem:$0x3FB3] =	sst s0;
	s0 =	simm.s32 @!p2 $0x0  }
0x16: {  	s3 =	sld [smem:$0x3FDB];
	s0 =	simm.s32 @p2 $0x1  }
0x17: {  	s4 =	simm.s32 $0x1BF5;
	[smem:$0x3FB5] =	sst s0  }
0x18: {  	s0 =	sld [smem:$0x3F98];
	_ =	swait.ge [sflag:s4], $0x0  }
0x19: {  	s7 =	sld [smem:$0x3F99]  }
0x1a: {  	s8 =	sadd.s32 $0xFFFFE003, lr  }
0x1b: {  	s9 =	sadd.s32 $0xFFFFFEF7, lr;
	s5 =	simm.s32 $0xFFFFFFFF;
	p2 =	slt.u32 s8, $0xFFFFF086  }
0x1c: {  	p1 =	slt.u32 s9, $0xF7A;
	s5 =	simm.s32 @!p2 $0x0  }
0x1d: {  	s5 =	simm.s32 @p1 $0x1;
	p0 =	seq.s32 s7, s2  }
0x1e: {  	s7 =	smul.u32 @!p0 $0xF7A, s2;
	p2 =	seq.s32 @!p0 s5, $0x0  }
0x1f: {  	s9 =	smul.u32 $0xF7A, s1;
	s8 =	simm.s32 @!p0 $0x1BF5;
	p2 =	por !p2, p0  }
0x20: {  	[sflag:s8] =	ssyncset.s32 @!p0 $0xFFFFF086;
	s6 =	sadd.s32 @!p0 s3, s7;
	s7 =	simm.s32 @!p0 $0x108  }
0x21: {  	s3 =	sadd.s32 s3, s9;
	s6 =	sadd.s32 @!p0 $0x88, s6;
	s7 =	simm.s32 @p2 $0x1082  }
0x22: {  	[simem:s7], [sflag:s8] =	dma.local @!p0 [hbm:s6], $0xF7A  }
0x23: {  	s9 =	sor.u32 $0xD0000000, s2;
	s6 =	simm.s32 $0x108;
	_ =	swait.ge @!p0 [sflag:s8], $0x0  }
0x24: {  	s3 =	sadd.s32 $0x88, s3;
	s6 =	simm.s32 @!p1 $0x1082;
	[sflag:s4] =	ssyncset.s32 $0xFFFFF086  }
0x25: {  	[simem:s6], [sflag:s4] =	dma.local [hbm:s3], $0xF7A  }
0x26: {  	[smem:$0x3F99] =	sst s1;
	(tag) =	ssettag s2;
	_ =	strace s9  }
0x27: {  	s1 =	sld [smem:$0x3FA9]  }
0x28: {  	s2 =	sld [smem:$0x3FAA]  }
0x29: {  	s4 =	sld [smem:$0x3FAC]  }
0x2a: {  	p0 =	seq.s32 s5, $0x0;
	s5 =	sld [smem:$0x3FAD]  }
0x2b: {  	s6 =	sld [smem:$0x3FAE]  }
0x2c: {  	s7 =	sld [smem:$0x3FAF]  }
0x2d: {  	s3 =	simm.s32 $0x108;
	s8 =	sld [smem:$0x3FB0]  }
0x2e: {  	s3 =	simm.s32 @!p0 $0x1082;
	s9 =	sld [smem:$0x3FB1]  }
0x2f: {  	lr =	sadd.s32 s0, s3;
	s0 =	sld [smem:$0x3FA8]  }
0x30: {  	s3 =	sld [smem:$0x3FAB]  }
0x31: {  	[smem:$0x3FB4] =	sst s10  }
0x32: {  	s10 =	sld [smem:$0x3FB2];
	_ =	sdelay $0x3  }
0x33: {  	p0 =	seq.s32 s10, $0x1;
	s10 =	sld [smem:$0x3FB4];
	_ =	sdelay $0x3  }
0x34: {  	[smem:$0x3FB4] =	sst s10  }
0x35: {  	s10 =	sld [smem:$0x3FB3];
	_ =	sdelay $0x3  }
0x36: {  	p1 =	seq.s32 s10, $0x1;
	s10 =	sld [smem:$0x3FB4];
	_ =	sdelay $0x3  }
0x37: {  	[smem:$0x3FB4] =	sst s10  }
0x38: {  	s10 =	sld [smem:$0x3FB5]  }
0x39: {  	_ = 	snop;
	(pc) =	sbr.ind lr, $3  }
0x3a: {  	_ = 	snop  }
0x3b: {  	_ = 	snop  }
0x3c: {  	p2 =	seq.s32 s10, $0x1;
	s10 =	sld [smem:$0x3FB4]  }
0x3d: {  	_ =	shalt  }
0x3e: {  	_ =	shalt  }
0x3f: {  	_ =	shalt  }
0x40: {  	_ =	shalt  }
0x41: {  	_ =	shalt  }
0x42: {  	_ =	shalt  }
0x43: {  	_ =	shalt  }
0x44: {  	_ =	shalt  }
0x45: {  	_ =	shalt  }
0x46: {  	_ =	shalt  }
0x47: {  	_ =	shalt  }
0x48: {  	_ =	shalt  }
0x49: {  	_ =	shalt  }
0x4a: {  	_ =	shalt  }
0x4b: {  	_ =	shalt  }
0x4c: {  	_ =	shalt  }
0x4d: {  	_ =	shalt  }
0x4e: {  	_ =	shalt  }
0x4f: {  	_ =	shalt  }
0x50: {  	_ =	shalt  }
0x51: {  	_ =	shalt  }
0x52: {  	_ =	shalt  }
0x53: {  	_ =	shalt  }
0x54: {  	_ =	shalt  }
0x55: {  	_ =	shalt  }
0x56: {  	_ =	shalt  }
0x57: {  	_ =	shalt  }
0x58: {  	_ =	shalt  }
0x59: {  	_ =	shalt  }
0x5a: {  	_ =	shalt  }
0x5b: {  	_ =	shalt  }
0x5c: {  	_ =	shalt  }
0x5d: {  	_ =	shalt  }
0x5e: {  	_ =	shalt  }
0x5f: {  	_ =	shalt  }
0x60: {  	_ =	shalt  }
0x61: {  	_ =	shalt  }
0x62: {  	_ =	shalt  }
0x63: {  	_ =	shalt  }
0x64: {  	_ =	shalt  }
0x65: {  	_ =	shalt  }
0x66: {  	_ =	shalt  }
0x67: {  	_ =	shalt  }
0x68: {  	_ =	shalt  }
0x69: {  	_ =	shalt  }
0x6a: {  	_ =	shalt  }
0x6b: {  	_ =	shalt  }
0x6c: {  	_ =	shalt  }
0x6d: {  	_ =	shalt  }
0x6e: {  	_ =	shalt  }
0x6f: {  	_ =	shalt  }
0x70: {  	_ =	shalt  }
0x71: {  	_ =	shalt  }
0x72: {  	_ =	shalt  }
0x73: {  	_ =	shalt  }
0x74: {  	_ =	shalt  }
0x75: {  	_ =	shalt  }
0x76: {  	_ =	shalt  }
0x77: {  	_ =	shalt  }
0x78: {  	_ =	shalt  }
0x79: {  	_ =	shalt  }
0x7a: {  	_ =	shalt  }
0x7b: {  	_ =	shalt  }
0x7c: {  	_ =	shalt  }
0x7d: {  	_ =	shalt  }
0x7e: {  	_ =	shalt  }
0x7f: {  	_ =	shalt  }
0x80: {  	_ =	shalt  }
0x81: {  	_ =	shalt  }
0x82: {  	_ =	shalt  }
0x83: {  	_ =	shalt  }
0x84: {  	_ =	shalt  }
0x85: {  	_ =	shalt  }
0x86: {  	_ =	shalt  }
0x87: {  	_ =	shalt  }
.Lfunc_end0:
.L_simem_size_0:
called_computation.2_lowered:
.L_overlay_start_0:
0x88: {  	s2 =	sld [smem:$0x3FD9]  }
0x89: {  	s3 =	sld [smem:$0x3FFE];
	_ =	sdelay $0x1  }
0x8a: {  	s1 =	srdreg.scid  }
0x8b: {  	s0 =	sand.u32 $0x1, s1  }
0x8c: {  	s16 =	sshll.u32 s0, $0xA;
	s2 =	sadd.s32 s3, s2  }
0x8d: {  	s2 =	sadd.s32 s2, s16  }
0x8e: {  	[smem:$0x3FC0] =	sst s2  }
0x8f: {  	_ = 	snop  }
0x90: {  	(tm) =	ssettm $0x1  }
0x91: {  	s17 =	sld [smem:$0x3FFB];
	_ =	sdelay $0x3  }
0x92: {  	_ =	strace s17  }
0x93: {  	s2 =	sld [smem:$0x3FFC];
	_ =	sdelay $0x3  }
0x94: {  	_ =	strace s2  }
0x95: {  	s2 =	sld [smem:$0x3FFD];
	_ =	sdelay $0x3  }
0x96: {  	_ =	strace s2  }
0x97: {  	_ =	strace $0x8FFFFFFF  }
0x98: {  	s18 =	sld [smem:$0x3FDB];
	_ =	sdelay $0x1  }
0x99: {  	s19 =	simm.s32 $_scs_section_size  }
0x9a: {  	s4 =	simm.s32 $_size__tile_overlayer_lowered;
	s5 =	simm.s32 $_tile_overlayer_lowered  }
0x9b: {  	s22 =	simm.s32 $0x1BFF;
	s21 =	sshll.u32 s5, $0x1;
	s2 =	sadd.s32 s19, s18  }
0x9c: {  	s6 =	simm.s32 $0x0;
	s20 =	sshll.u32 s4, $0x1;
	s4 =	sadd.s32 s21, s2  }
0x9d: {  	[timem:s6], [sflag:s22] =	dma.local [hbm:s4], s20  }
0x9e: {  	_ =	swait.ge [sflag:s22], s20  }
0x9f: {  	s3 =	ssub.s32 $0x0, s20;
	[sflag:s22] =	ssyncset.done $0x0  }
0xa0: {  	[sflag:s22] =	ssyncadd.s32 s3;
	_ =	sdelay $0x1  }
0xa1: {  	s23 =	simm.s32 $0x1B8B  }
0xa2: {  	_ =	swait.ge [sflag:s23], $0x1  }
0xa3: {  	[sflag:s23] =	ssyncset.done $0x0  }
0xa4: {  	s25 =	simm.s32 $0x1B8E;
	s24 =	sld [smem:$0x3FFE];
	[sflag:s23] =	ssyncadd.s32 $0xFFFFFFFF  }
0xa5: {  	s26 =	simm.s32 $execute0_lowered;
	[smem:$0x3FD2] =	sst s25  }
0xa6: {  	s4 =	sshll.u32 s26, $0x1;
	_ =	strace $0x8000004C;
	[dreg:$0x1] =	wrdreg $0xFFFFFFFF  }
0xa7: {  	s28 =	simm.s32 $_size_execute0_lowered;
	s2 =	sadd.s32 s2, s4;
	[dreg:$0x0] =	wrdreg $0x0  }
0xa8: {  	s4 =	sshll.u32 s28, $0x1;
	[dreg:$0x2] =	wrdreg s2  }
0xa9: {  	[dreg:$0x3] =	wrdreg s4  }
0xaa: {  	[dreg:$0x4] =	wrdreg $0xC0  }
0xab: {  	_ =	task [dreg:s6], $0x5FFFF  }
0xac: {  	[dreg:$0x1] =	wrdreg $0xFFFFFFFF  }
0xad: {  	[dreg:$0x0] =	wrdreg $0x60  }
0xae: {  	[dreg:$0x2] =	wrdreg s24  }
0xaf: {  	[dreg:$0x3] =	wrdreg $0x0  }
0xb0: {  	[dreg:$0x4] =	wrdreg $0x9  }
0xb1: {  	_ =	task.clear_ibuf [dreg:s6], $0x5FFFF;
	_ =	strace $0x9000004C  }
0xb2: {  	s29 =	simm.s32 $0x9;
	_ =	strace $0x8000004E  }
0xb3: {  	_ =	swait.ge [sflag:s29], $0x1  }
0xb4: {  	[sflag:s29] =	ssyncadd.s32 $0xFFFFFFFF  }
0xb5: {  	_ =	strace $0x9000004E  }
0xb6: {  	_ =	sfence  }
0xb7: {  	s30 =	sld [smem:$0x0];
	_ =	sdelay $0x2  }
0xb8: {  	s31 =	sshll.u32 s1, $0xD;
	s1 =	sshrl.u32 s1, $0x2  }
0xb9: {  	s3 =	sand.u32 $0x4000, s31;
	s1 =	sadd.s32 s1, s30  }
0xba: {  	s0 =	sor.u32 s3, s0;
	s1 =	sshll.u32 s1, $0x11  }
0xbb: {  	s0 =	sor.u32 s1, s0  }
0xbc: {  	s0 =	sadd.s32 $0x8F2B, s0  }
0xbd: {  	[sflag:s0] =	ssyncadd.remote.s32 $0x1  }
0xbe: {  	_ =	sfence.sel $0xFFFF  }
0xbf: {  	[dreg:$0x0] =	wrdreg $0xFFFFFFFF;
	(pc) =	sbr.abs _section_cstart, $3  }
0xc0: {  	[dreg:$0x1] =	wrdreg $0xFFFFFFFF  }
0xc1: {  	_ =	task.clear_ibuf [dreg:s6], $0x2FFFF;
	_ =	strace $0x9FFFFFFF  }
0xc2: {  	(tm) =	ssettm $0x7FFFFFFF  }
0xc3: {  	_ =	shalt  }
tec
execute0_lowered:
.L_overlay_start_1:
0x0: {  	(tag) =	ssettag $0x1  }
0x1: {  	s0 =	srdreg.scid;
	s26 =	stileid.u32  }
0x2: {  	s1 =	rddreg [dreg:$0x0];
	s6 =	smul.u32 $0x271, s26  }
0x3: {  	s28 =	simm.s32 $0x1BA80;
	s5 =	sand.u32 $0x1, s0;
	s7 =	smul.u32 $0x4E20, s26  }
0x4: {  	s30 =	simm.s32 $0x11;
	s31 =	simm.s32 $0x14000;
	s3 =	smul.u32 $0x4E20, s5  }
0x5: {  	s9 =	sadd.s32 $0x12CC00, s1;
	s8 =	smul.u32 $0x138800, s5  }
0x6: {  	s29 =	sadd.s32 $0x90800, s1;
	s0 =	ssub.s32 $0x2, s5;
	s10 =	smul.u32 $0x9C400, s5  }
0x7: {  	s15 =	smul.u32 $0x271000, s5;
	s16 =	sshllo.u32 s5, $0x1;
	s2 =	sshrl.u32 s0, $0x1  }
0x8: {  	s13 =	sadd.s32 $0x50, s7;
	s18 =	sadd.s32 $0xA0, s7;
	s5 =	smul.u32 $0x2710, s16  }
0x9: {  	s20 =	sadd.s32 $0xF0, s7;
	s21 =	smul.u32 $0x138800, s16;
	s24 =	sadd.s32 $0x140, s7  }
0xa: {  	s0 =	ssub.s32 s0, s2;
	s2 =	smul.u32 $0x13880, s26;
	s3 =	sadd.s32 s6, s3  }
0xb: {  	s11 =	sadd.s32 $0x4E200, s8;
	s4 =	sadd.s32 s7, s10;
	s14 =	sadd.s32 s10, s13  }
0xc: {  	s19 =	sadd.s32 s10, s18;
	s23 =	sadd.s32 s10, s20;
	s12 =	sadd.s32 s7, s11  }
0xd: {  	s17 =	sadd.s32 s13, s11;
	s22 =	sadd.s32 s18, s11;
	s5 =	sadd.s32 s6, s5  }
0xe: {  	s14 =	sshrl.u32 s14, $0x3;
	s0 =	smax.u32 s0, $0x1;
	s15 =	sadd.s32 s2, s15  }
0xf: {  	s25 =	sadd.s32 s2, s21;
	s21 =	sadd.s32 s10, s24;
	s15 =	sshrl.u32 s15, $0x3  }
0x10: {  	s6 =	sshrl.u32 s25, $0x3;
	s25 =	sadd.s32 s24, s11;
	s15 =	sadd.s32 s9, s15  }
0x11: {  	s6 =	sadd.s32 s9, s6;
	[dreg:$0x3] =	wrdreg s15;
	s15 =	smul.u32 $0x4E200, s16  }
0x12: {  	[dreg:$0x4] =	wrdreg s6;
	s6 =	sadd.s32 $0x190, s7;
	s16 =	smul.u32 $0x9C400, s16  }
0x13: {  	s9 =	sadd.s32 s10, s6;
	s10 =	sadd.s32 s20, s11;
	s11 =	sadd.s32 s6, s11  }
0x14: {  	s13 =	sadd.s32 s13, s15;
	s18 =	sadd.s32 s18, s15;
	s20 =	sadd.s32 s20, s15  }
0x15: {  	s24 =	sadd.s32 s24, s15;
	s6 =	sadd.s32 s6, s15;
	s15 =	sadd.s32 s7, s15  }
0x16: {  	s16 =	sadd.s32 s16, s7;
	s7 =	sadd.s32 s7, s8;
	s8 =	sshrl.u32 s12, $0x3  }
0x17: {  	s12 =	sshrl.u32 s17, $0x3;
	s17 =	sshrl.u32 s22, $0x3;
	s22 =	sadd.s32 $0x1B400, s1  }
0x18: {  	s21 =	sshrl.u32 s21, $0x3;
	s10 =	sshrl.u32 s10, $0x3;
	s8 =	sadd.s32 s22, s8  }
0x19: {  	s11 =	sshrl.u32 s11, $0x3;
	s12 =	sadd.s32 s22, s12;
	[dreg:$0x5] =	wrdreg s8  }
0x1a: {  	s9 =	sshrl.u32 s9, $0x3;
	s17 =	sadd.s32 s22, s17;
	[dreg:$0x6] =	wrdreg s12  }
0x1b: {  	[dreg:$0x7] =	wrdreg s17;
	s12 =	sshrl.u32 s25, $0x3;
	s8 =	sadd.s32 s22, s10  }
0x1c: {  	s25 =	sadd.s32 s22, s11;
	s10 =	sshrl.u32 s16, $0x3;
	s11 =	sadd.s32 $0x4E3E0, s7  }
0x1d: {  	s7 =	sadd.s32 $0xEA7E0, s7;
	[dreg:$0x8] =	wrdreg s8;
	s17 =	sadd.s32 s22, s12  }
0x1e: {  	[dreg:$0xa] =	wrdreg s25;
	s8 =	sadd.s32 s22, s10;
	s10 =	sshrl.u32 s11, $0x3  }
0x1f: {  	s7 =	sshrl.u32 s7, $0x3;
	s11 =	simm.s32 $0x0;
	[dreg:$0x9] =	wrdreg s17  }
0x20: {  	s12 =	sshrl.u32 s4, $0x3;
	s7 =	sadd.s32 s7, s22;
	[smem:$0x7FF] =	sst s11  }
0x21: {  	s10 =	sadd.s32 s10, s22;
	[dreg:$0xc] =	wrdreg s7;
	s7 =	sadd.s32 $0x69600, s1  }
0x22: {  	s16 =	sshrl.u32 s19, $0x3;
	[dreg:$0xb] =	wrdreg s10;
	s10 =	sadd.s32 s7, s12  }
0x23: {  	s6 =	sshrl.u32 s6, $0x3;
	s17 =	sadd.s32 s7, s16;
	[dreg:$0xd] =	wrdreg s10  }
0x24: {  	s19 =	sshrl.u32 s23, $0x3;
	s9 =	sadd.s32 s7, s9;
	[dreg:$0xf] =	wrdreg s17  }
0x25: {  	s23 =	sshrl.u32 s13, $0x3;
	s6 =	sadd.s32 s7, s6;
	[dreg:$0x12] =	wrdreg s9  }
0x26: {  	s22 =	sshrl.u32 s15, $0x3;
	s10 =	sadd.s32 s7, s14;
	[dreg:$0x18] =	wrdreg s6  }
0x27: {  	s13 =	sshrl.u32 s24, $0x3;
	s9 =	sadd.s32 s7, s22;
	[dreg:$0xe] =	wrdreg s10  }
0x28: {  	s25 =	sshrl.u32 s18, $0x3;
	s10 =	sadd.s32 s7, s19;
	[dreg:$0x13] =	wrdreg s9  }
0x29: {  	s12 =	sshrl.u32 s20, $0x3;
	s9 =	sadd.s32 s7, s23;
	[dreg:$0x10] =	wrdreg s10  }
0x2a: {  	s14 =	sadd.s32 $0x1E0, s4;
	s10 =	sadd.s32 s7, s21;
	[dreg:$0x14] =	wrdreg s9  }
0x2b: {  	s4 =	sadd.s32 $0x4E3E0, s4;
	s9 =	sadd.s32 s7, s12;
	[dreg:$0x11] =	wrdreg s10  }
0x2c: {  	s6 =	sshrl.u32 s14, $0x3;
	s4 =	sshrl.u32 s4, $0x3;
	[dreg:$0x16] =	wrdreg s9  }
0x2d: {  	s6 =	sadd.s32 s6, s7;
	s10 =	sadd.s32 s7, s25;
	s25 =	rddreg [dreg:$0x1]  }
0x2e: {  	s18 =	sshll.u32 s5, $0x4;
	s4 =	sadd.s32 s4, s7;
	[dreg:$0x19] =	wrdreg s6  }
0x2f: {  	s5 =	simm.s32 $0x15;
	s16 =	sshll.u32 s3, $0x4;
	[dreg:$0x1a] =	wrdreg s4  }
0x30: {  	s20 =	sadd.s32 $0x9C4A, s8;
	s9 =	sadd.s32 s7, s13;
	[dreg:$0x15] =	wrdreg s10  }
0x31: {  	s3 =	simm.s32 $0x16A80;
	[dreg:$0x17] =	wrdreg s9;
	s15 =	sadd.s32 s2, s25  }
0x32: {  	s1 =	sadd.s32 s29, s16;
	_ =	strace $0x8000004D;
	[dreg:$0x1b] =	wrdreg s15  }
0x33: {  	s17 =	sshll.u32 s26, $0x6;
	s19 =	sadd.s32 $0x9C40, s8;
	[dreg:$0x1c] =	wrdreg s1  }
0x34: {  	s22 =	sadd.s32 $0x9C5E, s8;
	s26 =	sadd.s32 $0x9C72, s8;
	[dreg:$0x1e] =	wrdreg s19  }
0x35: {  	s24 =	sor.u32 $0x1C19, s17;
	s21 =	sadd.s32 $0x9C54, s8;
	[dreg:$0x1f] =	wrdreg s20  }
0x36: {  	s23 =	sadd.s32 $0x9C68, s8;
	s8 =	simm.s32 $0x19;
	[smem:$0x7F9] =	sst s21  }
0x37: {  	s4 =	simm.s32 $0x17;
	s6 =	simm.s32 $0x0;
	[smem:$0x7FA] =	sst s22  }
0x38: {  	s2 =	simm.s32 $0x14050;
	s9 =	simm.s32 $0x18;
	[smem:$0x7FB] =	sst s23  }
0x39: {  	s10 =	simm.s32 $0x16;
	s1 =	sadd.s32 s29, s18;
	[smem:$0x7FC] =	sst s26  }
0x3a: {  	[smem:$0x7FD] =	sst s0;
	s20 =	simm.s32 $0x13A10;
	s21 =	simm.s32 $0x13F10  }
0x3b: {  	s22 =	simm.s32 $0x50;
	s23 =	simm.s32 $0x14;
	s26 =	simm.s32 $0x13FB0  }
0x3c: {  	s0 =	simm.s32 $0x14280;
	[dreg:$0x1d] =	wrdreg s1;
	s1 =	simm.s32 $0x12  }
.LBB2_1:
0x3d: {  	s7 =	rddreg [dreg:$0x1b]  }
0x3e: {  	s16 =	rddreg [dreg:$0x1c];
	s12 =	sshrl.u32 s7, $0x3  }
0x3f: {  	[spmem:s12], [sflag:s24] =	dma.local [hbm:s16], $0x2710  }
0x40: {  	_ =	swait.ge [sflag:s8], $0x2710  }
0x41: {  	[sflag:s8] =	ssyncset.done $0x0  }
0x42: {  	s13 =	simm.s32 $0x13880;
	s17 =	rddreg [dreg:$0xd];
	[sflag:s8] =	ssyncadd.s32 $0xFFFFD8F0  }
0x43: {  	[tilespmem:s13], [sflag:$0x1] =	stream.linear.gather [hbm4b:s17+s11], $0x50, $0x38;
	[tilespmem:$0x1E280] =	vst v63  }
0x44: {  	s19 =	simm.s32 $0x13D80;
	s18 =	rddreg [dreg:$0x5]  }
0x45: {  	[tilespmem:s19], [sflag:$0x1] =	stream.linear.gather [hbm4b:s18+s11], $0x50, $0x38;
	[tilespmem:$0x1E280] =	vst v63  }
0x46: {  	s15 =	simm.s32 $0x138D0;
	s14 =	rddreg [dreg:$0xe]  }
0x47: {  	[tilespmem:s15], [sflag:$0x2] =	stream.linear.gather [hbm4b:s14+s11], $0x50, $0x38;
	[tilespmem:$0x1E280] =	vst v63  }
0x48: {  	s16 =	rddreg [dreg:$0x6];
	s17 =	simm.s32 $0x13DD0  }
0x49: {  	[tilespmem:s17], [sflag:$0x2] =	stream.linear.gather [hbm4b:s16+s11], $0x50, $0x38;
	[tilespmem:$0x1E280] =	vst v63  }
0x4a: {  	s18 =	rddreg [dreg:$0xf];
	s19 =	simm.s32 $0x13920  }
0x4b: {  	[tilespmem:s19], [sflag:$0x3] =	stream.linear.gather [hbm4b:s18+s11], $0x50, $0x38;
	[tilespmem:$0x1E280] =	vst v63  }
0x4c: {  	s14 =	rddreg [dreg:$0x7];
	s15 =	simm.s32 $0x13E20  }
0x4d: {  	[tilespmem:s15], [sflag:$0x3] =	stream.linear.gather [hbm4b:s14+s11], $0x50, $0x38;
	[tilespmem:$0x1E280] =	vst v63  }
0x4e: {  	s16 =	rddreg [dreg:$0x10];
	s17 =	simm.s32 $0x13970  }
0x4f: {  	[tilespmem:s17], [sflag:$0x4] =	stream.linear.gather [hbm4b:s16+s11], $0x50, $0x38;
	[tilespmem:$0x1E280] =	vst v63  }
0x50: {  	s18 =	rddreg [dreg:$0x8];
	s19 =	simm.s32 $0x13E70  }
0x51: {  	[tilespmem:s19], [sflag:$0x4] =	stream.linear.gather [hbm4b:s18+s11], $0x50, $0x38;
	[tilespmem:$0x1E280] =	vst v63  }
0x52: {  	s14 =	rddreg [dreg:$0x11];
	s15 =	simm.s32 $0x139C0  }
0x53: {  	[tilespmem:s15], [sflag:$0x5] =	stream.linear.gather [hbm4b:s14+s11], $0x50, $0x38;
	[tilespmem:$0x1E280] =	vst v63  }
0x54: {  	s16 =	rddreg [dreg:$0x9];
	s17 =	simm.s32 $0x13EC0  }
0x55: {  	[tilespmem:s17], [sflag:$0x5] =	stream.linear.gather [hbm4b:s16+s11], $0x50, $0x38;
	[tilespmem:$0x1E280] =	vst v63  }
0x56: {  	s18 =	rddreg [dreg:$0x12]  }
0x57: {  	[tilespmem:s20], [sflag:$0x6] =	stream.linear.gather [hbm4b:s18+s11], $0x50, $0x38;
	[tilespmem:$0x1E280] =	vst v63  }
0x58: {  	s19 =	rddreg [dreg:$0xa]  }
0x59: {  	[tilespmem:s21], [sflag:$0x6] =	stream.linear.gather [hbm4b:s19+s11], $0x50, $0x38;
	[tilespmem:$0x1E280] =	vst v63  }
0x5a: {  	[bflag:$0x0] =	sbarrier.arrive $0xFFFF  }
0x5b: {  	s7 =	rddreg [dreg:$0x19]  }
0x5c: {  	s14 =	simm.s32 $0x0;
	s13 =	rddreg [dreg:$0xb]  }
.LBB2_2:
0x5d: {  	s15 =	sand.u32 $0x3, s14;
	p0 =	slt.u32 s14, $0x4  }
0x5e: {  	s16 =	sadd.s32 @!p0 $0x15, s15  }
0x5f: {  	_ =	swait.ge @!p0 [sflag:s16], $0x2800  }
0x60: {  	s17 =	sand.u32 $0xF, s14;
	[sflag:s16] =	ssyncset.done @!p0 $0x0  }
0x61: {  	[sflag:s16] =	ssyncadd.s32 @!p0 $0xFFFFD800;
	s16 =	sadd.s32 $0x1, s17  }
0x62: {  	_ =	swait.ge [sflag:s16], $0x50  }
0x63: {  	s18 =	smul.u32 $0xA000, s15;
	[sflag:s16] =	ssyncset.done $0x0  }
0x64: {  	s17 =	smul.u32 $0x140, s17;
	[sflag:s16] =	ssyncadd.s32 $0xFFFFFFB0  }
0x65: {  	s15 =	sadd.s32 $0x11, s15;
	p0 =	sgt.u32 s14, $0xF3;
	_ =	swait.ge [sflag:s16], $0x50  }
0x66: {  	s19 =	sadd.s32 @!p0 $0x6, s14;
	s17 =	sshrl.u32 s17, $0x2;
	[sflag:s16] =	ssyncset.done $0x0  }
0x67: {  	[sflag:s16] =	ssyncadd.s32 $0xFFFFFFB0;
	s16 =	sshrl.u32 s18, $0x2;
	s18 =	sand.u32 @!p0 $0xF, s19  }
0x68: {  	s17 =	sadd.s32 $0x13880, s17;
	s16 =	sadd.s32 $0x14280, s16;
	s19 =	smul.u32 @!p0 $0x50, s18  }
0x69: {  	[tilespmem:s16], [sflag:s15] =	stream.indirect.gather [hbm4b:s29+s22], $0x80, s17, s22, $0xb8;
	[tilespmem:$0x1E280] =	vst v63  }
0x6a: {  	s15 =	sadd.s32 @!p0 $0x1, s18;
	s17 =	simm.s32 @!p0 $0x0;
	s16 =	sadd.s32 @!p0 $0x13880, s19  }
0x6b: {  	[tilespmem:s16], [sflag:s15] =	stream.linear.gather @!p0 [hbm4b:s7+s17], $0x50, $0x38;
	[tilespmem:$0x1E280] =	vst v63  }
0x6c: {  	p1 =	slt.u32 @!p0 s14, $0x3;
	s16 =	sadd.s32 @!p0 $0x13D80, s19  }
0x6d: {  	[tilespmem:s16], [sflag:s15] =	stream.linear.gather @!p0 [hbm4b:s13+s17], $0x50, $0x38;
	[tilespmem:$0x1E280] =	vst v63  }
0x6e: {  	p0 =	por p0, !p1  }
0x6f: {  	s16 =	sadd.s32 @p0 $0x1, s14  }
0x70: {  	s19 =	sadd.s32 $0x1, s14;
	s14 =	sadd.s32 @p0 $0xD, s14;
	s16 =	sand.u32 @p0 $0x3, s16  }
0x71: {  	s14 =	sand.u32 @p0 $0xF, s14;
	s17 =	smul.u32 @p0 $0xA000, s16  }
0x72: {  	s18 =	sadd.s32 @p0 $0x11, s16;
	s14 =	smul.u32 @p0 $0x140, s14  }
0x73: {  	s16 =	sadd.s32 @p0 $0x15, s16;
	_ =	swait.ge @p0 [sflag:s18], $0x2800  }
0x74: {  	s17 =	sshrl.u32 @p0 s17, $0x2;
	[sflag:s18] =	ssyncset.done @p0 $0x0;
	s14 =	sshrl.u32 @p0 s14, $0x2  }
0x75: {  	s17 =	sadd.s32 @p0 $0x14280, s17;
	[sflag:s18] =	ssyncadd.s32 @p0 $0xFFFFD800;
	s14 =	sadd.s32 @p0 $0x13D80, s14  }
0x76: {  	[spmem:s25] =	stream.indirect.scatter.add.f32 @p0 [tilespmem:s17], [sflag:s16], $0x80, s14, s22, $0xb8;
	[tilespmem:$0x1E280] =	vst v63  }
0x77: {  	p0 =	sne.s32 s19, $0xFA  }
.Ltmp0:
0x78: {  	_ = 	snop;
	(pc) =	sbr.rel @p0 .LBB2_2-.Ltmp0, $2  }
0x79: {  	_ =	sdelay $0x2  }
0x7a: {  	s7 =	sadd.s32 $0xA, s7;
	s13 =	sadd.s32 $0xA, s13;
	s14 =	smov.u32 s19  }
0x7b: {  	_ =	swait.ge [sflag:s23], $0x2800  }
0x7c: {  	[sflag:s23] =	ssyncset.done $0x0  }
0x7d: {  	[sflag:s23] =	ssyncadd.s32 $0xFFFFD800  }
0x7e: {  	[spmem:s25] =	stream.indirect.scatter.add.f32 [tilespmem:s28], [sflag:$0x18], $0x80, s26, s22, $0xb8;
	[tilespmem:$0x1E280] =	vst v63  }
0x7f: {  	_ =	swait.ge [sflag:s30], $0x2800  }
0x80: {  	[sflag:s30] =	ssyncset.done $0x0  }
0x81: {  	[sflag:s30] =	ssyncadd.s32 $0xFFFFD800  }
0x82: {  	[spmem:s25] =	stream.indirect.scatter.add.f32 [tilespmem:s0], [sflag:$0x15], $0x80, s31, s22, $0xb8;
	[tilespmem:$0x1E280] =	vst v63  }
0x83: {  	_ =	swait.ge [sflag:s1], $0x2800  }
0x84: {  	[sflag:s1] =	ssyncset.done $0x0  }
0x85: {  	[sflag:s1] =	ssyncadd.s32 $0xFFFFD800  }
0x86: {  	[spmem:s25] =	stream.indirect.scatter.add.f32 [tilespmem:s3], [sflag:$0x16], $0x80, s2, s22, $0xb8;
	[tilespmem:$0x1E280] =	vst v63  }
0x87: {  	_ =	swait.ge [sflag:s4], $0x2800  }
0x88: {  	[sflag:s4] =	ssyncset.done $0x0  }
0x89: {  	[sflag:s4] =	ssyncadd.s32 $0xFFFFD800  }
0x8a: {  	_ =	swait.ge [sflag:s9], $0x2800  }
0x8b: {  	[sflag:s9] =	ssyncset.done $0x0  }
0x8c: {  	[sflag:s9] =	ssyncadd.s32 $0xFFFFD800  }
0x8d: {  	_ =	swait.ge [sflag:s5], $0x2800  }
0x8e: {  	[sflag:s5] =	ssyncset.done $0x0  }
0x8f: {  	[sflag:s5] =	ssyncadd.s32 $0xFFFFD800  }
0x90: {  	_ =	swait.ge [sflag:s10], $0x2800  }
0x91: {  	[sflag:s10] =	ssyncset.done $0x0  }
0x92: {  	[sflag:s10] =	ssyncadd.s32 $0xFFFFD800  }
0x93: {  	[bflag:$0x0] =	sbarrier.arrive $0xFFFF  }
0x94: {  	s7 =	rddreg [dreg:$0x3]  }
0x95: {  	[hbm:s7], [sflag:s24] =	dma.local [spmem:s12], $0x2710  }
0x96: {  	_ =	swait.ge [sflag:s8], $0x2710  }
0x97: {  	[sflag:s8] =	ssyncset.done $0x0  }
0x98: {  	s16 =	rddreg [dreg:$0x1d];
	[sflag:s8] =	ssyncadd.s32 $0xFFFFD8F0  }
0x99: {  	[spmem:s12], [sflag:s24] =	dma.local [hbm:s16], $0x2710  }
0x9a: {  	_ =	swait.ge [sflag:s8], $0x2710  }
0x9b: {  	s14 =	simm.s32 $0x0;
	[sflag:s8] =	ssyncset.done $0x0;
	s17 =	rddreg [dreg:$0x13]  }
0x9c: {  	s13 =	simm.s32 $0x13880;
	s18 =	rddreg [dreg:$0x1e];
	[sflag:s8] =	ssyncadd.s32 $0xFFFFD8F0  }
0x9d: {  	[tilespmem:s13], [sflag:$0x1] =	stream.linear.gather [hbm4b:s17+s14], $0x50, $0x38;
	[tilespmem:$0x1E280] =	vst v63  }
0x9e: {  	s19 =	simm.s32 $0x13D80;
	s16 =	rddreg [dreg:$0x1f]  }
0x9f: {  	[tilespmem:s19], [sflag:$0x1] =	stream.linear.gather [hbm4b:s18+s14], $0x50, $0x38;
	[tilespmem:$0x1E280] =	vst v63  }
0xa0: {  	s15 =	simm.s32 $0x138D0;
	s13 =	rddreg [dreg:$0x14]  }
0xa1: {  	[tilespmem:s15], [sflag:$0x2] =	stream.linear.gather [hbm4b:s13+s14], $0x50, $0x38;
	[tilespmem:$0x1E280] =	vst v63  }
0xa2: {  	s17 =	simm.s32 $0x13DD0;
	s18 =	rddreg [dreg:$0x15]  }
0xa3: {  	[tilespmem:s17], [sflag:$0x2] =	stream.linear.gather [hbm4b:s16+s14], $0x50, $0x38;
	[tilespmem:$0x1E280] =	vst v63  }
0xa4: {  	s19 =	simm.s32 $0x13920;
	s13 =	sld [smem:$0x7F9]  }
0xa5: {  	[tilespmem:s19], [sflag:$0x3] =	stream.linear.gather [hbm4b:s18+s14], $0x50, $0x38;
	[tilespmem:$0x1E280] =	vst v63  }
0xa6: {  	s15 =	simm.s32 $0x13E20;
	s16 =	rddreg [dreg:$0x16]  }
0xa7: {  	[tilespmem:s15], [sflag:$0x3] =	stream.linear.gather [hbm4b:s13+s14], $0x50, $0x38;
	[tilespmem:$0x1E280] =	vst v63  }
0xa8: {  	s17 =	simm.s32 $0x13970;
	s18 =	sld [smem:$0x7FA]  }
0xa9: {  	[tilespmem:s17], [sflag:$0x4] =	stream.linear.gather [hbm4b:s16+s14], $0x50, $0x38;
	[tilespmem:$0x1E280] =	vst v63  }
0xaa: {  	s19 =	simm.s32 $0x13E70;
	s13 =	rddreg [dreg:$0x17]  }
0xab: {  	[tilespmem:s19], [sflag:$0x4] =	stream.linear.gather [hbm4b:s18+s14], $0x50, $0x38;
	[tilespmem:$0x1E280] =	vst v63  }
0xac: {  	s15 =	simm.s32 $0x139C0;
	s16 =	sld [smem:$0x7FB]  }
0xad: {  	[tilespmem:s15], [sflag:$0x5] =	stream.linear.gather [hbm4b:s13+s14], $0x50, $0x38;
	[tilespmem:$0x1E280] =	vst v63  }
0xae: {  	s17 =	simm.s32 $0x13EC0;
	s18 =	rddreg [dreg:$0x18]  }
0xaf: {  	[tilespmem:s17], [sflag:$0x5] =	stream.linear.gather [hbm4b:s16+s14], $0x50, $0x38;
	[tilespmem:$0x1E280] =	vst v63  }
0xb0: {  	s19 =	sld [smem:$0x7FC]  }
0xb1: {  	[tilespmem:s20], [sflag:$0x6] =	stream.linear.gather [hbm4b:s18+s14], $0x50, $0x38;
	[tilespmem:$0x1E280] =	vst v63  }
0xb2: {  	_ = 	snop  }
0xb3: {  	[tilespmem:s21], [sflag:$0x6] =	stream.linear.gather [hbm4b:s19+s14], $0x50, $0x38;
	[tilespmem:$0x1E280] =	vst v63  }
0xb4: {  	[bflag:$0x0] =	sbarrier.arrive $0xFFFF  }
0xb5: {  	s7 =	rddreg [dreg:$0x1a]  }
0xb6: {  	s13 =	rddreg [dreg:$0xc]  }
.LBB2_4:
0xb7: {  	s15 =	sand.u32 $0x3, s14;
	p0 =	slt.u32 s14, $0x4  }
0xb8: {  	s16 =	sadd.s32 @!p0 $0x15, s15  }
0xb9: {  	_ =	swait.ge @!p0 [sflag:s16], $0x2800  }
0xba: {  	s17 =	sand.u32 $0xF, s14;
	[sflag:s16] =	ssyncset.done @!p0 $0x0  }
0xbb: {  	[sflag:s16] =	ssyncadd.s32 @!p0 $0xFFFFD800;
	s16 =	sadd.s32 $0x1, s17  }
0xbc: {  	_ =	swait.ge [sflag:s16], $0x50  }
0xbd: {  	s18 =	smul.u32 $0xA000, s15;
	[sflag:s16] =	ssyncset.done $0x0  }
0xbe: {  	s17 =	smul.u32 $0x140, s17;
	[sflag:s16] =	ssyncadd.s32 $0xFFFFFFB0  }
0xbf: {  	s15 =	sadd.s32 $0x11, s15;
	p0 =	sgt.u32 s14, $0xF3;
	_ =	swait.ge [sflag:s16], $0x50  }
0xc0: {  	s19 =	sadd.s32 @!p0 $0x6, s14;
	s17 =	sshrl.u32 s17, $0x2;
	[sflag:s16] =	ssyncset.done $0x0  }
0xc1: {  	[sflag:s16] =	ssyncadd.s32 $0xFFFFFFB0;
	s16 =	sshrl.u32 s18, $0x2;
	s18 =	sand.u32 @!p0 $0xF, s19  }
0xc2: {  	s17 =	sadd.s32 $0x13880, s17;
	s16 =	sadd.s32 $0x14280, s16;
	s19 =	smul.u32 @!p0 $0x50, s18  }
0xc3: {  	[tilespmem:s16], [sflag:s15] =	stream.indirect.gather [hbm4b:s29+s22], $0x80, s17, s22, $0xb8;
	[tilespmem:$0x1E280] =	vst v63  }
0xc4: {  	s15 =	sadd.s32 @!p0 $0x1, s18;
	s17 =	simm.s32 @!p0 $0x0;
	s16 =	sadd.s32 @!p0 $0x13880, s19  }
0xc5: {  	[tilespmem:s16], [sflag:s15] =	stream.linear.gather @!p0 [hbm4b:s7+s17], $0x50, $0x38;
	[tilespmem:$0x1E280] =	vst v63  }
0xc6: {  	p1 =	slt.u32 @!p0 s14, $0x3;
	s16 =	sadd.s32 @!p0 $0x13D80, s19  }
0xc7: {  	[tilespmem:s16], [sflag:s15] =	stream.linear.gather @!p0 [hbm4b:s13+s17], $0x50, $0x38;
	[tilespmem:$0x1E280] =	vst v63  }
0xc8: {  	p0 =	por p0, !p1  }
0xc9: {  	s16 =	sadd.s32 @p0 $0x1, s14  }
0xca: {  	s19 =	sadd.s32 $0x1, s14;
	s14 =	sadd.s32 @p0 $0xD, s14;
	s16 =	sand.u32 @p0 $0x3, s16  }
0xcb: {  	s14 =	sand.u32 @p0 $0xF, s14;
	s17 =	smul.u32 @p0 $0xA000, s16  }
0xcc: {  	s18 =	sadd.s32 @p0 $0x11, s16;
	s14 =	smul.u32 @p0 $0x140, s14  }
0xcd: {  	s16 =	sadd.s32 @p0 $0x15, s16;
	_ =	swait.ge @p0 [sflag:s18], $0x2800  }
0xce: {  	s17 =	sshrl.u32 @p0 s17, $0x2;
	[sflag:s18] =	ssyncset.done @p0 $0x0;
	s14 =	sshrl.u32 @p0 s14, $0x2  }
0xcf: {  	s17 =	sadd.s32 @p0 $0x14280, s17;
	[sflag:s18] =	ssyncadd.s32 @p0 $0xFFFFD800;
	s14 =	sadd.s32 @p0 $0x13D80, s14  }
0xd0: {  	[spmem:s25] =	stream.indirect.scatter.add.f32 @p0 [tilespmem:s17], [sflag:s16], $0x80, s14, s22, $0xb8;
	[tilespmem:$0x1E280] =	vst v63  }
0xd1: {  	p0 =	sne.s32 s19, $0xFA  }
.Ltmp1:
0xd2: {  	_ = 	snop;
	(pc) =	sbr.rel @p0 .LBB2_4-.Ltmp1, $2  }
0xd3: {  	_ =	sdelay $0x2  }
0xd4: {  	s7 =	sadd.s32 $0xA, s7;
	s13 =	sadd.s32 $0xA, s13;
	s14 =	smov.u32 s19  }
0xd5: {  	_ =	swait.ge [sflag:s23], $0x2800  }
0xd6: {  	[sflag:s23] =	ssyncset.done $0x0  }
0xd7: {  	[sflag:s23] =	ssyncadd.s32 $0xFFFFD800  }
0xd8: {  	[spmem:s25] =	stream.indirect.scatter.add.f32 [tilespmem:s28], [sflag:$0x18], $0x80, s26, s22, $0xb8;
	[tilespmem:$0x1E280] =	vst v63  }
0xd9: {  	_ =	swait.ge [sflag:s30], $0x2800  }
0xda: {  	[sflag:s30] =	ssyncset.done $0x0  }
0xdb: {  	[sflag:s30] =	ssyncadd.s32 $0xFFFFD800  }
0xdc: {  	[spmem:s25] =	stream.indirect.scatter.add.f32 [tilespmem:s0], [sflag:$0x15], $0x80, s31, s22, $0xb8;
	[tilespmem:$0x1E280] =	vst v63  }
0xdd: {  	_ =	swait.ge [sflag:s1], $0x2800  }
0xde: {  	[sflag:s1] =	ssyncset.done $0x0  }
0xdf: {  	[sflag:s1] =	ssyncadd.s32 $0xFFFFD800  }
0xe0: {  	[spmem:s25] =	stream.indirect.scatter.add.f32 [tilespmem:s3], [sflag:$0x16], $0x80, s2, s22, $0xb8;
	[tilespmem:$0x1E280] =	vst v63  }
0xe1: {  	_ =	swait.ge [sflag:s4], $0x2800  }
0xe2: {  	[sflag:s4] =	ssyncset.done $0x0  }
0xe3: {  	[sflag:s4] =	ssyncadd.s32 $0xFFFFD800  }
0xe4: {  	_ =	swait.ge [sflag:s9], $0x2800  }
0xe5: {  	[sflag:s9] =	ssyncset.done $0x0  }
0xe6: {  	[sflag:s9] =	ssyncadd.s32 $0xFFFFD800  }
0xe7: {  	_ =	swait.ge [sflag:s5], $0x2800  }
0xe8: {  	[sflag:s5] =	ssyncset.done $0x0  }
0xe9: {  	[sflag:s5] =	ssyncadd.s32 $0xFFFFD800  }
0xea: {  	_ =	swait.ge [sflag:s10], $0x2800  }
0xeb: {  	[sflag:s10] =	ssyncset.done $0x0  }
0xec: {  	[sflag:s10] =	ssyncadd.s32 $0xFFFFD800  }
0xed: {  	[bflag:$0x0] =	sbarrier.arrive $0xFFFF  }
0xee: {  	s7 =	rddreg [dreg:$0x4]  }
0xef: {  	[hbm:s7], [sflag:s24] =	dma.local [spmem:s12], $0x2710  }
0xf0: {  	_ =	swait.ge [sflag:s8], $0x2710  }
0xf1: {  	s19 =	sld [smem:$0x7FD];
	_ =	sdelay $0x1  }
0xf2: {  	s6 =	sadd.s32 $0x1, s6  }
0xf3: {  	p0 =	sne.s32 s6, s19  }
.Ltmp2:
0xf4: {  	_ = 	snop;
	(pc) =	sbr.rel @p0 .LBB2_1-.Ltmp2, $3  }
0xf5: {  	_ =	sdelay $0x1  }
0xf6: {  	[sflag:s8] =	ssyncset.done $0x0  }
0xf7: {  	[sflag:s8] =	ssyncadd.s32 $0xFFFFD8F0  }
0xf8: {  	_ =	sfence.sel $0x180000  }
0xf9: {  	[bflag:$0x0] =	sbarrier.arrive $0xFFFF  }
0xfa: {  	_ =	strace $0x9000004D  }
0xfb: {  	s0 =	stileid.u32;
	[bflag:$0x2] =	sbarrier.arrive $0xFFFF  }
0xfc: {  	p0 =	sne.s32 s0, $0x0;
	s0 =	rddreg [dreg:$0x2]  }
0xfd: {  	s0 =	sadd.s32 @!p0 $0x100000, s0  }
0xfe: {  	[sflag:s0] =	ssyncadd.tile.s32 @!p0 $0x1;
	_ =	shalt  }
.Lfunc_end2:
_tile_overlayer_lowered:
.L_overlay_start_2:
0xff: {  	(tag) =	ssettag $0x2  }
0x100: {  	s0 =	rddreg [dreg:$0x0];
	s2 =	stileid.u32  }
0x101: {  	s1 =	rddreg [dreg:$0x1];
	p0 =	sne.s32 s2, $0x0  }
0x102: {  	s3 =	rddreg [dreg:$0x2];
	[bflag:$0x3] =	sbarrier.arrive $0xFFFF;
	s2 =	simm.s32 @!p0 $0x1C19  }
0x103: {  	[timem:s3], [sflag:s2] =	dma.local @!p0 [hbm:s0], s1  }
0x104: {  	s0 =	simm.s32 @!p0 $0x19  }
0x105: {  	_ =	swait.ge @!p0 [sflag:s0], s1  }
0x106: {  	s1 =	ssub.s32 @!p0 $0x0, s1;
	[sflag:s0] =	ssyncset.done @!p0 $0x0  }
0x107: {  	[sflag:s0] =	ssyncadd.s32 @!p0 s1  }
0x108: {  	[bflag:$0x3] =	sbarrier.arrive $0xFFFF  }
0x109: {  	_ =	shalt  }

// kernel: kernel.8.cloned.1.call-start
scs
__scs_entry_jumppad:
0x0: {  	(pc) =	sbr.rel $0x88, $3  }
0x1: {  	(tag) =	ssettag $0x0;
	lr =	simm.s32 $0x1  }
0x2: {  	[smem:$0x3F99] =	sst lr;
	_ =	strace $0xD0000000  }
0x3: {  	_ = 	snop  }
0x4: {  	_ = 	snop  }
0x5: {  	_ = 	snop  }
0x6: {  	_ = 	snop  }
0x7: {  	_ = 	snop  }
__scs_overlays_trampoline_lowered:
0x8: {  	[smem:$0x3FA8] =	sst s0  }
0x9: {  	[smem:$0x3FA9] =	sst s1  }
0xa: {  	[smem:$0x3FAA] =	sst s2  }
0xb: {  	[smem:$0x3FAB] =	sst s3  }
0xc: {  	[smem:$0x3FAC] =	sst s4  }
0xd: {  	[smem:$0x3FAD] =	sst s5  }
0xe: {  	[smem:$0x3FAE] =	sst s6  }
0xf: {  	[smem:$0x3FAF] =	sst s7  }
0x10: {  	[smem:$0x3FB0] =	sst s8  }
0x11: {  	[smem:$0x3FB1] =	sst s9;
	s0 =	simm.s32 @!p0 $0x0  }
0x12: {  	s1 =	sld [smem:$0x3F97];
	s0 =	simm.s32 @p0 $0x1  }
0x13: {  	[smem:$0x3FB2] =	sst s0;
	s0 =	simm.s32 @!p1 $0x0  }
0x14: {  	s2 =	sld [smem:$0x3F96];
	s0 =	simm.s32 @p1 $0x1  }
0x15: {  	[smem:$0x3FB3] =	sst s0;
	s0 =	simm.s32 @!p2 $0x0  }
0x16: {  	s3 =	sld [smem:$0x3FDB];
	s0 =	simm.s32 @p2 $0x1  }
0x17: {  	s4 =	simm.s32 $0x1BF5;
	[smem:$0x3FB5] =	sst s0  }
0x18: {  	s0 =	sld [smem:$0x3F98];
	_ =	swait.ge [sflag:s4], $0x0  }
0x19: {  	s7 =	sld [smem:$0x3F99]  }
0x1a: {  	s8 =	sadd.s32 $0xFFFFE003, lr  }
0x1b: {  	s9 =	sadd.s32 $0xFFFFFEF7, lr;
	s5 =	simm.s32 $0xFFFFFFFF;
	p2 =	slt.u32 s8, $0xFFFFF086  }
0x1c: {  	p1 =	slt.u32 s9, $0xF7A;
	s5 =	simm.s32 @!p2 $0x0  }
0x1d: {  	s5 =	simm.s32 @p1 $0x1;
	p0 =	seq.s32 s7, s2  }
0x1e: {  	s7 =	smul.u32 @!p0 $0xF7A, s2;
	p2 =	seq.s32 @!p0 s5, $0x0  }
0x1f: {  	s9 =	smul.u32 $0xF7A, s1;
	s8 =	simm.s32 @!p0 $0x1BF5;
	p2 =	por !p2, p0  }
0x20: {  	[sflag:s8] =	ssyncset.s32 @!p0 $0xFFFFF086;
	s6 =	sadd.s32 @!p0 s3, s7;
	s7 =	simm.s32 @!p0 $0x108  }
0x21: {  	s3 =	sadd.s32 s3, s9;
	s6 =	sadd.s32 @!p0 $0x88, s6;
	s7 =	simm.s32 @p2 $0x1082  }
0x22: {  	[simem:s7], [sflag:s8] =	dma.local @!p0 [hbm:s6], $0xF7A  }
0x23: {  	s9 =	sor.u32 $0xD0000000, s2;
	s6 =	simm.s32 $0x108;
	_ =	swait.ge @!p0 [sflag:s8], $0x0  }
0x24: {  	s3 =	sadd.s32 $0x88, s3;
	s6 =	simm.s32 @!p1 $0x1082;
	[sflag:s4] =	ssyncset.s32 $0xFFFFF086  }
0x25: {  	[simem:s6], [sflag:s4] =	dma.local [hbm:s3], $0xF7A  }
0x26: {  	[smem:$0x3F99] =	sst s1;
	(tag) =	ssettag s2;
	_ =	strace s9  }
0x27: {  	s1 =	sld [smem:$0x3FA9]  }
0x28: {  	s2 =	sld [smem:$0x3FAA]  }
0x29: {  	s4 =	sld [smem:$0x3FAC]  }
0x2a: {  	p0 =	seq.s32 s5, $0x0;
	s5 =	sld [smem:$0x3FAD]  }
0x2b: {  	s6 =	sld [smem:$0x3FAE]  }
0x2c: {  	s7 =	sld [smem:$0x3FAF]  }
0x2d: {  	s3 =	simm.s32 $0x108;
	s8 =	sld [smem:$0x3FB0]  }
0x2e: {  	s3 =	simm.s32 @!p0 $0x1082;
	s9 =	sld [smem:$0x3FB1]  }
0x2f: {  	lr =	sadd.s32 s0, s3;
	s0 =	sld [smem:$0x3FA8]  }
0x30: {  	s3 =	sld [smem:$0x3FAB]  }
0x31: {  	[smem:$0x3FB4] =	sst s10  }
0x32: {  	s10 =	sld [smem:$0x3FB2];
	_ =	sdelay $0x3  }
0x33: {  	p0 =	seq.s32 s10, $0x1;
	s10 =	sld [smem:$0x3FB4];
	_ =	sdelay $0x3  }
0x34: {  	[smem:$0x3FB4] =	sst s10  }
0x35: {  	s10 =	sld [smem:$0x3FB3];
	_ =	sdelay $0x3  }
0x36: {  	p1 =	seq.s32 s10, $0x1;
	s10 =	sld [smem:$0x3FB4];
	_ =	sdelay $0x3  }
0x37: {  	[smem:$0x3FB4] =	sst s10  }
0x38: {  	s10 =	sld [smem:$0x3FB5]  }
0x39: {  	_ = 	snop;
	(pc) =	sbr.ind lr, $3  }
0x3a: {  	_ = 	snop  }
0x3b: {  	_ = 	snop  }
0x3c: {  	p2 =	seq.s32 s10, $0x1;
	s10 =	sld [smem:$0x3FB4]  }
0x3d: {  	_ =	shalt  }
0x3e: {  	_ =	shalt  }
0x3f: {  	_ =	shalt  }
0x40: {  	_ =	shalt  }
0x41: {  	_ =	shalt  }
0x42: {  	_ =	shalt  }
0x43: {  	_ =	shalt  }
0x44: {  	_ =	shalt  }
0x45: {  	_ =	shalt  }
0x46: {  	_ =	shalt  }
0x47: {  	_ =	shalt  }
0x48: {  	_ =	shalt  }
0x49: {  	_ =	shalt  }
0x4a: {  	_ =	shalt  }
0x4b: {  	_ =	shalt  }
0x4c: {  	_ =	shalt  }
0x4d: {  	_ =	shalt  }
0x4e: {  	_ =	shalt  }
0x4f: {  	_ =	shalt  }
0x50: {  	_ =	shalt  }
0x51: {  	_ =	shalt  }
0x52: {  	_ =	shalt  }
0x53: {  	_ =	shalt  }
0x54: {  	_ =	shalt  }
0x55: {  	_ =	shalt  }
0x56: {  	_ =	shalt  }
0x57: {  	_ =	shalt  }
0x58: {  	_ =	shalt  }
0x59: {  	_ =	shalt  }
0x5a: {  	_ =	shalt  }
0x5b: {  	_ =	shalt  }
0x5c: {  	_ =	shalt  }
0x5d: {  	_ =	shalt  }
0x5e: {  	_ =	shalt  }
0x5f: {  	_ =	shalt  }
0x60: {  	_ =	shalt  }
0x61: {  	_ =	shalt  }
0x62: {  	_ =	shalt  }
0x63: {  	_ =	shalt  }
0x64: {  	_ =	shalt  }
0x65: {  	_ =	shalt  }
0x66: {  	_ =	shalt  }
0x67: {  	_ =	shalt  }
0x68: {  	_ =	shalt  }
0x69: {  	_ =	shalt  }
0x6a: {  	_ =	shalt  }
0x6b: {  	_ =	shalt  }
0x6c: {  	_ =	shalt  }
0x6d: {  	_ =	shalt  }
0x6e: {  	_ =	shalt  }
0x6f: {  	_ =	shalt  }
0x70: {  	_ =	shalt  }
0x71: {  	_ =	shalt  }
0x72: {  	_ =	shalt  }
0x73: {  	_ =	shalt  }
0x74: {  	_ =	shalt  }
0x75: {  	_ =	shalt  }
0x76: {  	_ =	shalt  }
0x77: {  	_ =	shalt  }
0x78: {  	_ =	shalt  }
0x79: {  	_ =	shalt  }
0x7a: {  	_ =	shalt  }
0x7b: {  	_ =	shalt  }
0x7c: {  	_ =	shalt  }
0x7d: {  	_ =	shalt  }
0x7e: {  	_ =	shalt  }
0x7f: {  	_ =	shalt  }
0x80: {  	_ =	shalt  }
0x81: {  	_ =	shalt  }
0x82: {  	_ =	shalt  }
0x83: {  	_ =	shalt  }
0x84: {  	_ =	shalt  }
0x85: {  	_ =	shalt  }
0x86: {  	_ =	shalt  }
0x87: {  	_ =	shalt  }
.Lfunc_end0:
.L_simem_size_0:
called_computation_lowered:
.L_overlay_start_0:
0x88: {  	s2 =	sld [smem:$0x3FD9]  }
0x89: {  	s3 =	sld [smem:$0x3FFE];
	_ =	sdelay $0x1  }
0x8a: {  	s1 =	srdreg.scid  }
0x8b: {  	s0 =	sand.u32 $0x1, s1  }
0x8c: {  	s17 =	sshll.u32 s0, $0xA;
	s2 =	sadd.s32 s3, s2  }
0x8d: {  	s2 =	sadd.s32 s2, s17  }
0x8e: {  	[smem:$0x3FC0] =	sst s2  }
0x8f: {  	_ = 	snop  }
0x90: {  	s2 =	sld [smem:$0x3FD0];
	(tm) =	ssettm $0x1  }
0x91: {  	s18 =	sld [smem:$0x3FFB];
	_ =	sdelay $0x3  }
0x92: {  	_ =	strace s18  }
0x93: {  	s3 =	sld [smem:$0x3FFC];
	_ =	sdelay $0x3  }
0x94: {  	_ =	strace s3  }
0x95: {  	s3 =	sld [smem:$0x3FFD];
	_ =	sdelay $0x3  }
0x96: {  	_ =	strace s3  }
0x97: {  	_ =	strace $0x8FFFFFFF  }
0x98: {  	s19 =	sld [smem:$0x3FDB];
	_ =	sdelay $0x1  }
0x99: {  	s4 =	simm.s32 $_scs_section_size  }
0x9a: {  	s5 =	simm.s32 $_size__tile_overlayer_lowered;
	s6 =	simm.s32 $_tile_overlayer_lowered  }
0x9b: {  	s22 =	simm.s32 $0x1BFF;
	s21 =	sshll.u32 s6, $0x1;
	s3 =	sadd.s32 s4, s19  }
0x9c: {  	s7 =	simm.s32 $0x0;
	s20 =	sshll.u32 s5, $0x1;
	s5 =	sadd.s32 s21, s3  }
0x9d: {  	[timem:s7], [sflag:s22] =	dma.local [hbm:s5], s20  }
0x9e: {  	_ =	swait.ge [sflag:s22], s20  }
0x9f: {  	s4 =	ssub.s32 $0x0, s20;
	[sflag:s22] =	ssyncset.done $0x0  }
0xa0: {  	[sflag:s22] =	ssyncadd.s32 s4;
	_ =	sdelay $0x1  }
0xa1: {  	s23 =	simm.s32 $0x1B8B  }
0xa2: {  	_ =	swait.ge [sflag:s23], $0x1  }
0xa3: {  	[sflag:s23] =	ssyncset.done $0x0  }
0xa4: {  	s25 =	simm.s32 $0x1B8E;
	s24 =	sld [smem:$0x3FFE];
	[sflag:s23] =	ssyncadd.s32 $0xFFFFFFFF  }
0xa5: {  	s26 =	simm.s32 $execute0_lowered;
	[smem:$0x3FD2] =	sst s25  }
0xa6: {  	s5 =	sshll.u32 s26, $0x1;
	_ =	strace $0x80000046;
	[dreg:$0x1] =	wrdreg $0xFFFFFFFF  }
0xa7: {  	s28 =	simm.s32 $_size_execute0_lowered;
	s3 =	sadd.s32 s3, s5;
	[dreg:$0x0] =	wrdreg $0x0  }
0xa8: {  	s5 =	sshll.u32 s28, $0x1;
	[dreg:$0x2] =	wrdreg s3  }
0xa9: {  	[dreg:$0x3] =	wrdreg s5  }
0xaa: {  	[dreg:$0x4] =	wrdreg $0xC0  }
0xab: {  	_ =	task [dreg:s7], $0x5FFFF  }
0xac: {  	[dreg:$0x1] =	wrdreg $0xFFFFFFFF  }
0xad: {  	[dreg:$0x0] =	wrdreg $0x60  }
0xae: {  	[dreg:$0x2] =	wrdreg s2  }
0xaf: {  	[dreg:$0x3] =	wrdreg s24  }
0xb0: {  	[dreg:$0x4] =	wrdreg $0x0  }
0xb1: {  	[dreg:$0x5] =	wrdreg $0x9  }
0xb2: {  	_ =	task.clear_ibuf [dreg:s7], $0x6FFFF;
	_ =	strace $0x90000046  }
0xb3: {  	s29 =	simm.s32 $0x9;
	_ =	strace $0x80000048  }
0xb4: {  	_ =	swait.ge [sflag:s29], $0x1  }
0xb5: {  	[sflag:s29] =	ssyncadd.s32 $0xFFFFFFFF  }
0xb6: {  	_ =	strace $0x90000048  }
0xb7: {  	_ =	sfence  }
0xb8: {  	s30 =	sld [smem:$0x0];
	_ =	sdelay $0x2  }
0xb9: {  	s31 =	sshll.u32 s1, $0xD;
	s1 =	sshrl.u32 s1, $0x2  }
0xba: {  	s3 =	sand.u32 $0x4000, s31;
	s1 =	sadd.s32 s1, s30  }
0xbb: {  	s0 =	sor.u32 s3, s0;
	s1 =	sshll.u32 s1, $0x11  }
0xbc: {  	s0 =	sor.u32 s1, s0  }
0xbd: {  	s0 =	sadd.s32 $0x8F2B, s0  }
0xbe: {  	[sflag:s0] =	ssyncadd.remote.s32 $0x1  }
0xbf: {  	_ =	sfence.sel $0xFFFF  }
0xc0: {  	[dreg:$0x0] =	wrdreg $0xFFFFFFFF;
	(pc) =	sbr.abs _section_cstart, $3  }
0xc1: {  	[dreg:$0x1] =	wrdreg $0xFFFFFFFF  }
0xc2: {  	_ =	task.clear_ibuf [dreg:s7], $0x2FFFF;
	_ =	strace $0x9FFFFFFF  }
0xc3: {  	(tm) =	ssettm $0x7FFFFFFF  }
tec
execute0_lowered:
.L_overlay_start_1:
0x0: {  	(tag) =	ssettag $0x1  }
0x1: {  	s8 =	rddreg [dreg:$0x0]  }
0x2: {  	s5 =	rddreg [dreg:$0x1]  }
0x3: {  	s2 =	rddreg [dreg:$0x2]  }
0x4: {  	s1 =	stileid.u32;
	s0 =	rddreg [dreg:$0x3]  }
0x5: {  	s3 =	simm.s32 $0x0;
	s6 =	srdreg.scid;
	s7 =	smul.u32 $0x2710, s1  }
0x6: {  	[smem:$0x7FF] =	sst s3;
	s6 =	sand.u32 $0x1, s6;
	s10 =	smul.u32 $0x5000, s1  }
0x7: {  	s11 =	sadd.s32 $0x7A00, s5;
	s31 =	sshll.u32 s1, $0x6;
	s26 =	smul.u32 $0xA0000, s6  }
0x8: {  	s12 =	ssub.s32 $0x2, s6;
	s13 =	smul.u32 $0x4E200, s6;
	s6 =	sshllo.u32 s6, $0x1  }
0x9: {  	_ =	strace $0x80000047;
	s4 =	sshrl.u32 s7, $0x3;
	s15 =	smul.u32 $0x50000, s6  }
0xa: {  	s14 =	sshrl.u32 s12, $0x1;
	s16 =	smul.u32 $0x27100, s6;
	s17 =	sadd.s32 s7, s2  }
0xb: {  	s9 =	sadd.s32 s4, s5;
	s4 =	sadd.s32 $0x2800, s5;
	s5 =	sadd.s32 s10, s26  }
0xc: {  	s12 =	ssub.s32 s12, s14;
	s29 =	sadd.s32 s7, s13;
	s13 =	sor.u32 $0x1C01, s31  }
0xd: {  	s14 =	sshrl.u32 s17, $0x3;
	s17 =	simm.s32 $0x0;
	s28 =	sshrl.u32 s5, $0x3  }
0xe: {  	s5 =	sadd.s32 $0x2A00, s9;
	s10 =	sadd.s32 s10, s15;
	s7 =	sadd.s32 s7, s16  }
0xf: {  	s9 =	sshrl.u32 s29, $0x3;
	s15 =	simm.s32 $0x2710;
	s16 =	simm.s32 $0x7D  }
0x10: {  	s6 =	sadd.s32 s8, s28;
	s10 =	sshrl.u32 s10, $0x3;
	s30 =	sshrl.u32 s7, $0x3  }
0x11: {  	s7 =	sadd.s32 s11, s9;
	s8 =	sadd.s32 s8, s10;
	s9 =	sadd.s32 s11, s30  }
0x12: {  	s10 =	smax.u32 s12, $0x1;
	s11 =	simm.s32 $0x7710;
	s12 =	simm.s32 $0x1  }
.LBB2_1:
0x13: {  	[tilespmem:s11], [sflag:$0x1] =	stream.linear.gather [hbm4b:s4+s3], $0x7D0, $0x38;
	[tilespmem:$0x7EE0] =	vst v63  }
0x14: {  	_ =	swait.ge [sflag:s12], $0x7D0  }
0x15: {  	[sflag:s12] =	ssyncset.done $0x0  }
0x16: {  	[sflag:s12] =	ssyncadd.s32 $0xFFFFF830  }
0x17: {  	[spmem:s14], [sflag:s13] =	dma.local [hbm:s5], $0x4E2  }
0x18: {  	_ =	swait.ge [sflag:s12], $0x4E2  }
0x19: {  	[sflag:s12] =	ssyncset.done $0x0  }
0x1a: {  	[sflag:s12] =	ssyncadd.s32 $0xFFFFFB1E  }
0x1b: {  	[tilespmem:s15], [sflag:$0x1] =	stream.linear.gather [hbm4b:s6+s3], $0x5000, $0x38;
	[tilespmem:$0x7EE0] =	vst v63  }
0x1c: {  	_ =	swait.ge [sflag:s12], $0x5000  }
0x1d: {  	[sflag:s12] =	ssyncset.done $0x0  }
0x1e: {  	[sflag:s12] =	ssyncadd.s32 $0xFFFFB000  }
0x1f: {  	s18 =	simm.s32 $0x2710;
	[bflag:$0x0] =	sbarrier.arrive $0xFFFF  }
0x20: {  	[spmem:s2] =	stream.indirect.scatter.add.f32 [tilespmem:s11], [sflag:$0x1], $0x10, s18, s16, $0xb8;
	[tilespmem:$0x7EE0] =	vst v63  }
0x21: {  	s18 =	simm.s32 $0x200;
	_ =	swait.ge [sflag:s12], $0x7D0  }
.LBB2_2:
0x22: {  	s19 =	sshra.s32 s18, $0x2;
	[sflag:s12] =	ssyncset.done $0x0;
	p0 =	sne.s32 s18, $0x13E00  }
.Ltmp0:
0x23: {  	s19 =	sadd.s32 $0x2710, s19;
	[sflag:s12] =	ssyncadd.s32 $0xFFFFF830;
	(pc) =	sbr.rel @p0 .LBB2_2-.Ltmp0, $3  }
0x24: {  	[spmem:s2] =	stream.indirect.scatter.add.f32 [tilespmem:s11], [sflag:$0x1], $0x10, s19, s16, $0xb8;
	[tilespmem:$0x7EE0] =	vst v63  }
0x25: {  	s18 =	sadd.s32 $0x200, s18;
	_ =	sdelay $0x1  }
0x26: {  	_ =	swait.ge [sflag:s12], $0x7D0  }
0x27: {  	[sflag:s12] =	ssyncset.done $0x0  }
0x28: {  	[sflag:s12] =	ssyncadd.s32 $0xFFFFF830  }
0x29: {  	[bflag:$0x0] =	sbarrier.arrive $0xFFFF  }
0x2a: {  	[hbm:s7], [sflag:s13] =	dma.local [spmem:s14], $0x4E2  }
0x2b: {  	_ =	swait.ge [sflag:s12], $0x4E2  }
0x2c: {  	[sflag:s12] =	ssyncset.done $0x0  }
0x2d: {  	[sflag:s12] =	ssyncadd.s32 $0xFFFFFB1E  }
0x2e: {  	[spmem:s14], [sflag:s13] =	dma.local [hbm:s5], $0x4E2  }
0x2f: {  	_ =	swait.ge [sflag:s12], $0x4E2  }
0x30: {  	[sflag:s12] =	ssyncset.done $0x0  }
0x31: {  	s18 =	simm.s32 $0x0;
	[sflag:s12] =	ssyncadd.s32 $0xFFFFFB1E  }
0x32: {  	[tilespmem:s15], [sflag:$0x1] =	stream.linear.gather [hbm4b:s8+s18], $0x5000, $0x38;
	[tilespmem:$0x7EE0] =	vst v63  }
0x33: {  	_ =	swait.ge [sflag:s12], $0x5000  }
0x34: {  	[sflag:s12] =	ssyncset.done $0x0  }
0x35: {  	[sflag:s12] =	ssyncadd.s32 $0xFFFFB000  }
0x36: {  	s31 =	simm.s32 $0x2710;
	[bflag:$0x0] =	sbarrier.arrive $0xFFFF  }
0x37: {  	[spmem:s2] =	stream.indirect.scatter.add.f32 [tilespmem:s11], [sflag:$0x1], $0x10, s31, s16, $0xb8;
	[tilespmem:$0x7EE0] =	vst v63  }
0x38: {  	s18 =	simm.s32 $0x200;
	_ =	swait.ge [sflag:s12], $0x7D0  }
.LBB2_4:
0x39: {  	s19 =	sshra.s32 s18, $0x2;
	[sflag:s12] =	ssyncset.done $0x0;
	p0 =	sne.s32 s18, $0x13E00  }
.Ltmp1:
0x3a: {  	s19 =	sadd.s32 $0x2710, s19;
	[sflag:s12] =	ssyncadd.s32 $0xFFFFF830;
	(pc) =	sbr.rel @p0 .LBB2_4-.Ltmp1, $3  }
0x3b: {  	[spmem:s2] =	stream.indirect.scatter.add.f32 [tilespmem:s11], [sflag:$0x1], $0x10, s19, s16, $0xb8;
	[tilespmem:$0x7EE0] =	vst v63  }
0x3c: {  	s18 =	sadd.s32 $0x200, s18;
	_ =	sdelay $0x1  }
0x3d: {  	_ =	swait.ge [sflag:s12], $0x7D0  }
0x3e: {  	[sflag:s12] =	ssyncset.done $0x0;
	s17 =	sadd.s32 $0x1, s17  }
0x3f: {  	[sflag:s12] =	ssyncadd.s32 $0xFFFFF830;
	p0 =	sne.s32 s17, s10  }
.Ltmp2:
0x40: {  	[bflag:$0x0] =	sbarrier.arrive $0xFFFF;
	(pc) =	sbr.rel @p0 .LBB2_1-.Ltmp2, $4  }
0x41: {  	[hbm:s9], [sflag:s13] =	dma.local [spmem:s14], $0x4E2  }
0x42: {  	_ =	swait.ge [sflag:s12], $0x4E2  }
0x43: {  	[sflag:s12] =	ssyncset.done $0x0  }
0x44: {  	[sflag:s12] =	ssyncadd.s32 $0xFFFFFB1E  }
0x45: {  	_ =	sfence.sel $0x180000  }
0x46: {  	[bflag:$0x0] =	sbarrier.arrive $0xFFFF  }
0x47: {  	p0 =	sne.s32 s1, $0x0;
	_ =	strace $0x90000047  }
0x48: {  	s0 =	sadd.s32 @!p0 $0x100000, s0;
	[bflag:$0x2] =	sbarrier.arrive $0xFFFF  }
0x49: {  	[sflag:s0] =	ssyncadd.tile.s32 @!p0 $0x1;
	_ =	shalt  }
.Lfunc_end2:
_tile_overlayer_lowered:
.L_overlay_start_2:
0x4a: {  	(tag) =	ssettag $0x2  }
0x4b: {  	s0 =	rddreg [dreg:$0x0];
	s2 =	stileid.u32  }
0x4c: {  	s1 =	rddreg [dreg:$0x1];
	p0 =	sne.s32 s2, $0x0  }
0x4d: {  	s3 =	rddreg [dreg:$0x2];
	[bflag:$0x3] =	sbarrier.arrive $0xFFFF;
	s2 =	simm.s32 @!p0 $0x1C01  }
0x4e: {  	[timem:s3], [sflag:s2] =	dma.local @!p0 [hbm:s0], s1  }
0x4f: {  	s0 =	simm.s32 @!p0 $0x1  }
0x50: {  	_ =	swait.ge @!p0 [sflag:s0], s1  }
0x51: {  	s1 =	ssub.s32 @!p0 $0x0, s1;
	[sflag:s0] =	ssyncset.done @!p0 $0x0  }
0x52: {  	[sflag:s0] =	ssyncadd.s32 @!p0 s1  }
0x53: {  	[bflag:$0x3] =	sbarrier.arrive $0xFFFF  }
0x54: {  	_ =	shalt  }

</sc_bundles>
